<compile_context>
chip_gen: v7x
topology: tpu7x:2x2x1
jax: 0.10.2.dev20260603
libtpu: 0.0.44.dev20260713+nightly
codegen_flags: <defaults>
</compile_context>

<pallas_src>
import functools

import jax
import jax.numpy as jnp
from jax import lax
from jax.experimental import pallas as pl
from jax.experimental.pallas import tpu as pltpu
from jax.experimental.pallas import tpu_sc as plsc

CTX_LEN = 200
N_NEG = 20
E = 64
LANES = 16
ROWS_PT = 16
N_TILES = 16
C_PAD = N_TILES * ROWS_PT
N_OUT = N_NEG + 1
N_OUT_PAD = 32
LN2 = 0.6931471805599453


def _vlog(y):
    bits = lax.bitcast_convert_type(y, jnp.int32)
    e = ((bits >> 23) & 0xFF) - 127
    m = lax.bitcast_convert_type((bits & 0x007FFFFF) | 0x3F800000, jnp.float32)
    t = (m - 1.0) / (m + 1.0)
    t2 = t * t
    p = 1.0 + t2 * (1.0 / 3.0 + t2 * (0.2 + t2 * (1.0 / 7.0 + t2 * (1.0 / 9.0))))
    return e.astype(jnp.float32) * LN2 + 2.0 * t * p


def _softplus(x):
    ax = jnp.abs(x)
    return jnp.maximum(x, 0.0) + _vlog(1.0 + jnp.exp(-ax))


def _sum16(x, lane):
    for shift in (1, 2, 4, 8):
        x = x + x.at[lane ^ shift].get(mode="promise_in_bounds")
    return x


_mesh = plsc.VectorSubcoreMesh(core_axis_name="c", subcore_axis_name="s")


@functools.partial(
    pl.kernel,
    mesh=_mesh,
    out_type=jax.ShapeDtypeStruct((LANES,), jnp.float32),
    scratch_types=[
        pltpu.VMEM((ROWS_PT,), jnp.int32),
        pltpu.VMEM((ROWS_PT, E), jnp.float32),
        pltpu.VMEM((N_OUT_PAD,), jnp.int32),
        pltpu.VMEM((N_OUT_PAD, E), jnp.float32),
        pltpu.VMEM((E,), jnp.float32),
        pltpu.VMEM((N_TILES, E), jnp.float32),
        pltpu.VMEM((LANES,), jnp.float32),
        pltpu.VMEM_SHARED((N_TILES, E), jnp.float32),
        pltpu.SemaphoreType.DMA,
        pltpu.SemaphoreType.DMA,
    ],
)
def _cbow_sc(ctx_hbm, oidx_hbm, in_hbm, oemb_hbm, out_hbm,
             idx_v, rows_v, oidx_v, orows_v, stage_v, psums_v, outst_v,
             shared, sem1, sem2):
    cid = lax.axis_index("c")
    sid = lax.axis_index("s")

    @pl.when(cid == 0)
    def _():
        base = sid * ROWS_PT
        pltpu.sync_copy(ctx_hbm.at[pl.ds(base, ROWS_PT)], idx_v)
        iv = idx_v[...]
        cps = [pltpu.async_copy(in_hbm.at[iv[j]], rows_v.at[j], sem1)
               for j in range(ROWS_PT)]

        @pl.when(sid == 0)
        def _():
            pltpu.sync_copy(oidx_hbm, oidx_v)
            ov0 = oidx_v[pl.ds(0, LANES)]
            ov1 = oidx_v[pl.ds(LANES, LANES)]
            ocps = [pltpu.async_copy(
                        oemb_hbm.at[ov0[k] if k < LANES else ov1[k - LANES]],
                        orows_v.at[k], sem2)
                    for k in range(N_OUT)]
            for c in ocps:
                c.wait()

        for c in cps:
            c.wait()

        acc = [jnp.zeros((LANES,), jnp.float32) for _ in range(4)]
        for j in range(ROWS_PT):
            w = jnp.where(base + j < CTX_LEN, 1.0, 0.0)
            for c in range(4):
                acc[c] = acc[c] + rows_v[j, pl.ds(c * LANES, LANES)] * w
        for c in range(4):
            stage_v[pl.ds(c * LANES, LANES)] = acc[c]
        pltpu.sync_copy(stage_v, shared.at[sid])

    plsc.subcore_barrier()

    @pl.when((cid == 0) & (sid == 0))
    def _():
        pltpu.sync_copy(shared, psums_v)
        v = [jnp.zeros((LANES,), jnp.float32) for _ in range(4)]
        for r in range(N_TILES):
            for c in range(4):
                v[c] = v[c] + psums_v[r, pl.ds(c * LANES, LANES)]
        inv = 1.0 / CTX_LEN
        v = [x * inv for x in v]

        lane = lax.iota(jnp.int32, LANES)
        s0 = jnp.zeros((LANES,), jnp.float32)
        s1 = jnp.zeros((LANES,), jnp.float32)
        for k in range(N_OUT):
            dot = jnp.zeros((LANES,), jnp.float32)
            for c in range(4):
                dot = dot + orows_v[k, pl.ds(c * LANES, LANES)] * v[c]
            sk = _sum16(dot, lane)
            if k == N_NEG:
                sk = -sk
            if k < LANES:
                s0 = jnp.where(lane == k, sk, s0)
            else:
                s1 = jnp.where(lane == (k - LANES), sk, s1)
        sp0 = _softplus(s0)
        sp1 = jnp.where(lane < (N_OUT - LANES), _softplus(s1), 0.0)
        outst_v[...] = _sum16(sp0 + sp1, lane)
        pltpu.sync_copy(outst_v, out_hbm)


def kernel(context, target, negatives, in_embed, out_embed):
    ctx = jnp.concatenate(
        [context.astype(jnp.int32),
         jnp.zeros((C_PAD - CTX_LEN,), jnp.int32)])
    oidx = jnp.concatenate(
        [negatives.astype(jnp.int32),
         jnp.reshape(target, (1,)).astype(jnp.int32),
         jnp.zeros((N_OUT_PAD - N_OUT,), jnp.int32)])
    out = _cbow_sc(ctx, oidx, in_embed, out_embed)
    return out[0]

# --- scband reference (transcript-rebuilt; emitter-appended) ---
"""Pipeline reference for scband-cbowneg-22368189677637 (READ-ONLY COPY).

The authoritative reference and input builder live on the scoring server;
editing this copy changes nothing except your own understanding.
"""

import jax, jax.numpy as jnp
import numpy as np

VOCAB = 1000000
EMBED = 64
CTX_LEN = 200
N_NEG = 20


def setup_inputs(seed: int = 0) -> dict:
    key = jax.random.key(seed)
    k1, k2, k3, k4, k5 = jax.random.split(key, 5)
    context = jax.random.randint(k1, (CTX_LEN,), 0, VOCAB, dtype=jnp.int64) if jax.config.jax_enable_x64 else jax.random.randint(k1, (CTX_LEN,), 0, VOCAB, dtype=jnp.int32)
    target = jax.random.randint(k2, (), 0, VOCAB, dtype=jnp.int32)
    negatives = jax.random.randint(k3, (N_NEG,), 0, VOCAB, dtype=jnp.int32)
    in_embed = jax.random.normal(k4, (VOCAB, EMBED), dtype=jnp.float32) * 0.01
    out_embed = jax.random.normal(k5, (VOCAB, EMBED), dtype=jnp.float32) * 0.01
    return {"context": context, "target": target, "negatives": negatives, "in_embed": in_embed, "out_embed": out_embed}


def reference(context, target, negatives, in_embed, out_embed):
    # v = mean of input embeddings over the context window -> [E]
    v = jnp.mean(jnp.take(in_embed, context, axis=0), axis=0)
    # positive sample score
    u_pos = jnp.take(out_embed, target, axis=0)  # [E] (target is 0-dim index)
    pos_loss = jnp.log(jax.nn.sigmoid(jnp.dot(v, u_pos)))
    # negative samples: sum over the loop log(sigmoid(-dot(v, u_neg)))
    u_negs = jnp.take(out_embed, negatives, axis=0)  # [K, E]
    neg_scores = u_negs @ v  # [K]
    neg_loss = jnp.sum(jnp.log(jax.nn.sigmoid(-neg_scores)))
    return -(pos_loss + neg_loss)

if __name__ == "__main__":
    import jax
    _d = setup_inputs()
    print(jax.jit(kernel)(*tuple(_d.values())))

</pallas_src>

<mosaic_0001>
#map = affine_map<(d0, d1) -> (0)>
#map1 = affine_map<(d0, d1) -> (0, 0)>
module attributes {stable_mosaic.version = 14 : i64} {
  func.func @_cbow_sc(%arg0: i32, %arg1: i32, %arg2: memref<256xi32, #tpu.memory_space<hbm>>, %arg3: memref<32xi32, #tpu.memory_space<hbm>>, %arg4: memref<1000000x64xf32, #tpu.memory_space<hbm>>, %arg5: memref<1000000x64xf32, #tpu.memory_space<hbm>>, %arg6: memref<16xf32, #tpu.memory_space<hbm>>, %arg7: memref<16xi32, #tpu.memory_space<vmem>>, %arg8: memref<16x64xf32, #tpu.memory_space<vmem>>, %arg9: memref<32xi32, #tpu.memory_space<vmem>>, %arg10: memref<32x64xf32, #tpu.memory_space<vmem>>, %arg11: memref<64xf32, #tpu.memory_space<vmem>>, %arg12: memref<16x64xf32, #tpu.memory_space<vmem>>, %arg13: memref<16xf32, #tpu.memory_space<vmem>>, %arg14: memref<16x64xf32, #tpu.memory_space<vmem_shared>>, %arg15: memref<!tpu.dma_semaphore, #tpu.memory_space<semaphore_mem>>, %arg16: memref<!tpu.dma_semaphore, #tpu.memory_space<semaphore_mem>>) attributes {dimension_semantics = [#tpu.dimension_semantics<core_parallel>, #tpu.dimension_semantics<subcore_parallel>], iteration_bounds = array<i64: 2, 16>, scalar_prefetch = 0 : i64, scratch_operands = 10 : i64, tpu.core_type = #tpu.core_type<sc_vector_subcore>, window_params = [{transform_indices = #map}, {transform_indices = #map}, {transform_indices = #map1}, {transform_indices = #map1}, {transform_indices = #map}]} {
    %eq3A = arith.constant 0 : i32
    %eq3A_0 = arith.cmpi eq, %arg0, %eq3A : i32
    %convert_element_type3A = arith.extui %eq3A_0 : i1 to i32
    %cond3A = arith.constant 0 : i32
    %cond3A_1 = arith.cmpi ne, %convert_element_type3A, %cond3A : i32
    scf.if %cond3A_1 {
      %mul3A = arith.constant 16 : i32
      %mul3A_9 = arith.muli %arg1, %mul3A : i32
      "tpu.region"() ({
        %run_scoped3A = tpu.sem_alloc : memref<!tpu.dma_semaphore, #tpu.memory_space<semaphore_mem>>
        %dma_start3A_1103 = tpu.memref_slice %arg2[%mul3A_9] : memref<256xi32, #tpu.memory_space<hbm>> -> memref<16xi32, #tpu.memory_space<hbm>>
        %dma_start3A_1104 = tpu.memref_slice %arg2[%mul3A_9] : memref<256xi32, #tpu.memory_space<hbm>> -> memref<16xi32, #tpu.memory_space<hbm>>
        tpu.enqueue_dma source(%dma_start3A_1104 : memref<16xi32, #tpu.memory_space<hbm>>) target(%arg7 : memref<16xi32, #tpu.memory_space<vmem>>) target_semaphore(%run_scoped3A : memref<!tpu.dma_semaphore, #tpu.memory_space<semaphore_mem>>)
        %dma_wait3A_1105 = tpu.memref_slice %arg2[%mul3A_9] : memref<256xi32, #tpu.memory_space<hbm>> -> memref<16xi32, #tpu.memory_space<hbm>>
        %dma_wait3A_1106 = tpu.memref_slice %arg2[%mul3A_9] : memref<256xi32, #tpu.memory_space<hbm>> -> memref<16xi32, #tpu.memory_space<hbm>>
        tpu.wait_dma2 semaphore(%run_scoped3A : memref<!tpu.dma_semaphore, #tpu.memory_space<semaphore_mem>>) src(%dma_wait3A_1106 : memref<16xi32, #tpu.memory_space<hbm>>) dst(%arg7 : memref<16xi32, #tpu.memory_space<vmem>>)
        tpu.yield
      }) : () -> ()
      %get3A = arith.constant 0 : index
      %get3A_10 = tpu.vector_load %arg7[%get3A] {strides = array<i32>} : memref<16xi32, #tpu.memory_space<vmem>>, vector<16xi32>,
      %get3A_11 = vector.shape_cast %get3A_10 : vector<16xi32> to vector<16xi32>
      %slice3A = vector.extract_strided_slice %get3A_11 {offsets = [0], sizes = [1], strides = [1]} : vector<16xi32> to vector<1xi32>
      %squeeze3A = vector.extract %slice3A[0] : i32 from vector<1xi32>
      %dma_start3A = arith.constant 0 : i32
      %dma_start3A_12 = arith.constant 0 : i32
      %dma_start3A_13 = tpu.memref_slice %arg8[%dma_start3A, %dma_start3A_12] : memref<16x64xf32, #tpu.memory_space<vmem>> -> memref<1x64xf32, #tpu.memory_space<vmem>>
      %dma_start3A_14 = tpu.memref_squeeze %dma_start3A_13 : memref<1x64xf32, #tpu.memory_space<vmem>> -> memref<64xf32, #tpu.memory_space<vmem>>
      %dma_start3A_15 = arith.constant 0 : i32
      %dma_start3A_16 = tpu.memref_slice %arg4[%squeeze3A, %dma_start3A_15] : memref<1000000x64xf32, #tpu.memory_space<hbm>> -> memref<1x64xf32, #tpu.memory_space<hbm>>
      %dma_start3A_17 = tpu.memref_squeeze %dma_start3A_16 : memref<1x64xf32, #tpu.memory_space<hbm>> -> memref<64xf32, #tpu.memory_space<hbm>>
      %dma_start3A_18 = arith.constant 0 : i32
      %dma_start3A_19 = tpu.memref_slice %arg8[%dma_start3A, %dma_start3A_18] : memref<16x64xf32, #tpu.memory_space<vmem>> -> memref<1x64xf32, #tpu.memory_space<vmem>>
      %dma_start3A_20 = tpu.memref_squeeze %dma_start3A_19 : memref<1x64xf32, #tpu.memory_space<vmem>> -> memref<64xf32, #tpu.memory_space<vmem>>
      %dma_start3A_21 = arith.constant 0 : i32
      %dma_start3A_22 = tpu.memref_slice %arg4[%squeeze3A, %dma_start3A_21] : memref<1000000x64xf32, #tpu.memory_space<hbm>> -> memref<1x64xf32, #tpu.memory_space<hbm>>
      %dma_start3A_23 = tpu.memref_squeeze %dma_start3A_22 : memref<1x64xf32, #tpu.memory_space<hbm>> -> memref<64xf32, #tpu.memory_space<hbm>>
      tpu.enqueue_dma source(%dma_start3A_23 : memref<64xf32, #tpu.memory_space<hbm>>) target(%dma_start3A_20 : memref<64xf32, #tpu.memory_space<vmem>>) target_semaphore(%arg15 : memref<!tpu.dma_semaphore, #tpu.memory_space<semaphore_mem>>)
      %slice3A_24 = vector.extract_strided_slice %get3A_11 {offsets = [1], sizes = [1], strides = [1]} : vector<16xi32> to vector<1xi32>
      %squeeze3A_25 = vector.extract %slice3A_24[0] : i32 from vector<1xi32>
      %dma_start3A_26 = arith.constant 1 : i32
      %dma_start3A_27 = arith.constant 0 : i32
      %dma_start3A_28 = tpu.memref_slice %arg8[%dma_start3A_26, %dma_start3A_27] : memref<16x64xf32, #tpu.memory_space<vmem>> -> memref<1x64xf32, #tpu.memory_space<vmem>>
      %dma_start3A_29 = tpu.memref_squeeze %dma_start3A_28 : memref<1x64xf32, #tpu.memory_space<vmem>> -> memref<64xf32, #tpu.memory_space<vmem>>
      %dma_start3A_30 = arith.constant 0 : i32
      %dma_start3A_31 = tpu.memref_slice %arg4[%squeeze3A_25, %dma_start3A_30] : memref<1000000x64xf32, #tpu.memory_space<hbm>> -> memref<1x64xf32, #tpu.memory_space<hbm>>
      %dma_start3A_32 = tpu.memref_squeeze %dma_start3A_31 : memref<1x64xf32, #tpu.memory_space<hbm>> -> memref<64xf32, #tpu.memory_space<hbm>>
      %dma_start3A_33 = arith.constant 0 : i32
      %dma_start3A_34 = tpu.memref_slice %arg8[%dma_start3A_26, %dma_start3A_33] : memref<16x64xf32, #tpu.memory_space<vmem>> -> memref<1x64xf32, #tpu.memory_space<vmem>>
      %dma_start3A_35 = tpu.memref_squeeze %dma_start3A_34 : memref<1x64xf32, #tpu.memory_space<vmem>> -> memref<64xf32, #tpu.memory_space<vmem>>
      %dma_start3A_36 = arith.constant 0 : i32
      %dma_start3A_37 = tpu.memref_slice %arg4[%squeeze3A_25, %dma_start3A_36] : memref<1000000x64xf32, #tpu.memory_space<hbm>> -> memref<1x64xf32, #tpu.memory_space<hbm>>
      %dma_start3A_38 = tpu.memref_squeeze %dma_start3A_37 : memref<1x64xf32, #tpu.memory_space<hbm>> -> memref<64xf32, #tpu.memory_space<hbm>>
      tpu.enqueue_dma source(%dma_start3A_38 : memref<64xf32, #tpu.memory_space<hbm>>) target(%dma_start3A_35 : memref<64xf32, #tpu.memory_space<vmem>>) target_semaphore(%arg15 : memref<!tpu.dma_semaphore, #tpu.memory_space<semaphore_mem>>)
      %slice3A_39 = vector.extract_strided_slice %get3A_11 {offsets = [2], sizes = [1], strides = [1]} : vector<16xi32> to vector<1xi32>
      %squeeze3A_40 = vector.extract %slice3A_39[0] : i32 from vector<1xi32>
      %dma_start3A_41 = arith.constant 2 : i32
      %dma_start3A_42 = arith.constant 0 : i32
      %dma_start3A_43 = tpu.memref_slice %arg8[%dma_start3A_41, %dma_start3A_42] : memref<16x64xf32, #tpu.memory_space<vmem>> -> memref<1x64xf32, #tpu.memory_space<vmem>>
      %dma_start3A_44 = tpu.memref_squeeze %dma_start3A_43 : memref<1x64xf32, #tpu.memory_space<vmem>> -> memref<64xf32, #tpu.memory_space<vmem>>
      %dma_start3A_45 = arith.constant 0 : i32
      %dma_start3A_46 = tpu.memref_slice %arg4[%squeeze3A_40, %dma_start3A_45] : memref<1000000x64xf32, #tpu.memory_space<hbm>> -> memref<1x64xf32, #tpu.memory_space<hbm>>
      %dma_start3A_47 = tpu.memref_squeeze %dma_start3A_46 : memref<1x64xf32, #tpu.memory_space<hbm>> -> memref<64xf32, #tpu.memory_space<hbm>>
      %dma_start3A_48 = arith.constant 0 : i32
      %dma_start3A_49 = tpu.memref_slice %arg8[%dma_start3A_41, %dma_start3A_48] : memref<16x64xf32, #tpu.memory_space<vmem>> -> memref<1x64xf32, #tpu.memory_space<vmem>>
      %dma_start3A_50 = tpu.memref_squeeze %dma_start3A_49 : memref<1x64xf32, #tpu.memory_space<vmem>> -> memref<64xf32, #tpu.memory_space<vmem>>
      %dma_start3A_51 = arith.constant 0 : i32
      %dma_start3A_52 = tpu.memref_slice %arg4[%squeeze3A_40, %dma_start3A_51] : memref<1000000x64xf32, #tpu.memory_space<hbm>> -> memref<1x64xf32, #tpu.memory_space<hbm>>
      %dma_start3A_53 = tpu.memref_squeeze %dma_start3A_52 : memref<1x64xf32, #tpu.memory_space<hbm>> -> memref<64xf32, #tpu.memory_space<hbm>>
      tpu.enqueue_dma source(%dma_start3A_53 : memref<64xf32, #tpu.memory_space<hbm>>) target(%dma_start3A_50 : memref<64xf32, #tpu.memory_space<vmem>>) target_semaphore(%arg15 : memref<!tpu.dma_semaphore, #tpu.memory_space<semaphore_mem>>)
      %slice3A_54 = vector.extract_strided_slice %get3A_11 {offsets = [3], sizes = [1], strides = [1]} : vector<16xi32> to vector<1xi32>
      %squeeze3A_55 = vector.extract %slice3A_54[0] : i32 from vector<1xi32>
      %dma_start3A_56 = arith.constant 3 : i32
      %dma_start3A_57 = arith.constant 0 : i32
      %dma_start3A_58 = tpu.memref_slice %arg8[%dma_start3A_56, %dma_start3A_57] : memref<16x64xf32, #tpu.memory_space<vmem>> -> memref<1x64xf32, #tpu.memory_space<vmem>>
      %dma_start3A_59 = tpu.memref_squeeze %dma_start3A_58 : memref<1x64xf32, #tpu.memory_space<vmem>> -> memref<64xf32, #tpu.memory_space<vmem>>
      %dma_start3A_60 = arith.constant 0 : i32
      %dma_start3A_61 = tpu.memref_slice %arg4[%squeeze3A_55, %dma_start3A_60] : memref<1000000x64xf32, #tpu.memory_space<hbm>> -> memref<1x64xf32, #tpu.memory_space<hbm>>
      %dma_start3A_62 = tpu.memref_squeeze %dma_start3A_61 : memref<1x64xf32, #tpu.memory_space<hbm>> -> memref<64xf32, #tpu.memory_space<hbm>>
      %dma_start3A_63 = arith.constant 0 : i32
      %dma_start3A_64 = tpu.memref_slice %arg8[%dma_start3A_56, %dma_start3A_63] : memref<16x64xf32, #tpu.memory_space<vmem>> -> memref<1x64xf32, #tpu.memory_space<vmem>>
      %dma_start3A_65 = tpu.memref_squeeze %dma_start3A_64 : memref<1x64xf32, #tpu.memory_space<vmem>> -> memref<64xf32, #tpu.memory_space<vmem>>
      %dma_start3A_66 = arith.constant 0 : i32
      %dma_start3A_67 = tpu.memref_slice %arg4[%squeeze3A_55, %dma_start3A_66] : memref<1000000x64xf32, #tpu.memory_space<hbm>> -> memref<1x64xf32, #tpu.memory_space<hbm>>
      %dma_start3A_68 = tpu.memref_squeeze %dma_start3A_67 : memref<1x64xf32, #tpu.memory_space<hbm>> -> memref<64xf32, #tpu.memory_space<hbm>>
      tpu.enqueue_dma source(%dma_start3A_68 : memref<64xf32, #tpu.memory_space<hbm>>) target(%dma_start3A_65 : memref<64xf32, #tpu.memory_space<vmem>>) target_semaphore(%arg15 : memref<!tpu.dma_semaphore, #tpu.memory_space<semaphore_mem>>)
      %slice3A_69 = vector.extract_strided_slice %get3A_11 {offsets = [4], sizes = [1], strides = [1]} : vector<16xi32> to vector<1xi32>
      %squeeze3A_70 = vector.extract %slice3A_69[0] : i32 from vector<1xi32>
      %dma_start3A_71 = arith.constant 4 : i32
      %dma_start3A_72 = arith.constant 0 : i32
      %dma_start3A_73 = tpu.memref_slice %arg8[%dma_start3A_71, %dma_start3A_72] : memref<16x64xf32, #tpu.memory_space<vmem>> -> memref<1x64xf32, #tpu.memory_space<vmem>>
      %dma_start3A_74 = tpu.memref_squeeze %dma_start3A_73 : memref<1x64xf32, #tpu.memory_space<vmem>> -> memref<64xf32, #tpu.memory_space<vmem>>
      %dma_start3A_75 = arith.constant 0 : i32
      %dma_start3A_76 = tpu.memref_slice %arg4[%squeeze3A_70, %dma_start3A_75] : memref<1000000x64xf32, #tpu.memory_space<hbm>> -> memref<1x64xf32, #tpu.memory_space<hbm>>
      %dma_start3A_77 = tpu.memref_squeeze %dma_start3A_76 : memref<1x64xf32, #tpu.memory_space<hbm>> -> memref<64xf32, #tpu.memory_space<hbm>>
      %dma_start3A_78 = arith.constant 0 : i32
      %dma_start3A_79 = tpu.memref_slice %arg8[%dma_start3A_71, %dma_start3A_78] : memref<16x64xf32, #tpu.memory_space<vmem>> -> memref<1x64xf32, #tpu.memory_space<vmem>>
      %dma_start3A_80 = tpu.memref_squeeze %dma_start3A_79 : memref<1x64xf32, #tpu.memory_space<vmem>> -> memref<64xf32, #tpu.memory_space<vmem>>
      %dma_start3A_81 = arith.constant 0 : i32
      %dma_start3A_82 = tpu.memref_slice %arg4[%squeeze3A_70, %dma_start3A_81] : memref<1000000x64xf32, #tpu.memory_space<hbm>> -> memref<1x64xf32, #tpu.memory_space<hbm>>
      %dma_start3A_83 = tpu.memref_squeeze %dma_start3A_82 : memref<1x64xf32, #tpu.memory_space<hbm>> -> memref<64xf32, #tpu.memory_space<hbm>>
      tpu.enqueue_dma source(%dma_start3A_83 : memref<64xf32, #tpu.memory_space<hbm>>) target(%dma_start3A_80 : memref<64xf32, #tpu.memory_space<vmem>>) target_semaphore(%arg15 : memref<!tpu.dma_semaphore, #tpu.memory_space<semaphore_mem>>)
      %slice3A_84 = vector.extract_strided_slice %get3A_11 {offsets = [5], sizes = [1], strides = [1]} : vector<16xi32> to vector<1xi32>
      %squeeze3A_85 = vector.extract %slice3A_84[0] : i32 from vector<1xi32>
      %dma_start3A_86 = arith.constant 5 : i32
      %dma_start3A_87 = arith.constant 0 : i32
      %dma_start3A_88 = tpu.memref_slice %arg8[%dma_start3A_86, %dma_start3A_87] : memref<16x64xf32, #tpu.memory_space<vmem>> -> memref<1x64xf32, #tpu.memory_space<vmem>>
      %dma_start3A_89 = tpu.memref_squeeze %dma_start3A_88 : memref<1x64xf32, #tpu.memory_space<vmem>> -> memref<64xf32, #tpu.memory_space<vmem>>
      %dma_start3A_90 = arith.constant 0 : i32
      %dma_start3A_91 = tpu.memref_slice %arg4[%squeeze3A_85, %dma_start3A_90] : memref<1000000x64xf32, #tpu.memory_space<hbm>> -> memref<1x64xf32, #tpu.memory_space<hbm>>
      %dma_start3A_92 = tpu.memref_squeeze %dma_start3A_91 : memref<1x64xf32, #tpu.memory_space<hbm>> -> memref<64xf32, #tpu.memory_space<hbm>>
      %dma_start3A_93 = arith.constant 0 : i32
      %dma_start3A_94 = tpu.memref_slice %arg8[%dma_start3A_86, %dma_start3A_93] : memref<16x64xf32, #tpu.memory_space<vmem>> -> memref<1x64xf32, #tpu.memory_space<vmem>>
      %dma_start3A_95 = tpu.memref_squeeze %dma_start3A_94 : memref<1x64xf32, #tpu.memory_space<vmem>> -> memref<64xf32, #tpu.memory_space<vmem>>
      %dma_start3A_96 = arith.constant 0 : i32
      %dma_start3A_97 = tpu.memref_slice %arg4[%squeeze3A_85, %dma_start3A_96] : memref<1000000x64xf32, #tpu.memory_space<hbm>> -> memref<1x64xf32, #tpu.memory_space<hbm>>
      %dma_start3A_98 = tpu.memref_squeeze %dma_start3A_97 : memref<1x64xf32, #tpu.memory_space<hbm>> -> memref<64xf32, #tpu.memory_space<hbm>>
      tpu.enqueue_dma source(%dma_start3A_98 : memref<64xf32, #tpu.memory_space<hbm>>) target(%dma_start3A_95 : memref<64xf32, #tpu.memory_space<vmem>>) target_semaphore(%arg15 : memref<!tpu.dma_semaphore, #tpu.memory_space<semaphore_mem>>)
      %slice3A_99 = vector.extract_strided_slice %get3A_11 {offsets = [6], sizes = [1], strides = [1]} : vector<16xi32> to vector<1xi32>
      %squeeze3A_100 = vector.extract %slice3A_99[0] : i32 from vector<1xi32>
      %dma_start3A_101 = arith.constant 6 : i32
      %dma_start3A_102 = arith.constant 0 : i32
      %dma_start3A_103 = tpu.memref_slice %arg8[%dma_start3A_101, %dma_start3A_102] : memref<16x64xf32, #tpu.memory_space<vmem>> -> memref<1x64xf32, #tpu.memory_space<vmem>>
      %dma_start3A_104 = tpu.memref_squeeze %dma_start3A_103 : memref<1x64xf32, #tpu.memory_space<vmem>> -> memref<64xf32, #tpu.memory_space<vmem>>
      %dma_start3A_105 = arith.constant 0 : i32
      %dma_start3A_106 = tpu.memref_slice %arg4[%squeeze3A_100, %dma_start3A_105] : memref<1000000x64xf32, #tpu.memory_space<hbm>> -> memref<1x64xf32, #tpu.memory_space<hbm>>
      %dma_start3A_107 = tpu.memref_squeeze %dma_start3A_106 : memref<1x64xf32, #tpu.memory_space<hbm>> -> memref<64xf32, #tpu.memory_space<hbm>>
      %dma_start3A_108 = arith.constant 0 : i32
      %dma_start3A_109 = tpu.memref_slice %arg8[%dma_start3A_101, %dma_start3A_108] : memref<16x64xf32, #tpu.memory_space<vmem>> -> memref<1x64xf32, #tpu.memory_space<vmem>>
      %dma_start3A_110 = tpu.memref_squeeze %dma_start3A_109 : memref<1x64xf32, #tpu.memory_space<vmem>> -> memref<64xf32, #tpu.memory_space<vmem>>
      %dma_start3A_111 = arith.constant 0 : i32
      %dma_start3A_112 = tpu.memref_slice %arg4[%squeeze3A_100, %dma_start3A_111] : memref<1000000x64xf32, #tpu.memory_space<hbm>> -> memref<1x64xf32, #tpu.memory_space<hbm>>
      %dma_start3A_113 = tpu.memref_squeeze %dma_start3A_112 : memref<1x64xf32, #tpu.memory_space<hbm>> -> memref<64xf32, #tpu.memory_space<hbm>>
      tpu.enqueue_dma source(%dma_start3A_113 : memref<64xf32, #tpu.memory_space<hbm>>) target(%dma_start3A_110 : memref<64xf32, #tpu.memory_space<vmem>>) target_semaphore(%arg15 : memref<!tpu.dma_semaphore, #tpu.memory_space<semaphore_mem>>)
      %slice3A_114 = vector.extract_strided_slice %get3A_11 {offsets = [7], sizes = [1], strides = [1]} : vector<16xi32> to vector<1xi32>
      %squeeze3A_115 = vector.extract %slice3A_114[0] : i32 from vector<1xi32>
      %dma_start3A_116 = arith.constant 7 : i32
      %dma_start3A_117 = arith.constant 0 : i32
      %dma_start3A_118 = tpu.memref_slice %arg8[%dma_start3A_116, %dma_start3A_117] : memref<16x64xf32, #tpu.memory_space<vmem>> -> memref<1x64xf32, #tpu.memory_space<vmem>>
      %dma_start3A_119 = tpu.memref_squeeze %dma_start3A_118 : memref<1x64xf32, #tpu.memory_space<vmem>> -> memref<64xf32, #tpu.memory_space<vmem>>
      %dma_start3A_120 = arith.constant 0 : i32
      %dma_start3A_121 = tpu.memref_slice %arg4[%squeeze3A_115, %dma_start3A_120] : memref<1000000x64xf32, #tpu.memory_space<hbm>> -> memref<1x64xf32, #tpu.memory_space<hbm>>
      %dma_start3A_122 = tpu.memref_squeeze %dma_start3A_121 : memref<1x64xf32, #tpu.memory_space<hbm>> -> memref<64xf32, #tpu.memory_space<hbm>>
      %dma_start3A_123 = arith.constant 0 : i32
      %dma_start3A_124 = tpu.memref_slice %arg8[%dma_start3A_116, %dma_start3A_123] : memref<16x64xf32, #tpu.memory_space<vmem>> -> memref<1x64xf32, #tpu.memory_space<vmem>>
      %dma_start3A_125 = tpu.memref_squeeze %dma_start3A_124 : memref<1x64xf32, #tpu.memory_space<vmem>> -> memref<64xf32, #tpu.memory_space<vmem>>
      %dma_start3A_126 = arith.constant 0 : i32
      %dma_start3A_127 = tpu.memref_slice %arg4[%squeeze3A_115, %dma_start3A_126] : memref<1000000x64xf32, #tpu.memory_space<hbm>> -> memref<1x64xf32, #tpu.memory_space<hbm>>
      %dma_start3A_128 = tpu.memref_squeeze %dma_start3A_127 : memref<1x64xf32, #tpu.memory_space<hbm>> -> memref<64xf32, #tpu.memory_space<hbm>>
      tpu.enqueue_dma source(%dma_start3A_128 : memref<64xf32, #tpu.memory_space<hbm>>) target(%dma_start3A_125 : memref<64xf32, #tpu.memory_space<vmem>>) target_semaphore(%arg15 : memref<!tpu.dma_semaphore, #tpu.memory_space<semaphore_mem>>)
      %slice3A_129 = vector.extract_strided_slice %get3A_11 {offsets = [8], sizes = [1], strides = [1]} : vector<16xi32> to vector<1xi32>
      %squeeze3A_130 = vector.extract %slice3A_129[0] : i32 from vector<1xi32>
      %dma_start3A_131 = arith.constant 8 : i32
      %dma_start3A_132 = arith.constant 0 : i32
      %dma_start3A_133 = tpu.memref_slice %arg8[%dma_start3A_131, %dma_start3A_132] : memref<16x64xf32, #tpu.memory_space<vmem>> -> memref<1x64xf32, #tpu.memory_space<vmem>>
      %dma_start3A_134 = tpu.memref_squeeze %dma_start3A_133 : memref<1x64xf32, #tpu.memory_space<vmem>> -> memref<64xf32, #tpu.memory_space<vmem>>
      %dma_start3A_135 = arith.constant 0 : i32
      %dma_start3A_136 = tpu.memref_slice %arg4[%squeeze3A_130, %dma_start3A_135] : memref<1000000x64xf32, #tpu.memory_space<hbm>> -> memref<1x64xf32, #tpu.memory_space<hbm>>
      %dma_start3A_137 = tpu.memref_squeeze %dma_start3A_136 : memref<1x64xf32, #tpu.memory_space<hbm>> -> memref<64xf32, #tpu.memory_space<hbm>>
      %dma_start3A_138 = arith.constant 0 : i32
      %dma_start3A_139 = tpu.memref_slice %arg8[%dma_start3A_131, %dma_start3A_138] : memref<16x64xf32, #tpu.memory_space<vmem>> -> memref<1x64xf32, #tpu.memory_space<vmem>>
      %dma_start3A_140 = tpu.memref_squeeze %dma_start3A_139 : memref<1x64xf32, #tpu.memory_space<vmem>> -> memref<64xf32, #tpu.memory_space<vmem>>
      %dma_start3A_141 = arith.constant 0 : i32
      %dma_start3A_142 = tpu.memref_slice %arg4[%squeeze3A_130, %dma_start3A_141] : memref<1000000x64xf32, #tpu.memory_space<hbm>> -> memref<1x64xf32, #tpu.memory_space<hbm>>
      %dma_start3A_143 = tpu.memref_squeeze %dma_start3A_142 : memref<1x64xf32, #tpu.memory_space<hbm>> -> memref<64xf32, #tpu.memory_space<hbm>>
      tpu.enqueue_dma source(%dma_start3A_143 : memref<64xf32, #tpu.memory_space<hbm>>) target(%dma_start3A_140 : memref<64xf32, #tpu.memory_space<vmem>>) target_semaphore(%arg15 : memref<!tpu.dma_semaphore, #tpu.memory_space<semaphore_mem>>)
      %slice3A_144 = vector.extract_strided_slice %get3A_11 {offsets = [9], sizes = [1], strides = [1]} : vector<16xi32> to vector<1xi32>
      %squeeze3A_145 = vector.extract %slice3A_144[0] : i32 from vector<1xi32>
      %dma_start3A_146 = arith.constant 9 : i32
      %dma_start3A_147 = arith.constant 0 : i32
      %dma_start3A_148 = tpu.memref_slice %arg8[%dma_start3A_146, %dma_start3A_147] : memref<16x64xf32, #tpu.memory_space<vmem>> -> memref<1x64xf32, #tpu.memory_space<vmem>>
      %dma_start3A_149 = tpu.memref_squeeze %dma_start3A_148 : memref<1x64xf32, #tpu.memory_space<vmem>> -> memref<64xf32, #tpu.memory_space<vmem>>
      %dma_start3A_150 = arith.constant 0 : i32
      %dma_start3A_151 = tpu.memref_slice %arg4[%squeeze3A_145, %dma_start3A_150] : memref<1000000x64xf32, #tpu.memory_space<hbm>> -> memref<1x64xf32, #tpu.memory_space<hbm>>
      %dma_start3A_152 = tpu.memref_squeeze %dma_start3A_151 : memref<1x64xf32, #tpu.memory_space<hbm>> -> memref<64xf32, #tpu.memory_space<hbm>>
      %dma_start3A_153 = arith.constant 0 : i32
      %dma_start3A_154 = tpu.memref_slice %arg8[%dma_start3A_146, %dma_start3A_153] : memref<16x64xf32, #tpu.memory_space<vmem>> -> memref<1x64xf32, #tpu.memory_space<vmem>>
      %dma_start3A_155 = tpu.memref_squeeze %dma_start3A_154 : memref<1x64xf32, #tpu.memory_space<vmem>> -> memref<64xf32, #tpu.memory_space<vmem>>
      %dma_start3A_156 = arith.constant 0 : i32
      %dma_start3A_157 = tpu.memref_slice %arg4[%squeeze3A_145, %dma_start3A_156] : memref<1000000x64xf32, #tpu.memory_space<hbm>> -> memref<1x64xf32, #tpu.memory_space<hbm>>
      %dma_start3A_158 = tpu.memref_squeeze %dma_start3A_157 : memref<1x64xf32, #tpu.memory_space<hbm>> -> memref<64xf32, #tpu.memory_space<hbm>>
      tpu.enqueue_dma source(%dma_start3A_158 : memref<64xf32, #tpu.memory_space<hbm>>) target(%dma_start3A_155 : memref<64xf32, #tpu.memory_space<vmem>>) target_semaphore(%arg15 : memref<!tpu.dma_semaphore, #tpu.memory_space<semaphore_mem>>)
      %slice3A_159 = vector.extract_strided_slice %get3A_11 {offsets = [10], sizes = [1], strides = [1]} : vector<16xi32> to vector<1xi32>
      %squeeze3A_160 = vector.extract %slice3A_159[0] : i32 from vector<1xi32>
      %dma_start3A_161 = arith.constant 10 : i32
      %dma_start3A_162 = arith.constant 0 : i32
      %dma_start3A_163 = tpu.memref_slice %arg8[%dma_start3A_161, %dma_start3A_162] : memref<16x64xf32, #tpu.memory_space<vmem>> -> memref<1x64xf32, #tpu.memory_space<vmem>>
      %dma_start3A_164 = tpu.memref_squeeze %dma_start3A_163 : memref<1x64xf32, #tpu.memory_space<vmem>> -> memref<64xf32, #tpu.memory_space<vmem>>
      %dma_start3A_165 = arith.constant 0 : i32
      %dma_start3A_166 = tpu.memref_slice %arg4[%squeeze3A_160, %dma_start3A_165] : memref<1000000x64xf32, #tpu.memory_space<hbm>> -> memref<1x64xf32, #tpu.memory_space<hbm>>
      %dma_start3A_167 = tpu.memref_squeeze %dma_start3A_166 : memref<1x64xf32, #tpu.memory_space<hbm>> -> memref<64xf32, #tpu.memory_space<hbm>>
      %dma_start3A_168 = arith.constant 0 : i32
      %dma_start3A_169 = tpu.memref_slice %arg8[%dma_start3A_161, %dma_start3A_168] : memref<16x64xf32, #tpu.memory_space<vmem>> -> memref<1x64xf32, #tpu.memory_space<vmem>>
      %dma_start3A_170 = tpu.memref_squeeze %dma_start3A_169 : memref<1x64xf32, #tpu.memory_space<vmem>> -> memref<64xf32, #tpu.memory_space<vmem>>
      %dma_start3A_171 = arith.constant 0 : i32
      %dma_start3A_172 = tpu.memref_slice %arg4[%squeeze3A_160, %dma_start3A_171] : memref<1000000x64xf32, #tpu.memory_space<hbm>> -> memref<1x64xf32, #tpu.memory_space<hbm>>
      %dma_start3A_173 = tpu.memref_squeeze %dma_start3A_172 : memref<1x64xf32, #tpu.memory_space<hbm>> -> memref<64xf32, #tpu.memory_space<hbm>>
      tpu.enqueue_dma source(%dma_start3A_173 : memref<64xf32, #tpu.memory_space<hbm>>) target(%dma_start3A_170 : memref<64xf32, #tpu.memory_space<vmem>>) target_semaphore(%arg15 : memref<!tpu.dma_semaphore, #tpu.memory_space<semaphore_mem>>)
      %slice3A_174 = vector.extract_strided_slice %get3A_11 {offsets = [11], sizes = [1], strides = [1]} : vector<16xi32> to vector<1xi32>
      %squeeze3A_175 = vector.extract %slice3A_174[0] : i32 from vector<1xi32>
      %dma_start3A_176 = arith.constant 11 : i32
      %dma_start3A_177 = arith.constant 0 : i32
      %dma_start3A_178 = tpu.memref_slice %arg8[%dma_start3A_176, %dma_start3A_177] : memref<16x64xf32, #tpu.memory_space<vmem>> -> memref<1x64xf32, #tpu.memory_space<vmem>>
      %dma_start3A_179 = tpu.memref_squeeze %dma_start3A_178 : memref<1x64xf32, #tpu.memory_space<vmem>> -> memref<64xf32, #tpu.memory_space<vmem>>
      %dma_start3A_180 = arith.constant 0 : i32
      %dma_start3A_181 = tpu.memref_slice %arg4[%squeeze3A_175, %dma_start3A_180] : memref<1000000x64xf32, #tpu.memory_space<hbm>> -> memref<1x64xf32, #tpu.memory_space<hbm>>
      %dma_start3A_182 = tpu.memref_squeeze %dma_start3A_181 : memref<1x64xf32, #tpu.memory_space<hbm>> -> memref<64xf32, #tpu.memory_space<hbm>>
      %dma_start3A_183 = arith.constant 0 : i32
      %dma_start3A_184 = tpu.memref_slice %arg8[%dma_start3A_176, %dma_start3A_183] : memref<16x64xf32, #tpu.memory_space<vmem>> -> memref<1x64xf32, #tpu.memory_space<vmem>>
      %dma_start3A_185 = tpu.memref_squeeze %dma_start3A_184 : memref<1x64xf32, #tpu.memory_space<vmem>> -> memref<64xf32, #tpu.memory_space<vmem>>
      %dma_start3A_186 = arith.constant 0 : i32
      %dma_start3A_187 = tpu.memref_slice %arg4[%squeeze3A_175, %dma_start3A_186] : memref<1000000x64xf32, #tpu.memory_space<hbm>> -> memref<1x64xf32, #tpu.memory_space<hbm>>
      %dma_start3A_188 = tpu.memref_squeeze %dma_start3A_187 : memref<1x64xf32, #tpu.memory_space<hbm>> -> memref<64xf32, #tpu.memory_space<hbm>>
      tpu.enqueue_dma source(%dma_start3A_188 : memref<64xf32, #tpu.memory_space<hbm>>) target(%dma_start3A_185 : memref<64xf32, #tpu.memory_space<vmem>>) target_semaphore(%arg15 : memref<!tpu.dma_semaphore, #tpu.memory_space<semaphore_mem>>)
      %slice3A_189 = vector.extract_strided_slice %get3A_11 {offsets = [12], sizes = [1], strides = [1]} : vector<16xi32> to vector<1xi32>
      %squeeze3A_190 = vector.extract %slice3A_189[0] : i32 from vector<1xi32>
      %dma_start3A_191 = arith.constant 12 : i32
      %dma_start3A_192 = arith.constant 0 : i32
      %dma_start3A_193 = tpu.memref_slice %arg8[%dma_start3A_191, %dma_start3A_192] : memref<16x64xf32, #tpu.memory_space<vmem>> -> memref<1x64xf32, #tpu.memory_space<vmem>>
      %dma_start3A_194 = tpu.memref_squeeze %dma_start3A_193 : memref<1x64xf32, #tpu.memory_space<vmem>> -> memref<64xf32, #tpu.memory_space<vmem>>
      %dma_start3A_195 = arith.constant 0 : i32
      %dma_start3A_196 = tpu.memref_slice %arg4[%squeeze3A_190, %dma_start3A_195] : memref<1000000x64xf32, #tpu.memory_space<hbm>> -> memref<1x64xf32, #tpu.memory_space<hbm>>
      %dma_start3A_197 = tpu.memref_squeeze %dma_start3A_196 : memref<1x64xf32, #tpu.memory_space<hbm>> -> memref<64xf32, #tpu.memory_space<hbm>>
      %dma_start3A_198 = arith.constant 0 : i32
      %dma_start3A_199 = tpu.memref_slice %arg8[%dma_start3A_191, %dma_start3A_198] : memref<16x64xf32, #tpu.memory_space<vmem>> -> memref<1x64xf32, #tpu.memory_space<vmem>>
      %dma_start3A_200 = tpu.memref_squeeze %dma_start3A_199 : memref<1x64xf32, #tpu.memory_space<vmem>> -> memref<64xf32, #tpu.memory_space<vmem>>
      %dma_start3A_201 = arith.constant 0 : i32
      %dma_start3A_202 = tpu.memref_slice %arg4[%squeeze3A_190, %dma_start3A_201] : memref<1000000x64xf32, #tpu.memory_space<hbm>> -> memref<1x64xf32, #tpu.memory_space<hbm>>
      %dma_start3A_203 = tpu.memref_squeeze %dma_start3A_202 : memref<1x64xf32, #tpu.memory_space<hbm>> -> memref<64xf32, #tpu.memory_space<hbm>>
      tpu.enqueue_dma source(%dma_start3A_203 : memref<64xf32, #tpu.memory_space<hbm>>) target(%dma_start3A_200 : memref<64xf32, #tpu.memory_space<vmem>>) target_semaphore(%arg15 : memref<!tpu.dma_semaphore, #tpu.memory_space<semaphore_mem>>)
      %slice3A_204 = vector.extract_strided_slice %get3A_11 {offsets = [13], sizes = [1], strides = [1]} : vector<16xi32> to vector<1xi32>
      %squeeze3A_205 = vector.extract %slice3A_204[0] : i32 from vector<1xi32>
      %dma_start3A_206 = arith.constant 13 : i32
      %dma_start3A_207 = arith.constant 0 : i32
      %dma_start3A_208 = tpu.memref_slice %arg8[%dma_start3A_206, %dma_start3A_207] : memref<16x64xf32, #tpu.memory_space<vmem>> -> memref<1x64xf32, #tpu.memory_space<vmem>>
      %dma_start3A_209 = tpu.memref_squeeze %dma_start3A_208 : memref<1x64xf32, #tpu.memory_space<vmem>> -> memref<64xf32, #tpu.memory_space<vmem>>
      %dma_start3A_210 = arith.constant 0 : i32
      %dma_start3A_211 = tpu.memref_slice %arg4[%squeeze3A_205, %dma_start3A_210] : memref<1000000x64xf32, #tpu.memory_space<hbm>> -> memref<1x64xf32, #tpu.memory_space<hbm>>
      %dma_start3A_212 = tpu.memref_squeeze %dma_start3A_211 : memref<1x64xf32, #tpu.memory_space<hbm>> -> memref<64xf32, #tpu.memory_space<hbm>>
      %dma_start3A_213 = arith.constant 0 : i32
      %dma_start3A_214 = tpu.memref_slice %arg8[%dma_start3A_206, %dma_start3A_213] : memref<16x64xf32, #tpu.memory_space<vmem>> -> memref<1x64xf32, #tpu.memory_space<vmem>>
      %dma_start3A_215 = tpu.memref_squeeze %dma_start3A_214 : memref<1x64xf32, #tpu.memory_space<vmem>> -> memref<64xf32, #tpu.memory_space<vmem>>
      %dma_start3A_216 = arith.constant 0 : i32
      %dma_start3A_217 = tpu.memref_slice %arg4[%squeeze3A_205, %dma_start3A_216] : memref<1000000x64xf32, #tpu.memory_space<hbm>> -> memref<1x64xf32, #tpu.memory_space<hbm>>
      %dma_start3A_218 = tpu.memref_squeeze %dma_start3A_217 : memref<1x64xf32, #tpu.memory_space<hbm>> -> memref<64xf32, #tpu.memory_space<hbm>>
      tpu.enqueue_dma source(%dma_start3A_218 : memref<64xf32, #tpu.memory_space<hbm>>) target(%dma_start3A_215 : memref<64xf32, #tpu.memory_space<vmem>>) target_semaphore(%arg15 : memref<!tpu.dma_semaphore, #tpu.memory_space<semaphore_mem>>)
      %slice3A_219 = vector.extract_strided_slice %get3A_11 {offsets = [14], sizes = [1], strides = [1]} : vector<16xi32> to vector<1xi32>
      %squeeze3A_220 = vector.extract %slice3A_219[0] : i32 from vector<1xi32>
      %dma_start3A_221 = arith.constant 14 : i32
      %dma_start3A_222 = arith.constant 0 : i32
      %dma_start3A_223 = tpu.memref_slice %arg8[%dma_start3A_221, %dma_start3A_222] : memref<16x64xf32, #tpu.memory_space<vmem>> -> memref<1x64xf32, #tpu.memory_space<vmem>>
      %dma_start3A_224 = tpu.memref_squeeze %dma_start3A_223 : memref<1x64xf32, #tpu.memory_space<vmem>> -> memref<64xf32, #tpu.memory_space<vmem>>
      %dma_start3A_225 = arith.constant 0 : i32
      %dma_start3A_226 = tpu.memref_slice %arg4[%squeeze3A_220, %dma_start3A_225] : memref<1000000x64xf32, #tpu.memory_space<hbm>> -> memref<1x64xf32, #tpu.memory_space<hbm>>
      %dma_start3A_227 = tpu.memref_squeeze %dma_start3A_226 : memref<1x64xf32, #tpu.memory_space<hbm>> -> memref<64xf32, #tpu.memory_space<hbm>>
      %dma_start3A_228 = arith.constant 0 : i32
      %dma_start3A_229 = tpu.memref_slice %arg8[%dma_start3A_221, %dma_start3A_228] : memref<16x64xf32, #tpu.memory_space<vmem>> -> memref<1x64xf32, #tpu.memory_space<vmem>>
      %dma_start3A_230 = tpu.memref_squeeze %dma_start3A_229 : memref<1x64xf32, #tpu.memory_space<vmem>> -> memref<64xf32, #tpu.memory_space<vmem>>
      %dma_start3A_231 = arith.constant 0 : i32
      %dma_start3A_232 = tpu.memref_slice %arg4[%squeeze3A_220, %dma_start3A_231] : memref<1000000x64xf32, #tpu.memory_space<hbm>> -> memref<1x64xf32, #tpu.memory_space<hbm>>
      %dma_start3A_233 = tpu.memref_squeeze %dma_start3A_232 : memref<1x64xf32, #tpu.memory_space<hbm>> -> memref<64xf32, #tpu.memory_space<hbm>>
      tpu.enqueue_dma source(%dma_start3A_233 : memref<64xf32, #tpu.memory_space<hbm>>) target(%dma_start3A_230 : memref<64xf32, #tpu.memory_space<vmem>>) target_semaphore(%arg15 : memref<!tpu.dma_semaphore, #tpu.memory_space<semaphore_mem>>)
      %slice3A_234 = vector.extract_strided_slice %get3A_11 {offsets = [15], sizes = [1], strides = [1]} : vector<16xi32> to vector<1xi32>
      %squeeze3A_235 = vector.extract %slice3A_234[0] : i32 from vector<1xi32>
      %dma_start3A_236 = arith.constant 15 : i32
      %dma_start3A_237 = arith.constant 0 : i32
      %dma_start3A_238 = tpu.memref_slice %arg8[%dma_start3A_236, %dma_start3A_237] : memref<16x64xf32, #tpu.memory_space<vmem>> -> memref<1x64xf32, #tpu.memory_space<vmem>>
      %dma_start3A_239 = tpu.memref_squeeze %dma_start3A_238 : memref<1x64xf32, #tpu.memory_space<vmem>> -> memref<64xf32, #tpu.memory_space<vmem>>
      %dma_start3A_240 = arith.constant 0 : i32
      %dma_start3A_241 = tpu.memref_slice %arg4[%squeeze3A_235, %dma_start3A_240] : memref<1000000x64xf32, #tpu.memory_space<hbm>> -> memref<1x64xf32, #tpu.memory_space<hbm>>
      %dma_start3A_242 = tpu.memref_squeeze %dma_start3A_241 : memref<1x64xf32, #tpu.memory_space<hbm>> -> memref<64xf32, #tpu.memory_space<hbm>>
      %dma_start3A_243 = arith.constant 0 : i32
      %dma_start3A_244 = tpu.memref_slice %arg8[%dma_start3A_236, %dma_start3A_243] : memref<16x64xf32, #tpu.memory_space<vmem>> -> memref<1x64xf32, #tpu.memory_space<vmem>>
      %dma_start3A_245 = tpu.memref_squeeze %dma_start3A_244 : memref<1x64xf32, #tpu.memory_space<vmem>> -> memref<64xf32, #tpu.memory_space<vmem>>
      %dma_start3A_246 = arith.constant 0 : i32
      %dma_start3A_247 = tpu.memref_slice %arg4[%squeeze3A_235, %dma_start3A_246] : memref<1000000x64xf32, #tpu.memory_space<hbm>> -> memref<1x64xf32, #tpu.memory_space<hbm>>
      %dma_start3A_248 = tpu.memref_squeeze %dma_start3A_247 : memref<1x64xf32, #tpu.memory_space<hbm>> -> memref<64xf32, #tpu.memory_space<hbm>>
      tpu.enqueue_dma source(%dma_start3A_248 : memref<64xf32, #tpu.memory_space<hbm>>) target(%dma_start3A_245 : memref<64xf32, #tpu.memory_space<vmem>>) target_semaphore(%arg15 : memref<!tpu.dma_semaphore, #tpu.memory_space<semaphore_mem>>)
      %eq3A_249 = arith.constant 0 : i32
      %eq3A_250 = arith.cmpi eq, %arg1, %eq3A_249 : i32
      %convert_element_type3A_251 = arith.extui %eq3A_250 : i1 to i32
      %cond3A_252 = arith.constant 0 : i32
      %cond3A_253 = arith.cmpi ne, %convert_element_type3A_251, %cond3A_252 : i32
      scf.if %cond3A_253 {
        "tpu.region"() ({
          %run_scoped3A = tpu.sem_alloc : memref<!tpu.dma_semaphore, #tpu.memory_space<semaphore_mem>>
          tpu.enqueue_dma source(%arg3 : memref<32xi32, #tpu.memory_space<hbm>>) target(%arg9 : memref<32xi32, #tpu.memory_space<vmem>>) target_semaphore(%run_scoped3A : memref<!tpu.dma_semaphore, #tpu.memory_space<semaphore_mem>>)
          tpu.wait_dma2 semaphore(%run_scoped3A : memref<!tpu.dma_semaphore, #tpu.memory_space<semaphore_mem>>) src(%arg3 : memref<32xi32, #tpu.memory_space<hbm>>) dst(%arg9 : memref<32xi32, #tpu.memory_space<vmem>>)
          tpu.yield
        }) : () -> ()
        %get3A_1103 = arith.constant 0 : index
        %get3A_1104 = tpu.vector_load %arg9[%get3A_1103] {strides = array<i32>} : memref<32xi32, #tpu.memory_space<vmem>>, vector<16xi32>,
        %get3A_1105 = vector.shape_cast %get3A_1104 : vector<16xi32> to vector<16xi32>
        %get3A_1106 = arith.constant 16 : index
        %get3A_1107 = tpu.vector_load %arg9[%get3A_1106] {strides = array<i32>} : memref<32xi32, #tpu.memory_space<vmem>>, vector<16xi32>,
        %get3A_1108 = vector.shape_cast %get3A_1107 : vector<16xi32> to vector<16xi32>
        %slice3A_1109 = vector.extract_strided_slice %get3A_1105 {offsets = [0], sizes = [1], strides = [1]} : vector<16xi32> to vector<1xi32>
        %squeeze3A_1110 = vector.extract %slice3A_1109[0] : i32 from vector<1xi32>
        %dma_start3A_1111 = arith.constant 0 : i32
        %dma_start3A_1112 = arith.constant 0 : i32
        %dma_start3A_1113 = tpu.memref_slice %arg10[%dma_start3A_1111, %dma_start3A_1112] : memref<32x64xf32, #tpu.memory_space<vmem>> -> memref<1x64xf32, #tpu.memory_space<vmem>>
        %dma_start3A_1114 = tpu.memref_squeeze %dma_start3A_1113 : memref<1x64xf32, #tpu.memory_space<vmem>> -> memref<64xf32, #tpu.memory_space<vmem>>
        %dma_start3A_1115 = arith.constant 0 : i32
        %dma_start3A_1116 = tpu.memref_slice %arg5[%squeeze3A_1110, %dma_start3A_1115] : memref<1000000x64xf32, #tpu.memory_space<hbm>> -> memref<1x64xf32, #tpu.memory_space<hbm>>
        %dma_start3A_1117 = tpu.memref_squeeze %dma_start3A_1116 : memref<1x64xf32, #tpu.memory_space<hbm>> -> memref<64xf32, #tpu.memory_space<hbm>>
        %dma_start3A_1118 = arith.constant 0 : i32
        %dma_start3A_1119 = tpu.memref_slice %arg10[%dma_start3A_1111, %dma_start3A_1118] : memref<32x64xf32, #tpu.memory_space<vmem>> -> memref<1x64xf32, #tpu.memory_space<vmem>>
        %dma_start3A_1120 = tpu.memref_squeeze %dma_start3A_1119 : memref<1x64xf32, #tpu.memory_space<vmem>> -> memref<64xf32, #tpu.memory_space<vmem>>
        %dma_start3A_1121 = arith.constant 0 : i32
        %dma_start3A_1122 = tpu.memref_slice %arg5[%squeeze3A_1110, %dma_start3A_1121] : memref<1000000x64xf32, #tpu.memory_space<hbm>> -> memref<1x64xf32, #tpu.memory_space<hbm>>
        %dma_start3A_1123 = tpu.memref_squeeze %dma_start3A_1122 : memref<1x64xf32, #tpu.memory_space<hbm>> -> memref<64xf32, #tpu.memory_space<hbm>>
        tpu.enqueue_dma source(%dma_start3A_1123 : memref<64xf32, #tpu.memory_space<hbm>>) target(%dma_start3A_1120 : memref<64xf32, #tpu.memory_space<vmem>>) target_semaphore(%arg16 : memref<!tpu.dma_semaphore, #tpu.memory_space<semaphore_mem>>)
        %slice3A_1124 = vector.extract_strided_slice %get3A_1105 {offsets = [1], sizes = [1], strides = [1]} : vector<16xi32> to vector<1xi32>
        %squeeze3A_1125 = vector.extract %slice3A_1124[0] : i32 from vector<1xi32>
        %dma_start3A_1126 = arith.constant 1 : i32
        %dma_start3A_1127 = arith.constant 0 : i32
        %dma_start3A_1128 = tpu.memref_slice %arg10[%dma_start3A_1126, %dma_start3A_1127] : memref<32x64xf32, #tpu.memory_space<vmem>> -> memref<1x64xf32, #tpu.memory_space<vmem>>
        %dma_start3A_1129 = tpu.memref_squeeze %dma_start3A_1128 : memref<1x64xf32, #tpu.memory_space<vmem>> -> memref<64xf32, #tpu.memory_space<vmem>>
        %dma_start3A_1130 = arith.constant 0 : i32
        %dma_start3A_1131 = tpu.memref_slice %arg5[%squeeze3A_1125, %dma_start3A_1130] : memref<1000000x64xf32, #tpu.memory_space<hbm>> -> memref<1x64xf32, #tpu.memory_space<hbm>>
        %dma_start3A_1132 = tpu.memref_squeeze %dma_start3A_1131 : memref<1x64xf32, #tpu.memory_space<hbm>> -> memref<64xf32, #tpu.memory_space<hbm>>
        %dma_start3A_1133 = arith.constant 0 : i32
        %dma_start3A_1134 = tpu.memref_slice %arg10[%dma_start3A_1126, %dma_start3A_1133] : memref<32x64xf32, #tpu.memory_space<vmem>> -> memref<1x64xf32, #tpu.memory_space<vmem>>
        %dma_start3A_1135 = tpu.memref_squeeze %dma_start3A_1134 : memref<1x64xf32, #tpu.memory_space<vmem>> -> memref<64xf32, #tpu.memory_space<vmem>>
        %dma_start3A_1136 = arith.constant 0 : i32
        %dma_start3A_1137 = tpu.memref_slice %arg5[%squeeze3A_1125, %dma_start3A_1136] : memref<1000000x64xf32, #tpu.memory_space<hbm>> -> memref<1x64xf32, #tpu.memory_space<hbm>>
        %dma_start3A_1138 = tpu.memref_squeeze %dma_start3A_1137 : memref<1x64xf32, #tpu.memory_space<hbm>> -> memref<64xf32, #tpu.memory_space<hbm>>
        tpu.enqueue_dma source(%dma_start3A_1138 : memref<64xf32, #tpu.memory_space<hbm>>) target(%dma_start3A_1135 : memref<64xf32, #tpu.memory_space<vmem>>) target_semaphore(%arg16 : memref<!tpu.dma_semaphore, #tpu.memory_space<semaphore_mem>>)
        %slice3A_1139 = vector.extract_strided_slice %get3A_1105 {offsets = [2], sizes = [1], strides = [1]} : vector<16xi32> to vector<1xi32>
        %squeeze3A_1140 = vector.extract %slice3A_1139[0] : i32 from vector<1xi32>
        %dma_start3A_1141 = arith.constant 2 : i32
        %dma_start3A_1142 = arith.constant 0 : i32
        %dma_start3A_1143 = tpu.memref_slice %arg10[%dma_start3A_1141, %dma_start3A_1142] : memref<32x64xf32, #tpu.memory_space<vmem>> -> memref<1x64xf32, #tpu.memory_space<vmem>>
        %dma_start3A_1144 = tpu.memref_squeeze %dma_start3A_1143 : memref<1x64xf32, #tpu.memory_space<vmem>> -> memref<64xf32, #tpu.memory_space<vmem>>
        %dma_start3A_1145 = arith.constant 0 : i32
        %dma_start3A_1146 = tpu.memref_slice %arg5[%squeeze3A_1140, %dma_start3A_1145] : memref<1000000x64xf32, #tpu.memory_space<hbm>> -> memref<1x64xf32, #tpu.memory_space<hbm>>
        %dma_start3A_1147 = tpu.memref_squeeze %dma_start3A_1146 : memref<1x64xf32, #tpu.memory_space<hbm>> -> memref<64xf32, #tpu.memory_space<hbm>>
        %dma_start3A_1148 = arith.constant 0 : i32
        %dma_start3A_1149 = tpu.memref_slice %arg10[%dma_start3A_1141, %dma_start3A_1148] : memref<32x64xf32, #tpu.memory_space<vmem>> -> memref<1x64xf32, #tpu.memory_space<vmem>>
        %dma_start3A_1150 = tpu.memref_squeeze %dma_start3A_1149 : memref<1x64xf32, #tpu.memory_space<vmem>> -> memref<64xf32, #tpu.memory_space<vmem>>
        %dma_start3A_1151 = arith.constant 0 : i32
        %dma_start3A_1152 = tpu.memref_slice %arg5[%squeeze3A_1140, %dma_start3A_1151] : memref<1000000x64xf32, #tpu.memory_space<hbm>> -> memref<1x64xf32, #tpu.memory_space<hbm>>
        %dma_start3A_1153 = tpu.memref_squeeze %dma_start3A_1152 : memref<1x64xf32, #tpu.memory_space<hbm>> -> memref<64xf32, #tpu.memory_space<hbm>>
        tpu.enqueue_dma source(%dma_start3A_1153 : memref<64xf32, #tpu.memory_space<hbm>>) target(%dma_start3A_1150 : memref<64xf32, #tpu.memory_space<vmem>>) target_semaphore(%arg16 : memref<!tpu.dma_semaphore, #tpu.memory_space<semaphore_mem>>)
        %slice3A_1154 = vector.extract_strided_slice %get3A_1105 {offsets = [3], sizes = [1], strides = [1]} : vector<16xi32> to vector<1xi32>
        %squeeze3A_1155 = vector.extract %slice3A_1154[0] : i32 from vector<1xi32>
        %dma_start3A_1156 = arith.constant 3 : i32
        %dma_start3A_1157 = arith.constant 0 : i32
        %dma_start3A_1158 = tpu.memref_slice %arg10[%dma_start3A_1156, %dma_start3A_1157] : memref<32x64xf32, #tpu.memory_space<vmem>> -> memref<1x64xf32, #tpu.memory_space<vmem>>
        %dma_start3A_1159 = tpu.memref_squeeze %dma_start3A_1158 : memref<1x64xf32, #tpu.memory_space<vmem>> -> memref<64xf32, #tpu.memory_space<vmem>>
        %dma_start3A_1160 = arith.constant 0 : i32
        %dma_start3A_1161 = tpu.memref_slice %arg5[%squeeze3A_1155, %dma_start3A_1160] : memref<1000000x64xf32, #tpu.memory_space<hbm>> -> memref<1x64xf32, #tpu.memory_space<hbm>>
        %dma_start3A_1162 = tpu.memref_squeeze %dma_start3A_1161 : memref<1x64xf32, #tpu.memory_space<hbm>> -> memref<64xf32, #tpu.memory_space<hbm>>
        %dma_start3A_1163 = arith.constant 0 : i32
        %dma_start3A_1164 = tpu.memref_slice %arg10[%dma_start3A_1156, %dma_start3A_1163] : memref<32x64xf32, #tpu.memory_space<vmem>> -> memref<1x64xf32, #tpu.memory_space<vmem>>
        %dma_start3A_1165 = tpu.memref_squeeze %dma_start3A_1164 : memref<1x64xf32, #tpu.memory_space<vmem>> -> memref<64xf32, #tpu.memory_space<vmem>>
        %dma_start3A_1166 = arith.constant 0 : i32
        %dma_start3A_1167 = tpu.memref_slice %arg5[%squeeze3A_1155, %dma_start3A_1166] : memref<1000000x64xf32, #tpu.memory_space<hbm>> -> memref<1x64xf32, #tpu.memory_space<hbm>>
        %dma_start3A_1168 = tpu.memref_squeeze %dma_start3A_1167 : memref<1x64xf32, #tpu.memory_space<hbm>> -> memref<64xf32, #tpu.memory_space<hbm>>
        tpu.enqueue_dma source(%dma_start3A_1168 : memref<64xf32, #tpu.memory_space<hbm>>) target(%dma_start3A_1165 : memref<64xf32, #tpu.memory_space<vmem>>) target_semaphore(%arg16 : memref<!tpu.dma_semaphore, #tpu.memory_space<semaphore_mem>>)
        %slice3A_1169 = vector.extract_strided_slice %get3A_1105 {offsets = [4], sizes = [1], strides = [1]} : vector<16xi32> to vector<1xi32>
        %squeeze3A_1170 = vector.extract %slice3A_1169[0] : i32 from vector<1xi32>
        %dma_start3A_1171 = arith.constant 4 : i32
        %dma_start3A_1172 = arith.constant 0 : i32
        %dma_start3A_1173 = tpu.memref_slice %arg10[%dma_start3A_1171, %dma_start3A_1172] : memref<32x64xf32, #tpu.memory_space<vmem>> -> memref<1x64xf32, #tpu.memory_space<vmem>>
        %dma_start3A_1174 = tpu.memref_squeeze %dma_start3A_1173 : memref<1x64xf32, #tpu.memory_space<vmem>> -> memref<64xf32, #tpu.memory_space<vmem>>
        %dma_start3A_1175 = arith.constant 0 : i32
        %dma_start3A_1176 = tpu.memref_slice %arg5[%squeeze3A_1170, %dma_start3A_1175] : memref<1000000x64xf32, #tpu.memory_space<hbm>> -> memref<1x64xf32, #tpu.memory_space<hbm>>
        %dma_start3A_1177 = tpu.memref_squeeze %dma_start3A_1176 : memref<1x64xf32, #tpu.memory_space<hbm>> -> memref<64xf32, #tpu.memory_space<hbm>>
        %dma_start3A_1178 = arith.constant 0 : i32
        %dma_start3A_1179 = tpu.memref_slice %arg10[%dma_start3A_1171, %dma_start3A_1178] : memref<32x64xf32, #tpu.memory_space<vmem>> -> memref<1x64xf32, #tpu.memory_space<vmem>>
        %dma_start3A_1180 = tpu.memref_squeeze %dma_start3A_1179 : memref<1x64xf32, #tpu.memory_space<vmem>> -> memref<64xf32, #tpu.memory_space<vmem>>
        %dma_start3A_1181 = arith.constant 0 : i32
        %dma_start3A_1182 = tpu.memref_slice %arg5[%squeeze3A_1170, %dma_start3A_1181] : memref<1000000x64xf32, #tpu.memory_space<hbm>> -> memref<1x64xf32, #tpu.memory_space<hbm>>
        %dma_start3A_1183 = tpu.memref_squeeze %dma_start3A_1182 : memref<1x64xf32, #tpu.memory_space<hbm>> -> memref<64xf32, #tpu.memory_space<hbm>>
        tpu.enqueue_dma source(%dma_start3A_1183 : memref<64xf32, #tpu.memory_space<hbm>>) target(%dma_start3A_1180 : memref<64xf32, #tpu.memory_space<vmem>>) target_semaphore(%arg16 : memref<!tpu.dma_semaphore, #tpu.memory_space<semaphore_mem>>)
        %slice3A_1184 = vector.extract_strided_slice %get3A_1105 {offsets = [5], sizes = [1], strides = [1]} : vector<16xi32> to vector<1xi32>
        %squeeze3A_1185 = vector.extract %slice3A_1184[0] : i32 from vector<1xi32>
        %dma_start3A_1186 = arith.constant 5 : i32
        %dma_start3A_1187 = arith.constant 0 : i32
        %dma_start3A_1188 = tpu.memref_slice %arg10[%dma_start3A_1186, %dma_start3A_1187] : memref<32x64xf32, #tpu.memory_space<vmem>> -> memref<1x64xf32, #tpu.memory_space<vmem>>
        %dma_start3A_1189 = tpu.memref_squeeze %dma_start3A_1188 : memref<1x64xf32, #tpu.memory_space<vmem>> -> memref<64xf32, #tpu.memory_space<vmem>>
        %dma_start3A_1190 = arith.constant 0 : i32
        %dma_start3A_1191 = tpu.memref_slice %arg5[%squeeze3A_1185, %dma_start3A_1190] : memref<1000000x64xf32, #tpu.memory_space<hbm>> -> memref<1x64xf32, #tpu.memory_space<hbm>>
        %dma_start3A_1192 = tpu.memref_squeeze %dma_start3A_1191 : memref<1x64xf32, #tpu.memory_space<hbm>> -> memref<64xf32, #tpu.memory_space<hbm>>
        %dma_start3A_1193 = arith.constant 0 : i32
        %dma_start3A_1194 = tpu.memref_slice %arg10[%dma_start3A_1186, %dma_start3A_1193] : memref<32x64xf32, #tpu.memory_space<vmem>> -> memref<1x64xf32, #tpu.memory_space<vmem>>
        %dma_start3A_1195 = tpu.memref_squeeze %dma_start3A_1194 : memref<1x64xf32, #tpu.memory_space<vmem>> -> memref<64xf32, #tpu.memory_space<vmem>>
        %dma_start3A_1196 = arith.constant 0 : i32
        %dma_start3A_1197 = tpu.memref_slice %arg5[%squeeze3A_1185, %dma_start3A_1196] : memref<1000000x64xf32, #tpu.memory_space<hbm>> -> memref<1x64xf32, #tpu.memory_space<hbm>>
        %dma_start3A_1198 = tpu.memref_squeeze %dma_start3A_1197 : memref<1x64xf32, #tpu.memory_space<hbm>> -> memref<64xf32, #tpu.memory_space<hbm>>
        tpu.enqueue_dma source(%dma_start3A_1198 : memref<64xf32, #tpu.memory_space<hbm>>) target(%dma_start3A_1195 : memref<64xf32, #tpu.memory_space<vmem>>) target_semaphore(%arg16 : memref<!tpu.dma_semaphore, #tpu.memory_space<semaphore_mem>>)
        %slice3A_1199 = vector.extract_strided_slice %get3A_1105 {offsets = [6], sizes = [1], strides = [1]} : vector<16xi32> to vector<1xi32>
        %squeeze3A_1200 = vector.extract %slice3A_1199[0] : i32 from vector<1xi32>
        %dma_start3A_1201 = arith.constant 6 : i32
        %dma_start3A_1202 = arith.constant 0 : i32
        %dma_start3A_1203 = tpu.memref_slice %arg10[%dma_start3A_1201, %dma_start3A_1202] : memref<32x64xf32, #tpu.memory_space<vmem>> -> memref<1x64xf32, #tpu.memory_space<vmem>>
        %dma_start3A_1204 = tpu.memref_squeeze %dma_start3A_1203 : memref<1x64xf32, #tpu.memory_space<vmem>> -> memref<64xf32, #tpu.memory_space<vmem>>
        %dma_start3A_1205 = arith.constant 0 : i32
        %dma_start3A_1206 = tpu.memref_slice %arg5[%squeeze3A_1200, %dma_start3A_1205] : memref<1000000x64xf32, #tpu.memory_space<hbm>> -> memref<1x64xf32, #tpu.memory_space<hbm>>
        %dma_start3A_1207 = tpu.memref_squeeze %dma_start3A_1206 : memref<1x64xf32, #tpu.memory_space<hbm>> -> memref<64xf32, #tpu.memory_space<hbm>>
        %dma_start3A_1208 = arith.constant 0 : i32
        %dma_start3A_1209 = tpu.memref_slice %arg10[%dma_start3A_1201, %dma_start3A_1208] : memref<32x64xf32, #tpu.memory_space<vmem>> -> memref<1x64xf32, #tpu.memory_space<vmem>>
        %dma_start3A_1210 = tpu.memref_squeeze %dma_start3A_1209 : memref<1x64xf32, #tpu.memory_space<vmem>> -> memref<64xf32, #tpu.memory_space<vmem>>
        %dma_start3A_1211 = arith.constant 0 : i32
        %dma_start3A_1212 = tpu.memref_slice %arg5[%squeeze3A_1200, %dma_start3A_1211] : memref<1000000x64xf32, #tpu.memory_space<hbm>> -> memref<1x64xf32, #tpu.memory_space<hbm>>
        %dma_start3A_1213 = tpu.memref_squeeze %dma_start3A_1212 : memref<1x64xf32, #tpu.memory_space<hbm>> -> memref<64xf32, #tpu.memory_space<hbm>>
        tpu.enqueue_dma source(%dma_start3A_1213 : memref<64xf32, #tpu.memory_space<hbm>>) target(%dma_start3A_1210 : memref<64xf32, #tpu.memory_space<vmem>>) target_semaphore(%arg16 : memref<!tpu.dma_semaphore, #tpu.memory_space<semaphore_mem>>)
        %slice3A_1214 = vector.extract_strided_slice %get3A_1105 {offsets = [7], sizes = [1], strides = [1]} : vector<16xi32> to vector<1xi32>
        %squeeze3A_1215 = vector.extract %slice3A_1214[0] : i32 from vector<1xi32>
        %dma_start3A_1216 = arith.constant 7 : i32
        %dma_start3A_1217 = arith.constant 0 : i32
        %dma_start3A_1218 = tpu.memref_slice %arg10[%dma_start3A_1216, %dma_start3A_1217] : memref<32x64xf32, #tpu.memory_space<vmem>> -> memref<1x64xf32, #tpu.memory_space<vmem>>
        %dma_start3A_1219 = tpu.memref_squeeze %dma_start3A_1218 : memref<1x64xf32, #tpu.memory_space<vmem>> -> memref<64xf32, #tpu.memory_space<vmem>>
        %dma_start3A_1220 = arith.constant 0 : i32
        %dma_start3A_1221 = tpu.memref_slice %arg5[%squeeze3A_1215, %dma_start3A_1220] : memref<1000000x64xf32, #tpu.memory_space<hbm>> -> memref<1x64xf32, #tpu.memory_space<hbm>>
        %dma_start3A_1222 = tpu.memref_squeeze %dma_start3A_1221 : memref<1x64xf32, #tpu.memory_space<hbm>> -> memref<64xf32, #tpu.memory_space<hbm>>
        %dma_start3A_1223 = arith.constant 0 : i32
        %dma_start3A_1224 = tpu.memref_slice %arg10[%dma_start3A_1216, %dma_start3A_1223] : memref<32x64xf32, #tpu.memory_space<vmem>> -> memref<1x64xf32, #tpu.memory_space<vmem>>
        %dma_start3A_1225 = tpu.memref_squeeze %dma_start3A_1224 : memref<1x64xf32, #tpu.memory_space<vmem>> -> memref<64xf32, #tpu.memory_space<vmem>>
        %dma_start3A_1226 = arith.constant 0 : i32
        %dma_start3A_1227 = tpu.memref_slice %arg5[%squeeze3A_1215, %dma_start3A_1226] : memref<1000000x64xf32, #tpu.memory_space<hbm>> -> memref<1x64xf32, #tpu.memory_space<hbm>>
        %dma_start3A_1228 = tpu.memref_squeeze %dma_start3A_1227 : memref<1x64xf32, #tpu.memory_space<hbm>> -> memref<64xf32, #tpu.memory_space<hbm>>
        tpu.enqueue_dma source(%dma_start3A_1228 : memref<64xf32, #tpu.memory_space<hbm>>) target(%dma_start3A_1225 : memref<64xf32, #tpu.memory_space<vmem>>) target_semaphore(%arg16 : memref<!tpu.dma_semaphore, #tpu.memory_space<semaphore_mem>>)
        %slice3A_1229 = vector.extract_strided_slice %get3A_1105 {offsets = [8], sizes = [1], strides = [1]} : vector<16xi32> to vector<1xi32>
        %squeeze3A_1230 = vector.extract %slice3A_1229[0] : i32 from vector<1xi32>
        %dma_start3A_1231 = arith.constant 8 : i32
        %dma_start3A_1232 = arith.constant 0 : i32
        %dma_start3A_1233 = tpu.memref_slice %arg10[%dma_start3A_1231, %dma_start3A_1232] : memref<32x64xf32, #tpu.memory_space<vmem>> -> memref<1x64xf32, #tpu.memory_space<vmem>>
        %dma_start3A_1234 = tpu.memref_squeeze %dma_start3A_1233 : memref<1x64xf32, #tpu.memory_space<vmem>> -> memref<64xf32, #tpu.memory_space<vmem>>
        %dma_start3A_1235 = arith.constant 0 : i32
        %dma_start3A_1236 = tpu.memref_slice %arg5[%squeeze3A_1230, %dma_start3A_1235] : memref<1000000x64xf32, #tpu.memory_space<hbm>> -> memref<1x64xf32, #tpu.memory_space<hbm>>
        %dma_start3A_1237 = tpu.memref_squeeze %dma_start3A_1236 : memref<1x64xf32, #tpu.memory_space<hbm>> -> memref<64xf32, #tpu.memory_space<hbm>>
        %dma_start3A_1238 = arith.constant 0 : i32
        %dma_start3A_1239 = tpu.memref_slice %arg10[%dma_start3A_1231, %dma_start3A_1238] : memref<32x64xf32, #tpu.memory_space<vmem>> -> memref<1x64xf32, #tpu.memory_space<vmem>>
        %dma_start3A_1240 = tpu.memref_squeeze %dma_start3A_1239 : memref<1x64xf32, #tpu.memory_space<vmem>> -> memref<64xf32, #tpu.memory_space<vmem>>
        %dma_start3A_1241 = arith.constant 0 : i32
        %dma_start3A_1242 = tpu.memref_slice %arg5[%squeeze3A_1230, %dma_start3A_1241] : memref<1000000x64xf32, #tpu.memory_space<hbm>> -> memref<1x64xf32, #tpu.memory_space<hbm>>
        %dma_start3A_1243 = tpu.memref_squeeze %dma_start3A_1242 : memref<1x64xf32, #tpu.memory_space<hbm>> -> memref<64xf32, #tpu.memory_space<hbm>>
        tpu.enqueue_dma source(%dma_start3A_1243 : memref<64xf32, #tpu.memory_space<hbm>>) target(%dma_start3A_1240 : memref<64xf32, #tpu.memory_space<vmem>>) target_semaphore(%arg16 : memref<!tpu.dma_semaphore, #tpu.memory_space<semaphore_mem>>)
        %slice3A_1244 = vector.extract_strided_slice %get3A_1105 {offsets = [9], sizes = [1], strides = [1]} : vector<16xi32> to vector<1xi32>
        %squeeze3A_1245 = vector.extract %slice3A_1244[0] : i32 from vector<1xi32>
        %dma_start3A_1246 = arith.constant 9 : i32
        %dma_start3A_1247 = arith.constant 0 : i32
        %dma_start3A_1248 = tpu.memref_slice %arg10[%dma_start3A_1246, %dma_start3A_1247] : memref<32x64xf32, #tpu.memory_space<vmem>> -> memref<1x64xf32, #tpu.memory_space<vmem>>
        %dma_start3A_1249 = tpu.memref_squeeze %dma_start3A_1248 : memref<1x64xf32, #tpu.memory_space<vmem>> -> memref<64xf32, #tpu.memory_space<vmem>>
        %dma_start3A_1250 = arith.constant 0 : i32
        %dma_start3A_1251 = tpu.memref_slice %arg5[%squeeze3A_1245, %dma_start3A_1250] : memref<1000000x64xf32, #tpu.memory_space<hbm>> -> memref<1x64xf32, #tpu.memory_space<hbm>>
        %dma_start3A_1252 = tpu.memref_squeeze %dma_start3A_1251 : memref<1x64xf32, #tpu.memory_space<hbm>> -> memref<64xf32, #tpu.memory_space<hbm>>
        %dma_start3A_1253 = arith.constant 0 : i32
        %dma_start3A_1254 = tpu.memref_slice %arg10[%dma_start3A_1246, %dma_start3A_1253] : memref<32x64xf32, #tpu.memory_space<vmem>> -> memref<1x64xf32, #tpu.memory_space<vmem>>
        %dma_start3A_1255 = tpu.memref_squeeze %dma_start3A_1254 : memref<1x64xf32, #tpu.memory_space<vmem>> -> memref<64xf32, #tpu.memory_space<vmem>>
        %dma_start3A_1256 = arith.constant 0 : i32
        %dma_start3A_1257 = tpu.memref_slice %arg5[%squeeze3A_1245, %dma_start3A_1256] : memref<1000000x64xf32, #tpu.memory_space<hbm>> -> memref<1x64xf32, #tpu.memory_space<hbm>>
        %dma_start3A_1258 = tpu.memref_squeeze %dma_start3A_1257 : memref<1x64xf32, #tpu.memory_space<hbm>> -> memref<64xf32, #tpu.memory_space<hbm>>
        tpu.enqueue_dma source(%dma_start3A_1258 : memref<64xf32, #tpu.memory_space<hbm>>) target(%dma_start3A_1255 : memref<64xf32, #tpu.memory_space<vmem>>) target_semaphore(%arg16 : memref<!tpu.dma_semaphore, #tpu.memory_space<semaphore_mem>>)
        %slice3A_1259 = vector.extract_strided_slice %get3A_1105 {offsets = [10], sizes = [1], strides = [1]} : vector<16xi32> to vector<1xi32>
        %squeeze3A_1260 = vector.extract %slice3A_1259[0] : i32 from vector<1xi32>
        %dma_start3A_1261 = arith.constant 10 : i32
        %dma_start3A_1262 = arith.constant 0 : i32
        %dma_start3A_1263 = tpu.memref_slice %arg10[%dma_start3A_1261, %dma_start3A_1262] : memref<32x64xf32, #tpu.memory_space<vmem>> -> memref<1x64xf32, #tpu.memory_space<vmem>>
        %dma_start3A_1264 = tpu.memref_squeeze %dma_start3A_1263 : memref<1x64xf32, #tpu.memory_space<vmem>> -> memref<64xf32, #tpu.memory_space<vmem>>
        %dma_start3A_1265 = arith.constant 0 : i32
        %dma_start3A_1266 = tpu.memref_slice %arg5[%squeeze3A_1260, %dma_start3A_1265] : memref<1000000x64xf32, #tpu.memory_space<hbm>> -> memref<1x64xf32, #tpu.memory_space<hbm>>
        %dma_start3A_1267 = tpu.memref_squeeze %dma_start3A_1266 : memref<1x64xf32, #tpu.memory_space<hbm>> -> memref<64xf32, #tpu.memory_space<hbm>>
        %dma_start3A_1268 = arith.constant 0 : i32
        %dma_start3A_1269 = tpu.memref_slice %arg10[%dma_start3A_1261, %dma_start3A_1268] : memref<32x64xf32, #tpu.memory_space<vmem>> -> memref<1x64xf32, #tpu.memory_space<vmem>>
        %dma_start3A_1270 = tpu.memref_squeeze %dma_start3A_1269 : memref<1x64xf32, #tpu.memory_space<vmem>> -> memref<64xf32, #tpu.memory_space<vmem>>
        %dma_start3A_1271 = arith.constant 0 : i32
        %dma_start3A_1272 = tpu.memref_slice %arg5[%squeeze3A_1260, %dma_start3A_1271] : memref<1000000x64xf32, #tpu.memory_space<hbm>> -> memref<1x64xf32, #tpu.memory_space<hbm>>
        %dma_start3A_1273 = tpu.memref_squeeze %dma_start3A_1272 : memref<1x64xf32, #tpu.memory_space<hbm>> -> memref<64xf32, #tpu.memory_space<hbm>>
        tpu.enqueue_dma source(%dma_start3A_1273 : memref<64xf32, #tpu.memory_space<hbm>>) target(%dma_start3A_1270 : memref<64xf32, #tpu.memory_space<vmem>>) target_semaphore(%arg16 : memref<!tpu.dma_semaphore, #tpu.memory_space<semaphore_mem>>)
        %slice3A_1274 = vector.extract_strided_slice %get3A_1105 {offsets = [11], sizes = [1], strides = [1]} : vector<16xi32> to vector<1xi32>
        %squeeze3A_1275 = vector.extract %slice3A_1274[0] : i32 from vector<1xi32>
        %dma_start3A_1276 = arith.constant 11 : i32
        %dma_start3A_1277 = arith.constant 0 : i32
        %dma_start3A_1278 = tpu.memref_slice %arg10[%dma_start3A_1276, %dma_start3A_1277] : memref<32x64xf32, #tpu.memory_space<vmem>> -> memref<1x64xf32, #tpu.memory_space<vmem>>
        %dma_start3A_1279 = tpu.memref_squeeze %dma_start3A_1278 : memref<1x64xf32, #tpu.memory_space<vmem>> -> memref<64xf32, #tpu.memory_space<vmem>>
        %dma_start3A_1280 = arith.constant 0 : i32
        %dma_start3A_1281 = tpu.memref_slice %arg5[%squeeze3A_1275, %dma_start3A_1280] : memref<1000000x64xf32, #tpu.memory_space<hbm>> -> memref<1x64xf32, #tpu.memory_space<hbm>>
        %dma_start3A_1282 = tpu.memref_squeeze %dma_start3A_1281 : memref<1x64xf32, #tpu.memory_space<hbm>> -> memref<64xf32, #tpu.memory_space<hbm>>
        %dma_start3A_1283 = arith.constant 0 : i32
        %dma_start3A_1284 = tpu.memref_slice %arg10[%dma_start3A_1276, %dma_start3A_1283] : memref<32x64xf32, #tpu.memory_space<vmem>> -> memref<1x64xf32, #tpu.memory_space<vmem>>
        %dma_start3A_1285 = tpu.memref_squeeze %dma_start3A_1284 : memref<1x64xf32, #tpu.memory_space<vmem>> -> memref<64xf32, #tpu.memory_space<vmem>>
        %dma_start3A_1286 = arith.constant 0 : i32
        %dma_start3A_1287 = tpu.memref_slice %arg5[%squeeze3A_1275, %dma_start3A_1286] : memref<1000000x64xf32, #tpu.memory_space<hbm>> -> memref<1x64xf32, #tpu.memory_space<hbm>>
        %dma_start3A_1288 = tpu.memref_squeeze %dma_start3A_1287 : memref<1x64xf32, #tpu.memory_space<hbm>> -> memref<64xf32, #tpu.memory_space<hbm>>
        tpu.enqueue_dma source(%dma_start3A_1288 : memref<64xf32, #tpu.memory_space<hbm>>) target(%dma_start3A_1285 : memref<64xf32, #tpu.memory_space<vmem>>) target_semaphore(%arg16 : memref<!tpu.dma_semaphore, #tpu.memory_space<semaphore_mem>>)
        %slice3A_1289 = vector.extract_strided_slice %get3A_1105 {offsets = [12], sizes = [1], strides = [1]} : vector<16xi32> to vector<1xi32>
        %squeeze3A_1290 = vector.extract %slice3A_1289[0] : i32 from vector<1xi32>
        %dma_start3A_1291 = arith.constant 12 : i32
        %dma_start3A_1292 = arith.constant 0 : i32
        %dma_start3A_1293 = tpu.memref_slice %arg10[%dma_start3A_1291, %dma_start3A_1292] : memref<32x64xf32, #tpu.memory_space<vmem>> -> memref<1x64xf32, #tpu.memory_space<vmem>>
        %dma_start3A_1294 = tpu.memref_squeeze %dma_start3A_1293 : memref<1x64xf32, #tpu.memory_space<vmem>> -> memref<64xf32, #tpu.memory_space<vmem>>
        %dma_start3A_1295 = arith.constant 0 : i32
        %dma_start3A_1296 = tpu.memref_slice %arg5[%squeeze3A_1290, %dma_start3A_1295] : memref<1000000x64xf32, #tpu.memory_space<hbm>> -> memref<1x64xf32, #tpu.memory_space<hbm>>
        %dma_start3A_1297 = tpu.memref_squeeze %dma_start3A_1296 : memref<1x64xf32, #tpu.memory_space<hbm>> -> memref<64xf32, #tpu.memory_space<hbm>>
        %dma_start3A_1298 = arith.constant 0 : i32
        %dma_start3A_1299 = tpu.memref_slice %arg10[%dma_start3A_1291, %dma_start3A_1298] : memref<32x64xf32, #tpu.memory_space<vmem>> -> memref<1x64xf32, #tpu.memory_space<vmem>>
        %dma_start3A_1300 = tpu.memref_squeeze %dma_start3A_1299 : memref<1x64xf32, #tpu.memory_space<vmem>> -> memref<64xf32, #tpu.memory_space<vmem>>
        %dma_start3A_1301 = arith.constant 0 : i32
        %dma_start3A_1302 = tpu.memref_slice %arg5[%squeeze3A_1290, %dma_start3A_1301] : memref<1000000x64xf32, #tpu.memory_space<hbm>> -> memref<1x64xf32, #tpu.memory_space<hbm>>
        %dma_start3A_1303 = tpu.memref_squeeze %dma_start3A_1302 : memref<1x64xf32, #tpu.memory_space<hbm>> -> memref<64xf32, #tpu.memory_space<hbm>>
        tpu.enqueue_dma source(%dma_start3A_1303 : memref<64xf32, #tpu.memory_space<hbm>>) target(%dma_start3A_1300 : memref<64xf32, #tpu.memory_space<vmem>>) target_semaphore(%arg16 : memref<!tpu.dma_semaphore, #tpu.memory_space<semaphore_mem>>)
        %slice3A_1304 = vector.extract_strided_slice %get3A_1105 {offsets = [13], sizes = [1], strides = [1]} : vector<16xi32> to vector<1xi32>
        %squeeze3A_1305 = vector.extract %slice3A_1304[0] : i32 from vector<1xi32>
        %dma_start3A_1306 = arith.constant 13 : i32
        %dma_start3A_1307 = arith.constant 0 : i32
        %dma_start3A_1308 = tpu.memref_slice %arg10[%dma_start3A_1306, %dma_start3A_1307] : memref<32x64xf32, #tpu.memory_space<vmem>> -> memref<1x64xf32, #tpu.memory_space<vmem>>
        %dma_start3A_1309 = tpu.memref_squeeze %dma_start3A_1308 : memref<1x64xf32, #tpu.memory_space<vmem>> -> memref<64xf32, #tpu.memory_space<vmem>>
        %dma_start3A_1310 = arith.constant 0 : i32
        %dma_start3A_1311 = tpu.memref_slice %arg5[%squeeze3A_1305, %dma_start3A_1310] : memref<1000000x64xf32, #tpu.memory_space<hbm>> -> memref<1x64xf32, #tpu.memory_space<hbm>>
        %dma_start3A_1312 = tpu.memref_squeeze %dma_start3A_1311 : memref<1x64xf32, #tpu.memory_space<hbm>> -> memref<64xf32, #tpu.memory_space<hbm>>
        %dma_start3A_1313 = arith.constant 0 : i32
        %dma_start3A_1314 = tpu.memref_slice %arg10[%dma_start3A_1306, %dma_start3A_1313] : memref<32x64xf32, #tpu.memory_space<vmem>> -> memref<1x64xf32, #tpu.memory_space<vmem>>
        %dma_start3A_1315 = tpu.memref_squeeze %dma_start3A_1314 : memref<1x64xf32, #tpu.memory_space<vmem>> -> memref<64xf32, #tpu.memory_space<vmem>>
        %dma_start3A_1316 = arith.constant 0 : i32
        %dma_start3A_1317 = tpu.memref_slice %arg5[%squeeze3A_1305, %dma_start3A_1316] : memref<1000000x64xf32, #tpu.memory_space<hbm>> -> memref<1x64xf32, #tpu.memory_space<hbm>>
        %dma_start3A_1318 = tpu.memref_squeeze %dma_start3A_1317 : memref<1x64xf32, #tpu.memory_space<hbm>> -> memref<64xf32, #tpu.memory_space<hbm>>
        tpu.enqueue_dma source(%dma_start3A_1318 : memref<64xf32, #tpu.memory_space<hbm>>) target(%dma_start3A_1315 : memref<64xf32, #tpu.memory_space<vmem>>) target_semaphore(%arg16 : memref<!tpu.dma_semaphore, #tpu.memory_space<semaphore_mem>>)
        %slice3A_1319 = vector.extract_strided_slice %get3A_1105 {offsets = [14], sizes = [1], strides = [1]} : vector<16xi32> to vector<1xi32>
        %squeeze3A_1320 = vector.extract %slice3A_1319[0] : i32 from vector<1xi32>
        %dma_start3A_1321 = arith.constant 14 : i32
        %dma_start3A_1322 = arith.constant 0 : i32
        %dma_start3A_1323 = tpu.memref_slice %arg10[%dma_start3A_1321, %dma_start3A_1322] : memref<32x64xf32, #tpu.memory_space<vmem>> -> memref<1x64xf32, #tpu.memory_space<vmem>>
        %dma_start3A_1324 = tpu.memref_squeeze %dma_start3A_1323 : memref<1x64xf32, #tpu.memory_space<vmem>> -> memref<64xf32, #tpu.memory_space<vmem>>
        %dma_start3A_1325 = arith.constant 0 : i32
        %dma_start3A_1326 = tpu.memref_slice %arg5[%squeeze3A_1320, %dma_start3A_1325] : memref<1000000x64xf32, #tpu.memory_space<hbm>> -> memref<1x64xf32, #tpu.memory_space<hbm>>
        %dma_start3A_1327 = tpu.memref_squeeze %dma_start3A_1326 : memref<1x64xf32, #tpu.memory_space<hbm>> -> memref<64xf32, #tpu.memory_space<hbm>>
        %dma_start3A_1328 = arith.constant 0 : i32
        %dma_start3A_1329 = tpu.memref_slice %arg10[%dma_start3A_1321, %dma_start3A_1328] : memref<32x64xf32, #tpu.memory_space<vmem>> -> memref<1x64xf32, #tpu.memory_space<vmem>>
        %dma_start3A_1330 = tpu.memref_squeeze %dma_start3A_1329 : memref<1x64xf32, #tpu.memory_space<vmem>> -> memref<64xf32, #tpu.memory_space<vmem>>
        %dma_start3A_1331 = arith.constant 0 : i32
        %dma_start3A_1332 = tpu.memref_slice %arg5[%squeeze3A_1320, %dma_start3A_1331] : memref<1000000x64xf32, #tpu.memory_space<hbm>> -> memref<1x64xf32, #tpu.memory_space<hbm>>
        %dma_start3A_1333 = tpu.memref_squeeze %dma_start3A_1332 : memref<1x64xf32, #tpu.memory_space<hbm>> -> memref<64xf32, #tpu.memory_space<hbm>>
        tpu.enqueue_dma source(%dma_start3A_1333 : memref<64xf32, #tpu.memory_space<hbm>>) target(%dma_start3A_1330 : memref<64xf32, #tpu.memory_space<vmem>>) target_semaphore(%arg16 : memref<!tpu.dma_semaphore, #tpu.memory_space<semaphore_mem>>)
        %slice3A_1334 = vector.extract_strided_slice %get3A_1105 {offsets = [15], sizes = [1], strides = [1]} : vector<16xi32> to vector<1xi32>
        %squeeze3A_1335 = vector.extract %slice3A_1334[0] : i32 from vector<1xi32>
        %dma_start3A_1336 = arith.constant 15 : i32
        %dma_start3A_1337 = arith.constant 0 : i32
        %dma_start3A_1338 = tpu.memref_slice %arg10[%dma_start3A_1336, %dma_start3A_1337] : memref<32x64xf32, #tpu.memory_space<vmem>> -> memref<1x64xf32, #tpu.memory_space<vmem>>
        %dma_start3A_1339 = tpu.memref_squeeze %dma_start3A_1338 : memref<1x64xf32, #tpu.memory_space<vmem>> -> memref<64xf32, #tpu.memory_space<vmem>>
        %dma_start3A_1340 = arith.constant 0 : i32
        %dma_start3A_1341 = tpu.memref_slice %arg5[%squeeze3A_1335, %dma_start3A_1340] : memref<1000000x64xf32, #tpu.memory_space<hbm>> -> memref<1x64xf32, #tpu.memory_space<hbm>>
        %dma_start3A_1342 = tpu.memref_squeeze %dma_start3A_1341 : memref<1x64xf32, #tpu.memory_space<hbm>> -> memref<64xf32, #tpu.memory_space<hbm>>
        %dma_start3A_1343 = arith.constant 0 : i32
        %dma_start3A_1344 = tpu.memref_slice %arg10[%dma_start3A_1336, %dma_start3A_1343] : memref<32x64xf32, #tpu.memory_space<vmem>> -> memref<1x64xf32, #tpu.memory_space<vmem>>
        %dma_start3A_1345 = tpu.memref_squeeze %dma_start3A_1344 : memref<1x64xf32, #tpu.memory_space<vmem>> -> memref<64xf32, #tpu.memory_space<vmem>>
        %dma_start3A_1346 = arith.constant 0 : i32
        %dma_start3A_1347 = tpu.memref_slice %arg5[%squeeze3A_1335, %dma_start3A_1346] : memref<1000000x64xf32, #tpu.memory_space<hbm>> -> memref<1x64xf32, #tpu.memory_space<hbm>>
        %dma_start3A_1348 = tpu.memref_squeeze %dma_start3A_1347 : memref<1x64xf32, #tpu.memory_space<hbm>> -> memref<64xf32, #tpu.memory_space<hbm>>
        tpu.enqueue_dma source(%dma_start3A_1348 : memref<64xf32, #tpu.memory_space<hbm>>) target(%dma_start3A_1345 : memref<64xf32, #tpu.memory_space<vmem>>) target_semaphore(%arg16 : memref<!tpu.dma_semaphore, #tpu.memory_space<semaphore_mem>>)
        %slice3A_1349 = vector.extract_strided_slice %get3A_1108 {offsets = [0], sizes = [1], strides = [1]} : vector<16xi32> to vector<1xi32>
        %squeeze3A_1350 = vector.extract %slice3A_1349[0] : i32 from vector<1xi32>
        %dma_start3A_1351 = arith.constant 16 : i32
        %dma_start3A_1352 = arith.constant 0 : i32
        %dma_start3A_1353 = tpu.memref_slice %arg10[%dma_start3A_1351, %dma_start3A_1352] : memref<32x64xf32, #tpu.memory_space<vmem>> -> memref<1x64xf32, #tpu.memory_space<vmem>>
        %dma_start3A_1354 = tpu.memref_squeeze %dma_start3A_1353 : memref<1x64xf32, #tpu.memory_space<vmem>> -> memref<64xf32, #tpu.memory_space<vmem>>
        %dma_start3A_1355 = arith.constant 0 : i32
        %dma_start3A_1356 = tpu.memref_slice %arg5[%squeeze3A_1350, %dma_start3A_1355] : memref<1000000x64xf32, #tpu.memory_space<hbm>> -> memref<1x64xf32, #tpu.memory_space<hbm>>
        %dma_start3A_1357 = tpu.memref_squeeze %dma_start3A_1356 : memref<1x64xf32, #tpu.memory_space<hbm>> -> memref<64xf32, #tpu.memory_space<hbm>>
        %dma_start3A_1358 = arith.constant 0 : i32
        %dma_start3A_1359 = tpu.memref_slice %arg10[%dma_start3A_1351, %dma_start3A_1358] : memref<32x64xf32, #tpu.memory_space<vmem>> -> memref<1x64xf32, #tpu.memory_space<vmem>>
        %dma_start3A_1360 = tpu.memref_squeeze %dma_start3A_1359 : memref<1x64xf32, #tpu.memory_space<vmem>> -> memref<64xf32, #tpu.memory_space<vmem>>
        %dma_start3A_1361 = arith.constant 0 : i32
        %dma_start3A_1362 = tpu.memref_slice %arg5[%squeeze3A_1350, %dma_start3A_1361] : memref<1000000x64xf32, #tpu.memory_space<hbm>> -> memref<1x64xf32, #tpu.memory_space<hbm>>
        %dma_start3A_1363 = tpu.memref_squeeze %dma_start3A_1362 : memref<1x64xf32, #tpu.memory_space<hbm>> -> memref<64xf32, #tpu.memory_space<hbm>>
        tpu.enqueue_dma source(%dma_start3A_1363 : memref<64xf32, #tpu.memory_space<hbm>>) target(%dma_start3A_1360 : memref<64xf32, #tpu.memory_space<vmem>>) target_semaphore(%arg16 : memref<!tpu.dma_semaphore, #tpu.memory_space<semaphore_mem>>)
        %slice3A_1364 = vector.extract_strided_slice %get3A_1108 {offsets = [1], sizes = [1], strides = [1]} : vector<16xi32> to vector<1xi32>
        %squeeze3A_1365 = vector.extract %slice3A_1364[0] : i32 from vector<1xi32>
        %dma_start3A_1366 = arith.constant 17 : i32
        %dma_start3A_1367 = arith.constant 0 : i32
        %dma_start3A_1368 = tpu.memref_slice %arg10[%dma_start3A_1366, %dma_start3A_1367] : memref<32x64xf32, #tpu.memory_space<vmem>> -> memref<1x64xf32, #tpu.memory_space<vmem>>
        %dma_start3A_1369 = tpu.memref_squeeze %dma_start3A_1368 : memref<1x64xf32, #tpu.memory_space<vmem>> -> memref<64xf32, #tpu.memory_space<vmem>>
        %dma_start3A_1370 = arith.constant 0 : i32
        %dma_start3A_1371 = tpu.memref_slice %arg5[%squeeze3A_1365, %dma_start3A_1370] : memref<1000000x64xf32, #tpu.memory_space<hbm>> -> memref<1x64xf32, #tpu.memory_space<hbm>>
        %dma_start3A_1372 = tpu.memref_squeeze %dma_start3A_1371 : memref<1x64xf32, #tpu.memory_space<hbm>> -> memref<64xf32, #tpu.memory_space<hbm>>
        %dma_start3A_1373 = arith.constant 0 : i32
        %dma_start3A_1374 = tpu.memref_slice %arg10[%dma_start3A_1366, %dma_start3A_1373] : memref<32x64xf32, #tpu.memory_space<vmem>> -> memref<1x64xf32, #tpu.memory_space<vmem>>
        %dma_start3A_1375 = tpu.memref_squeeze %dma_start3A_1374 : memref<1x64xf32, #tpu.memory_space<vmem>> -> memref<64xf32, #tpu.memory_space<vmem>>
        %dma_start3A_1376 = arith.constant 0 : i32
        %dma_start3A_1377 = tpu.memref_slice %arg5[%squeeze3A_1365, %dma_start3A_1376] : memref<1000000x64xf32, #tpu.memory_space<hbm>> -> memref<1x64xf32, #tpu.memory_space<hbm>>
        %dma_start3A_1378 = tpu.memref_squeeze %dma_start3A_1377 : memref<1x64xf32, #tpu.memory_space<hbm>> -> memref<64xf32, #tpu.memory_space<hbm>>
        tpu.enqueue_dma source(%dma_start3A_1378 : memref<64xf32, #tpu.memory_space<hbm>>) target(%dma_start3A_1375 : memref<64xf32, #tpu.memory_space<vmem>>) target_semaphore(%arg16 : memref<!tpu.dma_semaphore, #tpu.memory_space<semaphore_mem>>)
        %slice3A_1379 = vector.extract_strided_slice %get3A_1108 {offsets = [2], sizes = [1], strides = [1]} : vector<16xi32> to vector<1xi32>
        %squeeze3A_1380 = vector.extract %slice3A_1379[0] : i32 from vector<1xi32>
        %dma_start3A_1381 = arith.constant 18 : i32
        %dma_start3A_1382 = arith.constant 0 : i32
        %dma_start3A_1383 = tpu.memref_slice %arg10[%dma_start3A_1381, %dma_start3A_1382] : memref<32x64xf32, #tpu.memory_space<vmem>> -> memref<1x64xf32, #tpu.memory_space<vmem>>
        %dma_start3A_1384 = tpu.memref_squeeze %dma_start3A_1383 : memref<1x64xf32, #tpu.memory_space<vmem>> -> memref<64xf32, #tpu.memory_space<vmem>>
        %dma_start3A_1385 = arith.constant 0 : i32
        %dma_start3A_1386 = tpu.memref_slice %arg5[%squeeze3A_1380, %dma_start3A_1385] : memref<1000000x64xf32, #tpu.memory_space<hbm>> -> memref<1x64xf32, #tpu.memory_space<hbm>>
        %dma_start3A_1387 = tpu.memref_squeeze %dma_start3A_1386 : memref<1x64xf32, #tpu.memory_space<hbm>> -> memref<64xf32, #tpu.memory_space<hbm>>
        %dma_start3A_1388 = arith.constant 0 : i32
        %dma_start3A_1389 = tpu.memref_slice %arg10[%dma_start3A_1381, %dma_start3A_1388] : memref<32x64xf32, #tpu.memory_space<vmem>> -> memref<1x64xf32, #tpu.memory_space<vmem>>
        %dma_start3A_1390 = tpu.memref_squeeze %dma_start3A_1389 : memref<1x64xf32, #tpu.memory_space<vmem>> -> memref<64xf32, #tpu.memory_space<vmem>>
        %dma_start3A_1391 = arith.constant 0 : i32
        %dma_start3A_1392 = tpu.memref_slice %arg5[%squeeze3A_1380, %dma_start3A_1391] : memref<1000000x64xf32, #tpu.memory_space<hbm>> -> memref<1x64xf32, #tpu.memory_space<hbm>>
        %dma_start3A_1393 = tpu.memref_squeeze %dma_start3A_1392 : memref<1x64xf32, #tpu.memory_space<hbm>> -> memref<64xf32, #tpu.memory_space<hbm>>
        tpu.enqueue_dma source(%dma_start3A_1393 : memref<64xf32, #tpu.memory_space<hbm>>) target(%dma_start3A_1390 : memref<64xf32, #tpu.memory_space<vmem>>) target_semaphore(%arg16 : memref<!tpu.dma_semaphore, #tpu.memory_space<semaphore_mem>>)
        %slice3A_1394 = vector.extract_strided_slice %get3A_1108 {offsets = [3], sizes = [1], strides = [1]} : vector<16xi32> to vector<1xi32>
        %squeeze3A_1395 = vector.extract %slice3A_1394[0] : i32 from vector<1xi32>
        %dma_start3A_1396 = arith.constant 19 : i32
        %dma_start3A_1397 = arith.constant 0 : i32
        %dma_start3A_1398 = tpu.memref_slice %arg10[%dma_start3A_1396, %dma_start3A_1397] : memref<32x64xf32, #tpu.memory_space<vmem>> -> memref<1x64xf32, #tpu.memory_space<vmem>>
        %dma_start3A_1399 = tpu.memref_squeeze %dma_start3A_1398 : memref<1x64xf32, #tpu.memory_space<vmem>> -> memref<64xf32, #tpu.memory_space<vmem>>
        %dma_start3A_1400 = arith.constant 0 : i32
        %dma_start3A_1401 = tpu.memref_slice %arg5[%squeeze3A_1395, %dma_start3A_1400] : memref<1000000x64xf32, #tpu.memory_space<hbm>> -> memref<1x64xf32, #tpu.memory_space<hbm>>
        %dma_start3A_1402 = tpu.memref_squeeze %dma_start3A_1401 : memref<1x64xf32, #tpu.memory_space<hbm>> -> memref<64xf32, #tpu.memory_space<hbm>>
        %dma_start3A_1403 = arith.constant 0 : i32
        %dma_start3A_1404 = tpu.memref_slice %arg10[%dma_start3A_1396, %dma_start3A_1403] : memref<32x64xf32, #tpu.memory_space<vmem>> -> memref<1x64xf32, #tpu.memory_space<vmem>>
        %dma_start3A_1405 = tpu.memref_squeeze %dma_start3A_1404 : memref<1x64xf32, #tpu.memory_space<vmem>> -> memref<64xf32, #tpu.memory_space<vmem>>
        %dma_start3A_1406 = arith.constant 0 : i32
        %dma_start3A_1407 = tpu.memref_slice %arg5[%squeeze3A_1395, %dma_start3A_1406] : memref<1000000x64xf32, #tpu.memory_space<hbm>> -> memref<1x64xf32, #tpu.memory_space<hbm>>
        %dma_start3A_1408 = tpu.memref_squeeze %dma_start3A_1407 : memref<1x64xf32, #tpu.memory_space<hbm>> -> memref<64xf32, #tpu.memory_space<hbm>>
        tpu.enqueue_dma source(%dma_start3A_1408 : memref<64xf32, #tpu.memory_space<hbm>>) target(%dma_start3A_1405 : memref<64xf32, #tpu.memory_space<vmem>>) target_semaphore(%arg16 : memref<!tpu.dma_semaphore, #tpu.memory_space<semaphore_mem>>)
        %slice3A_1409 = vector.extract_strided_slice %get3A_1108 {offsets = [4], sizes = [1], strides = [1]} : vector<16xi32> to vector<1xi32>
        %squeeze3A_1410 = vector.extract %slice3A_1409[0] : i32 from vector<1xi32>
        %dma_start3A_1411 = arith.constant 20 : i32
        %dma_start3A_1412 = arith.constant 0 : i32
        %dma_start3A_1413 = tpu.memref_slice %arg10[%dma_start3A_1411, %dma_start3A_1412] : memref<32x64xf32, #tpu.memory_space<vmem>> -> memref<1x64xf32, #tpu.memory_space<vmem>>
        %dma_start3A_1414 = tpu.memref_squeeze %dma_start3A_1413 : memref<1x64xf32, #tpu.memory_space<vmem>> -> memref<64xf32, #tpu.memory_space<vmem>>
        %dma_start3A_1415 = arith.constant 0 : i32
        %dma_start3A_1416 = tpu.memref_slice %arg5[%squeeze3A_1410, %dma_start3A_1415] : memref<1000000x64xf32, #tpu.memory_space<hbm>> -> memref<1x64xf32, #tpu.memory_space<hbm>>
        %dma_start3A_1417 = tpu.memref_squeeze %dma_start3A_1416 : memref<1x64xf32, #tpu.memory_space<hbm>> -> memref<64xf32, #tpu.memory_space<hbm>>
        %dma_start3A_1418 = arith.constant 0 : i32
        %dma_start3A_1419 = tpu.memref_slice %arg10[%dma_start3A_1411, %dma_start3A_1418] : memref<32x64xf32, #tpu.memory_space<vmem>> -> memref<1x64xf32, #tpu.memory_space<vmem>>
        %dma_start3A_1420 = tpu.memref_squeeze %dma_start3A_1419 : memref<1x64xf32, #tpu.memory_space<vmem>> -> memref<64xf32, #tpu.memory_space<vmem>>
        %dma_start3A_1421 = arith.constant 0 : i32
        %dma_start3A_1422 = tpu.memref_slice %arg5[%squeeze3A_1410, %dma_start3A_1421] : memref<1000000x64xf32, #tpu.memory_space<hbm>> -> memref<1x64xf32, #tpu.memory_space<hbm>>
        %dma_start3A_1423 = tpu.memref_squeeze %dma_start3A_1422 : memref<1x64xf32, #tpu.memory_space<hbm>> -> memref<64xf32, #tpu.memory_space<hbm>>
        tpu.enqueue_dma source(%dma_start3A_1423 : memref<64xf32, #tpu.memory_space<hbm>>) target(%dma_start3A_1420 : memref<64xf32, #tpu.memory_space<vmem>>) target_semaphore(%arg16 : memref<!tpu.dma_semaphore, #tpu.memory_space<semaphore_mem>>)
        %dma_wait3A_1424 = arith.constant 0 : i32
        %dma_wait3A_1425 = arith.constant 0 : i32
        %dma_wait3A_1426 = tpu.memref_slice %arg10[%dma_wait3A_1424, %dma_wait3A_1425] : memref<32x64xf32, #tpu.memory_space<vmem>> -> memref<1x64xf32, #tpu.memory_space<vmem>>
        %dma_wait3A_1427 = tpu.memref_squeeze %dma_wait3A_1426 : memref<1x64xf32, #tpu.memory_space<vmem>> -> memref<64xf32, #tpu.memory_space<vmem>>
        %dma_wait3A_1428 = arith.constant 0 : i32
        %dma_wait3A_1429 = tpu.memref_slice %arg5[%squeeze3A_1110, %dma_wait3A_1428] : memref<1000000x64xf32, #tpu.memory_space<hbm>> -> memref<1x64xf32, #tpu.memory_space<hbm>>
        %dma_wait3A_1430 = tpu.memref_squeeze %dma_wait3A_1429 : memref<1x64xf32, #tpu.memory_space<hbm>> -> memref<64xf32, #tpu.memory_space<hbm>>
        %dma_wait3A_1431 = arith.constant 0 : i32
        %dma_wait3A_1432 = tpu.memref_slice %arg10[%dma_wait3A_1424, %dma_wait3A_1431] : memref<32x64xf32, #tpu.memory_space<vmem>> -> memref<1x64xf32, #tpu.memory_space<vmem>>
        %dma_wait3A_1433 = tpu.memref_squeeze %dma_wait3A_1432 : memref<1x64xf32, #tpu.memory_space<vmem>> -> memref<64xf32, #tpu.memory_space<vmem>>
        %dma_wait3A_1434 = arith.constant 0 : i32
        %dma_wait3A_1435 = tpu.memref_slice %arg5[%squeeze3A_1110, %dma_wait3A_1434] : memref<1000000x64xf32, #tpu.memory_space<hbm>> -> memref<1x64xf32, #tpu.memory_space<hbm>>
        %dma_wait3A_1436 = tpu.memref_squeeze %dma_wait3A_1435 : memref<1x64xf32, #tpu.memory_space<hbm>> -> memref<64xf32, #tpu.memory_space<hbm>>
        tpu.wait_dma2 semaphore(%arg16 : memref<!tpu.dma_semaphore, #tpu.memory_space<semaphore_mem>>) src(%dma_wait3A_1436 : memref<64xf32, #tpu.memory_space<hbm>>) dst(%dma_wait3A_1433 : memref<64xf32, #tpu.memory_space<vmem>>)
        %dma_wait3A_1437 = arith.constant 1 : i32
        %dma_wait3A_1438 = arith.constant 0 : i32
        %dma_wait3A_1439 = tpu.memref_slice %arg10[%dma_wait3A_1437, %dma_wait3A_1438] : memref<32x64xf32, #tpu.memory_space<vmem>> -> memref<1x64xf32, #tpu.memory_space<vmem>>
        %dma_wait3A_1440 = tpu.memref_squeeze %dma_wait3A_1439 : memref<1x64xf32, #tpu.memory_space<vmem>> -> memref<64xf32, #tpu.memory_space<vmem>>
        %dma_wait3A_1441 = arith.constant 0 : i32
        %dma_wait3A_1442 = tpu.memref_slice %arg5[%squeeze3A_1125, %dma_wait3A_1441] : memref<1000000x64xf32, #tpu.memory_space<hbm>> -> memref<1x64xf32, #tpu.memory_space<hbm>>
        %dma_wait3A_1443 = tpu.memref_squeeze %dma_wait3A_1442 : memref<1x64xf32, #tpu.memory_space<hbm>> -> memref<64xf32, #tpu.memory_space<hbm>>
        %dma_wait3A_1444 = arith.constant 0 : i32
        %dma_wait3A_1445 = tpu.memref_slice %arg10[%dma_wait3A_1437, %dma_wait3A_1444] : memref<32x64xf32, #tpu.memory_space<vmem>> -> memref<1x64xf32, #tpu.memory_space<vmem>>
        %dma_wait3A_1446 = tpu.memref_squeeze %dma_wait3A_1445 : memref<1x64xf32, #tpu.memory_space<vmem>> -> memref<64xf32, #tpu.memory_space<vmem>>
        %dma_wait3A_1447 = arith.constant 0 : i32
        %dma_wait3A_1448 = tpu.memref_slice %arg5[%squeeze3A_1125, %dma_wait3A_1447] : memref<1000000x64xf32, #tpu.memory_space<hbm>> -> memref<1x64xf32, #tpu.memory_space<hbm>>
        %dma_wait3A_1449 = tpu.memref_squeeze %dma_wait3A_1448 : memref<1x64xf32, #tpu.memory_space<hbm>> -> memref<64xf32, #tpu.memory_space<hbm>>
        tpu.wait_dma2 semaphore(%arg16 : memref<!tpu.dma_semaphore, #tpu.memory_space<semaphore_mem>>) src(%dma_wait3A_1449 : memref<64xf32, #tpu.memory_space<hbm>>) dst(%dma_wait3A_1446 : memref<64xf32, #tpu.memory_space<vmem>>)
        %dma_wait3A_1450 = arith.constant 2 : i32
        %dma_wait3A_1451 = arith.constant 0 : i32
        %dma_wait3A_1452 = tpu.memref_slice %arg10[%dma_wait3A_1450, %dma_wait3A_1451] : memref<32x64xf32, #tpu.memory_space<vmem>> -> memref<1x64xf32, #tpu.memory_space<vmem>>
        %dma_wait3A_1453 = tpu.memref_squeeze %dma_wait3A_1452 : memref<1x64xf32, #tpu.memory_space<vmem>> -> memref<64xf32, #tpu.memory_space<vmem>>
        %dma_wait3A_1454 = arith.constant 0 : i32
        %dma_wait3A_1455 = tpu.memref_slice %arg5[%squeeze3A_1140, %dma_wait3A_1454] : memref<1000000x64xf32, #tpu.memory_space<hbm>> -> memref<1x64xf32, #tpu.memory_space<hbm>>
        %dma_wait3A_1456 = tpu.memref_squeeze %dma_wait3A_1455 : memref<1x64xf32, #tpu.memory_space<hbm>> -> memref<64xf32, #tpu.memory_space<hbm>>
        %dma_wait3A_1457 = arith.constant 0 : i32
        %dma_wait3A_1458 = tpu.memref_slice %arg10[%dma_wait3A_1450, %dma_wait3A_1457] : memref<32x64xf32, #tpu.memory_space<vmem>> -> memref<1x64xf32, #tpu.memory_space<vmem>>
        %dma_wait3A_1459 = tpu.memref_squeeze %dma_wait3A_1458 : memref<1x64xf32, #tpu.memory_space<vmem>> -> memref<64xf32, #tpu.memory_space<vmem>>
        %dma_wait3A_1460 = arith.constant 0 : i32
        %dma_wait3A_1461 = tpu.memref_slice %arg5[%squeeze3A_1140, %dma_wait3A_1460] : memref<1000000x64xf32, #tpu.memory_space<hbm>> -> memref<1x64xf32, #tpu.memory_space<hbm>>
        %dma_wait3A_1462 = tpu.memref_squeeze %dma_wait3A_1461 : memref<1x64xf32, #tpu.memory_space<hbm>> -> memref<64xf32, #tpu.memory_space<hbm>>
        tpu.wait_dma2 semaphore(%arg16 : memref<!tpu.dma_semaphore, #tpu.memory_space<semaphore_mem>>) src(%dma_wait3A_1462 : memref<64xf32, #tpu.memory_space<hbm>>) dst(%dma_wait3A_1459 : memref<64xf32, #tpu.memory_space<vmem>>)
        %dma_wait3A_1463 = arith.constant 3 : i32
        %dma_wait3A_1464 = arith.constant 0 : i32
        %dma_wait3A_1465 = tpu.memref_slice %arg10[%dma_wait3A_1463, %dma_wait3A_1464] : memref<32x64xf32, #tpu.memory_space<vmem>> -> memref<1x64xf32, #tpu.memory_space<vmem>>
        %dma_wait3A_1466 = tpu.memref_squeeze %dma_wait3A_1465 : memref<1x64xf32, #tpu.memory_space<vmem>> -> memref<64xf32, #tpu.memory_space<vmem>>
        %dma_wait3A_1467 = arith.constant 0 : i32
        %dma_wait3A_1468 = tpu.memref_slice %arg5[%squeeze3A_1155, %dma_wait3A_1467] : memref<1000000x64xf32, #tpu.memory_space<hbm>> -> memref<1x64xf32, #tpu.memory_space<hbm>>
        %dma_wait3A_1469 = tpu.memref_squeeze %dma_wait3A_1468 : memref<1x64xf32, #tpu.memory_space<hbm>> -> memref<64xf32, #tpu.memory_space<hbm>>
        %dma_wait3A_1470 = arith.constant 0 : i32
        %dma_wait3A_1471 = tpu.memref_slice %arg10[%dma_wait3A_1463, %dma_wait3A_1470] : memref<32x64xf32, #tpu.memory_space<vmem>> -> memref<1x64xf32, #tpu.memory_space<vmem>>
        %dma_wait3A_1472 = tpu.memref_squeeze %dma_wait3A_1471 : memref<1x64xf32, #tpu.memory_space<vmem>> -> memref<64xf32, #tpu.memory_space<vmem>>
        %dma_wait3A_1473 = arith.constant 0 : i32
        %dma_wait3A_1474 = tpu.memref_slice %arg5[%squeeze3A_1155, %dma_wait3A_1473] : memref<1000000x64xf32, #tpu.memory_space<hbm>> -> memref<1x64xf32, #tpu.memory_space<hbm>>
        %dma_wait3A_1475 = tpu.memref_squeeze %dma_wait3A_1474 : memref<1x64xf32, #tpu.memory_space<hbm>> -> memref<64xf32, #tpu.memory_space<hbm>>
        tpu.wait_dma2 semaphore(%arg16 : memref<!tpu.dma_semaphore, #tpu.memory_space<semaphore_mem>>) src(%dma_wait3A_1475 : memref<64xf32, #tpu.memory_space<hbm>>) dst(%dma_wait3A_1472 : memref<64xf32, #tpu.memory_space<vmem>>)
        %dma_wait3A_1476 = arith.constant 4 : i32
        %dma_wait3A_1477 = arith.constant 0 : i32
        %dma_wait3A_1478 = tpu.memref_slice %arg10[%dma_wait3A_1476, %dma_wait3A_1477] : memref<32x64xf32, #tpu.memory_space<vmem>> -> memref<1x64xf32, #tpu.memory_space<vmem>>
        %dma_wait3A_1479 = tpu.memref_squeeze %dma_wait3A_1478 : memref<1x64xf32, #tpu.memory_space<vmem>> -> memref<64xf32, #tpu.memory_space<vmem>>
        %dma_wait3A_1480 = arith.constant 0 : i32
        %dma_wait3A_1481 = tpu.memref_slice %arg5[%squeeze3A_1170, %dma_wait3A_1480] : memref<1000000x64xf32, #tpu.memory_space<hbm>> -> memref<1x64xf32, #tpu.memory_space<hbm>>
        %dma_wait3A_1482 = tpu.memref_squeeze %dma_wait3A_1481 : memref<1x64xf32, #tpu.memory_space<hbm>> -> memref<64xf32, #tpu.memory_space<hbm>>
        %dma_wait3A_1483 = arith.constant 0 : i32
        %dma_wait3A_1484 = tpu.memref_slice %arg10[%dma_wait3A_1476, %dma_wait3A_1483] : memref<32x64xf32, #tpu.memory_space<vmem>> -> memref<1x64xf32, #tpu.memory_space<vmem>>
        %dma_wait3A_1485 = tpu.memref_squeeze %dma_wait3A_1484 : memref<1x64xf32, #tpu.memory_space<vmem>> -> memref<64xf32, #tpu.memory_space<vmem>>
        %dma_wait3A_1486 = arith.constant 0 : i32
        %dma_wait3A_1487 = tpu.memref_slice %arg5[%squeeze3A_1170, %dma_wait3A_1486] : memref<1000000x64xf32, #tpu.memory_space<hbm>> -> memref<1x64xf32, #tpu.memory_space<hbm>>
        %dma_wait3A_1488 = tpu.memref_squeeze %dma_wait3A_1487 : memref<1x64xf32, #tpu.memory_space<hbm>> -> memref<64xf32, #tpu.memory_space<hbm>>
        tpu.wait_dma2 semaphore(%arg16 : memref<!tpu.dma_semaphore, #tpu.memory_space<semaphore_mem>>) src(%dma_wait3A_1488 : memref<64xf32, #tpu.memory_space<hbm>>) dst(%dma_wait3A_1485 : memref<64xf32, #tpu.memory_space<vmem>>)
        %dma_wait3A_1489 = arith.constant 5 : i32
        %dma_wait3A_1490 = arith.constant 0 : i32
        %dma_wait3A_1491 = tpu.memref_slice %arg10[%dma_wait3A_1489, %dma_wait3A_1490] : memref<32x64xf32, #tpu.memory_space<vmem>> -> memref<1x64xf32, #tpu.memory_space<vmem>>
        %dma_wait3A_1492 = tpu.memref_squeeze %dma_wait3A_1491 : memref<1x64xf32, #tpu.memory_space<vmem>> -> memref<64xf32, #tpu.memory_space<vmem>>
        %dma_wait3A_1493 = arith.constant 0 : i32
        %dma_wait3A_1494 = tpu.memref_slice %arg5[%squeeze3A_1185, %dma_wait3A_1493] : memref<1000000x64xf32, #tpu.memory_space<hbm>> -> memref<1x64xf32, #tpu.memory_space<hbm>>
        %dma_wait3A_1495 = tpu.memref_squeeze %dma_wait3A_1494 : memref<1x64xf32, #tpu.memory_space<hbm>> -> memref<64xf32, #tpu.memory_space<hbm>>
        %dma_wait3A_1496 = arith.constant 0 : i32
        %dma_wait3A_1497 = tpu.memref_slice %arg10[%dma_wait3A_1489, %dma_wait3A_1496] : memref<32x64xf32, #tpu.memory_space<vmem>> -> memref<1x64xf32, #tpu.memory_space<vmem>>
        %dma_wait3A_1498 = tpu.memref_squeeze %dma_wait3A_1497 : memref<1x64xf32, #tpu.memory_space<vmem>> -> memref<64xf32, #tpu.memory_space<vmem>>
        %dma_wait3A_1499 = arith.constant 0 : i32
        %dma_wait3A_1500 = tpu.memref_slice %arg5[%squeeze3A_1185, %dma_wait3A_1499] : memref<1000000x64xf32, #tpu.memory_space<hbm>> -> memref<1x64xf32, #tpu.memory_space<hbm>>
        %dma_wait3A_1501 = tpu.memref_squeeze %dma_wait3A_1500 : memref<1x64xf32, #tpu.memory_space<hbm>> -> memref<64xf32, #tpu.memory_space<hbm>>
        tpu.wait_dma2 semaphore(%arg16 : memref<!tpu.dma_semaphore, #tpu.memory_space<semaphore_mem>>) src(%dma_wait3A_1501 : memref<64xf32, #tpu.memory_space<hbm>>) dst(%dma_wait3A_1498 : memref<64xf32, #tpu.memory_space<vmem>>)
        %dma_wait3A_1502 = arith.constant 6 : i32
        %dma_wait3A_1503 = arith.constant 0 : i32
        %dma_wait3A_1504 = tpu.memref_slice %arg10[%dma_wait3A_1502, %dma_wait3A_1503] : memref<32x64xf32, #tpu.memory_space<vmem>> -> memref<1x64xf32, #tpu.memory_space<vmem>>
        %dma_wait3A_1505 = tpu.memref_squeeze %dma_wait3A_1504 : memref<1x64xf32, #tpu.memory_space<vmem>> -> memref<64xf32, #tpu.memory_space<vmem>>
        %dma_wait3A_1506 = arith.constant 0 : i32
        %dma_wait3A_1507 = tpu.memref_slice %arg5[%squeeze3A_1200, %dma_wait3A_1506] : memref<1000000x64xf32, #tpu.memory_space<hbm>> -> memref<1x64xf32, #tpu.memory_space<hbm>>
        %dma_wait3A_1508 = tpu.memref_squeeze %dma_wait3A_1507 : memref<1x64xf32, #tpu.memory_space<hbm>> -> memref<64xf32, #tpu.memory_space<hbm>>
        %dma_wait3A_1509 = arith.constant 0 : i32
        %dma_wait3A_1510 = tpu.memref_slice %arg10[%dma_wait3A_1502, %dma_wait3A_1509] : memref<32x64xf32, #tpu.memory_space<vmem>> -> memref<1x64xf32, #tpu.memory_space<vmem>>
        %dma_wait3A_1511 = tpu.memref_squeeze %dma_wait3A_1510 : memref<1x64xf32, #tpu.memory_space<vmem>> -> memref<64xf32, #tpu.memory_space<vmem>>
        %dma_wait3A_1512 = arith.constant 0 : i32
        %dma_wait3A_1513 = tpu.memref_slice %arg5[%squeeze3A_1200, %dma_wait3A_1512] : memref<1000000x64xf32, #tpu.memory_space<hbm>> -> memref<1x64xf32, #tpu.memory_space<hbm>>
        %dma_wait3A_1514 = tpu.memref_squeeze %dma_wait3A_1513 : memref<1x64xf32, #tpu.memory_space<hbm>> -> memref<64xf32, #tpu.memory_space<hbm>>
        tpu.wait_dma2 semaphore(%arg16 : memref<!tpu.dma_semaphore, #tpu.memory_space<semaphore_mem>>) src(%dma_wait3A_1514 : memref<64xf32, #tpu.memory_space<hbm>>) dst(%dma_wait3A_1511 : memref<64xf32, #tpu.memory_space<vmem>>)
        %dma_wait3A_1515 = arith.constant 7 : i32
        %dma_wait3A_1516 = arith.constant 0 : i32
        %dma_wait3A_1517 = tpu.memref_slice %arg10[%dma_wait3A_1515, %dma_wait3A_1516] : memref<32x64xf32, #tpu.memory_space<vmem>> -> memref<1x64xf32, #tpu.memory_space<vmem>>
        %dma_wait3A_1518 = tpu.memref_squeeze %dma_wait3A_1517 : memref<1x64xf32, #tpu.memory_space<vmem>> -> memref<64xf32, #tpu.memory_space<vmem>>
        %dma_wait3A_1519 = arith.constant 0 : i32
        %dma_wait3A_1520 = tpu.memref_slice %arg5[%squeeze3A_1215, %dma_wait3A_1519] : memref<1000000x64xf32, #tpu.memory_space<hbm>> -> memref<1x64xf32, #tpu.memory_space<hbm>>
        %dma_wait3A_1521 = tpu.memref_squeeze %dma_wait3A_1520 : memref<1x64xf32, #tpu.memory_space<hbm>> -> memref<64xf32, #tpu.memory_space<hbm>>
        %dma_wait3A_1522 = arith.constant 0 : i32
        %dma_wait3A_1523 = tpu.memref_slice %arg10[%dma_wait3A_1515, %dma_wait3A_1522] : memref<32x64xf32, #tpu.memory_space<vmem>> -> memref<1x64xf32, #tpu.memory_space<vmem>>
        %dma_wait3A_1524 = tpu.memref_squeeze %dma_wait3A_1523 : memref<1x64xf32, #tpu.memory_space<vmem>> -> memref<64xf32, #tpu.memory_space<vmem>>
        %dma_wait3A_1525 = arith.constant 0 : i32
        %dma_wait3A_1526 = tpu.memref_slice %arg5[%squeeze3A_1215, %dma_wait3A_1525] : memref<1000000x64xf32, #tpu.memory_space<hbm>> -> memref<1x64xf32, #tpu.memory_space<hbm>>
        %dma_wait3A_1527 = tpu.memref_squeeze %dma_wait3A_1526 : memref<1x64xf32, #tpu.memory_space<hbm>> -> memref<64xf32, #tpu.memory_space<hbm>>
        tpu.wait_dma2 semaphore(%arg16 : memref<!tpu.dma_semaphore, #tpu.memory_space<semaphore_mem>>) src(%dma_wait3A_1527 : memref<64xf32, #tpu.memory_space<hbm>>) dst(%dma_wait3A_1524 : memref<64xf32, #tpu.memory_space<vmem>>)
        %dma_wait3A_1528 = arith.constant 8 : i32
        %dma_wait3A_1529 = arith.constant 0 : i32
        %dma_wait3A_1530 = tpu.memref_slice %arg10[%dma_wait3A_1528, %dma_wait3A_1529] : memref<32x64xf32, #tpu.memory_space<vmem>> -> memref<1x64xf32, #tpu.memory_space<vmem>>
        %dma_wait3A_1531 = tpu.memref_squeeze %dma_wait3A_1530 : memref<1x64xf32, #tpu.memory_space<vmem>> -> memref<64xf32, #tpu.memory_space<vmem>>
        %dma_wait3A_1532 = arith.constant 0 : i32
        %dma_wait3A_1533 = tpu.memref_slice %arg5[%squeeze3A_1230, %dma_wait3A_1532] : memref<1000000x64xf32, #tpu.memory_space<hbm>> -> memref<1x64xf32, #tpu.memory_space<hbm>>
        %dma_wait3A_1534 = tpu.memref_squeeze %dma_wait3A_1533 : memref<1x64xf32, #tpu.memory_space<hbm>> -> memref<64xf32, #tpu.memory_space<hbm>>
        %dma_wait3A_1535 = arith.constant 0 : i32
        %dma_wait3A_1536 = tpu.memref_slice %arg10[%dma_wait3A_1528, %dma_wait3A_1535] : memref<32x64xf32, #tpu.memory_space<vmem>> -> memref<1x64xf32, #tpu.memory_space<vmem>>
        %dma_wait3A_1537 = tpu.memref_squeeze %dma_wait3A_1536 : memref<1x64xf32, #tpu.memory_space<vmem>> -> memref<64xf32, #tpu.memory_space<vmem>>
        %dma_wait3A_1538 = arith.constant 0 : i32
        %dma_wait3A_1539 = tpu.memref_slice %arg5[%squeeze3A_1230, %dma_wait3A_1538] : memref<1000000x64xf32, #tpu.memory_space<hbm>> -> memref<1x64xf32, #tpu.memory_space<hbm>>
        %dma_wait3A_1540 = tpu.memref_squeeze %dma_wait3A_1539 : memref<1x64xf32, #tpu.memory_space<hbm>> -> memref<64xf32, #tpu.memory_space<hbm>>
        tpu.wait_dma2 semaphore(%arg16 : memref<!tpu.dma_semaphore, #tpu.memory_space<semaphore_mem>>) src(%dma_wait3A_1540 : memref<64xf32, #tpu.memory_space<hbm>>) dst(%dma_wait3A_1537 : memref<64xf32, #tpu.memory_space<vmem>>)
        %dma_wait3A_1541 = arith.constant 9 : i32
        %dma_wait3A_1542 = arith.constant 0 : i32
        %dma_wait3A_1543 = tpu.memref_slice %arg10[%dma_wait3A_1541, %dma_wait3A_1542] : memref<32x64xf32, #tpu.memory_space<vmem>> -> memref<1x64xf32, #tpu.memory_space<vmem>>
        %dma_wait3A_1544 = tpu.memref_squeeze %dma_wait3A_1543 : memref<1x64xf32, #tpu.memory_space<vmem>> -> memref<64xf32, #tpu.memory_space<vmem>>
        %dma_wait3A_1545 = arith.constant 0 : i32
        %dma_wait3A_1546 = tpu.memref_slice %arg5[%squeeze3A_1245, %dma_wait3A_1545] : memref<1000000x64xf32, #tpu.memory_space<hbm>> -> memref<1x64xf32, #tpu.memory_space<hbm>>
        %dma_wait3A_1547 = tpu.memref_squeeze %dma_wait3A_1546 : memref<1x64xf32, #tpu.memory_space<hbm>> -> memref<64xf32, #tpu.memory_space<hbm>>
        %dma_wait3A_1548 = arith.constant 0 : i32
        %dma_wait3A_1549 = tpu.memref_slice %arg10[%dma_wait3A_1541, %dma_wait3A_1548] : memref<32x64xf32, #tpu.memory_space<vmem>> -> memref<1x64xf32, #tpu.memory_space<vmem>>
        %dma_wait3A_1550 = tpu.memref_squeeze %dma_wait3A_1549 : memref<1x64xf32, #tpu.memory_space<vmem>> -> memref<64xf32, #tpu.memory_space<vmem>>
        %dma_wait3A_1551 = arith.constant 0 : i32
        %dma_wait3A_1552 = tpu.memref_slice %arg5[%squeeze3A_1245, %dma_wait3A_1551] : memref<1000000x64xf32, #tpu.memory_space<hbm>> -> memref<1x64xf32, #tpu.memory_space<hbm>>
        %dma_wait3A_1553 = tpu.memref_squeeze %dma_wait3A_1552 : memref<1x64xf32, #tpu.memory_space<hbm>> -> memref<64xf32, #tpu.memory_space<hbm>>
        tpu.wait_dma2 semaphore(%arg16 : memref<!tpu.dma_semaphore, #tpu.memory_space<semaphore_mem>>) src(%dma_wait3A_1553 : memref<64xf32, #tpu.memory_space<hbm>>) dst(%dma_wait3A_1550 : memref<64xf32, #tpu.memory_space<vmem>>)
        %dma_wait3A_1554 = arith.constant 10 : i32
        %dma_wait3A_1555 = arith.constant 0 : i32
        %dma_wait3A_1556 = tpu.memref_slice %arg10[%dma_wait3A_1554, %dma_wait3A_1555] : memref<32x64xf32, #tpu.memory_space<vmem>> -> memref<1x64xf32, #tpu.memory_space<vmem>>
        %dma_wait3A_1557 = tpu.memref_squeeze %dma_wait3A_1556 : memref<1x64xf32, #tpu.memory_space<vmem>> -> memref<64xf32, #tpu.memory_space<vmem>>
        %dma_wait3A_1558 = arith.constant 0 : i32
        %dma_wait3A_1559 = tpu.memref_slice %arg5[%squeeze3A_1260, %dma_wait3A_1558] : memref<1000000x64xf32, #tpu.memory_space<hbm>> -> memref<1x64xf32, #tpu.memory_space<hbm>>
        %dma_wait3A_1560 = tpu.memref_squeeze %dma_wait3A_1559 : memref<1x64xf32, #tpu.memory_space<hbm>> -> memref<64xf32, #tpu.memory_space<hbm>>
        %dma_wait3A_1561 = arith.constant 0 : i32
        %dma_wait3A_1562 = tpu.memref_slice %arg10[%dma_wait3A_1554, %dma_wait3A_1561] : memref<32x64xf32, #tpu.memory_space<vmem>> -> memref<1x64xf32, #tpu.memory_space<vmem>>
        %dma_wait3A_1563 = tpu.memref_squeeze %dma_wait3A_1562 : memref<1x64xf32, #tpu.memory_space<vmem>> -> memref<64xf32, #tpu.memory_space<vmem>>
        %dma_wait3A_1564 = arith.constant 0 : i32
        %dma_wait3A_1565 = tpu.memref_slice %arg5[%squeeze3A_1260, %dma_wait3A_1564] : memref<1000000x64xf32, #tpu.memory_space<hbm>> -> memref<1x64xf32, #tpu.memory_space<hbm>>
        %dma_wait3A_1566 = tpu.memref_squeeze %dma_wait3A_1565 : memref<1x64xf32, #tpu.memory_space<hbm>> -> memref<64xf32, #tpu.memory_space<hbm>>
        tpu.wait_dma2 semaphore(%arg16 : memref<!tpu.dma_semaphore, #tpu.memory_space<semaphore_mem>>) src(%dma_wait3A_1566 : memref<64xf32, #tpu.memory_space<hbm>>) dst(%dma_wait3A_1563 : memref<64xf32, #tpu.memory_space<vmem>>)
        %dma_wait3A_1567 = arith.constant 11 : i32
        %dma_wait3A_1568 = arith.constant 0 : i32
        %dma_wait3A_1569 = tpu.memref_slice %arg10[%dma_wait3A_1567, %dma_wait3A_1568] : memref<32x64xf32, #tpu.memory_space<vmem>> -> memref<1x64xf32, #tpu.memory_space<vmem>>
        %dma_wait3A_1570 = tpu.memref_squeeze %dma_wait3A_1569 : memref<1x64xf32, #tpu.memory_space<vmem>> -> memref<64xf32, #tpu.memory_space<vmem>>
        %dma_wait3A_1571 = arith.constant 0 : i32
        %dma_wait3A_1572 = tpu.memref_slice %arg5[%squeeze3A_1275, %dma_wait3A_1571] : memref<1000000x64xf32, #tpu.memory_space<hbm>> -> memref<1x64xf32, #tpu.memory_space<hbm>>
        %dma_wait3A_1573 = tpu.memref_squeeze %dma_wait3A_1572 : memref<1x64xf32, #tpu.memory_space<hbm>> -> memref<64xf32, #tpu.memory_space<hbm>>
        %dma_wait3A_1574 = arith.constant 0 : i32
        %dma_wait3A_1575 = tpu.memref_slice %arg10[%dma_wait3A_1567, %dma_wait3A_1574] : memref<32x64xf32, #tpu.memory_space<vmem>> -> memref<1x64xf32, #tpu.memory_space<vmem>>
        %dma_wait3A_1576 = tpu.memref_squeeze %dma_wait3A_1575 : memref<1x64xf32, #tpu.memory_space<vmem>> -> memref<64xf32, #tpu.memory_space<vmem>>
        %dma_wait3A_1577 = arith.constant 0 : i32
        %dma_wait3A_1578 = tpu.memref_slice %arg5[%squeeze3A_1275, %dma_wait3A_1577] : memref<1000000x64xf32, #tpu.memory_space<hbm>> -> memref<1x64xf32, #tpu.memory_space<hbm>>
        %dma_wait3A_1579 = tpu.memref_squeeze %dma_wait3A_1578 : memref<1x64xf32, #tpu.memory_space<hbm>> -> memref<64xf32, #tpu.memory_space<hbm>>
        tpu.wait_dma2 semaphore(%arg16 : memref<!tpu.dma_semaphore, #tpu.memory_space<semaphore_mem>>) src(%dma_wait3A_1579 : memref<64xf32, #tpu.memory_space<hbm>>) dst(%dma_wait3A_1576 : memref<64xf32, #tpu.memory_space<vmem>>)
        %dma_wait3A_1580 = arith.constant 12 : i32
        %dma_wait3A_1581 = arith.constant 0 : i32
        %dma_wait3A_1582 = tpu.memref_slice %arg10[%dma_wait3A_1580, %dma_wait3A_1581] : memref<32x64xf32, #tpu.memory_space<vmem>> -> memref<1x64xf32, #tpu.memory_space<vmem>>
        %dma_wait3A_1583 = tpu.memref_squeeze %dma_wait3A_1582 : memref<1x64xf32, #tpu.memory_space<vmem>> -> memref<64xf32, #tpu.memory_space<vmem>>
        %dma_wait3A_1584 = arith.constant 0 : i32
        %dma_wait3A_1585 = tpu.memref_slice %arg5[%squeeze3A_1290, %dma_wait3A_1584] : memref<1000000x64xf32, #tpu.memory_space<hbm>> -> memref<1x64xf32, #tpu.memory_space<hbm>>
        %dma_wait3A_1586 = tpu.memref_squeeze %dma_wait3A_1585 : memref<1x64xf32, #tpu.memory_space<hbm>> -> memref<64xf32, #tpu.memory_space<hbm>>
        %dma_wait3A_1587 = arith.constant 0 : i32
        %dma_wait3A_1588 = tpu.memref_slice %arg10[%dma_wait3A_1580, %dma_wait3A_1587] : memref<32x64xf32, #tpu.memory_space<vmem>> -> memref<1x64xf32, #tpu.memory_space<vmem>>
        %dma_wait3A_1589 = tpu.memref_squeeze %dma_wait3A_1588 : memref<1x64xf32, #tpu.memory_space<vmem>> -> memref<64xf32, #tpu.memory_space<vmem>>
        %dma_wait3A_1590 = arith.constant 0 : i32
        %dma_wait3A_1591 = tpu.memref_slice %arg5[%squeeze3A_1290, %dma_wait3A_1590] : memref<1000000x64xf32, #tpu.memory_space<hbm>> -> memref<1x64xf32, #tpu.memory_space<hbm>>
        %dma_wait3A_1592 = tpu.memref_squeeze %dma_wait3A_1591 : memref<1x64xf32, #tpu.memory_space<hbm>> -> memref<64xf32, #tpu.memory_space<hbm>>
        tpu.wait_dma2 semaphore(%arg16 : memref<!tpu.dma_semaphore, #tpu.memory_space<semaphore_mem>>) src(%dma_wait3A_1592 : memref<64xf32, #tpu.memory_space<hbm>>) dst(%dma_wait3A_1589 : memref<64xf32, #tpu.memory_space<vmem>>)
        %dma_wait3A_1593 = arith.constant 13 : i32
        %dma_wait3A_1594 = arith.constant 0 : i32
        %dma_wait3A_1595 = tpu.memref_slice %arg10[%dma_wait3A_1593, %dma_wait3A_1594] : memref<32x64xf32, #tpu.memory_space<vmem>> -> memref<1x64xf32, #tpu.memory_space<vmem>>
        %dma_wait3A_1596 = tpu.memref_squeeze %dma_wait3A_1595 : memref<1x64xf32, #tpu.memory_space<vmem>> -> memref<64xf32, #tpu.memory_space<vmem>>
        %dma_wait3A_1597 = arith.constant 0 : i32
        %dma_wait3A_1598 = tpu.memref_slice %arg5[%squeeze3A_1305, %dma_wait3A_1597] : memref<1000000x64xf32, #tpu.memory_space<hbm>> -> memref<1x64xf32, #tpu.memory_space<hbm>>
        %dma_wait3A_1599 = tpu.memref_squeeze %dma_wait3A_1598 : memref<1x64xf32, #tpu.memory_space<hbm>> -> memref<64xf32, #tpu.memory_space<hbm>>
        %dma_wait3A_1600 = arith.constant 0 : i32
        %dma_wait3A_1601 = tpu.memref_slice %arg10[%dma_wait3A_1593, %dma_wait3A_1600] : memref<32x64xf32, #tpu.memory_space<vmem>> -> memref<1x64xf32, #tpu.memory_space<vmem>>
        %dma_wait3A_1602 = tpu.memref_squeeze %dma_wait3A_1601 : memref<1x64xf32, #tpu.memory_space<vmem>> -> memref<64xf32, #tpu.memory_space<vmem>>
        %dma_wait3A_1603 = arith.constant 0 : i32
        %dma_wait3A_1604 = tpu.memref_slice %arg5[%squeeze3A_1305, %dma_wait3A_1603] : memref<1000000x64xf32, #tpu.memory_space<hbm>> -> memref<1x64xf32, #tpu.memory_space<hbm>>
        %dma_wait3A_1605 = tpu.memref_squeeze %dma_wait3A_1604 : memref<1x64xf32, #tpu.memory_space<hbm>> -> memref<64xf32, #tpu.memory_space<hbm>>
        tpu.wait_dma2 semaphore(%arg16 : memref<!tpu.dma_semaphore, #tpu.memory_space<semaphore_mem>>) src(%dma_wait3A_1605 : memref<64xf32, #tpu.memory_space<hbm>>) dst(%dma_wait3A_1602 : memref<64xf32, #tpu.memory_space<vmem>>)
        %dma_wait3A_1606 = arith.constant 14 : i32
        %dma_wait3A_1607 = arith.constant 0 : i32
        %dma_wait3A_1608 = tpu.memref_slice %arg10[%dma_wait3A_1606, %dma_wait3A_1607] : memref<32x64xf32, #tpu.memory_space<vmem>> -> memref<1x64xf32, #tpu.memory_space<vmem>>
        %dma_wait3A_1609 = tpu.memref_squeeze %dma_wait3A_1608 : memref<1x64xf32, #tpu.memory_space<vmem>> -> memref<64xf32, #tpu.memory_space<vmem>>
        %dma_wait3A_1610 = arith.constant 0 : i32
        %dma_wait3A_1611 = tpu.memref_slice %arg5[%squeeze3A_1320, %dma_wait3A_1610] : memref<1000000x64xf32, #tpu.memory_space<hbm>> -> memref<1x64xf32, #tpu.memory_space<hbm>>
        %dma_wait3A_1612 = tpu.memref_squeeze %dma_wait3A_1611 : memref<1x64xf32, #tpu.memory_space<hbm>> -> memref<64xf32, #tpu.memory_space<hbm>>
        %dma_wait3A_1613 = arith.constant 0 : i32
        %dma_wait3A_1614 = tpu.memref_slice %arg10[%dma_wait3A_1606, %dma_wait3A_1613] : memref<32x64xf32, #tpu.memory_space<vmem>> -> memref<1x64xf32, #tpu.memory_space<vmem>>
        %dma_wait3A_1615 = tpu.memref_squeeze %dma_wait3A_1614 : memref<1x64xf32, #tpu.memory_space<vmem>> -> memref<64xf32, #tpu.memory_space<vmem>>
        %dma_wait3A_1616 = arith.constant 0 : i32
        %dma_wait3A_1617 = tpu.memref_slice %arg5[%squeeze3A_1320, %dma_wait3A_1616] : memref<1000000x64xf32, #tpu.memory_space<hbm>> -> memref<1x64xf32, #tpu.memory_space<hbm>>
        %dma_wait3A_1618 = tpu.memref_squeeze %dma_wait3A_1617 : memref<1x64xf32, #tpu.memory_space<hbm>> -> memref<64xf32, #tpu.memory_space<hbm>>
        tpu.wait_dma2 semaphore(%arg16 : memref<!tpu.dma_semaphore, #tpu.memory_space<semaphore_mem>>) src(%dma_wait3A_1618 : memref<64xf32, #tpu.memory_space<hbm>>) dst(%dma_wait3A_1615 : memref<64xf32, #tpu.memory_space<vmem>>)
        %dma_wait3A_1619 = arith.constant 15 : i32
        %dma_wait3A_1620 = arith.constant 0 : i32
        %dma_wait3A_1621 = tpu.memref_slice %arg10[%dma_wait3A_1619, %dma_wait3A_1620] : memref<32x64xf32, #tpu.memory_space<vmem>> -> memref<1x64xf32, #tpu.memory_space<vmem>>
        %dma_wait3A_1622 = tpu.memref_squeeze %dma_wait3A_1621 : memref<1x64xf32, #tpu.memory_space<vmem>> -> memref<64xf32, #tpu.memory_space<vmem>>
        %dma_wait3A_1623 = arith.constant 0 : i32
        %dma_wait3A_1624 = tpu.memref_slice %arg5[%squeeze3A_1335, %dma_wait3A_1623] : memref<1000000x64xf32, #tpu.memory_space<hbm>> -> memref<1x64xf32, #tpu.memory_space<hbm>>
        %dma_wait3A_1625 = tpu.memref_squeeze %dma_wait3A_1624 : memref<1x64xf32, #tpu.memory_space<hbm>> -> memref<64xf32, #tpu.memory_space<hbm>>
        %dma_wait3A_1626 = arith.constant 0 : i32
        %dma_wait3A_1627 = tpu.memref_slice %arg10[%dma_wait3A_1619, %dma_wait3A_1626] : memref<32x64xf32, #tpu.memory_space<vmem>> -> memref<1x64xf32, #tpu.memory_space<vmem>>
        %dma_wait3A_1628 = tpu.memref_squeeze %dma_wait3A_1627 : memref<1x64xf32, #tpu.memory_space<vmem>> -> memref<64xf32, #tpu.memory_space<vmem>>
        %dma_wait3A_1629 = arith.constant 0 : i32
        %dma_wait3A_1630 = tpu.memref_slice %arg5[%squeeze3A_1335, %dma_wait3A_1629] : memref<1000000x64xf32, #tpu.memory_space<hbm>> -> memref<1x64xf32, #tpu.memory_space<hbm>>
        %dma_wait3A_1631 = tpu.memref_squeeze %dma_wait3A_1630 : memref<1x64xf32, #tpu.memory_space<hbm>> -> memref<64xf32, #tpu.memory_space<hbm>>
        tpu.wait_dma2 semaphore(%arg16 : memref<!tpu.dma_semaphore, #tpu.memory_space<semaphore_mem>>) src(%dma_wait3A_1631 : memref<64xf32, #tpu.memory_space<hbm>>) dst(%dma_wait3A_1628 : memref<64xf32, #tpu.memory_space<vmem>>)
        %dma_wait3A_1632 = arith.constant 16 : i32
        %dma_wait3A_1633 = arith.constant 0 : i32
        %dma_wait3A_1634 = tpu.memref_slice %arg10[%dma_wait3A_1632, %dma_wait3A_1633] : memref<32x64xf32, #tpu.memory_space<vmem>> -> memref<1x64xf32, #tpu.memory_space<vmem>>
        %dma_wait3A_1635 = tpu.memref_squeeze %dma_wait3A_1634 : memref<1x64xf32, #tpu.memory_space<vmem>> -> memref<64xf32, #tpu.memory_space<vmem>>
        %dma_wait3A_1636 = arith.constant 0 : i32
        %dma_wait3A_1637 = tpu.memref_slice %arg5[%squeeze3A_1350, %dma_wait3A_1636] : memref<1000000x64xf32, #tpu.memory_space<hbm>> -> memref<1x64xf32, #tpu.memory_space<hbm>>
        %dma_wait3A_1638 = tpu.memref_squeeze %dma_wait3A_1637 : memref<1x64xf32, #tpu.memory_space<hbm>> -> memref<64xf32, #tpu.memory_space<hbm>>
        %dma_wait3A_1639 = arith.constant 0 : i32
        %dma_wait3A_1640 = tpu.memref_slice %arg10[%dma_wait3A_1632, %dma_wait3A_1639] : memref<32x64xf32, #tpu.memory_space<vmem>> -> memref<1x64xf32, #tpu.memory_space<vmem>>
        %dma_wait3A_1641 = tpu.memref_squeeze %dma_wait3A_1640 : memref<1x64xf32, #tpu.memory_space<vmem>> -> memref<64xf32, #tpu.memory_space<vmem>>
        %dma_wait3A_1642 = arith.constant 0 : i32
        %dma_wait3A_1643 = tpu.memref_slice %arg5[%squeeze3A_1350, %dma_wait3A_1642] : memref<1000000x64xf32, #tpu.memory_space<hbm>> -> memref<1x64xf32, #tpu.memory_space<hbm>>
        %dma_wait3A_1644 = tpu.memref_squeeze %dma_wait3A_1643 : memref<1x64xf32, #tpu.memory_space<hbm>> -> memref<64xf32, #tpu.memory_space<hbm>>
        tpu.wait_dma2 semaphore(%arg16 : memref<!tpu.dma_semaphore, #tpu.memory_space<semaphore_mem>>) src(%dma_wait3A_1644 : memref<64xf32, #tpu.memory_space<hbm>>) dst(%dma_wait3A_1641 : memref<64xf32, #tpu.memory_space<vmem>>)
        %dma_wait3A_1645 = arith.constant 17 : i32
        %dma_wait3A_1646 = arith.constant 0 : i32
        %dma_wait3A_1647 = tpu.memref_slice %arg10[%dma_wait3A_1645, %dma_wait3A_1646] : memref<32x64xf32, #tpu.memory_space<vmem>> -> memref<1x64xf32, #tpu.memory_space<vmem>>
        %dma_wait3A_1648 = tpu.memref_squeeze %dma_wait3A_1647 : memref<1x64xf32, #tpu.memory_space<vmem>> -> memref<64xf32, #tpu.memory_space<vmem>>
        %dma_wait3A_1649 = arith.constant 0 : i32
        %dma_wait3A_1650 = tpu.memref_slice %arg5[%squeeze3A_1365, %dma_wait3A_1649] : memref<1000000x64xf32, #tpu.memory_space<hbm>> -> memref<1x64xf32, #tpu.memory_space<hbm>>
        %dma_wait3A_1651 = tpu.memref_squeeze %dma_wait3A_1650 : memref<1x64xf32, #tpu.memory_space<hbm>> -> memref<64xf32, #tpu.memory_space<hbm>>
        %dma_wait3A_1652 = arith.constant 0 : i32
        %dma_wait3A_1653 = tpu.memref_slice %arg10[%dma_wait3A_1645, %dma_wait3A_1652] : memref<32x64xf32, #tpu.memory_space<vmem>> -> memref<1x64xf32, #tpu.memory_space<vmem>>
        %dma_wait3A_1654 = tpu.memref_squeeze %dma_wait3A_1653 : memref<1x64xf32, #tpu.memory_space<vmem>> -> memref<64xf32, #tpu.memory_space<vmem>>
        %dma_wait3A_1655 = arith.constant 0 : i32
        %dma_wait3A_1656 = tpu.memref_slice %arg5[%squeeze3A_1365, %dma_wait3A_1655] : memref<1000000x64xf32, #tpu.memory_space<hbm>> -> memref<1x64xf32, #tpu.memory_space<hbm>>
        %dma_wait3A_1657 = tpu.memref_squeeze %dma_wait3A_1656 : memref<1x64xf32, #tpu.memory_space<hbm>> -> memref<64xf32, #tpu.memory_space<hbm>>
        tpu.wait_dma2 semaphore(%arg16 : memref<!tpu.dma_semaphore, #tpu.memory_space<semaphore_mem>>) src(%dma_wait3A_1657 : memref<64xf32, #tpu.memory_space<hbm>>) dst(%dma_wait3A_1654 : memref<64xf32, #tpu.memory_space<vmem>>)
        %dma_wait3A_1658 = arith.constant 18 : i32
        %dma_wait3A_1659 = arith.constant 0 : i32
        %dma_wait3A_1660 = tpu.memref_slice %arg10[%dma_wait3A_1658, %dma_wait3A_1659] : memref<32x64xf32, #tpu.memory_space<vmem>> -> memref<1x64xf32, #tpu.memory_space<vmem>>
        %dma_wait3A_1661 = tpu.memref_squeeze %dma_wait3A_1660 : memref<1x64xf32, #tpu.memory_space<vmem>> -> memref<64xf32, #tpu.memory_space<vmem>>
        %dma_wait3A_1662 = arith.constant 0 : i32
        %dma_wait3A_1663 = tpu.memref_slice %arg5[%squeeze3A_1380, %dma_wait3A_1662] : memref<1000000x64xf32, #tpu.memory_space<hbm>> -> memref<1x64xf32, #tpu.memory_space<hbm>>
        %dma_wait3A_1664 = tpu.memref_squeeze %dma_wait3A_1663 : memref<1x64xf32, #tpu.memory_space<hbm>> -> memref<64xf32, #tpu.memory_space<hbm>>
        %dma_wait3A_1665 = arith.constant 0 : i32
        %dma_wait3A_1666 = tpu.memref_slice %arg10[%dma_wait3A_1658, %dma_wait3A_1665] : memref<32x64xf32, #tpu.memory_space<vmem>> -> memref<1x64xf32, #tpu.memory_space<vmem>>
        %dma_wait3A_1667 = tpu.memref_squeeze %dma_wait3A_1666 : memref<1x64xf32, #tpu.memory_space<vmem>> -> memref<64xf32, #tpu.memory_space<vmem>>
        %dma_wait3A_1668 = arith.constant 0 : i32
        %dma_wait3A_1669 = tpu.memref_slice %arg5[%squeeze3A_1380, %dma_wait3A_1668] : memref<1000000x64xf32, #tpu.memory_space<hbm>> -> memref<1x64xf32, #tpu.memory_space<hbm>>
        %dma_wait3A_1670 = tpu.memref_squeeze %dma_wait3A_1669 : memref<1x64xf32, #tpu.memory_space<hbm>> -> memref<64xf32, #tpu.memory_space<hbm>>
        tpu.wait_dma2 semaphore(%arg16 : memref<!tpu.dma_semaphore, #tpu.memory_space<semaphore_mem>>) src(%dma_wait3A_1670 : memref<64xf32, #tpu.memory_space<hbm>>) dst(%dma_wait3A_1667 : memref<64xf32, #tpu.memory_space<vmem>>)
        %dma_wait3A_1671 = arith.constant 19 : i32
        %dma_wait3A_1672 = arith.constant 0 : i32
        %dma_wait3A_1673 = tpu.memref_slice %arg10[%dma_wait3A_1671, %dma_wait3A_1672] : memref<32x64xf32, #tpu.memory_space<vmem>> -> memref<1x64xf32, #tpu.memory_space<vmem>>
        %dma_wait3A_1674 = tpu.memref_squeeze %dma_wait3A_1673 : memref<1x64xf32, #tpu.memory_space<vmem>> -> memref<64xf32, #tpu.memory_space<vmem>>
        %dma_wait3A_1675 = arith.constant 0 : i32
        %dma_wait3A_1676 = tpu.memref_slice %arg5[%squeeze3A_1395, %dma_wait3A_1675] : memref<1000000x64xf32, #tpu.memory_space<hbm>> -> memref<1x64xf32, #tpu.memory_space<hbm>>
        %dma_wait3A_1677 = tpu.memref_squeeze %dma_wait3A_1676 : memref<1x64xf32, #tpu.memory_space<hbm>> -> memref<64xf32, #tpu.memory_space<hbm>>
        %dma_wait3A_1678 = arith.constant 0 : i32
        %dma_wait3A_1679 = tpu.memref_slice %arg10[%dma_wait3A_1671, %dma_wait3A_1678] : memref<32x64xf32, #tpu.memory_space<vmem>> -> memref<1x64xf32, #tpu.memory_space<vmem>>
        %dma_wait3A_1680 = tpu.memref_squeeze %dma_wait3A_1679 : memref<1x64xf32, #tpu.memory_space<vmem>> -> memref<64xf32, #tpu.memory_space<vmem>>
        %dma_wait3A_1681 = arith.constant 0 : i32
        %dma_wait3A_1682 = tpu.memref_slice %arg5[%squeeze3A_1395, %dma_wait3A_1681] : memref<1000000x64xf32, #tpu.memory_space<hbm>> -> memref<1x64xf32, #tpu.memory_space<hbm>>
        %dma_wait3A_1683 = tpu.memref_squeeze %dma_wait3A_1682 : memref<1x64xf32, #tpu.memory_space<hbm>> -> memref<64xf32, #tpu.memory_space<hbm>>
        tpu.wait_dma2 semaphore(%arg16 : memref<!tpu.dma_semaphore, #tpu.memory_space<semaphore_mem>>) src(%dma_wait3A_1683 : memref<64xf32, #tpu.memory_space<hbm>>) dst(%dma_wait3A_1680 : memref<64xf32, #tpu.memory_space<vmem>>)
        %dma_wait3A_1684 = arith.constant 20 : i32
        %dma_wait3A_1685 = arith.constant 0 : i32
        %dma_wait3A_1686 = tpu.memref_slice %arg10[%dma_wait3A_1684, %dma_wait3A_1685] : memref<32x64xf32, #tpu.memory_space<vmem>> -> memref<1x64xf32, #tpu.memory_space<vmem>>
        %dma_wait3A_1687 = tpu.memref_squeeze %dma_wait3A_1686 : memref<1x64xf32, #tpu.memory_space<vmem>> -> memref<64xf32, #tpu.memory_space<vmem>>
        %dma_wait3A_1688 = arith.constant 0 : i32
        %dma_wait3A_1689 = tpu.memref_slice %arg5[%squeeze3A_1410, %dma_wait3A_1688] : memref<1000000x64xf32, #tpu.memory_space<hbm>> -> memref<1x64xf32, #tpu.memory_space<hbm>>
        %dma_wait3A_1690 = tpu.memref_squeeze %dma_wait3A_1689 : memref<1x64xf32, #tpu.memory_space<hbm>> -> memref<64xf32, #tpu.memory_space<hbm>>
        %dma_wait3A_1691 = arith.constant 0 : i32
        %dma_wait3A_1692 = tpu.memref_slice %arg10[%dma_wait3A_1684, %dma_wait3A_1691] : memref<32x64xf32, #tpu.memory_space<vmem>> -> memref<1x64xf32, #tpu.memory_space<vmem>>
        %dma_wait3A_1693 = tpu.memref_squeeze %dma_wait3A_1692 : memref<1x64xf32, #tpu.memory_space<vmem>> -> memref<64xf32, #tpu.memory_space<vmem>>
        %dma_wait3A_1694 = arith.constant 0 : i32
        %dma_wait3A_1695 = tpu.memref_slice %arg5[%squeeze3A_1410, %dma_wait3A_1694] : memref<1000000x64xf32, #tpu.memory_space<hbm>> -> memref<1x64xf32, #tpu.memory_space<hbm>>
        %dma_wait3A_1696 = tpu.memref_squeeze %dma_wait3A_1695 : memref<1x64xf32, #tpu.memory_space<hbm>> -> memref<64xf32, #tpu.memory_space<hbm>>
        tpu.wait_dma2 semaphore(%arg16 : memref<!tpu.dma_semaphore, #tpu.memory_space<semaphore_mem>>) src(%dma_wait3A_1696 : memref<64xf32, #tpu.memory_space<hbm>>) dst(%dma_wait3A_1693 : memref<64xf32, #tpu.memory_space<vmem>>)
      } else {
      }
      %dma_wait3A = arith.constant 0 : i32
      %dma_wait3A_254 = arith.constant 0 : i32
      %dma_wait3A_255 = tpu.memref_slice %arg8[%dma_wait3A, %dma_wait3A_254] : memref<16x64xf32, #tpu.memory_space<vmem>> -> memref<1x64xf32, #tpu.memory_space<vmem>>
      %dma_wait3A_256 = tpu.memref_squeeze %dma_wait3A_255 : memref<1x64xf32, #tpu.memory_space<vmem>> -> memref<64xf32, #tpu.memory_space<vmem>>
      %dma_wait3A_257 = arith.constant 0 : i32
      %dma_wait3A_258 = tpu.memref_slice %arg4[%squeeze3A, %dma_wait3A_257] : memref<1000000x64xf32, #tpu.memory_space<hbm>> -> memref<1x64xf32, #tpu.memory_space<hbm>>
      %dma_wait3A_259 = tpu.memref_squeeze %dma_wait3A_258 : memref<1x64xf32, #tpu.memory_space<hbm>> -> memref<64xf32, #tpu.memory_space<hbm>>
      %dma_wait3A_260 = arith.constant 0 : i32
      %dma_wait3A_261 = tpu.memref_slice %arg8[%dma_wait3A, %dma_wait3A_260] : memref<16x64xf32, #tpu.memory_space<vmem>> -> memref<1x64xf32, #tpu.memory_space<vmem>>
      %dma_wait3A_262 = tpu.memref_squeeze %dma_wait3A_261 : memref<1x64xf32, #tpu.memory_space<vmem>> -> memref<64xf32, #tpu.memory_space<vmem>>
      %dma_wait3A_263 = arith.constant 0 : i32
      %dma_wait3A_264 = tpu.memref_slice %arg4[%squeeze3A, %dma_wait3A_263] : memref<1000000x64xf32, #tpu.memory_space<hbm>> -> memref<1x64xf32, #tpu.memory_space<hbm>>
      %dma_wait3A_265 = tpu.memref_squeeze %dma_wait3A_264 : memref<1x64xf32, #tpu.memory_space<hbm>> -> memref<64xf32, #tpu.memory_space<hbm>>
      tpu.wait_dma2 semaphore(%arg15 : memref<!tpu.dma_semaphore, #tpu.memory_space<semaphore_mem>>) src(%dma_wait3A_265 : memref<64xf32, #tpu.memory_space<hbm>>) dst(%dma_wait3A_262 : memref<64xf32, #tpu.memory_space<vmem>>)
      %dma_wait3A_266 = arith.constant 1 : i32
      %dma_wait3A_267 = arith.constant 0 : i32
      %dma_wait3A_268 = tpu.memref_slice %arg8[%dma_wait3A_266, %dma_wait3A_267] : memref<16x64xf32, #tpu.memory_space<vmem>> -> memref<1x64xf32, #tpu.memory_space<vmem>>
      %dma_wait3A_269 = tpu.memref_squeeze %dma_wait3A_268 : memref<1x64xf32, #tpu.memory_space<vmem>> -> memref<64xf32, #tpu.memory_space<vmem>>
      %dma_wait3A_270 = arith.constant 0 : i32
      %dma_wait3A_271 = tpu.memref_slice %arg4[%squeeze3A_25, %dma_wait3A_270] : memref<1000000x64xf32, #tpu.memory_space<hbm>> -> memref<1x64xf32, #tpu.memory_space<hbm>>
      %dma_wait3A_272 = tpu.memref_squeeze %dma_wait3A_271 : memref<1x64xf32, #tpu.memory_space<hbm>> -> memref<64xf32, #tpu.memory_space<hbm>>
      %dma_wait3A_273 = arith.constant 0 : i32
      %dma_wait3A_274 = tpu.memref_slice %arg8[%dma_wait3A_266, %dma_wait3A_273] : memref<16x64xf32, #tpu.memory_space<vmem>> -> memref<1x64xf32, #tpu.memory_space<vmem>>
      %dma_wait3A_275 = tpu.memref_squeeze %dma_wait3A_274 : memref<1x64xf32, #tpu.memory_space<vmem>> -> memref<64xf32, #tpu.memory_space<vmem>>
      %dma_wait3A_276 = arith.constant 0 : i32
      %dma_wait3A_277 = tpu.memref_slice %arg4[%squeeze3A_25, %dma_wait3A_276] : memref<1000000x64xf32, #tpu.memory_space<hbm>> -> memref<1x64xf32, #tpu.memory_space<hbm>>
      %dma_wait3A_278 = tpu.memref_squeeze %dma_wait3A_277 : memref<1x64xf32, #tpu.memory_space<hbm>> -> memref<64xf32, #tpu.memory_space<hbm>>
      tpu.wait_dma2 semaphore(%arg15 : memref<!tpu.dma_semaphore, #tpu.memory_space<semaphore_mem>>) src(%dma_wait3A_278 : memref<64xf32, #tpu.memory_space<hbm>>) dst(%dma_wait3A_275 : memref<64xf32, #tpu.memory_space<vmem>>)
      %dma_wait3A_279 = arith.constant 2 : i32
      %dma_wait3A_280 = arith.constant 0 : i32
      %dma_wait3A_281 = tpu.memref_slice %arg8[%dma_wait3A_279, %dma_wait3A_280] : memref<16x64xf32, #tpu.memory_space<vmem>> -> memref<1x64xf32, #tpu.memory_space<vmem>>
      %dma_wait3A_282 = tpu.memref_squeeze %dma_wait3A_281 : memref<1x64xf32, #tpu.memory_space<vmem>> -> memref<64xf32, #tpu.memory_space<vmem>>
      %dma_wait3A_283 = arith.constant 0 : i32
      %dma_wait3A_284 = tpu.memref_slice %arg4[%squeeze3A_40, %dma_wait3A_283] : memref<1000000x64xf32, #tpu.memory_space<hbm>> -> memref<1x64xf32, #tpu.memory_space<hbm>>
      %dma_wait3A_285 = tpu.memref_squeeze %dma_wait3A_284 : memref<1x64xf32, #tpu.memory_space<hbm>> -> memref<64xf32, #tpu.memory_space<hbm>>
      %dma_wait3A_286 = arith.constant 0 : i32
      %dma_wait3A_287 = tpu.memref_slice %arg8[%dma_wait3A_279, %dma_wait3A_286] : memref<16x64xf32, #tpu.memory_space<vmem>> -> memref<1x64xf32, #tpu.memory_space<vmem>>
      %dma_wait3A_288 = tpu.memref_squeeze %dma_wait3A_287 : memref<1x64xf32, #tpu.memory_space<vmem>> -> memref<64xf32, #tpu.memory_space<vmem>>
      %dma_wait3A_289 = arith.constant 0 : i32
      %dma_wait3A_290 = tpu.memref_slice %arg4[%squeeze3A_40, %dma_wait3A_289] : memref<1000000x64xf32, #tpu.memory_space<hbm>> -> memref<1x64xf32, #tpu.memory_space<hbm>>
      %dma_wait3A_291 = tpu.memref_squeeze %dma_wait3A_290 : memref<1x64xf32, #tpu.memory_space<hbm>> -> memref<64xf32, #tpu.memory_space<hbm>>
      tpu.wait_dma2 semaphore(%arg15 : memref<!tpu.dma_semaphore, #tpu.memory_space<semaphore_mem>>) src(%dma_wait3A_291 : memref<64xf32, #tpu.memory_space<hbm>>) dst(%dma_wait3A_288 : memref<64xf32, #tpu.memory_space<vmem>>)
      %dma_wait3A_292 = arith.constant 3 : i32
      %dma_wait3A_293 = arith.constant 0 : i32
      %dma_wait3A_294 = tpu.memref_slice %arg8[%dma_wait3A_292, %dma_wait3A_293] : memref<16x64xf32, #tpu.memory_space<vmem>> -> memref<1x64xf32, #tpu.memory_space<vmem>>
      %dma_wait3A_295 = tpu.memref_squeeze %dma_wait3A_294 : memref<1x64xf32, #tpu.memory_space<vmem>> -> memref<64xf32, #tpu.memory_space<vmem>>
      %dma_wait3A_296 = arith.constant 0 : i32
      %dma_wait3A_297 = tpu.memref_slice %arg4[%squeeze3A_55, %dma_wait3A_296] : memref<1000000x64xf32, #tpu.memory_space<hbm>> -> memref<1x64xf32, #tpu.memory_space<hbm>>
      %dma_wait3A_298 = tpu.memref_squeeze %dma_wait3A_297 : memref<1x64xf32, #tpu.memory_space<hbm>> -> memref<64xf32, #tpu.memory_space<hbm>>
      %dma_wait3A_299 = arith.constant 0 : i32
      %dma_wait3A_300 = tpu.memref_slice %arg8[%dma_wait3A_292, %dma_wait3A_299] : memref<16x64xf32, #tpu.memory_space<vmem>> -> memref<1x64xf32, #tpu.memory_space<vmem>>
      %dma_wait3A_301 = tpu.memref_squeeze %dma_wait3A_300 : memref<1x64xf32, #tpu.memory_space<vmem>> -> memref<64xf32, #tpu.memory_space<vmem>>
      %dma_wait3A_302 = arith.constant 0 : i32
      %dma_wait3A_303 = tpu.memref_slice %arg4[%squeeze3A_55, %dma_wait3A_302] : memref<1000000x64xf32, #tpu.memory_space<hbm>> -> memref<1x64xf32, #tpu.memory_space<hbm>>
      %dma_wait3A_304 = tpu.memref_squeeze %dma_wait3A_303 : memref<1x64xf32, #tpu.memory_space<hbm>> -> memref<64xf32, #tpu.memory_space<hbm>>
      tpu.wait_dma2 semaphore(%arg15 : memref<!tpu.dma_semaphore, #tpu.memory_space<semaphore_mem>>) src(%dma_wait3A_304 : memref<64xf32, #tpu.memory_space<hbm>>) dst(%dma_wait3A_301 : memref<64xf32, #tpu.memory_space<vmem>>)
      %dma_wait3A_305 = arith.constant 4 : i32
      %dma_wait3A_306 = arith.constant 0 : i32
      %dma_wait3A_307 = tpu.memref_slice %arg8[%dma_wait3A_305, %dma_wait3A_306] : memref<16x64xf32, #tpu.memory_space<vmem>> -> memref<1x64xf32, #tpu.memory_space<vmem>>
      %dma_wait3A_308 = tpu.memref_squeeze %dma_wait3A_307 : memref<1x64xf32, #tpu.memory_space<vmem>> -> memref<64xf32, #tpu.memory_space<vmem>>
      %dma_wait3A_309 = arith.constant 0 : i32
      %dma_wait3A_310 = tpu.memref_slice %arg4[%squeeze3A_70, %dma_wait3A_309] : memref<1000000x64xf32, #tpu.memory_space<hbm>> -> memref<1x64xf32, #tpu.memory_space<hbm>>
      %dma_wait3A_311 = tpu.memref_squeeze %dma_wait3A_310 : memref<1x64xf32, #tpu.memory_space<hbm>> -> memref<64xf32, #tpu.memory_space<hbm>>
      %dma_wait3A_312 = arith.constant 0 : i32
      %dma_wait3A_313 = tpu.memref_slice %arg8[%dma_wait3A_305, %dma_wait3A_312] : memref<16x64xf32, #tpu.memory_space<vmem>> -> memref<1x64xf32, #tpu.memory_space<vmem>>
      %dma_wait3A_314 = tpu.memref_squeeze %dma_wait3A_313 : memref<1x64xf32, #tpu.memory_space<vmem>> -> memref<64xf32, #tpu.memory_space<vmem>>
      %dma_wait3A_315 = arith.constant 0 : i32
      %dma_wait3A_316 = tpu.memref_slice %arg4[%squeeze3A_70, %dma_wait3A_315] : memref<1000000x64xf32, #tpu.memory_space<hbm>> -> memref<1x64xf32, #tpu.memory_space<hbm>>
      %dma_wait3A_317 = tpu.memref_squeeze %dma_wait3A_316 : memref<1x64xf32, #tpu.memory_space<hbm>> -> memref<64xf32, #tpu.memory_space<hbm>>
      tpu.wait_dma2 semaphore(%arg15 : memref<!tpu.dma_semaphore, #tpu.memory_space<semaphore_mem>>) src(%dma_wait3A_317 : memref<64xf32, #tpu.memory_space<hbm>>) dst(%dma_wait3A_314 : memref<64xf32, #tpu.memory_space<vmem>>)
      %dma_wait3A_318 = arith.constant 5 : i32
      %dma_wait3A_319 = arith.constant 0 : i32
      %dma_wait3A_320 = tpu.memref_slice %arg8[%dma_wait3A_318, %dma_wait3A_319] : memref<16x64xf32, #tpu.memory_space<vmem>> -> memref<1x64xf32, #tpu.memory_space<vmem>>
      %dma_wait3A_321 = tpu.memref_squeeze %dma_wait3A_320 : memref<1x64xf32, #tpu.memory_space<vmem>> -> memref<64xf32, #tpu.memory_space<vmem>>
      %dma_wait3A_322 = arith.constant 0 : i32
      %dma_wait3A_323 = tpu.memref_slice %arg4[%squeeze3A_85, %dma_wait3A_322] : memref<1000000x64xf32, #tpu.memory_space<hbm>> -> memref<1x64xf32, #tpu.memory_space<hbm>>
      %dma_wait3A_324 = tpu.memref_squeeze %dma_wait3A_323 : memref<1x64xf32, #tpu.memory_space<hbm>> -> memref<64xf32, #tpu.memory_space<hbm>>
      %dma_wait3A_325 = arith.constant 0 : i32
      %dma_wait3A_326 = tpu.memref_slice %arg8[%dma_wait3A_318, %dma_wait3A_325] : memref<16x64xf32, #tpu.memory_space<vmem>> -> memref<1x64xf32, #tpu.memory_space<vmem>>
      %dma_wait3A_327 = tpu.memref_squeeze %dma_wait3A_326 : memref<1x64xf32, #tpu.memory_space<vmem>> -> memref<64xf32, #tpu.memory_space<vmem>>
      %dma_wait3A_328 = arith.constant 0 : i32
      %dma_wait3A_329 = tpu.memref_slice %arg4[%squeeze3A_85, %dma_wait3A_328] : memref<1000000x64xf32, #tpu.memory_space<hbm>> -> memref<1x64xf32, #tpu.memory_space<hbm>>
      %dma_wait3A_330 = tpu.memref_squeeze %dma_wait3A_329 : memref<1x64xf32, #tpu.memory_space<hbm>> -> memref<64xf32, #tpu.memory_space<hbm>>
      tpu.wait_dma2 semaphore(%arg15 : memref<!tpu.dma_semaphore, #tpu.memory_space<semaphore_mem>>) src(%dma_wait3A_330 : memref<64xf32, #tpu.memory_space<hbm>>) dst(%dma_wait3A_327 : memref<64xf32, #tpu.memory_space<vmem>>)
      %dma_wait3A_331 = arith.constant 6 : i32
      %dma_wait3A_332 = arith.constant 0 : i32
      %dma_wait3A_333 = tpu.memref_slice %arg8[%dma_wait3A_331, %dma_wait3A_332] : memref<16x64xf32, #tpu.memory_space<vmem>> -> memref<1x64xf32, #tpu.memory_space<vmem>>
      %dma_wait3A_334 = tpu.memref_squeeze %dma_wait3A_333 : memref<1x64xf32, #tpu.memory_space<vmem>> -> memref<64xf32, #tpu.memory_space<vmem>>
      %dma_wait3A_335 = arith.constant 0 : i32
      %dma_wait3A_336 = tpu.memref_slice %arg4[%squeeze3A_100, %dma_wait3A_335] : memref<1000000x64xf32, #tpu.memory_space<hbm>> -> memref<1x64xf32, #tpu.memory_space<hbm>>
      %dma_wait3A_337 = tpu.memref_squeeze %dma_wait3A_336 : memref<1x64xf32, #tpu.memory_space<hbm>> -> memref<64xf32, #tpu.memory_space<hbm>>
      %dma_wait3A_338 = arith.constant 0 : i32
      %dma_wait3A_339 = tpu.memref_slice %arg8[%dma_wait3A_331, %dma_wait3A_338] : memref<16x64xf32, #tpu.memory_space<vmem>> -> memref<1x64xf32, #tpu.memory_space<vmem>>
      %dma_wait3A_340 = tpu.memref_squeeze %dma_wait3A_339 : memref<1x64xf32, #tpu.memory_space<vmem>> -> memref<64xf32, #tpu.memory_space<vmem>>
      %dma_wait3A_341 = arith.constant 0 : i32
      %dma_wait3A_342 = tpu.memref_slice %arg4[%squeeze3A_100, %dma_wait3A_341] : memref<1000000x64xf32, #tpu.memory_space<hbm>> -> memref<1x64xf32, #tpu.memory_space<hbm>>
      %dma_wait3A_343 = tpu.memref_squeeze %dma_wait3A_342 : memref<1x64xf32, #tpu.memory_space<hbm>> -> memref<64xf32, #tpu.memory_space<hbm>>
      tpu.wait_dma2 semaphore(%arg15 : memref<!tpu.dma_semaphore, #tpu.memory_space<semaphore_mem>>) src(%dma_wait3A_343 : memref<64xf32, #tpu.memory_space<hbm>>) dst(%dma_wait3A_340 : memref<64xf32, #tpu.memory_space<vmem>>)
      %dma_wait3A_344 = arith.constant 7 : i32
      %dma_wait3A_345 = arith.constant 0 : i32
      %dma_wait3A_346 = tpu.memref_slice %arg8[%dma_wait3A_344, %dma_wait3A_345] : memref<16x64xf32, #tpu.memory_space<vmem>> -> memref<1x64xf32, #tpu.memory_space<vmem>>
      %dma_wait3A_347 = tpu.memref_squeeze %dma_wait3A_346 : memref<1x64xf32, #tpu.memory_space<vmem>> -> memref<64xf32, #tpu.memory_space<vmem>>
      %dma_wait3A_348 = arith.constant 0 : i32
      %dma_wait3A_349 = tpu.memref_slice %arg4[%squeeze3A_115, %dma_wait3A_348] : memref<1000000x64xf32, #tpu.memory_space<hbm>> -> memref<1x64xf32, #tpu.memory_space<hbm>>
      %dma_wait3A_350 = tpu.memref_squeeze %dma_wait3A_349 : memref<1x64xf32, #tpu.memory_space<hbm>> -> memref<64xf32, #tpu.memory_space<hbm>>
      %dma_wait3A_351 = arith.constant 0 : i32
      %dma_wait3A_352 = tpu.memref_slice %arg8[%dma_wait3A_344, %dma_wait3A_351] : memref<16x64xf32, #tpu.memory_space<vmem>> -> memref<1x64xf32, #tpu.memory_space<vmem>>
      %dma_wait3A_353 = tpu.memref_squeeze %dma_wait3A_352 : memref<1x64xf32, #tpu.memory_space<vmem>> -> memref<64xf32, #tpu.memory_space<vmem>>
      %dma_wait3A_354 = arith.constant 0 : i32
      %dma_wait3A_355 = tpu.memref_slice %arg4[%squeeze3A_115, %dma_wait3A_354] : memref<1000000x64xf32, #tpu.memory_space<hbm>> -> memref<1x64xf32, #tpu.memory_space<hbm>>
      %dma_wait3A_356 = tpu.memref_squeeze %dma_wait3A_355 : memref<1x64xf32, #tpu.memory_space<hbm>> -> memref<64xf32, #tpu.memory_space<hbm>>
      tpu.wait_dma2 semaphore(%arg15 : memref<!tpu.dma_semaphore, #tpu.memory_space<semaphore_mem>>) src(%dma_wait3A_356 : memref<64xf32, #tpu.memory_space<hbm>>) dst(%dma_wait3A_353 : memref<64xf32, #tpu.memory_space<vmem>>)
      %dma_wait3A_357 = arith.constant 8 : i32
      %dma_wait3A_358 = arith.constant 0 : i32
      %dma_wait3A_359 = tpu.memref_slice %arg8[%dma_wait3A_357, %dma_wait3A_358] : memref<16x64xf32, #tpu.memory_space<vmem>> -> memref<1x64xf32, #tpu.memory_space<vmem>>
      %dma_wait3A_360 = tpu.memref_squeeze %dma_wait3A_359 : memref<1x64xf32, #tpu.memory_space<vmem>> -> memref<64xf32, #tpu.memory_space<vmem>>
      %dma_wait3A_361 = arith.constant 0 : i32
      %dma_wait3A_362 = tpu.memref_slice %arg4[%squeeze3A_130, %dma_wait3A_361] : memref<1000000x64xf32, #tpu.memory_space<hbm>> -> memref<1x64xf32, #tpu.memory_space<hbm>>
      %dma_wait3A_363 = tpu.memref_squeeze %dma_wait3A_362 : memref<1x64xf32, #tpu.memory_space<hbm>> -> memref<64xf32, #tpu.memory_space<hbm>>
      %dma_wait3A_364 = arith.constant 0 : i32
      %dma_wait3A_365 = tpu.memref_slice %arg8[%dma_wait3A_357, %dma_wait3A_364] : memref<16x64xf32, #tpu.memory_space<vmem>> -> memref<1x64xf32, #tpu.memory_space<vmem>>
      %dma_wait3A_366 = tpu.memref_squeeze %dma_wait3A_365 : memref<1x64xf32, #tpu.memory_space<vmem>> -> memref<64xf32, #tpu.memory_space<vmem>>
      %dma_wait3A_367 = arith.constant 0 : i32
      %dma_wait3A_368 = tpu.memref_slice %arg4[%squeeze3A_130, %dma_wait3A_367] : memref<1000000x64xf32, #tpu.memory_space<hbm>> -> memref<1x64xf32, #tpu.memory_space<hbm>>
      %dma_wait3A_369 = tpu.memref_squeeze %dma_wait3A_368 : memref<1x64xf32, #tpu.memory_space<hbm>> -> memref<64xf32, #tpu.memory_space<hbm>>
      tpu.wait_dma2 semaphore(%arg15 : memref<!tpu.dma_semaphore, #tpu.memory_space<semaphore_mem>>) src(%dma_wait3A_369 : memref<64xf32, #tpu.memory_space<hbm>>) dst(%dma_wait3A_366 : memref<64xf32, #tpu.memory_space<vmem>>)
      %dma_wait3A_370 = arith.constant 9 : i32
      %dma_wait3A_371 = arith.constant 0 : i32
      %dma_wait3A_372 = tpu.memref_slice %arg8[%dma_wait3A_370, %dma_wait3A_371] : memref<16x64xf32, #tpu.memory_space<vmem>> -> memref<1x64xf32, #tpu.memory_space<vmem>>
      %dma_wait3A_373 = tpu.memref_squeeze %dma_wait3A_372 : memref<1x64xf32, #tpu.memory_space<vmem>> -> memref<64xf32, #tpu.memory_space<vmem>>
      %dma_wait3A_374 = arith.constant 0 : i32
      %dma_wait3A_375 = tpu.memref_slice %arg4[%squeeze3A_145, %dma_wait3A_374] : memref<1000000x64xf32, #tpu.memory_space<hbm>> -> memref<1x64xf32, #tpu.memory_space<hbm>>
      %dma_wait3A_376 = tpu.memref_squeeze %dma_wait3A_375 : memref<1x64xf32, #tpu.memory_space<hbm>> -> memref<64xf32, #tpu.memory_space<hbm>>
      %dma_wait3A_377 = arith.constant 0 : i32
      %dma_wait3A_378 = tpu.memref_slice %arg8[%dma_wait3A_370, %dma_wait3A_377] : memref<16x64xf32, #tpu.memory_space<vmem>> -> memref<1x64xf32, #tpu.memory_space<vmem>>
      %dma_wait3A_379 = tpu.memref_squeeze %dma_wait3A_378 : memref<1x64xf32, #tpu.memory_space<vmem>> -> memref<64xf32, #tpu.memory_space<vmem>>
      %dma_wait3A_380 = arith.constant 0 : i32
      %dma_wait3A_381 = tpu.memref_slice %arg4[%squeeze3A_145, %dma_wait3A_380] : memref<1000000x64xf32, #tpu.memory_space<hbm>> -> memref<1x64xf32, #tpu.memory_space<hbm>>
      %dma_wait3A_382 = tpu.memref_squeeze %dma_wait3A_381 : memref<1x64xf32, #tpu.memory_space<hbm>> -> memref<64xf32, #tpu.memory_space<hbm>>
      tpu.wait_dma2 semaphore(%arg15 : memref<!tpu.dma_semaphore, #tpu.memory_space<semaphore_mem>>) src(%dma_wait3A_382 : memref<64xf32, #tpu.memory_space<hbm>>) dst(%dma_wait3A_379 : memref<64xf32, #tpu.memory_space<vmem>>)
      %dma_wait3A_383 = arith.constant 10 : i32
      %dma_wait3A_384 = arith.constant 0 : i32
      %dma_wait3A_385 = tpu.memref_slice %arg8[%dma_wait3A_383, %dma_wait3A_384] : memref<16x64xf32, #tpu.memory_space<vmem>> -> memref<1x64xf32, #tpu.memory_space<vmem>>
      %dma_wait3A_386 = tpu.memref_squeeze %dma_wait3A_385 : memref<1x64xf32, #tpu.memory_space<vmem>> -> memref<64xf32, #tpu.memory_space<vmem>>
      %dma_wait3A_387 = arith.constant 0 : i32
      %dma_wait3A_388 = tpu.memref_slice %arg4[%squeeze3A_160, %dma_wait3A_387] : memref<1000000x64xf32, #tpu.memory_space<hbm>> -> memref<1x64xf32, #tpu.memory_space<hbm>>
      %dma_wait3A_389 = tpu.memref_squeeze %dma_wait3A_388 : memref<1x64xf32, #tpu.memory_space<hbm>> -> memref<64xf32, #tpu.memory_space<hbm>>
      %dma_wait3A_390 = arith.constant 0 : i32
      %dma_wait3A_391 = tpu.memref_slice %arg8[%dma_wait3A_383, %dma_wait3A_390] : memref<16x64xf32, #tpu.memory_space<vmem>> -> memref<1x64xf32, #tpu.memory_space<vmem>>
      %dma_wait3A_392 = tpu.memref_squeeze %dma_wait3A_391 : memref<1x64xf32, #tpu.memory_space<vmem>> -> memref<64xf32, #tpu.memory_space<vmem>>
      %dma_wait3A_393 = arith.constant 0 : i32
      %dma_wait3A_394 = tpu.memref_slice %arg4[%squeeze3A_160, %dma_wait3A_393] : memref<1000000x64xf32, #tpu.memory_space<hbm>> -> memref<1x64xf32, #tpu.memory_space<hbm>>
      %dma_wait3A_395 = tpu.memref_squeeze %dma_wait3A_394 : memref<1x64xf32, #tpu.memory_space<hbm>> -> memref<64xf32, #tpu.memory_space<hbm>>
      tpu.wait_dma2 semaphore(%arg15 : memref<!tpu.dma_semaphore, #tpu.memory_space<semaphore_mem>>) src(%dma_wait3A_395 : memref<64xf32, #tpu.memory_space<hbm>>) dst(%dma_wait3A_392 : memref<64xf32, #tpu.memory_space<vmem>>)
      %dma_wait3A_396 = arith.constant 11 : i32
      %dma_wait3A_397 = arith.constant 0 : i32
      %dma_wait3A_398 = tpu.memref_slice %arg8[%dma_wait3A_396, %dma_wait3A_397] : memref<16x64xf32, #tpu.memory_space<vmem>> -> memref<1x64xf32, #tpu.memory_space<vmem>>
      %dma_wait3A_399 = tpu.memref_squeeze %dma_wait3A_398 : memref<1x64xf32, #tpu.memory_space<vmem>> -> memref<64xf32, #tpu.memory_space<vmem>>
      %dma_wait3A_400 = arith.constant 0 : i32
      %dma_wait3A_401 = tpu.memref_slice %arg4[%squeeze3A_175, %dma_wait3A_400] : memref<1000000x64xf32, #tpu.memory_space<hbm>> -> memref<1x64xf32, #tpu.memory_space<hbm>>
      %dma_wait3A_402 = tpu.memref_squeeze %dma_wait3A_401 : memref<1x64xf32, #tpu.memory_space<hbm>> -> memref<64xf32, #tpu.memory_space<hbm>>
      %dma_wait3A_403 = arith.constant 0 : i32
      %dma_wait3A_404 = tpu.memref_slice %arg8[%dma_wait3A_396, %dma_wait3A_403] : memref<16x64xf32, #tpu.memory_space<vmem>> -> memref<1x64xf32, #tpu.memory_space<vmem>>
      %dma_wait3A_405 = tpu.memref_squeeze %dma_wait3A_404 : memref<1x64xf32, #tpu.memory_space<vmem>> -> memref<64xf32, #tpu.memory_space<vmem>>
      %dma_wait3A_406 = arith.constant 0 : i32
      %dma_wait3A_407 = tpu.memref_slice %arg4[%squeeze3A_175, %dma_wait3A_406] : memref<1000000x64xf32, #tpu.memory_space<hbm>> -> memref<1x64xf32, #tpu.memory_space<hbm>>
      %dma_wait3A_408 = tpu.memref_squeeze %dma_wait3A_407 : memref<1x64xf32, #tpu.memory_space<hbm>> -> memref<64xf32, #tpu.memory_space<hbm>>
      tpu.wait_dma2 semaphore(%arg15 : memref<!tpu.dma_semaphore, #tpu.memory_space<semaphore_mem>>) src(%dma_wait3A_408 : memref<64xf32, #tpu.memory_space<hbm>>) dst(%dma_wait3A_405 : memref<64xf32, #tpu.memory_space<vmem>>)
      %dma_wait3A_409 = arith.constant 12 : i32
      %dma_wait3A_410 = arith.constant 0 : i32
      %dma_wait3A_411 = tpu.memref_slice %arg8[%dma_wait3A_409, %dma_wait3A_410] : memref<16x64xf32, #tpu.memory_space<vmem>> -> memref<1x64xf32, #tpu.memory_space<vmem>>
      %dma_wait3A_412 = tpu.memref_squeeze %dma_wait3A_411 : memref<1x64xf32, #tpu.memory_space<vmem>> -> memref<64xf32, #tpu.memory_space<vmem>>
      %dma_wait3A_413 = arith.constant 0 : i32
      %dma_wait3A_414 = tpu.memref_slice %arg4[%squeeze3A_190, %dma_wait3A_413] : memref<1000000x64xf32, #tpu.memory_space<hbm>> -> memref<1x64xf32, #tpu.memory_space<hbm>>
      %dma_wait3A_415 = tpu.memref_squeeze %dma_wait3A_414 : memref<1x64xf32, #tpu.memory_space<hbm>> -> memref<64xf32, #tpu.memory_space<hbm>>
      %dma_wait3A_416 = arith.constant 0 : i32
      %dma_wait3A_417 = tpu.memref_slice %arg8[%dma_wait3A_409, %dma_wait3A_416] : memref<16x64xf32, #tpu.memory_space<vmem>> -> memref<1x64xf32, #tpu.memory_space<vmem>>
      %dma_wait3A_418 = tpu.memref_squeeze %dma_wait3A_417 : memref<1x64xf32, #tpu.memory_space<vmem>> -> memref<64xf32, #tpu.memory_space<vmem>>
      %dma_wait3A_419 = arith.constant 0 : i32
      %dma_wait3A_420 = tpu.memref_slice %arg4[%squeeze3A_190, %dma_wait3A_419] : memref<1000000x64xf32, #tpu.memory_space<hbm>> -> memref<1x64xf32, #tpu.memory_space<hbm>>
      %dma_wait3A_421 = tpu.memref_squeeze %dma_wait3A_420 : memref<1x64xf32, #tpu.memory_space<hbm>> -> memref<64xf32, #tpu.memory_space<hbm>>
      tpu.wait_dma2 semaphore(%arg15 : memref<!tpu.dma_semaphore, #tpu.memory_space<semaphore_mem>>) src(%dma_wait3A_421 : memref<64xf32, #tpu.memory_space<hbm>>) dst(%dma_wait3A_418 : memref<64xf32, #tpu.memory_space<vmem>>)
      %dma_wait3A_422 = arith.constant 13 : i32
      %dma_wait3A_423 = arith.constant 0 : i32
      %dma_wait3A_424 = tpu.memref_slice %arg8[%dma_wait3A_422, %dma_wait3A_423] : memref<16x64xf32, #tpu.memory_space<vmem>> -> memref<1x64xf32, #tpu.memory_space<vmem>>
      %dma_wait3A_425 = tpu.memref_squeeze %dma_wait3A_424 : memref<1x64xf32, #tpu.memory_space<vmem>> -> memref<64xf32, #tpu.memory_space<vmem>>
      %dma_wait3A_426 = arith.constant 0 : i32
      %dma_wait3A_427 = tpu.memref_slice %arg4[%squeeze3A_205, %dma_wait3A_426] : memref<1000000x64xf32, #tpu.memory_space<hbm>> -> memref<1x64xf32, #tpu.memory_space<hbm>>
      %dma_wait3A_428 = tpu.memref_squeeze %dma_wait3A_427 : memref<1x64xf32, #tpu.memory_space<hbm>> -> memref<64xf32, #tpu.memory_space<hbm>>
      %dma_wait3A_429 = arith.constant 0 : i32
      %dma_wait3A_430 = tpu.memref_slice %arg8[%dma_wait3A_422, %dma_wait3A_429] : memref<16x64xf32, #tpu.memory_space<vmem>> -> memref<1x64xf32, #tpu.memory_space<vmem>>
      %dma_wait3A_431 = tpu.memref_squeeze %dma_wait3A_430 : memref<1x64xf32, #tpu.memory_space<vmem>> -> memref<64xf32, #tpu.memory_space<vmem>>
      %dma_wait3A_432 = arith.constant 0 : i32
      %dma_wait3A_433 = tpu.memref_slice %arg4[%squeeze3A_205, %dma_wait3A_432] : memref<1000000x64xf32, #tpu.memory_space<hbm>> -> memref<1x64xf32, #tpu.memory_space<hbm>>
      %dma_wait3A_434 = tpu.memref_squeeze %dma_wait3A_433 : memref<1x64xf32, #tpu.memory_space<hbm>> -> memref<64xf32, #tpu.memory_space<hbm>>
      tpu.wait_dma2 semaphore(%arg15 : memref<!tpu.dma_semaphore, #tpu.memory_space<semaphore_mem>>) src(%dma_wait3A_434 : memref<64xf32, #tpu.memory_space<hbm>>) dst(%dma_wait3A_431 : memref<64xf32, #tpu.memory_space<vmem>>)
      %dma_wait3A_435 = arith.constant 14 : i32
      %dma_wait3A_436 = arith.constant 0 : i32
      %dma_wait3A_437 = tpu.memref_slice %arg8[%dma_wait3A_435, %dma_wait3A_436] : memref<16x64xf32, #tpu.memory_space<vmem>> -> memref<1x64xf32, #tpu.memory_space<vmem>>
      %dma_wait3A_438 = tpu.memref_squeeze %dma_wait3A_437 : memref<1x64xf32, #tpu.memory_space<vmem>> -> memref<64xf32, #tpu.memory_space<vmem>>
      %dma_wait3A_439 = arith.constant 0 : i32
      %dma_wait3A_440 = tpu.memref_slice %arg4[%squeeze3A_220, %dma_wait3A_439] : memref<1000000x64xf32, #tpu.memory_space<hbm>> -> memref<1x64xf32, #tpu.memory_space<hbm>>
      %dma_wait3A_441 = tpu.memref_squeeze %dma_wait3A_440 : memref<1x64xf32, #tpu.memory_space<hbm>> -> memref<64xf32, #tpu.memory_space<hbm>>
      %dma_wait3A_442 = arith.constant 0 : i32
      %dma_wait3A_443 = tpu.memref_slice %arg8[%dma_wait3A_435, %dma_wait3A_442] : memref<16x64xf32, #tpu.memory_space<vmem>> -> memref<1x64xf32, #tpu.memory_space<vmem>>
      %dma_wait3A_444 = tpu.memref_squeeze %dma_wait3A_443 : memref<1x64xf32, #tpu.memory_space<vmem>> -> memref<64xf32, #tpu.memory_space<vmem>>
      %dma_wait3A_445 = arith.constant 0 : i32
      %dma_wait3A_446 = tpu.memref_slice %arg4[%squeeze3A_220, %dma_wait3A_445] : memref<1000000x64xf32, #tpu.memory_space<hbm>> -> memref<1x64xf32, #tpu.memory_space<hbm>>
      %dma_wait3A_447 = tpu.memref_squeeze %dma_wait3A_446 : memref<1x64xf32, #tpu.memory_space<hbm>> -> memref<64xf32, #tpu.memory_space<hbm>>
      tpu.wait_dma2 semaphore(%arg15 : memref<!tpu.dma_semaphore, #tpu.memory_space<semaphore_mem>>) src(%dma_wait3A_447 : memref<64xf32, #tpu.memory_space<hbm>>) dst(%dma_wait3A_444 : memref<64xf32, #tpu.memory_space<vmem>>)
      %dma_wait3A_448 = arith.constant 15 : i32
      %dma_wait3A_449 = arith.constant 0 : i32
      %dma_wait3A_450 = tpu.memref_slice %arg8[%dma_wait3A_448, %dma_wait3A_449] : memref<16x64xf32, #tpu.memory_space<vmem>> -> memref<1x64xf32, #tpu.memory_space<vmem>>
      %dma_wait3A_451 = tpu.memref_squeeze %dma_wait3A_450 : memref<1x64xf32, #tpu.memory_space<vmem>> -> memref<64xf32, #tpu.memory_space<vmem>>
      %dma_wait3A_452 = arith.constant 0 : i32
      %dma_wait3A_453 = tpu.memref_slice %arg4[%squeeze3A_235, %dma_wait3A_452] : memref<1000000x64xf32, #tpu.memory_space<hbm>> -> memref<1x64xf32, #tpu.memory_space<hbm>>
      %dma_wait3A_454 = tpu.memref_squeeze %dma_wait3A_453 : memref<1x64xf32, #tpu.memory_space<hbm>> -> memref<64xf32, #tpu.memory_space<hbm>>
      %dma_wait3A_455 = arith.constant 0 : i32
      %dma_wait3A_456 = tpu.memref_slice %arg8[%dma_wait3A_448, %dma_wait3A_455] : memref<16x64xf32, #tpu.memory_space<vmem>> -> memref<1x64xf32, #tpu.memory_space<vmem>>
      %dma_wait3A_457 = tpu.memref_squeeze %dma_wait3A_456 : memref<1x64xf32, #tpu.memory_space<vmem>> -> memref<64xf32, #tpu.memory_space<vmem>>
      %dma_wait3A_458 = arith.constant 0 : i32
      %dma_wait3A_459 = tpu.memref_slice %arg4[%squeeze3A_235, %dma_wait3A_458] : memref<1000000x64xf32, #tpu.memory_space<hbm>> -> memref<1x64xf32, #tpu.memory_space<hbm>>
      %dma_wait3A_460 = tpu.memref_squeeze %dma_wait3A_459 : memref<1x64xf32, #tpu.memory_space<hbm>> -> memref<64xf32, #tpu.memory_space<hbm>>
      tpu.wait_dma2 semaphore(%arg15 : memref<!tpu.dma_semaphore, #tpu.memory_space<semaphore_mem>>) src(%dma_wait3A_460 : memref<64xf32, #tpu.memory_space<hbm>>) dst(%dma_wait3A_457 : memref<64xf32, #tpu.memory_space<vmem>>)
      %broadcast_in_dim3A = arith.constant 0.000000e+00 : f32
      %broadcast_in_dim3A_461 = vector.broadcast %broadcast_in_dim3A : f32 to vector<16xf32>
      %broadcast_in_dim3A_462 = arith.constant 0.000000e+00 : f32
      %broadcast_in_dim3A_463 = vector.broadcast %broadcast_in_dim3A_462 : f32 to vector<16xf32>
      %broadcast_in_dim3A_464 = arith.constant 0.000000e+00 : f32
      %broadcast_in_dim3A_465 = vector.broadcast %broadcast_in_dim3A_464 : f32 to vector<16xf32>
      %broadcast_in_dim3A_466 = arith.constant 0.000000e+00 : f32
      %broadcast_in_dim3A_467 = vector.broadcast %broadcast_in_dim3A_466 : f32 to vector<16xf32>
      %add3A = arith.constant 0 : i32
      %add3A_468 = arith.addi %mul3A_9, %add3A : i32
      %lt3A = arith.constant 200 : i32
      %lt3A_469 = arith.cmpi slt, %add3A_468, %lt3A : i32
      %jit3A = arith.constant 1.000000e+00 : f32
      %jit3A_470 = arith.constant 0.000000e+00 : f32
      %select_n3A = arith.select %lt3A_469, %jit3A, %jit3A_470 : f32
      %get3A_471 = arith.constant 0 : i32
      %get3A_472 = arith.index_cast %get3A_471 : i32 to index
      %get3A_473 = arith.constant 0 : index
      %get3A_474 = tpu.vector_load %arg8[%get3A_472, %get3A_473] {strides = array<i32>} : memref<16x64xf32, #tpu.memory_space<vmem>>, vector<1x16xf32>,
      %get3A_475 = vector.shape_cast %get3A_474 : vector<1x16xf32> to vector<16xf32>
      %mul3A_476 = vector.broadcast %select_n3A : f32 to vector<16xf32>
      %mul3A_477 = arith.mulf %get3A_475, %mul3A_476 : vector<16xf32>
      %add3A_478 = arith.addf %broadcast_in_dim3A_461, %mul3A_477 : vector<16xf32>
      %get3A_479 = arith.constant 0 : i32
      %get3A_480 = arith.index_cast %get3A_479 : i32 to index
      %get3A_481 = arith.constant 16 : index
      %get3A_482 = tpu.vector_load %arg8[%get3A_480, %get3A_481] {strides = array<i32>} : memref<16x64xf32, #tpu.memory_space<vmem>>, vector<1x16xf32>,
      %get3A_483 = vector.shape_cast %get3A_482 : vector<1x16xf32> to vector<16xf32>
      %mul3A_484 = vector.broadcast %select_n3A : f32 to vector<16xf32>
      %mul3A_485 = arith.mulf %get3A_483, %mul3A_484 : vector<16xf32>
      %add3A_486 = arith.addf %broadcast_in_dim3A_463, %mul3A_485 : vector<16xf32>
      %get3A_487 = arith.constant 0 : i32
      %get3A_488 = arith.index_cast %get3A_487 : i32 to index
      %get3A_489 = arith.constant 32 : index
      %get3A_490 = tpu.vector_load %arg8[%get3A_488, %get3A_489] {strides = array<i32>} : memref<16x64xf32, #tpu.memory_space<vmem>>, vector<1x16xf32>,
      %get3A_491 = vector.shape_cast %get3A_490 : vector<1x16xf32> to vector<16xf32>
      %mul3A_492 = vector.broadcast %select_n3A : f32 to vector<16xf32>
      %mul3A_493 = arith.mulf %get3A_491, %mul3A_492 : vector<16xf32>
      %add3A_494 = arith.addf %broadcast_in_dim3A_465, %mul3A_493 : vector<16xf32>
      %get3A_495 = arith.constant 0 : i32
      %get3A_496 = arith.index_cast %get3A_495 : i32 to index
      %get3A_497 = arith.constant 48 : index
      %get3A_498 = tpu.vector_load %arg8[%get3A_496, %get3A_497] {strides = array<i32>} : memref<16x64xf32, #tpu.memory_space<vmem>>, vector<1x16xf32>,
      %get3A_499 = vector.shape_cast %get3A_498 : vector<1x16xf32> to vector<16xf32>
      %mul3A_500 = vector.broadcast %select_n3A : f32 to vector<16xf32>
      %mul3A_501 = arith.mulf %get3A_499, %mul3A_500 : vector<16xf32>
      %add3A_502 = arith.addf %broadcast_in_dim3A_467, %mul3A_501 : vector<16xf32>
      %add3A_503 = arith.constant 1 : i32
      %add3A_504 = arith.addi %mul3A_9, %add3A_503 : i32
      %lt3A_505 = arith.constant 200 : i32
      %lt3A_506 = arith.cmpi slt, %add3A_504, %lt3A_505 : i32
      %jit3A_507 = arith.constant 1.000000e+00 : f32
      %jit3A_508 = arith.constant 0.000000e+00 : f32
      %select_n3A_509 = arith.select %lt3A_506, %jit3A_507, %jit3A_508 : f32
      %get3A_510 = arith.constant 1 : i32
      %get3A_511 = arith.index_cast %get3A_510 : i32 to index
      %get3A_512 = arith.constant 0 : index
      %get3A_513 = tpu.vector_load %arg8[%get3A_511, %get3A_512] {strides = array<i32>} : memref<16x64xf32, #tpu.memory_space<vmem>>, vector<1x16xf32>,
      %get3A_514 = vector.shape_cast %get3A_513 : vector<1x16xf32> to vector<16xf32>
      %mul3A_515 = vector.broadcast %select_n3A_509 : f32 to vector<16xf32>
      %mul3A_516 = arith.mulf %get3A_514, %mul3A_515 : vector<16xf32>
      %add3A_517 = arith.addf %add3A_478, %mul3A_516 : vector<16xf32>
      %get3A_518 = arith.constant 1 : i32
      %get3A_519 = arith.index_cast %get3A_518 : i32 to index
      %get3A_520 = arith.constant 16 : index
      %get3A_521 = tpu.vector_load %arg8[%get3A_519, %get3A_520] {strides = array<i32>} : memref<16x64xf32, #tpu.memory_space<vmem>>, vector<1x16xf32>,
      %get3A_522 = vector.shape_cast %get3A_521 : vector<1x16xf32> to vector<16xf32>
      %mul3A_523 = vector.broadcast %select_n3A_509 : f32 to vector<16xf32>
      %mul3A_524 = arith.mulf %get3A_522, %mul3A_523 : vector<16xf32>
      %add3A_525 = arith.addf %add3A_486, %mul3A_524 : vector<16xf32>
      %get3A_526 = arith.constant 1 : i32
      %get3A_527 = arith.index_cast %get3A_526 : i32 to index
      %get3A_528 = arith.constant 32 : index
      %get3A_529 = tpu.vector_load %arg8[%get3A_527, %get3A_528] {strides = array<i32>} : memref<16x64xf32, #tpu.memory_space<vmem>>, vector<1x16xf32>,
      %get3A_530 = vector.shape_cast %get3A_529 : vector<1x16xf32> to vector<16xf32>
      %mul3A_531 = vector.broadcast %select_n3A_509 : f32 to vector<16xf32>
      %mul3A_532 = arith.mulf %get3A_530, %mul3A_531 : vector<16xf32>
      %add3A_533 = arith.addf %add3A_494, %mul3A_532 : vector<16xf32>
      %get3A_534 = arith.constant 1 : i32
      %get3A_535 = arith.index_cast %get3A_534 : i32 to index
      %get3A_536 = arith.constant 48 : index
      %get3A_537 = tpu.vector_load %arg8[%get3A_535, %get3A_536] {strides = array<i32>} : memref<16x64xf32, #tpu.memory_space<vmem>>, vector<1x16xf32>,
      %get3A_538 = vector.shape_cast %get3A_537 : vector<1x16xf32> to vector<16xf32>
      %mul3A_539 = vector.broadcast %select_n3A_509 : f32 to vector<16xf32>
      %mul3A_540 = arith.mulf %get3A_538, %mul3A_539 : vector<16xf32>
      %add3A_541 = arith.addf %add3A_502, %mul3A_540 : vector<16xf32>
      %add3A_542 = arith.constant 2 : i32
      %add3A_543 = arith.addi %mul3A_9, %add3A_542 : i32
      %lt3A_544 = arith.constant 200 : i32
      %lt3A_545 = arith.cmpi slt, %add3A_543, %lt3A_544 : i32
      %jit3A_546 = arith.constant 1.000000e+00 : f32
      %jit3A_547 = arith.constant 0.000000e+00 : f32
      %select_n3A_548 = arith.select %lt3A_545, %jit3A_546, %jit3A_547 : f32
      %get3A_549 = arith.constant 2 : i32
      %get3A_550 = arith.index_cast %get3A_549 : i32 to index
      %get3A_551 = arith.constant 0 : index
      %get3A_552 = tpu.vector_load %arg8[%get3A_550, %get3A_551] {strides = array<i32>} : memref<16x64xf32, #tpu.memory_space<vmem>>, vector<1x16xf32>,
      %get3A_553 = vector.shape_cast %get3A_552 : vector<1x16xf32> to vector<16xf32>
      %mul3A_554 = vector.broadcast %select_n3A_548 : f32 to vector<16xf32>
      %mul3A_555 = arith.mulf %get3A_553, %mul3A_554 : vector<16xf32>
      %add3A_556 = arith.addf %add3A_517, %mul3A_555 : vector<16xf32>
      %get3A_557 = arith.constant 2 : i32
      %get3A_558 = arith.index_cast %get3A_557 : i32 to index
      %get3A_559 = arith.constant 16 : index
      %get3A_560 = tpu.vector_load %arg8[%get3A_558, %get3A_559] {strides = array<i32>} : memref<16x64xf32, #tpu.memory_space<vmem>>, vector<1x16xf32>,
      %get3A_561 = vector.shape_cast %get3A_560 : vector<1x16xf32> to vector<16xf32>
      %mul3A_562 = vector.broadcast %select_n3A_548 : f32 to vector<16xf32>
      %mul3A_563 = arith.mulf %get3A_561, %mul3A_562 : vector<16xf32>
      %add3A_564 = arith.addf %add3A_525, %mul3A_563 : vector<16xf32>
      %get3A_565 = arith.constant 2 : i32
      %get3A_566 = arith.index_cast %get3A_565 : i32 to index
      %get3A_567 = arith.constant 32 : index
      %get3A_568 = tpu.vector_load %arg8[%get3A_566, %get3A_567] {strides = array<i32>} : memref<16x64xf32, #tpu.memory_space<vmem>>, vector<1x16xf32>,
      %get3A_569 = vector.shape_cast %get3A_568 : vector<1x16xf32> to vector<16xf32>
      %mul3A_570 = vector.broadcast %select_n3A_548 : f32 to vector<16xf32>
      %mul3A_571 = arith.mulf %get3A_569, %mul3A_570 : vector<16xf32>
      %add3A_572 = arith.addf %add3A_533, %mul3A_571 : vector<16xf32>
      %get3A_573 = arith.constant 2 : i32
      %get3A_574 = arith.index_cast %get3A_573 : i32 to index
      %get3A_575 = arith.constant 48 : index
      %get3A_576 = tpu.vector_load %arg8[%get3A_574, %get3A_575] {strides = array<i32>} : memref<16x64xf32, #tpu.memory_space<vmem>>, vector<1x16xf32>,
      %get3A_577 = vector.shape_cast %get3A_576 : vector<1x16xf32> to vector<16xf32>
      %mul3A_578 = vector.broadcast %select_n3A_548 : f32 to vector<16xf32>
      %mul3A_579 = arith.mulf %get3A_577, %mul3A_578 : vector<16xf32>
      %add3A_580 = arith.addf %add3A_541, %mul3A_579 : vector<16xf32>
      %add3A_581 = arith.constant 3 : i32
      %add3A_582 = arith.addi %mul3A_9, %add3A_581 : i32
      %lt3A_583 = arith.constant 200 : i32
      %lt3A_584 = arith.cmpi slt, %add3A_582, %lt3A_583 : i32
      %jit3A_585 = arith.constant 1.000000e+00 : f32
      %jit3A_586 = arith.constant 0.000000e+00 : f32
      %select_n3A_587 = arith.select %lt3A_584, %jit3A_585, %jit3A_586 : f32
      %get3A_588 = arith.constant 3 : i32
      %get3A_589 = arith.index_cast %get3A_588 : i32 to index
      %get3A_590 = arith.constant 0 : index
      %get3A_591 = tpu.vector_load %arg8[%get3A_589, %get3A_590] {strides = array<i32>} : memref<16x64xf32, #tpu.memory_space<vmem>>, vector<1x16xf32>,
      %get3A_592 = vector.shape_cast %get3A_591 : vector<1x16xf32> to vector<16xf32>
      %mul3A_593 = vector.broadcast %select_n3A_587 : f32 to vector<16xf32>
      %mul3A_594 = arith.mulf %get3A_592, %mul3A_593 : vector<16xf32>
      %add3A_595 = arith.addf %add3A_556, %mul3A_594 : vector<16xf32>
      %get3A_596 = arith.constant 3 : i32
      %get3A_597 = arith.index_cast %get3A_596 : i32 to index
      %get3A_598 = arith.constant 16 : index
      %get3A_599 = tpu.vector_load %arg8[%get3A_597, %get3A_598] {strides = array<i32>} : memref<16x64xf32, #tpu.memory_space<vmem>>, vector<1x16xf32>,
      %get3A_600 = vector.shape_cast %get3A_599 : vector<1x16xf32> to vector<16xf32>
      %mul3A_601 = vector.broadcast %select_n3A_587 : f32 to vector<16xf32>
      %mul3A_602 = arith.mulf %get3A_600, %mul3A_601 : vector<16xf32>
      %add3A_603 = arith.addf %add3A_564, %mul3A_602 : vector<16xf32>
      %get3A_604 = arith.constant 3 : i32
      %get3A_605 = arith.index_cast %get3A_604 : i32 to index
      %get3A_606 = arith.constant 32 : index
      %get3A_607 = tpu.vector_load %arg8[%get3A_605, %get3A_606] {strides = array<i32>} : memref<16x64xf32, #tpu.memory_space<vmem>>, vector<1x16xf32>,
      %get3A_608 = vector.shape_cast %get3A_607 : vector<1x16xf32> to vector<16xf32>
      %mul3A_609 = vector.broadcast %select_n3A_587 : f32 to vector<16xf32>
      %mul3A_610 = arith.mulf %get3A_608, %mul3A_609 : vector<16xf32>
      %add3A_611 = arith.addf %add3A_572, %mul3A_610 : vector<16xf32>
      %get3A_612 = arith.constant 3 : i32
      %get3A_613 = arith.index_cast %get3A_612 : i32 to index
      %get3A_614 = arith.constant 48 : index
      %get3A_615 = tpu.vector_load %arg8[%get3A_613, %get3A_614] {strides = array<i32>} : memref<16x64xf32, #tpu.memory_space<vmem>>, vector<1x16xf32>,
      %get3A_616 = vector.shape_cast %get3A_615 : vector<1x16xf32> to vector<16xf32>
      %mul3A_617 = vector.broadcast %select_n3A_587 : f32 to vector<16xf32>
      %mul3A_618 = arith.mulf %get3A_616, %mul3A_617 : vector<16xf32>
      %add3A_619 = arith.addf %add3A_580, %mul3A_618 : vector<16xf32>
      %add3A_620 = arith.constant 4 : i32
      %add3A_621 = arith.addi %mul3A_9, %add3A_620 : i32
      %lt3A_622 = arith.constant 200 : i32
      %lt3A_623 = arith.cmpi slt, %add3A_621, %lt3A_622 : i32
      %jit3A_624 = arith.constant 1.000000e+00 : f32
      %jit3A_625 = arith.constant 0.000000e+00 : f32
      %select_n3A_626 = arith.select %lt3A_623, %jit3A_624, %jit3A_625 : f32
      %get3A_627 = arith.constant 4 : i32
      %get3A_628 = arith.index_cast %get3A_627 : i32 to index
      %get3A_629 = arith.constant 0 : index
      %get3A_630 = tpu.vector_load %arg8[%get3A_628, %get3A_629] {strides = array<i32>} : memref<16x64xf32, #tpu.memory_space<vmem>>, vector<1x16xf32>,
      %get3A_631 = vector.shape_cast %get3A_630 : vector<1x16xf32> to vector<16xf32>
      %mul3A_632 = vector.broadcast %select_n3A_626 : f32 to vector<16xf32>
      %mul3A_633 = arith.mulf %get3A_631, %mul3A_632 : vector<16xf32>
      %add3A_634 = arith.addf %add3A_595, %mul3A_633 : vector<16xf32>
      %get3A_635 = arith.constant 4 : i32
      %get3A_636 = arith.index_cast %get3A_635 : i32 to index
      %get3A_637 = arith.constant 16 : index
      %get3A_638 = tpu.vector_load %arg8[%get3A_636, %get3A_637] {strides = array<i32>} : memref<16x64xf32, #tpu.memory_space<vmem>>, vector<1x16xf32>,
      %get3A_639 = vector.shape_cast %get3A_638 : vector<1x16xf32> to vector<16xf32>
      %mul3A_640 = vector.broadcast %select_n3A_626 : f32 to vector<16xf32>
      %mul3A_641 = arith.mulf %get3A_639, %mul3A_640 : vector<16xf32>
      %add3A_642 = arith.addf %add3A_603, %mul3A_641 : vector<16xf32>
      %get3A_643 = arith.constant 4 : i32
      %get3A_644 = arith.index_cast %get3A_643 : i32 to index
      %get3A_645 = arith.constant 32 : index
      %get3A_646 = tpu.vector_load %arg8[%get3A_644, %get3A_645] {strides = array<i32>} : memref<16x64xf32, #tpu.memory_space<vmem>>, vector<1x16xf32>,
      %get3A_647 = vector.shape_cast %get3A_646 : vector<1x16xf32> to vector<16xf32>
      %mul3A_648 = vector.broadcast %select_n3A_626 : f32 to vector<16xf32>
      %mul3A_649 = arith.mulf %get3A_647, %mul3A_648 : vector<16xf32>
      %add3A_650 = arith.addf %add3A_611, %mul3A_649 : vector<16xf32>
      %get3A_651 = arith.constant 4 : i32
      %get3A_652 = arith.index_cast %get3A_651 : i32 to index
      %get3A_653 = arith.constant 48 : index
      %get3A_654 = tpu.vector_load %arg8[%get3A_652, %get3A_653] {strides = array<i32>} : memref<16x64xf32, #tpu.memory_space<vmem>>, vector<1x16xf32>,
      %get3A_655 = vector.shape_cast %get3A_654 : vector<1x16xf32> to vector<16xf32>
      %mul3A_656 = vector.broadcast %select_n3A_626 : f32 to vector<16xf32>
      %mul3A_657 = arith.mulf %get3A_655, %mul3A_656 : vector<16xf32>
      %add3A_658 = arith.addf %add3A_619, %mul3A_657 : vector<16xf32>
      %add3A_659 = arith.constant 5 : i32
      %add3A_660 = arith.addi %mul3A_9, %add3A_659 : i32
      %lt3A_661 = arith.constant 200 : i32
      %lt3A_662 = arith.cmpi slt, %add3A_660, %lt3A_661 : i32
      %jit3A_663 = arith.constant 1.000000e+00 : f32
      %jit3A_664 = arith.constant 0.000000e+00 : f32
      %select_n3A_665 = arith.select %lt3A_662, %jit3A_663, %jit3A_664 : f32
      %get3A_666 = arith.constant 5 : i32
      %get3A_667 = arith.index_cast %get3A_666 : i32 to index
      %get3A_668 = arith.constant 0 : index
      %get3A_669 = tpu.vector_load %arg8[%get3A_667, %get3A_668] {strides = array<i32>} : memref<16x64xf32, #tpu.memory_space<vmem>>, vector<1x16xf32>,
      %get3A_670 = vector.shape_cast %get3A_669 : vector<1x16xf32> to vector<16xf32>
      %mul3A_671 = vector.broadcast %select_n3A_665 : f32 to vector<16xf32>
      %mul3A_672 = arith.mulf %get3A_670, %mul3A_671 : vector<16xf32>
      %add3A_673 = arith.addf %add3A_634, %mul3A_672 : vector<16xf32>
      %get3A_674 = arith.constant 5 : i32
      %get3A_675 = arith.index_cast %get3A_674 : i32 to index
      %get3A_676 = arith.constant 16 : index
      %get3A_677 = tpu.vector_load %arg8[%get3A_675, %get3A_676] {strides = array<i32>} : memref<16x64xf32, #tpu.memory_space<vmem>>, vector<1x16xf32>,
      %get3A_678 = vector.shape_cast %get3A_677 : vector<1x16xf32> to vector<16xf32>
      %mul3A_679 = vector.broadcast %select_n3A_665 : f32 to vector<16xf32>
      %mul3A_680 = arith.mulf %get3A_678, %mul3A_679 : vector<16xf32>
      %add3A_681 = arith.addf %add3A_642, %mul3A_680 : vector<16xf32>
      %get3A_682 = arith.constant 5 : i32
      %get3A_683 = arith.index_cast %get3A_682 : i32 to index
      %get3A_684 = arith.constant 32 : index
      %get3A_685 = tpu.vector_load %arg8[%get3A_683, %get3A_684] {strides = array<i32>} : memref<16x64xf32, #tpu.memory_space<vmem>>, vector<1x16xf32>,
      %get3A_686 = vector.shape_cast %get3A_685 : vector<1x16xf32> to vector<16xf32>
      %mul3A_687 = vector.broadcast %select_n3A_665 : f32 to vector<16xf32>
      %mul3A_688 = arith.mulf %get3A_686, %mul3A_687 : vector<16xf32>
      %add3A_689 = arith.addf %add3A_650, %mul3A_688 : vector<16xf32>
      %get3A_690 = arith.constant 5 : i32
      %get3A_691 = arith.index_cast %get3A_690 : i32 to index
      %get3A_692 = arith.constant 48 : index
      %get3A_693 = tpu.vector_load %arg8[%get3A_691, %get3A_692] {strides = array<i32>} : memref<16x64xf32, #tpu.memory_space<vmem>>, vector<1x16xf32>,
      %get3A_694 = vector.shape_cast %get3A_693 : vector<1x16xf32> to vector<16xf32>
      %mul3A_695 = vector.broadcast %select_n3A_665 : f32 to vector<16xf32>
      %mul3A_696 = arith.mulf %get3A_694, %mul3A_695 : vector<16xf32>
      %add3A_697 = arith.addf %add3A_658, %mul3A_696 : vector<16xf32>
      %add3A_698 = arith.constant 6 : i32
      %add3A_699 = arith.addi %mul3A_9, %add3A_698 : i32
      %lt3A_700 = arith.constant 200 : i32
      %lt3A_701 = arith.cmpi slt, %add3A_699, %lt3A_700 : i32
      %jit3A_702 = arith.constant 1.000000e+00 : f32
      %jit3A_703 = arith.constant 0.000000e+00 : f32
      %select_n3A_704 = arith.select %lt3A_701, %jit3A_702, %jit3A_703 : f32
      %get3A_705 = arith.constant 6 : i32
      %get3A_706 = arith.index_cast %get3A_705 : i32 to index
      %get3A_707 = arith.constant 0 : index
      %get3A_708 = tpu.vector_load %arg8[%get3A_706, %get3A_707] {strides = array<i32>} : memref<16x64xf32, #tpu.memory_space<vmem>>, vector<1x16xf32>,
      %get3A_709 = vector.shape_cast %get3A_708 : vector<1x16xf32> to vector<16xf32>
      %mul3A_710 = vector.broadcast %select_n3A_704 : f32 to vector<16xf32>
      %mul3A_711 = arith.mulf %get3A_709, %mul3A_710 : vector<16xf32>
      %add3A_712 = arith.addf %add3A_673, %mul3A_711 : vector<16xf32>
      %get3A_713 = arith.constant 6 : i32
      %get3A_714 = arith.index_cast %get3A_713 : i32 to index
      %get3A_715 = arith.constant 16 : index
      %get3A_716 = tpu.vector_load %arg8[%get3A_714, %get3A_715] {strides = array<i32>} : memref<16x64xf32, #tpu.memory_space<vmem>>, vector<1x16xf32>,
      %get3A_717 = vector.shape_cast %get3A_716 : vector<1x16xf32> to vector<16xf32>
      %mul3A_718 = vector.broadcast %select_n3A_704 : f32 to vector<16xf32>
      %mul3A_719 = arith.mulf %get3A_717, %mul3A_718 : vector<16xf32>
      %add3A_720 = arith.addf %add3A_681, %mul3A_719 : vector<16xf32>
      %get3A_721 = arith.constant 6 : i32
      %get3A_722 = arith.index_cast %get3A_721 : i32 to index
      %get3A_723 = arith.constant 32 : index
      %get3A_724 = tpu.vector_load %arg8[%get3A_722, %get3A_723] {strides = array<i32>} : memref<16x64xf32, #tpu.memory_space<vmem>>, vector<1x16xf32>,
      %get3A_725 = vector.shape_cast %get3A_724 : vector<1x16xf32> to vector<16xf32>
      %mul3A_726 = vector.broadcast %select_n3A_704 : f32 to vector<16xf32>
      %mul3A_727 = arith.mulf %get3A_725, %mul3A_726 : vector<16xf32>
      %add3A_728 = arith.addf %add3A_689, %mul3A_727 : vector<16xf32>
      %get3A_729 = arith.constant 6 : i32
      %get3A_730 = arith.index_cast %get3A_729 : i32 to index
      %get3A_731 = arith.constant 48 : index
      %get3A_732 = tpu.vector_load %arg8[%get3A_730, %get3A_731] {strides = array<i32>} : memref<16x64xf32, #tpu.memory_space<vmem>>, vector<1x16xf32>,
      %get3A_733 = vector.shape_cast %get3A_732 : vector<1x16xf32> to vector<16xf32>
      %mul3A_734 = vector.broadcast %select_n3A_704 : f32 to vector<16xf32>
      %mul3A_735 = arith.mulf %get3A_733, %mul3A_734 : vector<16xf32>
      %add3A_736 = arith.addf %add3A_697, %mul3A_735 : vector<16xf32>
      %add3A_737 = arith.constant 7 : i32
      %add3A_738 = arith.addi %mul3A_9, %add3A_737 : i32
      %lt3A_739 = arith.constant 200 : i32
      %lt3A_740 = arith.cmpi slt, %add3A_738, %lt3A_739 : i32
      %jit3A_741 = arith.constant 1.000000e+00 : f32
      %jit3A_742 = arith.constant 0.000000e+00 : f32
      %select_n3A_743 = arith.select %lt3A_740, %jit3A_741, %jit3A_742 : f32
      %get3A_744 = arith.constant 7 : i32
      %get3A_745 = arith.index_cast %get3A_744 : i32 to index
      %get3A_746 = arith.constant 0 : index
      %get3A_747 = tpu.vector_load %arg8[%get3A_745, %get3A_746] {strides = array<i32>} : memref<16x64xf32, #tpu.memory_space<vmem>>, vector<1x16xf32>,
      %get3A_748 = vector.shape_cast %get3A_747 : vector<1x16xf32> to vector<16xf32>
      %mul3A_749 = vector.broadcast %select_n3A_743 : f32 to vector<16xf32>
      %mul3A_750 = arith.mulf %get3A_748, %mul3A_749 : vector<16xf32>
      %add3A_751 = arith.addf %add3A_712, %mul3A_750 : vector<16xf32>
      %get3A_752 = arith.constant 7 : i32
      %get3A_753 = arith.index_cast %get3A_752 : i32 to index
      %get3A_754 = arith.constant 16 : index
      %get3A_755 = tpu.vector_load %arg8[%get3A_753, %get3A_754] {strides = array<i32>} : memref<16x64xf32, #tpu.memory_space<vmem>>, vector<1x16xf32>,
      %get3A_756 = vector.shape_cast %get3A_755 : vector<1x16xf32> to vector<16xf32>
      %mul3A_757 = vector.broadcast %select_n3A_743 : f32 to vector<16xf32>
      %mul3A_758 = arith.mulf %get3A_756, %mul3A_757 : vector<16xf32>
      %add3A_759 = arith.addf %add3A_720, %mul3A_758 : vector<16xf32>
      %get3A_760 = arith.constant 7 : i32
      %get3A_761 = arith.index_cast %get3A_760 : i32 to index
      %get3A_762 = arith.constant 32 : index
      %get3A_763 = tpu.vector_load %arg8[%get3A_761, %get3A_762] {strides = array<i32>} : memref<16x64xf32, #tpu.memory_space<vmem>>, vector<1x16xf32>,
      %get3A_764 = vector.shape_cast %get3A_763 : vector<1x16xf32> to vector<16xf32>
      %mul3A_765 = vector.broadcast %select_n3A_743 : f32 to vector<16xf32>
      %mul3A_766 = arith.mulf %get3A_764, %mul3A_765 : vector<16xf32>
      %add3A_767 = arith.addf %add3A_728, %mul3A_766 : vector<16xf32>
      %get3A_768 = arith.constant 7 : i32
      %get3A_769 = arith.index_cast %get3A_768 : i32 to index
      %get3A_770 = arith.constant 48 : index
      %get3A_771 = tpu.vector_load %arg8[%get3A_769, %get3A_770] {strides = array<i32>} : memref<16x64xf32, #tpu.memory_space<vmem>>, vector<1x16xf32>,
      %get3A_772 = vector.shape_cast %get3A_771 : vector<1x16xf32> to vector<16xf32>
      %mul3A_773 = vector.broadcast %select_n3A_743 : f32 to vector<16xf32>
      %mul3A_774 = arith.mulf %get3A_772, %mul3A_773 : vector<16xf32>
      %add3A_775 = arith.addf %add3A_736, %mul3A_774 : vector<16xf32>
      %add3A_776 = arith.constant 8 : i32
      %add3A_777 = arith.addi %mul3A_9, %add3A_776 : i32
      %lt3A_778 = arith.constant 200 : i32
      %lt3A_779 = arith.cmpi slt, %add3A_777, %lt3A_778 : i32
      %jit3A_780 = arith.constant 1.000000e+00 : f32
      %jit3A_781 = arith.constant 0.000000e+00 : f32
      %select_n3A_782 = arith.select %lt3A_779, %jit3A_780, %jit3A_781 : f32
      %get3A_783 = arith.constant 8 : i32
      %get3A_784 = arith.index_cast %get3A_783 : i32 to index
      %get3A_785 = arith.constant 0 : index
      %get3A_786 = tpu.vector_load %arg8[%get3A_784, %get3A_785] {strides = array<i32>} : memref<16x64xf32, #tpu.memory_space<vmem>>, vector<1x16xf32>,
      %get3A_787 = vector.shape_cast %get3A_786 : vector<1x16xf32> to vector<16xf32>
      %mul3A_788 = vector.broadcast %select_n3A_782 : f32 to vector<16xf32>
      %mul3A_789 = arith.mulf %get3A_787, %mul3A_788 : vector<16xf32>
      %add3A_790 = arith.addf %add3A_751, %mul3A_789 : vector<16xf32>
      %get3A_791 = arith.constant 8 : i32
      %get3A_792 = arith.index_cast %get3A_791 : i32 to index
      %get3A_793 = arith.constant 16 : index
      %get3A_794 = tpu.vector_load %arg8[%get3A_792, %get3A_793] {strides = array<i32>} : memref<16x64xf32, #tpu.memory_space<vmem>>, vector<1x16xf32>,
      %get3A_795 = vector.shape_cast %get3A_794 : vector<1x16xf32> to vector<16xf32>
      %mul3A_796 = vector.broadcast %select_n3A_782 : f32 to vector<16xf32>
      %mul3A_797 = arith.mulf %get3A_795, %mul3A_796 : vector<16xf32>
      %add3A_798 = arith.addf %add3A_759, %mul3A_797 : vector<16xf32>
      %get3A_799 = arith.constant 8 : i32
      %get3A_800 = arith.index_cast %get3A_799 : i32 to index
      %get3A_801 = arith.constant 32 : index
      %get3A_802 = tpu.vector_load %arg8[%get3A_800, %get3A_801] {strides = array<i32>} : memref<16x64xf32, #tpu.memory_space<vmem>>, vector<1x16xf32>,
      %get3A_803 = vector.shape_cast %get3A_802 : vector<1x16xf32> to vector<16xf32>
      %mul3A_804 = vector.broadcast %select_n3A_782 : f32 to vector<16xf32>
      %mul3A_805 = arith.mulf %get3A_803, %mul3A_804 : vector<16xf32>
      %add3A_806 = arith.addf %add3A_767, %mul3A_805 : vector<16xf32>
      %get3A_807 = arith.constant 8 : i32
      %get3A_808 = arith.index_cast %get3A_807 : i32 to index
      %get3A_809 = arith.constant 48 : index
      %get3A_810 = tpu.vector_load %arg8[%get3A_808, %get3A_809] {strides = array<i32>} : memref<16x64xf32, #tpu.memory_space<vmem>>, vector<1x16xf32>,
      %get3A_811 = vector.shape_cast %get3A_810 : vector<1x16xf32> to vector<16xf32>
      %mul3A_812 = vector.broadcast %select_n3A_782 : f32 to vector<16xf32>
      %mul3A_813 = arith.mulf %get3A_811, %mul3A_812 : vector<16xf32>
      %add3A_814 = arith.addf %add3A_775, %mul3A_813 : vector<16xf32>
      %add3A_815 = arith.constant 9 : i32
      %add3A_816 = arith.addi %mul3A_9, %add3A_815 : i32
      %lt3A_817 = arith.constant 200 : i32
      %lt3A_818 = arith.cmpi slt, %add3A_816, %lt3A_817 : i32
      %jit3A_819 = arith.constant 1.000000e+00 : f32
      %jit3A_820 = arith.constant 0.000000e+00 : f32
      %select_n3A_821 = arith.select %lt3A_818, %jit3A_819, %jit3A_820 : f32
      %get3A_822 = arith.constant 9 : i32
      %get3A_823 = arith.index_cast %get3A_822 : i32 to index
      %get3A_824 = arith.constant 0 : index
      %get3A_825 = tpu.vector_load %arg8[%get3A_823, %get3A_824] {strides = array<i32>} : memref<16x64xf32, #tpu.memory_space<vmem>>, vector<1x16xf32>,
      %get3A_826 = vector.shape_cast %get3A_825 : vector<1x16xf32> to vector<16xf32>
      %mul3A_827 = vector.broadcast %select_n3A_821 : f32 to vector<16xf32>
      %mul3A_828 = arith.mulf %get3A_826, %mul3A_827 : vector<16xf32>
      %add3A_829 = arith.addf %add3A_790, %mul3A_828 : vector<16xf32>
      %get3A_830 = arith.constant 9 : i32
      %get3A_831 = arith.index_cast %get3A_830 : i32 to index
      %get3A_832 = arith.constant 16 : index
      %get3A_833 = tpu.vector_load %arg8[%get3A_831, %get3A_832] {strides = array<i32>} : memref<16x64xf32, #tpu.memory_space<vmem>>, vector<1x16xf32>,
      %get3A_834 = vector.shape_cast %get3A_833 : vector<1x16xf32> to vector<16xf32>
      %mul3A_835 = vector.broadcast %select_n3A_821 : f32 to vector<16xf32>
      %mul3A_836 = arith.mulf %get3A_834, %mul3A_835 : vector<16xf32>
      %add3A_837 = arith.addf %add3A_798, %mul3A_836 : vector<16xf32>
      %get3A_838 = arith.constant 9 : i32
      %get3A_839 = arith.index_cast %get3A_838 : i32 to index
      %get3A_840 = arith.constant 32 : index
      %get3A_841 = tpu.vector_load %arg8[%get3A_839, %get3A_840] {strides = array<i32>} : memref<16x64xf32, #tpu.memory_space<vmem>>, vector<1x16xf32>,
      %get3A_842 = vector.shape_cast %get3A_841 : vector<1x16xf32> to vector<16xf32>
      %mul3A_843 = vector.broadcast %select_n3A_821 : f32 to vector<16xf32>
      %mul3A_844 = arith.mulf %get3A_842, %mul3A_843 : vector<16xf32>
      %add3A_845 = arith.addf %add3A_806, %mul3A_844 : vector<16xf32>
      %get3A_846 = arith.constant 9 : i32
      %get3A_847 = arith.index_cast %get3A_846 : i32 to index
      %get3A_848 = arith.constant 48 : index
      %get3A_849 = tpu.vector_load %arg8[%get3A_847, %get3A_848] {strides = array<i32>} : memref<16x64xf32, #tpu.memory_space<vmem>>, vector<1x16xf32>,
      %get3A_850 = vector.shape_cast %get3A_849 : vector<1x16xf32> to vector<16xf32>
      %mul3A_851 = vector.broadcast %select_n3A_821 : f32 to vector<16xf32>
      %mul3A_852 = arith.mulf %get3A_850, %mul3A_851 : vector<16xf32>
      %add3A_853 = arith.addf %add3A_814, %mul3A_852 : vector<16xf32>
      %add3A_854 = arith.constant 10 : i32
      %add3A_855 = arith.addi %mul3A_9, %add3A_854 : i32
      %lt3A_856 = arith.constant 200 : i32
      %lt3A_857 = arith.cmpi slt, %add3A_855, %lt3A_856 : i32
      %jit3A_858 = arith.constant 1.000000e+00 : f32
      %jit3A_859 = arith.constant 0.000000e+00 : f32
      %select_n3A_860 = arith.select %lt3A_857, %jit3A_858, %jit3A_859 : f32
      %get3A_861 = arith.constant 10 : i32
      %get3A_862 = arith.index_cast %get3A_861 : i32 to index
      %get3A_863 = arith.constant 0 : index
      %get3A_864 = tpu.vector_load %arg8[%get3A_862, %get3A_863] {strides = array<i32>} : memref<16x64xf32, #tpu.memory_space<vmem>>, vector<1x16xf32>,
      %get3A_865 = vector.shape_cast %get3A_864 : vector<1x16xf32> to vector<16xf32>
      %mul3A_866 = vector.broadcast %select_n3A_860 : f32 to vector<16xf32>
      %mul3A_867 = arith.mulf %get3A_865, %mul3A_866 : vector<16xf32>
      %add3A_868 = arith.addf %add3A_829, %mul3A_867 : vector<16xf32>
      %get3A_869 = arith.constant 10 : i32
      %get3A_870 = arith.index_cast %get3A_869 : i32 to index
      %get3A_871 = arith.constant 16 : index
      %get3A_872 = tpu.vector_load %arg8[%get3A_870, %get3A_871] {strides = array<i32>} : memref<16x64xf32, #tpu.memory_space<vmem>>, vector<1x16xf32>,
      %get3A_873 = vector.shape_cast %get3A_872 : vector<1x16xf32> to vector<16xf32>
      %mul3A_874 = vector.broadcast %select_n3A_860 : f32 to vector<16xf32>
      %mul3A_875 = arith.mulf %get3A_873, %mul3A_874 : vector<16xf32>
      %add3A_876 = arith.addf %add3A_837, %mul3A_875 : vector<16xf32>
      %get3A_877 = arith.constant 10 : i32
      %get3A_878 = arith.index_cast %get3A_877 : i32 to index
      %get3A_879 = arith.constant 32 : index
      %get3A_880 = tpu.vector_load %arg8[%get3A_878, %get3A_879] {strides = array<i32>} : memref<16x64xf32, #tpu.memory_space<vmem>>, vector<1x16xf32>,
      %get3A_881 = vector.shape_cast %get3A_880 : vector<1x16xf32> to vector<16xf32>
      %mul3A_882 = vector.broadcast %select_n3A_860 : f32 to vector<16xf32>
      %mul3A_883 = arith.mulf %get3A_881, %mul3A_882 : vector<16xf32>
      %add3A_884 = arith.addf %add3A_845, %mul3A_883 : vector<16xf32>
      %get3A_885 = arith.constant 10 : i32
      %get3A_886 = arith.index_cast %get3A_885 : i32 to index
      %get3A_887 = arith.constant 48 : index
      %get3A_888 = tpu.vector_load %arg8[%get3A_886, %get3A_887] {strides = array<i32>} : memref<16x64xf32, #tpu.memory_space<vmem>>, vector<1x16xf32>,
      %get3A_889 = vector.shape_cast %get3A_888 : vector<1x16xf32> to vector<16xf32>
      %mul3A_890 = vector.broadcast %select_n3A_860 : f32 to vector<16xf32>
      %mul3A_891 = arith.mulf %get3A_889, %mul3A_890 : vector<16xf32>
      %add3A_892 = arith.addf %add3A_853, %mul3A_891 : vector<16xf32>
      %add3A_893 = arith.constant 11 : i32
      %add3A_894 = arith.addi %mul3A_9, %add3A_893 : i32
      %lt3A_895 = arith.constant 200 : i32
      %lt3A_896 = arith.cmpi slt, %add3A_894, %lt3A_895 : i32
      %jit3A_897 = arith.constant 1.000000e+00 : f32
      %jit3A_898 = arith.constant 0.000000e+00 : f32
      %select_n3A_899 = arith.select %lt3A_896, %jit3A_897, %jit3A_898 : f32
      %get3A_900 = arith.constant 11 : i32
      %get3A_901 = arith.index_cast %get3A_900 : i32 to index
      %get3A_902 = arith.constant 0 : index
      %get3A_903 = tpu.vector_load %arg8[%get3A_901, %get3A_902] {strides = array<i32>} : memref<16x64xf32, #tpu.memory_space<vmem>>, vector<1x16xf32>,
      %get3A_904 = vector.shape_cast %get3A_903 : vector<1x16xf32> to vector<16xf32>
      %mul3A_905 = vector.broadcast %select_n3A_899 : f32 to vector<16xf32>
      %mul3A_906 = arith.mulf %get3A_904, %mul3A_905 : vector<16xf32>
      %add3A_907 = arith.addf %add3A_868, %mul3A_906 : vector<16xf32>
      %get3A_908 = arith.constant 11 : i32
      %get3A_909 = arith.index_cast %get3A_908 : i32 to index
      %get3A_910 = arith.constant 16 : index
      %get3A_911 = tpu.vector_load %arg8[%get3A_909, %get3A_910] {strides = array<i32>} : memref<16x64xf32, #tpu.memory_space<vmem>>, vector<1x16xf32>,
      %get3A_912 = vector.shape_cast %get3A_911 : vector<1x16xf32> to vector<16xf32>
      %mul3A_913 = vector.broadcast %select_n3A_899 : f32 to vector<16xf32>
      %mul3A_914 = arith.mulf %get3A_912, %mul3A_913 : vector<16xf32>
      %add3A_915 = arith.addf %add3A_876, %mul3A_914 : vector<16xf32>
      %get3A_916 = arith.constant 11 : i32
      %get3A_917 = arith.index_cast %get3A_916 : i32 to index
      %get3A_918 = arith.constant 32 : index
      %get3A_919 = tpu.vector_load %arg8[%get3A_917, %get3A_918] {strides = array<i32>} : memref<16x64xf32, #tpu.memory_space<vmem>>, vector<1x16xf32>,
      %get3A_920 = vector.shape_cast %get3A_919 : vector<1x16xf32> to vector<16xf32>
      %mul3A_921 = vector.broadcast %select_n3A_899 : f32 to vector<16xf32>
      %mul3A_922 = arith.mulf %get3A_920, %mul3A_921 : vector<16xf32>
      %add3A_923 = arith.addf %add3A_884, %mul3A_922 : vector<16xf32>
      %get3A_924 = arith.constant 11 : i32
      %get3A_925 = arith.index_cast %get3A_924 : i32 to index
      %get3A_926 = arith.constant 48 : index
      %get3A_927 = tpu.vector_load %arg8[%get3A_925, %get3A_926] {strides = array<i32>} : memref<16x64xf32, #tpu.memory_space<vmem>>, vector<1x16xf32>,
      %get3A_928 = vector.shape_cast %get3A_927 : vector<1x16xf32> to vector<16xf32>
      %mul3A_929 = vector.broadcast %select_n3A_899 : f32 to vector<16xf32>
      %mul3A_930 = arith.mulf %get3A_928, %mul3A_929 : vector<16xf32>
      %add3A_931 = arith.addf %add3A_892, %mul3A_930 : vector<16xf32>
      %add3A_932 = arith.constant 12 : i32
      %add3A_933 = arith.addi %mul3A_9, %add3A_932 : i32
      %lt3A_934 = arith.constant 200 : i32
      %lt3A_935 = arith.cmpi slt, %add3A_933, %lt3A_934 : i32
      %jit3A_936 = arith.constant 1.000000e+00 : f32
      %jit3A_937 = arith.constant 0.000000e+00 : f32
      %select_n3A_938 = arith.select %lt3A_935, %jit3A_936, %jit3A_937 : f32
      %get3A_939 = arith.constant 12 : i32
      %get3A_940 = arith.index_cast %get3A_939 : i32 to index
      %get3A_941 = arith.constant 0 : index
      %get3A_942 = tpu.vector_load %arg8[%get3A_940, %get3A_941] {strides = array<i32>} : memref<16x64xf32, #tpu.memory_space<vmem>>, vector<1x16xf32>,
      %get3A_943 = vector.shape_cast %get3A_942 : vector<1x16xf32> to vector<16xf32>
      %mul3A_944 = vector.broadcast %select_n3A_938 : f32 to vector<16xf32>
      %mul3A_945 = arith.mulf %get3A_943, %mul3A_944 : vector<16xf32>
      %add3A_946 = arith.addf %add3A_907, %mul3A_945 : vector<16xf32>
      %get3A_947 = arith.constant 12 : i32
      %get3A_948 = arith.index_cast %get3A_947 : i32 to index
      %get3A_949 = arith.constant 16 : index
      %get3A_950 = tpu.vector_load %arg8[%get3A_948, %get3A_949] {strides = array<i32>} : memref<16x64xf32, #tpu.memory_space<vmem>>, vector<1x16xf32>,
      %get3A_951 = vector.shape_cast %get3A_950 : vector<1x16xf32> to vector<16xf32>
      %mul3A_952 = vector.broadcast %select_n3A_938 : f32 to vector<16xf32>
      %mul3A_953 = arith.mulf %get3A_951, %mul3A_952 : vector<16xf32>
      %add3A_954 = arith.addf %add3A_915, %mul3A_953 : vector<16xf32>
      %get3A_955 = arith.constant 12 : i32
      %get3A_956 = arith.index_cast %get3A_955 : i32 to index
      %get3A_957 = arith.constant 32 : index
      %get3A_958 = tpu.vector_load %arg8[%get3A_956, %get3A_957] {strides = array<i32>} : memref<16x64xf32, #tpu.memory_space<vmem>>, vector<1x16xf32>,
      %get3A_959 = vector.shape_cast %get3A_958 : vector<1x16xf32> to vector<16xf32>
      %mul3A_960 = vector.broadcast %select_n3A_938 : f32 to vector<16xf32>
      %mul3A_961 = arith.mulf %get3A_959, %mul3A_960 : vector<16xf32>
      %add3A_962 = arith.addf %add3A_923, %mul3A_961 : vector<16xf32>
      %get3A_963 = arith.constant 12 : i32
      %get3A_964 = arith.index_cast %get3A_963 : i32 to index
      %get3A_965 = arith.constant 48 : index
      %get3A_966 = tpu.vector_load %arg8[%get3A_964, %get3A_965] {strides = array<i32>} : memref<16x64xf32, #tpu.memory_space<vmem>>, vector<1x16xf32>,
      %get3A_967 = vector.shape_cast %get3A_966 : vector<1x16xf32> to vector<16xf32>
      %mul3A_968 = vector.broadcast %select_n3A_938 : f32 to vector<16xf32>
      %mul3A_969 = arith.mulf %get3A_967, %mul3A_968 : vector<16xf32>
      %add3A_970 = arith.addf %add3A_931, %mul3A_969 : vector<16xf32>
      %add3A_971 = arith.constant 13 : i32
      %add3A_972 = arith.addi %mul3A_9, %add3A_971 : i32
      %lt3A_973 = arith.constant 200 : i32
      %lt3A_974 = arith.cmpi slt, %add3A_972, %lt3A_973 : i32
      %jit3A_975 = arith.constant 1.000000e+00 : f32
      %jit3A_976 = arith.constant 0.000000e+00 : f32
      %select_n3A_977 = arith.select %lt3A_974, %jit3A_975, %jit3A_976 : f32
      %get3A_978 = arith.constant 13 : i32
      %get3A_979 = arith.index_cast %get3A_978 : i32 to index
      %get3A_980 = arith.constant 0 : index
      %get3A_981 = tpu.vector_load %arg8[%get3A_979, %get3A_980] {strides = array<i32>} : memref<16x64xf32, #tpu.memory_space<vmem>>, vector<1x16xf32>,
      %get3A_982 = vector.shape_cast %get3A_981 : vector<1x16xf32> to vector<16xf32>
      %mul3A_983 = vector.broadcast %select_n3A_977 : f32 to vector<16xf32>
      %mul3A_984 = arith.mulf %get3A_982, %mul3A_983 : vector<16xf32>
      %add3A_985 = arith.addf %add3A_946, %mul3A_984 : vector<16xf32>
      %get3A_986 = arith.constant 13 : i32
      %get3A_987 = arith.index_cast %get3A_986 : i32 to index
      %get3A_988 = arith.constant 16 : index
      %get3A_989 = tpu.vector_load %arg8[%get3A_987, %get3A_988] {strides = array<i32>} : memref<16x64xf32, #tpu.memory_space<vmem>>, vector<1x16xf32>,
      %get3A_990 = vector.shape_cast %get3A_989 : vector<1x16xf32> to vector<16xf32>
      %mul3A_991 = vector.broadcast %select_n3A_977 : f32 to vector<16xf32>
      %mul3A_992 = arith.mulf %get3A_990, %mul3A_991 : vector<16xf32>
      %add3A_993 = arith.addf %add3A_954, %mul3A_992 : vector<16xf32>
      %get3A_994 = arith.constant 13 : i32
      %get3A_995 = arith.index_cast %get3A_994 : i32 to index
      %get3A_996 = arith.constant 32 : index
      %get3A_997 = tpu.vector_load %arg8[%get3A_995, %get3A_996] {strides = array<i32>} : memref<16x64xf32, #tpu.memory_space<vmem>>, vector<1x16xf32>,
      %get3A_998 = vector.shape_cast %get3A_997 : vector<1x16xf32> to vector<16xf32>
      %mul3A_999 = vector.broadcast %select_n3A_977 : f32 to vector<16xf32>
      %mul3A_1000 = arith.mulf %get3A_998, %mul3A_999 : vector<16xf32>
      %add3A_1001 = arith.addf %add3A_962, %mul3A_1000 : vector<16xf32>
      %get3A_1002 = arith.constant 13 : i32
      %get3A_1003 = arith.index_cast %get3A_1002 : i32 to index
      %get3A_1004 = arith.constant 48 : index
      %get3A_1005 = tpu.vector_load %arg8[%get3A_1003, %get3A_1004] {strides = array<i32>} : memref<16x64xf32, #tpu.memory_space<vmem>>, vector<1x16xf32>,
      %get3A_1006 = vector.shape_cast %get3A_1005 : vector<1x16xf32> to vector<16xf32>
      %mul3A_1007 = vector.broadcast %select_n3A_977 : f32 to vector<16xf32>
      %mul3A_1008 = arith.mulf %get3A_1006, %mul3A_1007 : vector<16xf32>
      %add3A_1009 = arith.addf %add3A_970, %mul3A_1008 : vector<16xf32>
      %add3A_1010 = arith.constant 14 : i32
      %add3A_1011 = arith.addi %mul3A_9, %add3A_1010 : i32
      %lt3A_1012 = arith.constant 200 : i32
      %lt3A_1013 = arith.cmpi slt, %add3A_1011, %lt3A_1012 : i32
      %jit3A_1014 = arith.constant 1.000000e+00 : f32
      %jit3A_1015 = arith.constant 0.000000e+00 : f32
      %select_n3A_1016 = arith.select %lt3A_1013, %jit3A_1014, %jit3A_1015 : f32
      %get3A_1017 = arith.constant 14 : i32
      %get3A_1018 = arith.index_cast %get3A_1017 : i32 to index
      %get3A_1019 = arith.constant 0 : index
      %get3A_1020 = tpu.vector_load %arg8[%get3A_1018, %get3A_1019] {strides = array<i32>} : memref<16x64xf32, #tpu.memory_space<vmem>>, vector<1x16xf32>,
      %get3A_1021 = vector.shape_cast %get3A_1020 : vector<1x16xf32> to vector<16xf32>
      %mul3A_1022 = vector.broadcast %select_n3A_1016 : f32 to vector<16xf32>
      %mul3A_1023 = arith.mulf %get3A_1021, %mul3A_1022 : vector<16xf32>
      %add3A_1024 = arith.addf %add3A_985, %mul3A_1023 : vector<16xf32>
      %get3A_1025 = arith.constant 14 : i32
      %get3A_1026 = arith.index_cast %get3A_1025 : i32 to index
      %get3A_1027 = arith.constant 16 : index
      %get3A_1028 = tpu.vector_load %arg8[%get3A_1026, %get3A_1027] {strides = array<i32>} : memref<16x64xf32, #tpu.memory_space<vmem>>, vector<1x16xf32>,
      %get3A_1029 = vector.shape_cast %get3A_1028 : vector<1x16xf32> to vector<16xf32>
      %mul3A_1030 = vector.broadcast %select_n3A_1016 : f32 to vector<16xf32>
      %mul3A_1031 = arith.mulf %get3A_1029, %mul3A_1030 : vector<16xf32>
      %add3A_1032 = arith.addf %add3A_993, %mul3A_1031 : vector<16xf32>
      %get3A_1033 = arith.constant 14 : i32
      %get3A_1034 = arith.index_cast %get3A_1033 : i32 to index
      %get3A_1035 = arith.constant 32 : index
      %get3A_1036 = tpu.vector_load %arg8[%get3A_1034, %get3A_1035] {strides = array<i32>} : memref<16x64xf32, #tpu.memory_space<vmem>>, vector<1x16xf32>,
      %get3A_1037 = vector.shape_cast %get3A_1036 : vector<1x16xf32> to vector<16xf32>
      %mul3A_1038 = vector.broadcast %select_n3A_1016 : f32 to vector<16xf32>
      %mul3A_1039 = arith.mulf %get3A_1037, %mul3A_1038 : vector<16xf32>
      %add3A_1040 = arith.addf %add3A_1001, %mul3A_1039 : vector<16xf32>
      %get3A_1041 = arith.constant 14 : i32
      %get3A_1042 = arith.index_cast %get3A_1041 : i32 to index
      %get3A_1043 = arith.constant 48 : index
      %get3A_1044 = tpu.vector_load %arg8[%get3A_1042, %get3A_1043] {strides = array<i32>} : memref<16x64xf32, #tpu.memory_space<vmem>>, vector<1x16xf32>,
      %get3A_1045 = vector.shape_cast %get3A_1044 : vector<1x16xf32> to vector<16xf32>
      %mul3A_1046 = vector.broadcast %select_n3A_1016 : f32 to vector<16xf32>
      %mul3A_1047 = arith.mulf %get3A_1045, %mul3A_1046 : vector<16xf32>
      %add3A_1048 = arith.addf %add3A_1009, %mul3A_1047 : vector<16xf32>
      %add3A_1049 = arith.constant 15 : i32
      %add3A_1050 = arith.addi %mul3A_9, %add3A_1049 : i32
      %lt3A_1051 = arith.constant 200 : i32
      %lt3A_1052 = arith.cmpi slt, %add3A_1050, %lt3A_1051 : i32
      %jit3A_1053 = arith.constant 1.000000e+00 : f32
      %jit3A_1054 = arith.constant 0.000000e+00 : f32
      %select_n3A_1055 = arith.select %lt3A_1052, %jit3A_1053, %jit3A_1054 : f32
      %get3A_1056 = arith.constant 15 : i32
      %get3A_1057 = arith.index_cast %get3A_1056 : i32 to index
      %get3A_1058 = arith.constant 0 : index
      %get3A_1059 = tpu.vector_load %arg8[%get3A_1057, %get3A_1058] {strides = array<i32>} : memref<16x64xf32, #tpu.memory_space<vmem>>, vector<1x16xf32>,
      %get3A_1060 = vector.shape_cast %get3A_1059 : vector<1x16xf32> to vector<16xf32>
      %mul3A_1061 = vector.broadcast %select_n3A_1055 : f32 to vector<16xf32>
      %mul3A_1062 = arith.mulf %get3A_1060, %mul3A_1061 : vector<16xf32>
      %add3A_1063 = arith.addf %add3A_1024, %mul3A_1062 : vector<16xf32>
      %get3A_1064 = arith.constant 15 : i32
      %get3A_1065 = arith.index_cast %get3A_1064 : i32 to index
      %get3A_1066 = arith.constant 16 : index
      %get3A_1067 = tpu.vector_load %arg8[%get3A_1065, %get3A_1066] {strides = array<i32>} : memref<16x64xf32, #tpu.memory_space<vmem>>, vector<1x16xf32>,
      %get3A_1068 = vector.shape_cast %get3A_1067 : vector<1x16xf32> to vector<16xf32>
      %mul3A_1069 = vector.broadcast %select_n3A_1055 : f32 to vector<16xf32>
      %mul3A_1070 = arith.mulf %get3A_1068, %mul3A_1069 : vector<16xf32>
      %add3A_1071 = arith.addf %add3A_1032, %mul3A_1070 : vector<16xf32>
      %get3A_1072 = arith.constant 15 : i32
      %get3A_1073 = arith.index_cast %get3A_1072 : i32 to index
      %get3A_1074 = arith.constant 32 : index
      %get3A_1075 = tpu.vector_load %arg8[%get3A_1073, %get3A_1074] {strides = array<i32>} : memref<16x64xf32, #tpu.memory_space<vmem>>, vector<1x16xf32>,
      %get3A_1076 = vector.shape_cast %get3A_1075 : vector<1x16xf32> to vector<16xf32>
      %mul3A_1077 = vector.broadcast %select_n3A_1055 : f32 to vector<16xf32>
      %mul3A_1078 = arith.mulf %get3A_1076, %mul3A_1077 : vector<16xf32>
      %add3A_1079 = arith.addf %add3A_1040, %mul3A_1078 : vector<16xf32>
      %get3A_1080 = arith.constant 15 : i32
      %get3A_1081 = arith.index_cast %get3A_1080 : i32 to index
      %get3A_1082 = arith.constant 48 : index
      %get3A_1083 = tpu.vector_load %arg8[%get3A_1081, %get3A_1082] {strides = array<i32>} : memref<16x64xf32, #tpu.memory_space<vmem>>, vector<1x16xf32>,
      %get3A_1084 = vector.shape_cast %get3A_1083 : vector<1x16xf32> to vector<16xf32>
      %mul3A_1085 = vector.broadcast %select_n3A_1055 : f32 to vector<16xf32>
      %mul3A_1086 = arith.mulf %get3A_1084, %mul3A_1085 : vector<16xf32>
      %add3A_1087 = arith.addf %add3A_1048, %mul3A_1086 : vector<16xf32>
      %swap3A = arith.constant 0 : index
      %swap3A_1088 = tpu.vector_load %arg11[%swap3A] {strides = array<i32>} : memref<64xf32, #tpu.memory_space<vmem>>, vector<16xf32>,
      %swap3A_1089 = vector.shape_cast %swap3A_1088 : vector<16xf32> to vector<16xf32>
      %swap3A_1090 = vector.shape_cast %add3A_1063 : vector<16xf32> to vector<16xf32>
      tpu.vector_store %arg11[%swap3A], %swap3A_1090 {strides = array<i32>} : memref<64xf32, #tpu.memory_space<vmem>>, vector<16xf32>,
      %swap3A_1091 = arith.constant 16 : index
      %swap3A_1092 = tpu.vector_load %arg11[%swap3A_1091] {strides = array<i32>} : memref<64xf32, #tpu.memory_space<vmem>>, vector<16xf32>,
      %swap3A_1093 = vector.shape_cast %swap3A_1092 : vector<16xf32> to vector<16xf32>
      %swap3A_1094 = vector.shape_cast %add3A_1071 : vector<16xf32> to vector<16xf32>
      tpu.vector_store %arg11[%swap3A_1091], %swap3A_1094 {strides = array<i32>} : memref<64xf32, #tpu.memory_space<vmem>>, vector<16xf32>,
      %swap3A_1095 = arith.constant 32 : index
      %swap3A_1096 = tpu.vector_load %arg11[%swap3A_1095] {strides = array<i32>} : memref<64xf32, #tpu.memory_space<vmem>>, vector<16xf32>,
      %swap3A_1097 = vector.shape_cast %swap3A_1096 : vector<16xf32> to vector<16xf32>
      %swap3A_1098 = vector.shape_cast %add3A_1079 : vector<16xf32> to vector<16xf32>
      tpu.vector_store %arg11[%swap3A_1095], %swap3A_1098 {strides = array<i32>} : memref<64xf32, #tpu.memory_space<vmem>>, vector<16xf32>,
      %swap3A_1099 = arith.constant 48 : index
      %swap3A_1100 = tpu.vector_load %arg11[%swap3A_1099] {strides = array<i32>} : memref<64xf32, #tpu.memory_space<vmem>>, vector<16xf32>,
      %swap3A_1101 = vector.shape_cast %swap3A_1100 : vector<16xf32> to vector<16xf32>
      %swap3A_1102 = vector.shape_cast %add3A_1087 : vector<16xf32> to vector<16xf32>
      tpu.vector_store %arg11[%swap3A_1099], %swap3A_1102 {strides = array<i32>} : memref<64xf32, #tpu.memory_space<vmem>>, vector<16xf32>,
      "tpu.region"() ({
        %run_scoped3A = tpu.sem_alloc : memref<!tpu.dma_semaphore, #tpu.memory_space<semaphore_mem>>
        %dma_start3A_1103 = arith.constant 0 : i32
        %dma_start3A_1104 = tpu.memref_slice %arg14[%arg1, %dma_start3A_1103] : memref<16x64xf32, #tpu.memory_space<vmem_shared>> -> memref<1x64xf32, #tpu.memory_space<vmem_shared>>
        %dma_start3A_1105 = tpu.memref_squeeze %dma_start3A_1104 : memref<1x64xf32, #tpu.memory_space<vmem_shared>> -> memref<64xf32, #tpu.memory_space<vmem_shared>>
        %dma_start3A_1106 = arith.constant 0 : i32
        %dma_start3A_1107 = tpu.memref_slice %arg14[%arg1, %dma_start3A_1106] : memref<16x64xf32, #tpu.memory_space<vmem_shared>> -> memref<1x64xf32, #tpu.memory_space<vmem_shared>>
        %dma_start3A_1108 = tpu.memref_squeeze %dma_start3A_1107 : memref<1x64xf32, #tpu.memory_space<vmem_shared>> -> memref<64xf32, #tpu.memory_space<vmem_shared>>
        tpu.enqueue_dma source(%arg11 : memref<64xf32, #tpu.memory_space<vmem>>) target(%dma_start3A_1108 : memref<64xf32, #tpu.memory_space<vmem_shared>>) target_semaphore(%run_scoped3A : memref<!tpu.dma_semaphore, #tpu.memory_space<semaphore_mem>>)
        %dma_wait3A_1109 = arith.constant 0 : i32
        %dma_wait3A_1110 = tpu.memref_slice %arg14[%arg1, %dma_wait3A_1109] : memref<16x64xf32, #tpu.memory_space<vmem_shared>> -> memref<1x64xf32, #tpu.memory_space<vmem_shared>>
        %dma_wait3A_1111 = tpu.memref_squeeze %dma_wait3A_1110 : memref<1x64xf32, #tpu.memory_space<vmem_shared>> -> memref<64xf32, #tpu.memory_space<vmem_shared>>
        %dma_wait3A_1112 = arith.constant 0 : i32
        %dma_wait3A_1113 = tpu.memref_slice %arg14[%arg1, %dma_wait3A_1112] : memref<16x64xf32, #tpu.memory_space<vmem_shared>> -> memref<1x64xf32, #tpu.memory_space<vmem_shared>>
        %dma_wait3A_1114 = tpu.memref_squeeze %dma_wait3A_1113 : memref<1x64xf32, #tpu.memory_space<vmem_shared>> -> memref<64xf32, #tpu.memory_space<vmem_shared>>
        tpu.wait_dma2 semaphore(%run_scoped3A : memref<!tpu.dma_semaphore, #tpu.memory_space<semaphore_mem>>) src(%arg11 : memref<64xf32, #tpu.memory_space<vmem>>) dst(%dma_wait3A_1114 : memref<64xf32, #tpu.memory_space<vmem_shared>>)
        tpu.yield
      }) : () -> ()
    } else {
    }
    %barrier3A = arith.constant 0 : index
    tpu.barrier barrier_id(%barrier3A)
    %eq3A_2 = arith.constant 0 : i32
    %eq3A_3 = arith.cmpi eq, %arg0, %eq3A_2 : i32
    %eq3A_4 = arith.constant 0 : i32
    %eq3A_5 = arith.cmpi eq, %arg1, %eq3A_4 : i32
    %and3A = arith.andi %eq3A_3, %eq3A_5 : i1
    %convert_element_type3A_6 = arith.extui %and3A : i1 to i32
    %cond3A_7 = arith.constant 0 : i32
    %cond3A_8 = arith.cmpi ne, %convert_element_type3A_6, %cond3A_7 : i32
    scf.if %cond3A_8 {
      "tpu.region"() ({
        %run_scoped3A = tpu.sem_alloc : memref<!tpu.dma_semaphore, #tpu.memory_space<semaphore_mem>>
        tpu.enqueue_dma source(%arg14 : memref<16x64xf32, #tpu.memory_space<vmem_shared>>) target(%arg12 : memref<16x64xf32, #tpu.memory_space<vmem>>) target_semaphore(%run_scoped3A : memref<!tpu.dma_semaphore, #tpu.memory_space<semaphore_mem>>)
        tpu.wait_dma2 semaphore(%run_scoped3A : memref<!tpu.dma_semaphore, #tpu.memory_space<semaphore_mem>>) src(%arg14 : memref<16x64xf32, #tpu.memory_space<vmem_shared>>) dst(%arg12 : memref<16x64xf32, #tpu.memory_space<vmem>>)
        tpu.yield
      }) : () -> ()
      %broadcast_in_dim3A = arith.constant 0.000000e+00 : f32
      %broadcast_in_dim3A_9 = vector.broadcast %broadcast_in_dim3A : f32 to vector<16xf32>
      %broadcast_in_dim3A_10 = arith.constant 0.000000e+00 : f32
      %broadcast_in_dim3A_11 = vector.broadcast %broadcast_in_dim3A_10 : f32 to vector<16xf32>
      %broadcast_in_dim3A_12 = arith.constant 0.000000e+00 : f32
      %broadcast_in_dim3A_13 = vector.broadcast %broadcast_in_dim3A_12 : f32 to vector<16xf32>
      %broadcast_in_dim3A_14 = arith.constant 0.000000e+00 : f32
      %broadcast_in_dim3A_15 = vector.broadcast %broadcast_in_dim3A_14 : f32 to vector<16xf32>
      %get3A = arith.constant 0 : i32
      %get3A_16 = arith.index_cast %get3A : i32 to index
      %get3A_17 = arith.constant 0 : index
      %get3A_18 = tpu.vector_load %arg12[%get3A_16, %get3A_17] {strides = array<i32>} : memref<16x64xf32, #tpu.memory_space<vmem>>, vector<1x16xf32>,
      %get3A_19 = vector.shape_cast %get3A_18 : vector<1x16xf32> to vector<16xf32>
      %add3A = arith.addf %broadcast_in_dim3A_9, %get3A_19 : vector<16xf32>
      %get3A_20 = arith.constant 0 : i32
      %get3A_21 = arith.index_cast %get3A_20 : i32 to index
      %get3A_22 = arith.constant 16 : index
      %get3A_23 = tpu.vector_load %arg12[%get3A_21, %get3A_22] {strides = array<i32>} : memref<16x64xf32, #tpu.memory_space<vmem>>, vector<1x16xf32>,
      %get3A_24 = vector.shape_cast %get3A_23 : vector<1x16xf32> to vector<16xf32>
      %add3A_25 = arith.addf %broadcast_in_dim3A_11, %get3A_24 : vector<16xf32>
      %get3A_26 = arith.constant 0 : i32
      %get3A_27 = arith.index_cast %get3A_26 : i32 to index
      %get3A_28 = arith.constant 32 : index
      %get3A_29 = tpu.vector_load %arg12[%get3A_27, %get3A_28] {strides = array<i32>} : memref<16x64xf32, #tpu.memory_space<vmem>>, vector<1x16xf32>,
      %get3A_30 = vector.shape_cast %get3A_29 : vector<1x16xf32> to vector<16xf32>
      %add3A_31 = arith.addf %broadcast_in_dim3A_13, %get3A_30 : vector<16xf32>
      %get3A_32 = arith.constant 0 : i32
      %get3A_33 = arith.index_cast %get3A_32 : i32 to index
      %get3A_34 = arith.constant 48 : index
      %get3A_35 = tpu.vector_load %arg12[%get3A_33, %get3A_34] {strides = array<i32>} : memref<16x64xf32, #tpu.memory_space<vmem>>, vector<1x16xf32>,
      %get3A_36 = vector.shape_cast %get3A_35 : vector<1x16xf32> to vector<16xf32>
      %add3A_37 = arith.addf %broadcast_in_dim3A_15, %get3A_36 : vector<16xf32>
      %get3A_38 = arith.constant 1 : i32
      %get3A_39 = arith.index_cast %get3A_38 : i32 to index
      %get3A_40 = arith.constant 0 : index
      %get3A_41 = tpu.vector_load %arg12[%get3A_39, %get3A_40] {strides = array<i32>} : memref<16x64xf32, #tpu.memory_space<vmem>>, vector<1x16xf32>,
      %get3A_42 = vector.shape_cast %get3A_41 : vector<1x16xf32> to vector<16xf32>
      %add3A_43 = arith.addf %add3A, %get3A_42 : vector<16xf32>
      %get3A_44 = arith.constant 1 : i32
      %get3A_45 = arith.index_cast %get3A_44 : i32 to index
      %get3A_46 = arith.constant 16 : index
      %get3A_47 = tpu.vector_load %arg12[%get3A_45, %get3A_46] {strides = array<i32>} : memref<16x64xf32, #tpu.memory_space<vmem>>, vector<1x16xf32>,
      %get3A_48 = vector.shape_cast %get3A_47 : vector<1x16xf32> to vector<16xf32>
      %add3A_49 = arith.addf %add3A_25, %get3A_48 : vector<16xf32>
      %get3A_50 = arith.constant 1 : i32
      %get3A_51 = arith.index_cast %get3A_50 : i32 to index
      %get3A_52 = arith.constant 32 : index
      %get3A_53 = tpu.vector_load %arg12[%get3A_51, %get3A_52] {strides = array<i32>} : memref<16x64xf32, #tpu.memory_space<vmem>>, vector<1x16xf32>,
      %get3A_54 = vector.shape_cast %get3A_53 : vector<1x16xf32> to vector<16xf32>
      %add3A_55 = arith.addf %add3A_31, %get3A_54 : vector<16xf32>
      %get3A_56 = arith.constant 1 : i32
      %get3A_57 = arith.index_cast %get3A_56 : i32 to index
      %get3A_58 = arith.constant 48 : index
      %get3A_59 = tpu.vector_load %arg12[%get3A_57, %get3A_58] {strides = array<i32>} : memref<16x64xf32, #tpu.memory_space<vmem>>, vector<1x16xf32>,
      %get3A_60 = vector.shape_cast %get3A_59 : vector<1x16xf32> to vector<16xf32>
      %add3A_61 = arith.addf %add3A_37, %get3A_60 : vector<16xf32>
      %get3A_62 = arith.constant 2 : i32
      %get3A_63 = arith.index_cast %get3A_62 : i32 to index
      %get3A_64 = arith.constant 0 : index
      %get3A_65 = tpu.vector_load %arg12[%get3A_63, %get3A_64] {strides = array<i32>} : memref<16x64xf32, #tpu.memory_space<vmem>>, vector<1x16xf32>,
      %get3A_66 = vector.shape_cast %get3A_65 : vector<1x16xf32> to vector<16xf32>
      %add3A_67 = arith.addf %add3A_43, %get3A_66 : vector<16xf32>
      %get3A_68 = arith.constant 2 : i32
      %get3A_69 = arith.index_cast %get3A_68 : i32 to index
      %get3A_70 = arith.constant 16 : index
      %get3A_71 = tpu.vector_load %arg12[%get3A_69, %get3A_70] {strides = array<i32>} : memref<16x64xf32, #tpu.memory_space<vmem>>, vector<1x16xf32>,
      %get3A_72 = vector.shape_cast %get3A_71 : vector<1x16xf32> to vector<16xf32>
      %add3A_73 = arith.addf %add3A_49, %get3A_72 : vector<16xf32>
      %get3A_74 = arith.constant 2 : i32
      %get3A_75 = arith.index_cast %get3A_74 : i32 to index
      %get3A_76 = arith.constant 32 : index
      %get3A_77 = tpu.vector_load %arg12[%get3A_75, %get3A_76] {strides = array<i32>} : memref<16x64xf32, #tpu.memory_space<vmem>>, vector<1x16xf32>,
      %get3A_78 = vector.shape_cast %get3A_77 : vector<1x16xf32> to vector<16xf32>
      %add3A_79 = arith.addf %add3A_55, %get3A_78 : vector<16xf32>
      %get3A_80 = arith.constant 2 : i32
      %get3A_81 = arith.index_cast %get3A_80 : i32 to index
      %get3A_82 = arith.constant 48 : index
      %get3A_83 = tpu.vector_load %arg12[%get3A_81, %get3A_82] {strides = array<i32>} : memref<16x64xf32, #tpu.memory_space<vmem>>, vector<1x16xf32>,
      %get3A_84 = vector.shape_cast %get3A_83 : vector<1x16xf32> to vector<16xf32>
      %add3A_85 = arith.addf %add3A_61, %get3A_84 : vector<16xf32>
      %get3A_86 = arith.constant 3 : i32
      %get3A_87 = arith.index_cast %get3A_86 : i32 to index
      %get3A_88 = arith.constant 0 : index
      %get3A_89 = tpu.vector_load %arg12[%get3A_87, %get3A_88] {strides = array<i32>} : memref<16x64xf32, #tpu.memory_space<vmem>>, vector<1x16xf32>,
      %get3A_90 = vector.shape_cast %get3A_89 : vector<1x16xf32> to vector<16xf32>
      %add3A_91 = arith.addf %add3A_67, %get3A_90 : vector<16xf32>
      %get3A_92 = arith.constant 3 : i32
      %get3A_93 = arith.index_cast %get3A_92 : i32 to index
      %get3A_94 = arith.constant 16 : index
      %get3A_95 = tpu.vector_load %arg12[%get3A_93, %get3A_94] {strides = array<i32>} : memref<16x64xf32, #tpu.memory_space<vmem>>, vector<1x16xf32>,
      %get3A_96 = vector.shape_cast %get3A_95 : vector<1x16xf32> to vector<16xf32>
      %add3A_97 = arith.addf %add3A_73, %get3A_96 : vector<16xf32>
      %get3A_98 = arith.constant 3 : i32
      %get3A_99 = arith.index_cast %get3A_98 : i32 to index
      %get3A_100 = arith.constant 32 : index
      %get3A_101 = tpu.vector_load %arg12[%get3A_99, %get3A_100] {strides = array<i32>} : memref<16x64xf32, #tpu.memory_space<vmem>>, vector<1x16xf32>,
      %get3A_102 = vector.shape_cast %get3A_101 : vector<1x16xf32> to vector<16xf32>
      %add3A_103 = arith.addf %add3A_79, %get3A_102 : vector<16xf32>
      %get3A_104 = arith.constant 3 : i32
      %get3A_105 = arith.index_cast %get3A_104 : i32 to index
      %get3A_106 = arith.constant 48 : index
      %get3A_107 = tpu.vector_load %arg12[%get3A_105, %get3A_106] {strides = array<i32>} : memref<16x64xf32, #tpu.memory_space<vmem>>, vector<1x16xf32>,
      %get3A_108 = vector.shape_cast %get3A_107 : vector<1x16xf32> to vector<16xf32>
      %add3A_109 = arith.addf %add3A_85, %get3A_108 : vector<16xf32>
      %get3A_110 = arith.constant 4 : i32
      %get3A_111 = arith.index_cast %get3A_110 : i32 to index
      %get3A_112 = arith.constant 0 : index
      %get3A_113 = tpu.vector_load %arg12[%get3A_111, %get3A_112] {strides = array<i32>} : memref<16x64xf32, #tpu.memory_space<vmem>>, vector<1x16xf32>,
      %get3A_114 = vector.shape_cast %get3A_113 : vector<1x16xf32> to vector<16xf32>
      %add3A_115 = arith.addf %add3A_91, %get3A_114 : vector<16xf32>
      %get3A_116 = arith.constant 4 : i32
      %get3A_117 = arith.index_cast %get3A_116 : i32 to index
      %get3A_118 = arith.constant 16 : index
      %get3A_119 = tpu.vector_load %arg12[%get3A_117, %get3A_118] {strides = array<i32>} : memref<16x64xf32, #tpu.memory_space<vmem>>, vector<1x16xf32>,
      %get3A_120 = vector.shape_cast %get3A_119 : vector<1x16xf32> to vector<16xf32>
      %add3A_121 = arith.addf %add3A_97, %get3A_120 : vector<16xf32>
      %get3A_122 = arith.constant 4 : i32
      %get3A_123 = arith.index_cast %get3A_122 : i32 to index
      %get3A_124 = arith.constant 32 : index
      %get3A_125 = tpu.vector_load %arg12[%get3A_123, %get3A_124] {strides = array<i32>} : memref<16x64xf32, #tpu.memory_space<vmem>>, vector<1x16xf32>,
      %get3A_126 = vector.shape_cast %get3A_125 : vector<1x16xf32> to vector<16xf32>
      %add3A_127 = arith.addf %add3A_103, %get3A_126 : vector<16xf32>
      %get3A_128 = arith.constant 4 : i32
      %get3A_129 = arith.index_cast %get3A_128 : i32 to index
      %get3A_130 = arith.constant 48 : index
      %get3A_131 = tpu.vector_load %arg12[%get3A_129, %get3A_130] {strides = array<i32>} : memref<16x64xf32, #tpu.memory_space<vmem>>, vector<1x16xf32>,
      %get3A_132 = vector.shape_cast %get3A_131 : vector<1x16xf32> to vector<16xf32>
      %add3A_133 = arith.addf %add3A_109, %get3A_132 : vector<16xf32>
      %get3A_134 = arith.constant 5 : i32
      %get3A_135 = arith.index_cast %get3A_134 : i32 to index
      %get3A_136 = arith.constant 0 : index
      %get3A_137 = tpu.vector_load %arg12[%get3A_135, %get3A_136] {strides = array<i32>} : memref<16x64xf32, #tpu.memory_space<vmem>>, vector<1x16xf32>,
      %get3A_138 = vector.shape_cast %get3A_137 : vector<1x16xf32> to vector<16xf32>
      %add3A_139 = arith.addf %add3A_115, %get3A_138 : vector<16xf32>
      %get3A_140 = arith.constant 5 : i32
      %get3A_141 = arith.index_cast %get3A_140 : i32 to index
      %get3A_142 = arith.constant 16 : index
      %get3A_143 = tpu.vector_load %arg12[%get3A_141, %get3A_142] {strides = array<i32>} : memref<16x64xf32, #tpu.memory_space<vmem>>, vector<1x16xf32>,
      %get3A_144 = vector.shape_cast %get3A_143 : vector<1x16xf32> to vector<16xf32>
      %add3A_145 = arith.addf %add3A_121, %get3A_144 : vector<16xf32>
      %get3A_146 = arith.constant 5 : i32
      %get3A_147 = arith.index_cast %get3A_146 : i32 to index
      %get3A_148 = arith.constant 32 : index
      %get3A_149 = tpu.vector_load %arg12[%get3A_147, %get3A_148] {strides = array<i32>} : memref<16x64xf32, #tpu.memory_space<vmem>>, vector<1x16xf32>,
      %get3A_150 = vector.shape_cast %get3A_149 : vector<1x16xf32> to vector<16xf32>
      %add3A_151 = arith.addf %add3A_127, %get3A_150 : vector<16xf32>
      %get3A_152 = arith.constant 5 : i32
      %get3A_153 = arith.index_cast %get3A_152 : i32 to index
      %get3A_154 = arith.constant 48 : index
      %get3A_155 = tpu.vector_load %arg12[%get3A_153, %get3A_154] {strides = array<i32>} : memref<16x64xf32, #tpu.memory_space<vmem>>, vector<1x16xf32>,
      %get3A_156 = vector.shape_cast %get3A_155 : vector<1x16xf32> to vector<16xf32>
      %add3A_157 = arith.addf %add3A_133, %get3A_156 : vector<16xf32>
      %get3A_158 = arith.constant 6 : i32
      %get3A_159 = arith.index_cast %get3A_158 : i32 to index
      %get3A_160 = arith.constant 0 : index
      %get3A_161 = tpu.vector_load %arg12[%get3A_159, %get3A_160] {strides = array<i32>} : memref<16x64xf32, #tpu.memory_space<vmem>>, vector<1x16xf32>,
      %get3A_162 = vector.shape_cast %get3A_161 : vector<1x16xf32> to vector<16xf32>
      %add3A_163 = arith.addf %add3A_139, %get3A_162 : vector<16xf32>
      %get3A_164 = arith.constant 6 : i32
      %get3A_165 = arith.index_cast %get3A_164 : i32 to index
      %get3A_166 = arith.constant 16 : index
      %get3A_167 = tpu.vector_load %arg12[%get3A_165, %get3A_166] {strides = array<i32>} : memref<16x64xf32, #tpu.memory_space<vmem>>, vector<1x16xf32>,
      %get3A_168 = vector.shape_cast %get3A_167 : vector<1x16xf32> to vector<16xf32>
      %add3A_169 = arith.addf %add3A_145, %get3A_168 : vector<16xf32>
      %get3A_170 = arith.constant 6 : i32
      %get3A_171 = arith.index_cast %get3A_170 : i32 to index
      %get3A_172 = arith.constant 32 : index
      %get3A_173 = tpu.vector_load %arg12[%get3A_171, %get3A_172] {strides = array<i32>} : memref<16x64xf32, #tpu.memory_space<vmem>>, vector<1x16xf32>,
      %get3A_174 = vector.shape_cast %get3A_173 : vector<1x16xf32> to vector<16xf32>
      %add3A_175 = arith.addf %add3A_151, %get3A_174 : vector<16xf32>
      %get3A_176 = arith.constant 6 : i32
      %get3A_177 = arith.index_cast %get3A_176 : i32 to index
      %get3A_178 = arith.constant 48 : index
      %get3A_179 = tpu.vector_load %arg12[%get3A_177, %get3A_178] {strides = array<i32>} : memref<16x64xf32, #tpu.memory_space<vmem>>, vector<1x16xf32>,
      %get3A_180 = vector.shape_cast %get3A_179 : vector<1x16xf32> to vector<16xf32>
      %add3A_181 = arith.addf %add3A_157, %get3A_180 : vector<16xf32>
      %get3A_182 = arith.constant 7 : i32
      %get3A_183 = arith.index_cast %get3A_182 : i32 to index
      %get3A_184 = arith.constant 0 : index
      %get3A_185 = tpu.vector_load %arg12[%get3A_183, %get3A_184] {strides = array<i32>} : memref<16x64xf32, #tpu.memory_space<vmem>>, vector<1x16xf32>,
      %get3A_186 = vector.shape_cast %get3A_185 : vector<1x16xf32> to vector<16xf32>
      %add3A_187 = arith.addf %add3A_163, %get3A_186 : vector<16xf32>
      %get3A_188 = arith.constant 7 : i32
      %get3A_189 = arith.index_cast %get3A_188 : i32 to index
      %get3A_190 = arith.constant 16 : index
      %get3A_191 = tpu.vector_load %arg12[%get3A_189, %get3A_190] {strides = array<i32>} : memref<16x64xf32, #tpu.memory_space<vmem>>, vector<1x16xf32>,
      %get3A_192 = vector.shape_cast %get3A_191 : vector<1x16xf32> to vector<16xf32>
      %add3A_193 = arith.addf %add3A_169, %get3A_192 : vector<16xf32>
      %get3A_194 = arith.constant 7 : i32
      %get3A_195 = arith.index_cast %get3A_194 : i32 to index
      %get3A_196 = arith.constant 32 : index
      %get3A_197 = tpu.vector_load %arg12[%get3A_195, %get3A_196] {strides = array<i32>} : memref<16x64xf32, #tpu.memory_space<vmem>>, vector<1x16xf32>,
      %get3A_198 = vector.shape_cast %get3A_197 : vector<1x16xf32> to vector<16xf32>
      %add3A_199 = arith.addf %add3A_175, %get3A_198 : vector<16xf32>
      %get3A_200 = arith.constant 7 : i32
      %get3A_201 = arith.index_cast %get3A_200 : i32 to index
      %get3A_202 = arith.constant 48 : index
      %get3A_203 = tpu.vector_load %arg12[%get3A_201, %get3A_202] {strides = array<i32>} : memref<16x64xf32, #tpu.memory_space<vmem>>, vector<1x16xf32>,
      %get3A_204 = vector.shape_cast %get3A_203 : vector<1x16xf32> to vector<16xf32>
      %add3A_205 = arith.addf %add3A_181, %get3A_204 : vector<16xf32>
      %get3A_206 = arith.constant 8 : i32
      %get3A_207 = arith.index_cast %get3A_206 : i32 to index
      %get3A_208 = arith.constant 0 : index
      %get3A_209 = tpu.vector_load %arg12[%get3A_207, %get3A_208] {strides = array<i32>} : memref<16x64xf32, #tpu.memory_space<vmem>>, vector<1x16xf32>,
      %get3A_210 = vector.shape_cast %get3A_209 : vector<1x16xf32> to vector<16xf32>
      %add3A_211 = arith.addf %add3A_187, %get3A_210 : vector<16xf32>
      %get3A_212 = arith.constant 8 : i32
      %get3A_213 = arith.index_cast %get3A_212 : i32 to index
      %get3A_214 = arith.constant 16 : index
      %get3A_215 = tpu.vector_load %arg12[%get3A_213, %get3A_214] {strides = array<i32>} : memref<16x64xf32, #tpu.memory_space<vmem>>, vector<1x16xf32>,
      %get3A_216 = vector.shape_cast %get3A_215 : vector<1x16xf32> to vector<16xf32>
      %add3A_217 = arith.addf %add3A_193, %get3A_216 : vector<16xf32>
      %get3A_218 = arith.constant 8 : i32
      %get3A_219 = arith.index_cast %get3A_218 : i32 to index
      %get3A_220 = arith.constant 32 : index
      %get3A_221 = tpu.vector_load %arg12[%get3A_219, %get3A_220] {strides = array<i32>} : memref<16x64xf32, #tpu.memory_space<vmem>>, vector<1x16xf32>,
      %get3A_222 = vector.shape_cast %get3A_221 : vector<1x16xf32> to vector<16xf32>
      %add3A_223 = arith.addf %add3A_199, %get3A_222 : vector<16xf32>
      %get3A_224 = arith.constant 8 : i32
      %get3A_225 = arith.index_cast %get3A_224 : i32 to index
      %get3A_226 = arith.constant 48 : index
      %get3A_227 = tpu.vector_load %arg12[%get3A_225, %get3A_226] {strides = array<i32>} : memref<16x64xf32, #tpu.memory_space<vmem>>, vector<1x16xf32>,
      %get3A_228 = vector.shape_cast %get3A_227 : vector<1x16xf32> to vector<16xf32>
      %add3A_229 = arith.addf %add3A_205, %get3A_228 : vector<16xf32>
      %get3A_230 = arith.constant 9 : i32
      %get3A_231 = arith.index_cast %get3A_230 : i32 to index
      %get3A_232 = arith.constant 0 : index
      %get3A_233 = tpu.vector_load %arg12[%get3A_231, %get3A_232] {strides = array<i32>} : memref<16x64xf32, #tpu.memory_space<vmem>>, vector<1x16xf32>,
      %get3A_234 = vector.shape_cast %get3A_233 : vector<1x16xf32> to vector<16xf32>
      %add3A_235 = arith.addf %add3A_211, %get3A_234 : vector<16xf32>
      %get3A_236 = arith.constant 9 : i32
      %get3A_237 = arith.index_cast %get3A_236 : i32 to index
      %get3A_238 = arith.constant 16 : index
      %get3A_239 = tpu.vector_load %arg12[%get3A_237, %get3A_238] {strides = array<i32>} : memref<16x64xf32, #tpu.memory_space<vmem>>, vector<1x16xf32>,
      %get3A_240 = vector.shape_cast %get3A_239 : vector<1x16xf32> to vector<16xf32>
      %add3A_241 = arith.addf %add3A_217, %get3A_240 : vector<16xf32>
      %get3A_242 = arith.constant 9 : i32
      %get3A_243 = arith.index_cast %get3A_242 : i32 to index
      %get3A_244 = arith.constant 32 : index
      %get3A_245 = tpu.vector_load %arg12[%get3A_243, %get3A_244] {strides = array<i32>} : memref<16x64xf32, #tpu.memory_space<vmem>>, vector<1x16xf32>,
      %get3A_246 = vector.shape_cast %get3A_245 : vector<1x16xf32> to vector<16xf32>
      %add3A_247 = arith.addf %add3A_223, %get3A_246 : vector<16xf32>
      %get3A_248 = arith.constant 9 : i32
      %get3A_249 = arith.index_cast %get3A_248 : i32 to index
      %get3A_250 = arith.constant 48 : index
      %get3A_251 = tpu.vector_load %arg12[%get3A_249, %get3A_250] {strides = array<i32>} : memref<16x64xf32, #tpu.memory_space<vmem>>, vector<1x16xf32>,
      %get3A_252 = vector.shape_cast %get3A_251 : vector<1x16xf32> to vector<16xf32>
      %add3A_253 = arith.addf %add3A_229, %get3A_252 : vector<16xf32>
      %get3A_254 = arith.constant 10 : i32
      %get3A_255 = arith.index_cast %get3A_254 : i32 to index
      %get3A_256 = arith.constant 0 : index
      %get3A_257 = tpu.vector_load %arg12[%get3A_255, %get3A_256] {strides = array<i32>} : memref<16x64xf32, #tpu.memory_space<vmem>>, vector<1x16xf32>,
      %get3A_258 = vector.shape_cast %get3A_257 : vector<1x16xf32> to vector<16xf32>
      %add3A_259 = arith.addf %add3A_235, %get3A_258 : vector<16xf32>
      %get3A_260 = arith.constant 10 : i32
      %get3A_261 = arith.index_cast %get3A_260 : i32 to index
      %get3A_262 = arith.constant 16 : index
      %get3A_263 = tpu.vector_load %arg12[%get3A_261, %get3A_262] {strides = array<i32>} : memref<16x64xf32, #tpu.memory_space<vmem>>, vector<1x16xf32>,
      %get3A_264 = vector.shape_cast %get3A_263 : vector<1x16xf32> to vector<16xf32>
      %add3A_265 = arith.addf %add3A_241, %get3A_264 : vector<16xf32>
      %get3A_266 = arith.constant 10 : i32
      %get3A_267 = arith.index_cast %get3A_266 : i32 to index
      %get3A_268 = arith.constant 32 : index
      %get3A_269 = tpu.vector_load %arg12[%get3A_267, %get3A_268] {strides = array<i32>} : memref<16x64xf32, #tpu.memory_space<vmem>>, vector<1x16xf32>,
      %get3A_270 = vector.shape_cast %get3A_269 : vector<1x16xf32> to vector<16xf32>
      %add3A_271 = arith.addf %add3A_247, %get3A_270 : vector<16xf32>
      %get3A_272 = arith.constant 10 : i32
      %get3A_273 = arith.index_cast %get3A_272 : i32 to index
      %get3A_274 = arith.constant 48 : index
      %get3A_275 = tpu.vector_load %arg12[%get3A_273, %get3A_274] {strides = array<i32>} : memref<16x64xf32, #tpu.memory_space<vmem>>, vector<1x16xf32>,
      %get3A_276 = vector.shape_cast %get3A_275 : vector<1x16xf32> to vector<16xf32>
      %add3A_277 = arith.addf %add3A_253, %get3A_276 : vector<16xf32>
      %get3A_278 = arith.constant 11 : i32
      %get3A_279 = arith.index_cast %get3A_278 : i32 to index
      %get3A_280 = arith.constant 0 : index
      %get3A_281 = tpu.vector_load %arg12[%get3A_279, %get3A_280] {strides = array<i32>} : memref<16x64xf32, #tpu.memory_space<vmem>>, vector<1x16xf32>,
      %get3A_282 = vector.shape_cast %get3A_281 : vector<1x16xf32> to vector<16xf32>
      %add3A_283 = arith.addf %add3A_259, %get3A_282 : vector<16xf32>
      %get3A_284 = arith.constant 11 : i32
      %get3A_285 = arith.index_cast %get3A_284 : i32 to index
      %get3A_286 = arith.constant 16 : index
      %get3A_287 = tpu.vector_load %arg12[%get3A_285, %get3A_286] {strides = array<i32>} : memref<16x64xf32, #tpu.memory_space<vmem>>, vector<1x16xf32>,
      %get3A_288 = vector.shape_cast %get3A_287 : vector<1x16xf32> to vector<16xf32>
      %add3A_289 = arith.addf %add3A_265, %get3A_288 : vector<16xf32>
      %get3A_290 = arith.constant 11 : i32
      %get3A_291 = arith.index_cast %get3A_290 : i32 to index
      %get3A_292 = arith.constant 32 : index
      %get3A_293 = tpu.vector_load %arg12[%get3A_291, %get3A_292] {strides = array<i32>} : memref<16x64xf32, #tpu.memory_space<vmem>>, vector<1x16xf32>,
      %get3A_294 = vector.shape_cast %get3A_293 : vector<1x16xf32> to vector<16xf32>
      %add3A_295 = arith.addf %add3A_271, %get3A_294 : vector<16xf32>
      %get3A_296 = arith.constant 11 : i32
      %get3A_297 = arith.index_cast %get3A_296 : i32 to index
      %get3A_298 = arith.constant 48 : index
      %get3A_299 = tpu.vector_load %arg12[%get3A_297, %get3A_298] {strides = array<i32>} : memref<16x64xf32, #tpu.memory_space<vmem>>, vector<1x16xf32>,
      %get3A_300 = vector.shape_cast %get3A_299 : vector<1x16xf32> to vector<16xf32>
      %add3A_301 = arith.addf %add3A_277, %get3A_300 : vector<16xf32>
      %get3A_302 = arith.constant 12 : i32
      %get3A_303 = arith.index_cast %get3A_302 : i32 to index
      %get3A_304 = arith.constant 0 : index
      %get3A_305 = tpu.vector_load %arg12[%get3A_303, %get3A_304] {strides = array<i32>} : memref<16x64xf32, #tpu.memory_space<vmem>>, vector<1x16xf32>,
      %get3A_306 = vector.shape_cast %get3A_305 : vector<1x16xf32> to vector<16xf32>
      %add3A_307 = arith.addf %add3A_283, %get3A_306 : vector<16xf32>
      %get3A_308 = arith.constant 12 : i32
      %get3A_309 = arith.index_cast %get3A_308 : i32 to index
      %get3A_310 = arith.constant 16 : index
      %get3A_311 = tpu.vector_load %arg12[%get3A_309, %get3A_310] {strides = array<i32>} : memref<16x64xf32, #tpu.memory_space<vmem>>, vector<1x16xf32>,
      %get3A_312 = vector.shape_cast %get3A_311 : vector<1x16xf32> to vector<16xf32>
      %add3A_313 = arith.addf %add3A_289, %get3A_312 : vector<16xf32>
      %get3A_314 = arith.constant 12 : i32
      %get3A_315 = arith.index_cast %get3A_314 : i32 to index
      %get3A_316 = arith.constant 32 : index
      %get3A_317 = tpu.vector_load %arg12[%get3A_315, %get3A_316] {strides = array<i32>} : memref<16x64xf32, #tpu.memory_space<vmem>>, vector<1x16xf32>,
      %get3A_318 = vector.shape_cast %get3A_317 : vector<1x16xf32> to vector<16xf32>
      %add3A_319 = arith.addf %add3A_295, %get3A_318 : vector<16xf32>
      %get3A_320 = arith.constant 12 : i32
      %get3A_321 = arith.index_cast %get3A_320 : i32 to index
      %get3A_322 = arith.constant 48 : index
      %get3A_323 = tpu.vector_load %arg12[%get3A_321, %get3A_322] {strides = array<i32>} : memref<16x64xf32, #tpu.memory_space<vmem>>, vector<1x16xf32>,
      %get3A_324 = vector.shape_cast %get3A_323 : vector<1x16xf32> to vector<16xf32>
      %add3A_325 = arith.addf %add3A_301, %get3A_324 : vector<16xf32>
      %get3A_326 = arith.constant 13 : i32
      %get3A_327 = arith.index_cast %get3A_326 : i32 to index
      %get3A_328 = arith.constant 0 : index
      %get3A_329 = tpu.vector_load %arg12[%get3A_327, %get3A_328] {strides = array<i32>} : memref<16x64xf32, #tpu.memory_space<vmem>>, vector<1x16xf32>,
      %get3A_330 = vector.shape_cast %get3A_329 : vector<1x16xf32> to vector<16xf32>
      %add3A_331 = arith.addf %add3A_307, %get3A_330 : vector<16xf32>
      %get3A_332 = arith.constant 13 : i32
      %get3A_333 = arith.index_cast %get3A_332 : i32 to index
      %get3A_334 = arith.constant 16 : index
      %get3A_335 = tpu.vector_load %arg12[%get3A_333, %get3A_334] {strides = array<i32>} : memref<16x64xf32, #tpu.memory_space<vmem>>, vector<1x16xf32>,
      %get3A_336 = vector.shape_cast %get3A_335 : vector<1x16xf32> to vector<16xf32>
      %add3A_337 = arith.addf %add3A_313, %get3A_336 : vector<16xf32>
      %get3A_338 = arith.constant 13 : i32
      %get3A_339 = arith.index_cast %get3A_338 : i32 to index
      %get3A_340 = arith.constant 32 : index
      %get3A_341 = tpu.vector_load %arg12[%get3A_339, %get3A_340] {strides = array<i32>} : memref<16x64xf32, #tpu.memory_space<vmem>>, vector<1x16xf32>,
      %get3A_342 = vector.shape_cast %get3A_341 : vector<1x16xf32> to vector<16xf32>
      %add3A_343 = arith.addf %add3A_319, %get3A_342 : vector<16xf32>
      %get3A_344 = arith.constant 13 : i32
      %get3A_345 = arith.index_cast %get3A_344 : i32 to index
      %get3A_346 = arith.constant 48 : index
      %get3A_347 = tpu.vector_load %arg12[%get3A_345, %get3A_346] {strides = array<i32>} : memref<16x64xf32, #tpu.memory_space<vmem>>, vector<1x16xf32>,
      %get3A_348 = vector.shape_cast %get3A_347 : vector<1x16xf32> to vector<16xf32>
      %add3A_349 = arith.addf %add3A_325, %get3A_348 : vector<16xf32>
      %get3A_350 = arith.constant 14 : i32
      %get3A_351 = arith.index_cast %get3A_350 : i32 to index
      %get3A_352 = arith.constant 0 : index
      %get3A_353 = tpu.vector_load %arg12[%get3A_351, %get3A_352] {strides = array<i32>} : memref<16x64xf32, #tpu.memory_space<vmem>>, vector<1x16xf32>,
      %get3A_354 = vector.shape_cast %get3A_353 : vector<1x16xf32> to vector<16xf32>
      %add3A_355 = arith.addf %add3A_331, %get3A_354 : vector<16xf32>
      %get3A_356 = arith.constant 14 : i32
      %get3A_357 = arith.index_cast %get3A_356 : i32 to index
      %get3A_358 = arith.constant 16 : index
      %get3A_359 = tpu.vector_load %arg12[%get3A_357, %get3A_358] {strides = array<i32>} : memref<16x64xf32, #tpu.memory_space<vmem>>, vector<1x16xf32>,
      %get3A_360 = vector.shape_cast %get3A_359 : vector<1x16xf32> to vector<16xf32>
      %add3A_361 = arith.addf %add3A_337, %get3A_360 : vector<16xf32>
      %get3A_362 = arith.constant 14 : i32
      %get3A_363 = arith.index_cast %get3A_362 : i32 to index
      %get3A_364 = arith.constant 32 : index
      %get3A_365 = tpu.vector_load %arg12[%get3A_363, %get3A_364] {strides = array<i32>} : memref<16x64xf32, #tpu.memory_space<vmem>>, vector<1x16xf32>,
      %get3A_366 = vector.shape_cast %get3A_365 : vector<1x16xf32> to vector<16xf32>
      %add3A_367 = arith.addf %add3A_343, %get3A_366 : vector<16xf32>
      %get3A_368 = arith.constant 14 : i32
      %get3A_369 = arith.index_cast %get3A_368 : i32 to index
      %get3A_370 = arith.constant 48 : index
      %get3A_371 = tpu.vector_load %arg12[%get3A_369, %get3A_370] {strides = array<i32>} : memref<16x64xf32, #tpu.memory_space<vmem>>, vector<1x16xf32>,
      %get3A_372 = vector.shape_cast %get3A_371 : vector<1x16xf32> to vector<16xf32>
      %add3A_373 = arith.addf %add3A_349, %get3A_372 : vector<16xf32>
      %get3A_374 = arith.constant 15 : i32
      %get3A_375 = arith.index_cast %get3A_374 : i32 to index
      %get3A_376 = arith.constant 0 : index
      %get3A_377 = tpu.vector_load %arg12[%get3A_375, %get3A_376] {strides = array<i32>} : memref<16x64xf32, #tpu.memory_space<vmem>>, vector<1x16xf32>,
      %get3A_378 = vector.shape_cast %get3A_377 : vector<1x16xf32> to vector<16xf32>
      %add3A_379 = arith.addf %add3A_355, %get3A_378 : vector<16xf32>
      %get3A_380 = arith.constant 15 : i32
      %get3A_381 = arith.index_cast %get3A_380 : i32 to index
      %get3A_382 = arith.constant 16 : index
      %get3A_383 = tpu.vector_load %arg12[%get3A_381, %get3A_382] {strides = array<i32>} : memref<16x64xf32, #tpu.memory_space<vmem>>, vector<1x16xf32>,
      %get3A_384 = vector.shape_cast %get3A_383 : vector<1x16xf32> to vector<16xf32>
      %add3A_385 = arith.addf %add3A_361, %get3A_384 : vector<16xf32>
      %get3A_386 = arith.constant 15 : i32
      %get3A_387 = arith.index_cast %get3A_386 : i32 to index
      %get3A_388 = arith.constant 32 : index
      %get3A_389 = tpu.vector_load %arg12[%get3A_387, %get3A_388] {strides = array<i32>} : memref<16x64xf32, #tpu.memory_space<vmem>>, vector<1x16xf32>,
      %get3A_390 = vector.shape_cast %get3A_389 : vector<1x16xf32> to vector<16xf32>
      %add3A_391 = arith.addf %add3A_367, %get3A_390 : vector<16xf32>
      %get3A_392 = arith.constant 15 : i32
      %get3A_393 = arith.index_cast %get3A_392 : i32 to index
      %get3A_394 = arith.constant 48 : index
      %get3A_395 = tpu.vector_load %arg12[%get3A_393, %get3A_394] {strides = array<i32>} : memref<16x64xf32, #tpu.memory_space<vmem>>, vector<1x16xf32>,
      %get3A_396 = vector.shape_cast %get3A_395 : vector<1x16xf32> to vector<16xf32>
      %add3A_397 = arith.addf %add3A_373, %get3A_396 : vector<16xf32>
      %mul3A = arith.constant 5.000000e-03 : f32
      %mul3A_398 = vector.broadcast %mul3A : f32 to vector<16xf32>
      %mul3A_399 = arith.mulf %add3A_379, %mul3A_398 : vector<16xf32>
      %mul3A_400 = arith.constant 5.000000e-03 : f32
      %mul3A_401 = vector.broadcast %mul3A_400 : f32 to vector<16xf32>
      %mul3A_402 = arith.mulf %add3A_385, %mul3A_401 : vector<16xf32>
      %mul3A_403 = arith.constant 5.000000e-03 : f32
      %mul3A_404 = vector.broadcast %mul3A_403 : f32 to vector<16xf32>
      %mul3A_405 = arith.mulf %add3A_391, %mul3A_404 : vector<16xf32>
      %mul3A_406 = arith.constant 5.000000e-03 : f32
      %mul3A_407 = vector.broadcast %mul3A_406 : f32 to vector<16xf32>
      %mul3A_408 = arith.mulf %add3A_397, %mul3A_407 : vector<16xf32>
      %iota3A = tpu.iota {dimensions = array<i32: 0>} : vector<16xi32>
      %broadcast_in_dim3A_409 = arith.constant 0.000000e+00 : f32
      %broadcast_in_dim3A_410 = vector.broadcast %broadcast_in_dim3A_409 : f32 to vector<16xf32>
      %broadcast_in_dim3A_411 = arith.constant 0.000000e+00 : f32
      %broadcast_in_dim3A_412 = vector.broadcast %broadcast_in_dim3A_411 : f32 to vector<16xf32>
      %broadcast_in_dim3A_413 = arith.constant 0.000000e+00 : f32
      %broadcast_in_dim3A_414 = vector.broadcast %broadcast_in_dim3A_413 : f32 to vector<16xf32>
      %get3A_415 = arith.constant 0 : i32
      %get3A_416 = arith.index_cast %get3A_415 : i32 to index
      %get3A_417 = arith.constant 0 : index
      %get3A_418 = tpu.vector_load %arg10[%get3A_416, %get3A_417] {strides = array<i32>} : memref<32x64xf32, #tpu.memory_space<vmem>>, vector<1x16xf32>,
      %get3A_419 = vector.shape_cast %get3A_418 : vector<1x16xf32> to vector<16xf32>
      %mul3A_420 = arith.mulf %get3A_419, %mul3A_399 : vector<16xf32>
      %add3A_421 = arith.addf %broadcast_in_dim3A_414, %mul3A_420 : vector<16xf32>
      %get3A_422 = arith.constant 0 : i32
      %get3A_423 = arith.index_cast %get3A_422 : i32 to index
      %get3A_424 = arith.constant 16 : index
      %get3A_425 = tpu.vector_load %arg10[%get3A_423, %get3A_424] {strides = array<i32>} : memref<32x64xf32, #tpu.memory_space<vmem>>, vector<1x16xf32>,
      %get3A_426 = vector.shape_cast %get3A_425 : vector<1x16xf32> to vector<16xf32>
      %mul3A_427 = arith.mulf %get3A_426, %mul3A_402 : vector<16xf32>
      %add3A_428 = arith.addf %add3A_421, %mul3A_427 : vector<16xf32>
      %get3A_429 = arith.constant 0 : i32
      %get3A_430 = arith.index_cast %get3A_429 : i32 to index
      %get3A_431 = arith.constant 32 : index
      %get3A_432 = tpu.vector_load %arg10[%get3A_430, %get3A_431] {strides = array<i32>} : memref<32x64xf32, #tpu.memory_space<vmem>>, vector<1x16xf32>,
      %get3A_433 = vector.shape_cast %get3A_432 : vector<1x16xf32> to vector<16xf32>
      %mul3A_434 = arith.mulf %get3A_433, %mul3A_405 : vector<16xf32>
      %add3A_435 = arith.addf %add3A_428, %mul3A_434 : vector<16xf32>
      %get3A_436 = arith.constant 0 : i32
      %get3A_437 = arith.index_cast %get3A_436 : i32 to index
      %get3A_438 = arith.constant 48 : index
      %get3A_439 = tpu.vector_load %arg10[%get3A_437, %get3A_438] {strides = array<i32>} : memref<32x64xf32, #tpu.memory_space<vmem>>, vector<1x16xf32>,
      %get3A_440 = vector.shape_cast %get3A_439 : vector<1x16xf32> to vector<16xf32>
      %mul3A_441 = arith.mulf %get3A_440, %mul3A_408 : vector<16xf32>
      %add3A_442 = arith.addf %add3A_435, %mul3A_441 : vector<16xf32>
      %xor3A = arith.constant 1 : i32
      %xor3A_443 = vector.broadcast %xor3A : i32 to vector<16xi32>
      %xor3A_444 = arith.xori %iota3A, %xor3A_443 : vector<16xi32>
      %lt3A = arith.constant 0 : i32
      %lt3A_445 = vector.broadcast %lt3A : i32 to vector<16xi32>
      %lt3A_446 = arith.cmpi slt, %xor3A_444, %lt3A_445 : vector<16xi32>
      %add3A_447 = arith.constant 16 : i32
      %add3A_448 = vector.broadcast %add3A_447 : i32 to vector<16xi32>
      %add3A_449 = arith.addi %xor3A_444, %add3A_448 : vector<16xi32>
      %select_n3A = arith.select %lt3A_446, %add3A_449, %xor3A_444 : vector<16xi1>, vector<16xi32>
      %broadcast_in_dim3A_450 = vector.shape_cast %select_n3A : vector<16xi32> to vector<16x1xi32>
      %gather3A = vector.shape_cast %broadcast_in_dim3A_450 : vector<16x1xi32> to vector<16xi32>
      %gather3A_451 = tpu.dynamic_gather %add3A_442[%gather3A] in [0] : vector<16xf32>, vector<16xi32> -> vector<16xf32>
      %add3A_452 = arith.addf %add3A_442, %gather3A_451 : vector<16xf32>
      %xor3A_453 = arith.constant 2 : i32
      %xor3A_454 = vector.broadcast %xor3A_453 : i32 to vector<16xi32>
      %xor3A_455 = arith.xori %iota3A, %xor3A_454 : vector<16xi32>
      %lt3A_456 = arith.constant 0 : i32
      %lt3A_457 = vector.broadcast %lt3A_456 : i32 to vector<16xi32>
      %lt3A_458 = arith.cmpi slt, %xor3A_455, %lt3A_457 : vector<16xi32>
      %add3A_459 = arith.constant 16 : i32
      %add3A_460 = vector.broadcast %add3A_459 : i32 to vector<16xi32>
      %add3A_461 = arith.addi %xor3A_455, %add3A_460 : vector<16xi32>
      %select_n3A_462 = arith.select %lt3A_458, %add3A_461, %xor3A_455 : vector<16xi1>, vector<16xi32>
      %broadcast_in_dim3A_463 = vector.shape_cast %select_n3A_462 : vector<16xi32> to vector<16x1xi32>
      %gather3A_464 = vector.shape_cast %broadcast_in_dim3A_463 : vector<16x1xi32> to vector<16xi32>
      %gather3A_465 = tpu.dynamic_gather %add3A_452[%gather3A_464] in [0] : vector<16xf32>, vector<16xi32> -> vector<16xf32>
      %add3A_466 = arith.addf %add3A_452, %gather3A_465 : vector<16xf32>
      %xor3A_467 = arith.constant 4 : i32
      %xor3A_468 = vector.broadcast %xor3A_467 : i32 to vector<16xi32>
      %xor3A_469 = arith.xori %iota3A, %xor3A_468 : vector<16xi32>
      %lt3A_470 = arith.constant 0 : i32
      %lt3A_471 = vector.broadcast %lt3A_470 : i32 to vector<16xi32>
      %lt3A_472 = arith.cmpi slt, %xor3A_469, %lt3A_471 : vector<16xi32>
      %add3A_473 = arith.constant 16 : i32
      %add3A_474 = vector.broadcast %add3A_473 : i32 to vector<16xi32>
      %add3A_475 = arith.addi %xor3A_469, %add3A_474 : vector<16xi32>
      %select_n3A_476 = arith.select %lt3A_472, %add3A_475, %xor3A_469 : vector<16xi1>, vector<16xi32>
      %broadcast_in_dim3A_477 = vector.shape_cast %select_n3A_476 : vector<16xi32> to vector<16x1xi32>
      %gather3A_478 = vector.shape_cast %broadcast_in_dim3A_477 : vector<16x1xi32> to vector<16xi32>
      %gather3A_479 = tpu.dynamic_gather %add3A_466[%gather3A_478] in [0] : vector<16xf32>, vector<16xi32> -> vector<16xf32>
      %add3A_480 = arith.addf %add3A_466, %gather3A_479 : vector<16xf32>
      %xor3A_481 = arith.constant 8 : i32
      %xor3A_482 = vector.broadcast %xor3A_481 : i32 to vector<16xi32>
      %xor3A_483 = arith.xori %iota3A, %xor3A_482 : vector<16xi32>
      %lt3A_484 = arith.constant 0 : i32
      %lt3A_485 = vector.broadcast %lt3A_484 : i32 to vector<16xi32>
      %lt3A_486 = arith.cmpi slt, %xor3A_483, %lt3A_485 : vector<16xi32>
      %add3A_487 = arith.constant 16 : i32
      %add3A_488 = vector.broadcast %add3A_487 : i32 to vector<16xi32>
      %add3A_489 = arith.addi %xor3A_483, %add3A_488 : vector<16xi32>
      %select_n3A_490 = arith.select %lt3A_486, %add3A_489, %xor3A_483 : vector<16xi1>, vector<16xi32>
      %broadcast_in_dim3A_491 = vector.shape_cast %select_n3A_490 : vector<16xi32> to vector<16x1xi32>
      %gather3A_492 = vector.shape_cast %broadcast_in_dim3A_491 : vector<16x1xi32> to vector<16xi32>
      %gather3A_493 = tpu.dynamic_gather %add3A_480[%gather3A_492] in [0] : vector<16xf32>, vector<16xi32> -> vector<16xf32>
      %add3A_494 = arith.addf %add3A_480, %gather3A_493 : vector<16xf32>
      %eq3A_495 = arith.constant 0 : i32
      %eq3A_496 = vector.broadcast %eq3A_495 : i32 to vector<16xi32>
      %eq3A_497 = arith.cmpi eq, %iota3A, %eq3A_496 : vector<16xi32>
      %select_n3A_498 = arith.select %eq3A_497, %add3A_494, %broadcast_in_dim3A_410 : vector<16xi1>, vector<16xf32>
      %broadcast_in_dim3A_499 = arith.constant 0.000000e+00 : f32
      %broadcast_in_dim3A_500 = vector.broadcast %broadcast_in_dim3A_499 : f32 to vector<16xf32>
      %get3A_501 = arith.constant 1 : i32
      %get3A_502 = arith.index_cast %get3A_501 : i32 to index
      %get3A_503 = arith.constant 0 : index
      %get3A_504 = tpu.vector_load %arg10[%get3A_502, %get3A_503] {strides = array<i32>} : memref<32x64xf32, #tpu.memory_space<vmem>>, vector<1x16xf32>,
      %get3A_505 = vector.shape_cast %get3A_504 : vector<1x16xf32> to vector<16xf32>
      %mul3A_506 = arith.mulf %get3A_505, %mul3A_399 : vector<16xf32>
      %add3A_507 = arith.addf %broadcast_in_dim3A_500, %mul3A_506 : vector<16xf32>
      %get3A_508 = arith.constant 1 : i32
      %get3A_509 = arith.index_cast %get3A_508 : i32 to index
      %get3A_510 = arith.constant 16 : index
      %get3A_511 = tpu.vector_load %arg10[%get3A_509, %get3A_510] {strides = array<i32>} : memref<32x64xf32, #tpu.memory_space<vmem>>, vector<1x16xf32>,
      %get3A_512 = vector.shape_cast %get3A_511 : vector<1x16xf32> to vector<16xf32>
      %mul3A_513 = arith.mulf %get3A_512, %mul3A_402 : vector<16xf32>
      %add3A_514 = arith.addf %add3A_507, %mul3A_513 : vector<16xf32>
      %get3A_515 = arith.constant 1 : i32
      %get3A_516 = arith.index_cast %get3A_515 : i32 to index
      %get3A_517 = arith.constant 32 : index
      %get3A_518 = tpu.vector_load %arg10[%get3A_516, %get3A_517] {strides = array<i32>} : memref<32x64xf32, #tpu.memory_space<vmem>>, vector<1x16xf32>,
      %get3A_519 = vector.shape_cast %get3A_518 : vector<1x16xf32> to vector<16xf32>
      %mul3A_520 = arith.mulf %get3A_519, %mul3A_405 : vector<16xf32>
      %add3A_521 = arith.addf %add3A_514, %mul3A_520 : vector<16xf32>
      %get3A_522 = arith.constant 1 : i32
      %get3A_523 = arith.index_cast %get3A_522 : i32 to index
      %get3A_524 = arith.constant 48 : index
      %get3A_525 = tpu.vector_load %arg10[%get3A_523, %get3A_524] {strides = array<i32>} : memref<32x64xf32, #tpu.memory_space<vmem>>, vector<1x16xf32>,
      %get3A_526 = vector.shape_cast %get3A_525 : vector<1x16xf32> to vector<16xf32>
      %mul3A_527 = arith.mulf %get3A_526, %mul3A_408 : vector<16xf32>
      %add3A_528 = arith.addf %add3A_521, %mul3A_527 : vector<16xf32>
      %xor3A_529 = arith.constant 1 : i32
      %xor3A_530 = vector.broadcast %xor3A_529 : i32 to vector<16xi32>
      %xor3A_531 = arith.xori %iota3A, %xor3A_530 : vector<16xi32>
      %lt3A_532 = arith.constant 0 : i32
      %lt3A_533 = vector.broadcast %lt3A_532 : i32 to vector<16xi32>
      %lt3A_534 = arith.cmpi slt, %xor3A_531, %lt3A_533 : vector<16xi32>
      %add3A_535 = arith.constant 16 : i32
      %add3A_536 = vector.broadcast %add3A_535 : i32 to vector<16xi32>
      %add3A_537 = arith.addi %xor3A_531, %add3A_536 : vector<16xi32>
      %select_n3A_538 = arith.select %lt3A_534, %add3A_537, %xor3A_531 : vector<16xi1>, vector<16xi32>
      %broadcast_in_dim3A_539 = vector.shape_cast %select_n3A_538 : vector<16xi32> to vector<16x1xi32>
      %gather3A_540 = vector.shape_cast %broadcast_in_dim3A_539 : vector<16x1xi32> to vector<16xi32>
      %gather3A_541 = tpu.dynamic_gather %add3A_528[%gather3A_540] in [0] : vector<16xf32>, vector<16xi32> -> vector<16xf32>
      %add3A_542 = arith.addf %add3A_528, %gather3A_541 : vector<16xf32>
      %xor3A_543 = arith.constant 2 : i32
      %xor3A_544 = vector.broadcast %xor3A_543 : i32 to vector<16xi32>
      %xor3A_545 = arith.xori %iota3A, %xor3A_544 : vector<16xi32>
      %lt3A_546 = arith.constant 0 : i32
      %lt3A_547 = vector.broadcast %lt3A_546 : i32 to vector<16xi32>
      %lt3A_548 = arith.cmpi slt, %xor3A_545, %lt3A_547 : vector<16xi32>
      %add3A_549 = arith.constant 16 : i32
      %add3A_550 = vector.broadcast %add3A_549 : i32 to vector<16xi32>
      %add3A_551 = arith.addi %xor3A_545, %add3A_550 : vector<16xi32>
      %select_n3A_552 = arith.select %lt3A_548, %add3A_551, %xor3A_545 : vector<16xi1>, vector<16xi32>
      %broadcast_in_dim3A_553 = vector.shape_cast %select_n3A_552 : vector<16xi32> to vector<16x1xi32>
      %gather3A_554 = vector.shape_cast %broadcast_in_dim3A_553 : vector<16x1xi32> to vector<16xi32>
      %gather3A_555 = tpu.dynamic_gather %add3A_542[%gather3A_554] in [0] : vector<16xf32>, vector<16xi32> -> vector<16xf32>
      %add3A_556 = arith.addf %add3A_542, %gather3A_555 : vector<16xf32>
      %xor3A_557 = arith.constant 4 : i32
      %xor3A_558 = vector.broadcast %xor3A_557 : i32 to vector<16xi32>
      %xor3A_559 = arith.xori %iota3A, %xor3A_558 : vector<16xi32>
      %lt3A_560 = arith.constant 0 : i32
      %lt3A_561 = vector.broadcast %lt3A_560 : i32 to vector<16xi32>
      %lt3A_562 = arith.cmpi slt, %xor3A_559, %lt3A_561 : vector<16xi32>
      %add3A_563 = arith.constant 16 : i32
      %add3A_564 = vector.broadcast %add3A_563 : i32 to vector<16xi32>
      %add3A_565 = arith.addi %xor3A_559, %add3A_564 : vector<16xi32>
      %select_n3A_566 = arith.select %lt3A_562, %add3A_565, %xor3A_559 : vector<16xi1>, vector<16xi32>
      %broadcast_in_dim3A_567 = vector.shape_cast %select_n3A_566 : vector<16xi32> to vector<16x1xi32>
      %gather3A_568 = vector.shape_cast %broadcast_in_dim3A_567 : vector<16x1xi32> to vector<16xi32>
      %gather3A_569 = tpu.dynamic_gather %add3A_556[%gather3A_568] in [0] : vector<16xf32>, vector<16xi32> -> vector<16xf32>
      %add3A_570 = arith.addf %add3A_556, %gather3A_569 : vector<16xf32>
      %xor3A_571 = arith.constant 8 : i32
      %xor3A_572 = vector.broadcast %xor3A_571 : i32 to vector<16xi32>
      %xor3A_573 = arith.xori %iota3A, %xor3A_572 : vector<16xi32>
      %lt3A_574 = arith.constant 0 : i32
      %lt3A_575 = vector.broadcast %lt3A_574 : i32 to vector<16xi32>
      %lt3A_576 = arith.cmpi slt, %xor3A_573, %lt3A_575 : vector<16xi32>
      %add3A_577 = arith.constant 16 : i32
      %add3A_578 = vector.broadcast %add3A_577 : i32 to vector<16xi32>
      %add3A_579 = arith.addi %xor3A_573, %add3A_578 : vector<16xi32>
      %select_n3A_580 = arith.select %lt3A_576, %add3A_579, %xor3A_573 : vector<16xi1>, vector<16xi32>
      %broadcast_in_dim3A_581 = vector.shape_cast %select_n3A_580 : vector<16xi32> to vector<16x1xi32>
      %gather3A_582 = vector.shape_cast %broadcast_in_dim3A_581 : vector<16x1xi32> to vector<16xi32>
      %gather3A_583 = tpu.dynamic_gather %add3A_570[%gather3A_582] in [0] : vector<16xf32>, vector<16xi32> -> vector<16xf32>
      %add3A_584 = arith.addf %add3A_570, %gather3A_583 : vector<16xf32>
      %eq3A_585 = arith.constant 1 : i32
      %eq3A_586 = vector.broadcast %eq3A_585 : i32 to vector<16xi32>
      %eq3A_587 = arith.cmpi eq, %iota3A, %eq3A_586 : vector<16xi32>
      %select_n3A_588 = arith.select %eq3A_587, %add3A_584, %select_n3A_498 : vector<16xi1>, vector<16xf32>
      %broadcast_in_dim3A_589 = arith.constant 0.000000e+00 : f32
      %broadcast_in_dim3A_590 = vector.broadcast %broadcast_in_dim3A_589 : f32 to vector<16xf32>
      %get3A_591 = arith.constant 2 : i32
      %get3A_592 = arith.index_cast %get3A_591 : i32 to index
      %get3A_593 = arith.constant 0 : index
      %get3A_594 = tpu.vector_load %arg10[%get3A_592, %get3A_593] {strides = array<i32>} : memref<32x64xf32, #tpu.memory_space<vmem>>, vector<1x16xf32>,
      %get3A_595 = vector.shape_cast %get3A_594 : vector<1x16xf32> to vector<16xf32>
      %mul3A_596 = arith.mulf %get3A_595, %mul3A_399 : vector<16xf32>
      %add3A_597 = arith.addf %broadcast_in_dim3A_590, %mul3A_596 : vector<16xf32>
      %get3A_598 = arith.constant 2 : i32
      %get3A_599 = arith.index_cast %get3A_598 : i32 to index
      %get3A_600 = arith.constant 16 : index
      %get3A_601 = tpu.vector_load %arg10[%get3A_599, %get3A_600] {strides = array<i32>} : memref<32x64xf32, #tpu.memory_space<vmem>>, vector<1x16xf32>,
      %get3A_602 = vector.shape_cast %get3A_601 : vector<1x16xf32> to vector<16xf32>
      %mul3A_603 = arith.mulf %get3A_602, %mul3A_402 : vector<16xf32>
      %add3A_604 = arith.addf %add3A_597, %mul3A_603 : vector<16xf32>
      %get3A_605 = arith.constant 2 : i32
      %get3A_606 = arith.index_cast %get3A_605 : i32 to index
      %get3A_607 = arith.constant 32 : index
      %get3A_608 = tpu.vector_load %arg10[%get3A_606, %get3A_607] {strides = array<i32>} : memref<32x64xf32, #tpu.memory_space<vmem>>, vector<1x16xf32>,
      %get3A_609 = vector.shape_cast %get3A_608 : vector<1x16xf32> to vector<16xf32>
      %mul3A_610 = arith.mulf %get3A_609, %mul3A_405 : vector<16xf32>
      %add3A_611 = arith.addf %add3A_604, %mul3A_610 : vector<16xf32>
      %get3A_612 = arith.constant 2 : i32
      %get3A_613 = arith.index_cast %get3A_612 : i32 to index
      %get3A_614 = arith.constant 48 : index
      %get3A_615 = tpu.vector_load %arg10[%get3A_613, %get3A_614] {strides = array<i32>} : memref<32x64xf32, #tpu.memory_space<vmem>>, vector<1x16xf32>,
      %get3A_616 = vector.shape_cast %get3A_615 : vector<1x16xf32> to vector<16xf32>
      %mul3A_617 = arith.mulf %get3A_616, %mul3A_408 : vector<16xf32>
      %add3A_618 = arith.addf %add3A_611, %mul3A_617 : vector<16xf32>
      %xor3A_619 = arith.constant 1 : i32
      %xor3A_620 = vector.broadcast %xor3A_619 : i32 to vector<16xi32>
      %xor3A_621 = arith.xori %iota3A, %xor3A_620 : vector<16xi32>
      %lt3A_622 = arith.constant 0 : i32
      %lt3A_623 = vector.broadcast %lt3A_622 : i32 to vector<16xi32>
      %lt3A_624 = arith.cmpi slt, %xor3A_621, %lt3A_623 : vector<16xi32>
      %add3A_625 = arith.constant 16 : i32
      %add3A_626 = vector.broadcast %add3A_625 : i32 to vector<16xi32>
      %add3A_627 = arith.addi %xor3A_621, %add3A_626 : vector<16xi32>
      %select_n3A_628 = arith.select %lt3A_624, %add3A_627, %xor3A_621 : vector<16xi1>, vector<16xi32>
      %broadcast_in_dim3A_629 = vector.shape_cast %select_n3A_628 : vector<16xi32> to vector<16x1xi32>
      %gather3A_630 = vector.shape_cast %broadcast_in_dim3A_629 : vector<16x1xi32> to vector<16xi32>
      %gather3A_631 = tpu.dynamic_gather %add3A_618[%gather3A_630] in [0] : vector<16xf32>, vector<16xi32> -> vector<16xf32>
      %add3A_632 = arith.addf %add3A_618, %gather3A_631 : vector<16xf32>
      %xor3A_633 = arith.constant 2 : i32
      %xor3A_634 = vector.broadcast %xor3A_633 : i32 to vector<16xi32>
      %xor3A_635 = arith.xori %iota3A, %xor3A_634 : vector<16xi32>
      %lt3A_636 = arith.constant 0 : i32
      %lt3A_637 = vector.broadcast %lt3A_636 : i32 to vector<16xi32>
      %lt3A_638 = arith.cmpi slt, %xor3A_635, %lt3A_637 : vector<16xi32>
      %add3A_639 = arith.constant 16 : i32
      %add3A_640 = vector.broadcast %add3A_639 : i32 to vector<16xi32>
      %add3A_641 = arith.addi %xor3A_635, %add3A_640 : vector<16xi32>
      %select_n3A_642 = arith.select %lt3A_638, %add3A_641, %xor3A_635 : vector<16xi1>, vector<16xi32>
      %broadcast_in_dim3A_643 = vector.shape_cast %select_n3A_642 : vector<16xi32> to vector<16x1xi32>
      %gather3A_644 = vector.shape_cast %broadcast_in_dim3A_643 : vector<16x1xi32> to vector<16xi32>
      %gather3A_645 = tpu.dynamic_gather %add3A_632[%gather3A_644] in [0] : vector<16xf32>, vector<16xi32> -> vector<16xf32>
      %add3A_646 = arith.addf %add3A_632, %gather3A_645 : vector<16xf32>
      %xor3A_647 = arith.constant 4 : i32
      %xor3A_648 = vector.broadcast %xor3A_647 : i32 to vector<16xi32>
      %xor3A_649 = arith.xori %iota3A, %xor3A_648 : vector<16xi32>
      %lt3A_650 = arith.constant 0 : i32
      %lt3A_651 = vector.broadcast %lt3A_650 : i32 to vector<16xi32>
      %lt3A_652 = arith.cmpi slt, %xor3A_649, %lt3A_651 : vector<16xi32>
      %add3A_653 = arith.constant 16 : i32
      %add3A_654 = vector.broadcast %add3A_653 : i32 to vector<16xi32>
      %add3A_655 = arith.addi %xor3A_649, %add3A_654 : vector<16xi32>
      %select_n3A_656 = arith.select %lt3A_652, %add3A_655, %xor3A_649 : vector<16xi1>, vector<16xi32>
      %broadcast_in_dim3A_657 = vector.shape_cast %select_n3A_656 : vector<16xi32> to vector<16x1xi32>
      %gather3A_658 = vector.shape_cast %broadcast_in_dim3A_657 : vector<16x1xi32> to vector<16xi32>
      %gather3A_659 = tpu.dynamic_gather %add3A_646[%gather3A_658] in [0] : vector<16xf32>, vector<16xi32> -> vector<16xf32>
      %add3A_660 = arith.addf %add3A_646, %gather3A_659 : vector<16xf32>
      %xor3A_661 = arith.constant 8 : i32
      %xor3A_662 = vector.broadcast %xor3A_661 : i32 to vector<16xi32>
      %xor3A_663 = arith.xori %iota3A, %xor3A_662 : vector<16xi32>
      %lt3A_664 = arith.constant 0 : i32
      %lt3A_665 = vector.broadcast %lt3A_664 : i32 to vector<16xi32>
      %lt3A_666 = arith.cmpi slt, %xor3A_663, %lt3A_665 : vector<16xi32>
      %add3A_667 = arith.constant 16 : i32
      %add3A_668 = vector.broadcast %add3A_667 : i32 to vector<16xi32>
      %add3A_669 = arith.addi %xor3A_663, %add3A_668 : vector<16xi32>
      %select_n3A_670 = arith.select %lt3A_666, %add3A_669, %xor3A_663 : vector<16xi1>, vector<16xi32>
      %broadcast_in_dim3A_671 = vector.shape_cast %select_n3A_670 : vector<16xi32> to vector<16x1xi32>
      %gather3A_672 = vector.shape_cast %broadcast_in_dim3A_671 : vector<16x1xi32> to vector<16xi32>
      %gather3A_673 = tpu.dynamic_gather %add3A_660[%gather3A_672] in [0] : vector<16xf32>, vector<16xi32> -> vector<16xf32>
      %add3A_674 = arith.addf %add3A_660, %gather3A_673 : vector<16xf32>
      %eq3A_675 = arith.constant 2 : i32
      %eq3A_676 = vector.broadcast %eq3A_675 : i32 to vector<16xi32>
      %eq3A_677 = arith.cmpi eq, %iota3A, %eq3A_676 : vector<16xi32>
      %select_n3A_678 = arith.select %eq3A_677, %add3A_674, %select_n3A_588 : vector<16xi1>, vector<16xf32>
      %broadcast_in_dim3A_679 = arith.constant 0.000000e+00 : f32
      %broadcast_in_dim3A_680 = vector.broadcast %broadcast_in_dim3A_679 : f32 to vector<16xf32>
      %get3A_681 = arith.constant 3 : i32
      %get3A_682 = arith.index_cast %get3A_681 : i32 to index
      %get3A_683 = arith.constant 0 : index
      %get3A_684 = tpu.vector_load %arg10[%get3A_682, %get3A_683] {strides = array<i32>} : memref<32x64xf32, #tpu.memory_space<vmem>>, vector<1x16xf32>,
      %get3A_685 = vector.shape_cast %get3A_684 : vector<1x16xf32> to vector<16xf32>
      %mul3A_686 = arith.mulf %get3A_685, %mul3A_399 : vector<16xf32>
      %add3A_687 = arith.addf %broadcast_in_dim3A_680, %mul3A_686 : vector<16xf32>
      %get3A_688 = arith.constant 3 : i32
      %get3A_689 = arith.index_cast %get3A_688 : i32 to index
      %get3A_690 = arith.constant 16 : index
      %get3A_691 = tpu.vector_load %arg10[%get3A_689, %get3A_690] {strides = array<i32>} : memref<32x64xf32, #tpu.memory_space<vmem>>, vector<1x16xf32>,
      %get3A_692 = vector.shape_cast %get3A_691 : vector<1x16xf32> to vector<16xf32>
      %mul3A_693 = arith.mulf %get3A_692, %mul3A_402 : vector<16xf32>
      %add3A_694 = arith.addf %add3A_687, %mul3A_693 : vector<16xf32>
      %get3A_695 = arith.constant 3 : i32
      %get3A_696 = arith.index_cast %get3A_695 : i32 to index
      %get3A_697 = arith.constant 32 : index
      %get3A_698 = tpu.vector_load %arg10[%get3A_696, %get3A_697] {strides = array<i32>} : memref<32x64xf32, #tpu.memory_space<vmem>>, vector<1x16xf32>,
      %get3A_699 = vector.shape_cast %get3A_698 : vector<1x16xf32> to vector<16xf32>
      %mul3A_700 = arith.mulf %get3A_699, %mul3A_405 : vector<16xf32>
      %add3A_701 = arith.addf %add3A_694, %mul3A_700 : vector<16xf32>
      %get3A_702 = arith.constant 3 : i32
      %get3A_703 = arith.index_cast %get3A_702 : i32 to index
      %get3A_704 = arith.constant 48 : index
      %get3A_705 = tpu.vector_load %arg10[%get3A_703, %get3A_704] {strides = array<i32>} : memref<32x64xf32, #tpu.memory_space<vmem>>, vector<1x16xf32>,
      %get3A_706 = vector.shape_cast %get3A_705 : vector<1x16xf32> to vector<16xf32>
      %mul3A_707 = arith.mulf %get3A_706, %mul3A_408 : vector<16xf32>
      %add3A_708 = arith.addf %add3A_701, %mul3A_707 : vector<16xf32>
      %xor3A_709 = arith.constant 1 : i32
      %xor3A_710 = vector.broadcast %xor3A_709 : i32 to vector<16xi32>
      %xor3A_711 = arith.xori %iota3A, %xor3A_710 : vector<16xi32>
      %lt3A_712 = arith.constant 0 : i32
      %lt3A_713 = vector.broadcast %lt3A_712 : i32 to vector<16xi32>
      %lt3A_714 = arith.cmpi slt, %xor3A_711, %lt3A_713 : vector<16xi32>
      %add3A_715 = arith.constant 16 : i32
      %add3A_716 = vector.broadcast %add3A_715 : i32 to vector<16xi32>
      %add3A_717 = arith.addi %xor3A_711, %add3A_716 : vector<16xi32>
      %select_n3A_718 = arith.select %lt3A_714, %add3A_717, %xor3A_711 : vector<16xi1>, vector<16xi32>
      %broadcast_in_dim3A_719 = vector.shape_cast %select_n3A_718 : vector<16xi32> to vector<16x1xi32>
      %gather3A_720 = vector.shape_cast %broadcast_in_dim3A_719 : vector<16x1xi32> to vector<16xi32>
      %gather3A_721 = tpu.dynamic_gather %add3A_708[%gather3A_720] in [0] : vector<16xf32>, vector<16xi32> -> vector<16xf32>
      %add3A_722 = arith.addf %add3A_708, %gather3A_721 : vector<16xf32>
      %xor3A_723 = arith.constant 2 : i32
      %xor3A_724 = vector.broadcast %xor3A_723 : i32 to vector<16xi32>
      %xor3A_725 = arith.xori %iota3A, %xor3A_724 : vector<16xi32>
      %lt3A_726 = arith.constant 0 : i32
      %lt3A_727 = vector.broadcast %lt3A_726 : i32 to vector<16xi32>
      %lt3A_728 = arith.cmpi slt, %xor3A_725, %lt3A_727 : vector<16xi32>
      %add3A_729 = arith.constant 16 : i32
      %add3A_730 = vector.broadcast %add3A_729 : i32 to vector<16xi32>
      %add3A_731 = arith.addi %xor3A_725, %add3A_730 : vector<16xi32>
      %select_n3A_732 = arith.select %lt3A_728, %add3A_731, %xor3A_725 : vector<16xi1>, vector<16xi32>
      %broadcast_in_dim3A_733 = vector.shape_cast %select_n3A_732 : vector<16xi32> to vector<16x1xi32>
      %gather3A_734 = vector.shape_cast %broadcast_in_dim3A_733 : vector<16x1xi32> to vector<16xi32>
      %gather3A_735 = tpu.dynamic_gather %add3A_722[%gather3A_734] in [0] : vector<16xf32>, vector<16xi32> -> vector<16xf32>
      %add3A_736 = arith.addf %add3A_722, %gather3A_735 : vector<16xf32>
      %xor3A_737 = arith.constant 4 : i32
      %xor3A_738 = vector.broadcast %xor3A_737 : i32 to vector<16xi32>
      %xor3A_739 = arith.xori %iota3A, %xor3A_738 : vector<16xi32>
      %lt3A_740 = arith.constant 0 : i32
      %lt3A_741 = vector.broadcast %lt3A_740 : i32 to vector<16xi32>
      %lt3A_742 = arith.cmpi slt, %xor3A_739, %lt3A_741 : vector<16xi32>
      %add3A_743 = arith.constant 16 : i32
      %add3A_744 = vector.broadcast %add3A_743 : i32 to vector<16xi32>
      %add3A_745 = arith.addi %xor3A_739, %add3A_744 : vector<16xi32>
      %select_n3A_746 = arith.select %lt3A_742, %add3A_745, %xor3A_739 : vector<16xi1>, vector<16xi32>
      %broadcast_in_dim3A_747 = vector.shape_cast %select_n3A_746 : vector<16xi32> to vector<16x1xi32>
      %gather3A_748 = vector.shape_cast %broadcast_in_dim3A_747 : vector<16x1xi32> to vector<16xi32>
      %gather3A_749 = tpu.dynamic_gather %add3A_736[%gather3A_748] in [0] : vector<16xf32>, vector<16xi32> -> vector<16xf32>
      %add3A_750 = arith.addf %add3A_736, %gather3A_749 : vector<16xf32>
      %xor3A_751 = arith.constant 8 : i32
      %xor3A_752 = vector.broadcast %xor3A_751 : i32 to vector<16xi32>
      %xor3A_753 = arith.xori %iota3A, %xor3A_752 : vector<16xi32>
      %lt3A_754 = arith.constant 0 : i32
      %lt3A_755 = vector.broadcast %lt3A_754 : i32 to vector<16xi32>
      %lt3A_756 = arith.cmpi slt, %xor3A_753, %lt3A_755 : vector<16xi32>
      %add3A_757 = arith.constant 16 : i32
      %add3A_758 = vector.broadcast %add3A_757 : i32 to vector<16xi32>
      %add3A_759 = arith.addi %xor3A_753, %add3A_758 : vector<16xi32>
      %select_n3A_760 = arith.select %lt3A_756, %add3A_759, %xor3A_753 : vector<16xi1>, vector<16xi32>
      %broadcast_in_dim3A_761 = vector.shape_cast %select_n3A_760 : vector<16xi32> to vector<16x1xi32>
      %gather3A_762 = vector.shape_cast %broadcast_in_dim3A_761 : vector<16x1xi32> to vector<16xi32>
      %gather3A_763 = tpu.dynamic_gather %add3A_750[%gather3A_762] in [0] : vector<16xf32>, vector<16xi32> -> vector<16xf32>
      %add3A_764 = arith.addf %add3A_750, %gather3A_763 : vector<16xf32>
      %eq3A_765 = arith.constant 3 : i32
      %eq3A_766 = vector.broadcast %eq3A_765 : i32 to vector<16xi32>
      %eq3A_767 = arith.cmpi eq, %iota3A, %eq3A_766 : vector<16xi32>
      %select_n3A_768 = arith.select %eq3A_767, %add3A_764, %select_n3A_678 : vector<16xi1>, vector<16xf32>
      %broadcast_in_dim3A_769 = arith.constant 0.000000e+00 : f32
      %broadcast_in_dim3A_770 = vector.broadcast %broadcast_in_dim3A_769 : f32 to vector<16xf32>
      %get3A_771 = arith.constant 4 : i32
      %get3A_772 = arith.index_cast %get3A_771 : i32 to index
      %get3A_773 = arith.constant 0 : index
      %get3A_774 = tpu.vector_load %arg10[%get3A_772, %get3A_773] {strides = array<i32>} : memref<32x64xf32, #tpu.memory_space<vmem>>, vector<1x16xf32>,
      %get3A_775 = vector.shape_cast %get3A_774 : vector<1x16xf32> to vector<16xf32>
      %mul3A_776 = arith.mulf %get3A_775, %mul3A_399 : vector<16xf32>
      %add3A_777 = arith.addf %broadcast_in_dim3A_770, %mul3A_776 : vector<16xf32>
      %get3A_778 = arith.constant 4 : i32
      %get3A_779 = arith.index_cast %get3A_778 : i32 to index
      %get3A_780 = arith.constant 16 : index
      %get3A_781 = tpu.vector_load %arg10[%get3A_779, %get3A_780] {strides = array<i32>} : memref<32x64xf32, #tpu.memory_space<vmem>>, vector<1x16xf32>,
      %get3A_782 = vector.shape_cast %get3A_781 : vector<1x16xf32> to vector<16xf32>
      %mul3A_783 = arith.mulf %get3A_782, %mul3A_402 : vector<16xf32>
      %add3A_784 = arith.addf %add3A_777, %mul3A_783 : vector<16xf32>
      %get3A_785 = arith.constant 4 : i32
      %get3A_786 = arith.index_cast %get3A_785 : i32 to index
      %get3A_787 = arith.constant 32 : index
      %get3A_788 = tpu.vector_load %arg10[%get3A_786, %get3A_787] {strides = array<i32>} : memref<32x64xf32, #tpu.memory_space<vmem>>, vector<1x16xf32>,
      %get3A_789 = vector.shape_cast %get3A_788 : vector<1x16xf32> to vector<16xf32>
      %mul3A_790 = arith.mulf %get3A_789, %mul3A_405 : vector<16xf32>
      %add3A_791 = arith.addf %add3A_784, %mul3A_790 : vector<16xf32>
      %get3A_792 = arith.constant 4 : i32
      %get3A_793 = arith.index_cast %get3A_792 : i32 to index
      %get3A_794 = arith.constant 48 : index
      %get3A_795 = tpu.vector_load %arg10[%get3A_793, %get3A_794] {strides = array<i32>} : memref<32x64xf32, #tpu.memory_space<vmem>>, vector<1x16xf32>,
      %get3A_796 = vector.shape_cast %get3A_795 : vector<1x16xf32> to vector<16xf32>
      %mul3A_797 = arith.mulf %get3A_796, %mul3A_408 : vector<16xf32>
      %add3A_798 = arith.addf %add3A_791, %mul3A_797 : vector<16xf32>
      %xor3A_799 = arith.constant 1 : i32
      %xor3A_800 = vector.broadcast %xor3A_799 : i32 to vector<16xi32>
      %xor3A_801 = arith.xori %iota3A, %xor3A_800 : vector<16xi32>
      %lt3A_802 = arith.constant 0 : i32
      %lt3A_803 = vector.broadcast %lt3A_802 : i32 to vector<16xi32>
      %lt3A_804 = arith.cmpi slt, %xor3A_801, %lt3A_803 : vector<16xi32>
      %add3A_805 = arith.constant 16 : i32
      %add3A_806 = vector.broadcast %add3A_805 : i32 to vector<16xi32>
      %add3A_807 = arith.addi %xor3A_801, %add3A_806 : vector<16xi32>
      %select_n3A_808 = arith.select %lt3A_804, %add3A_807, %xor3A_801 : vector<16xi1>, vector<16xi32>
      %broadcast_in_dim3A_809 = vector.shape_cast %select_n3A_808 : vector<16xi32> to vector<16x1xi32>
      %gather3A_810 = vector.shape_cast %broadcast_in_dim3A_809 : vector<16x1xi32> to vector<16xi32>
      %gather3A_811 = tpu.dynamic_gather %add3A_798[%gather3A_810] in [0] : vector<16xf32>, vector<16xi32> -> vector<16xf32>
      %add3A_812 = arith.addf %add3A_798, %gather3A_811 : vector<16xf32>
      %xor3A_813 = arith.constant 2 : i32
      %xor3A_814 = vector.broadcast %xor3A_813 : i32 to vector<16xi32>
      %xor3A_815 = arith.xori %iota3A, %xor3A_814 : vector<16xi32>
      %lt3A_816 = arith.constant 0 : i32
      %lt3A_817 = vector.broadcast %lt3A_816 : i32 to vector<16xi32>
      %lt3A_818 = arith.cmpi slt, %xor3A_815, %lt3A_817 : vector<16xi32>
      %add3A_819 = arith.constant 16 : i32
      %add3A_820 = vector.broadcast %add3A_819 : i32 to vector<16xi32>
      %add3A_821 = arith.addi %xor3A_815, %add3A_820 : vector<16xi32>
      %select_n3A_822 = arith.select %lt3A_818, %add3A_821, %xor3A_815 : vector<16xi1>, vector<16xi32>
      %broadcast_in_dim3A_823 = vector.shape_cast %select_n3A_822 : vector<16xi32> to vector<16x1xi32>
      %gather3A_824 = vector.shape_cast %broadcast_in_dim3A_823 : vector<16x1xi32> to vector<16xi32>
      %gather3A_825 = tpu.dynamic_gather %add3A_812[%gather3A_824] in [0] : vector<16xf32>, vector<16xi32> -> vector<16xf32>
      %add3A_826 = arith.addf %add3A_812, %gather3A_825 : vector<16xf32>
      %xor3A_827 = arith.constant 4 : i32
      %xor3A_828 = vector.broadcast %xor3A_827 : i32 to vector<16xi32>
      %xor3A_829 = arith.xori %iota3A, %xor3A_828 : vector<16xi32>
      %lt3A_830 = arith.constant 0 : i32
      %lt3A_831 = vector.broadcast %lt3A_830 : i32 to vector<16xi32>
      %lt3A_832 = arith.cmpi slt, %xor3A_829, %lt3A_831 : vector<16xi32>
      %add3A_833 = arith.constant 16 : i32
      %add3A_834 = vector.broadcast %add3A_833 : i32 to vector<16xi32>
      %add3A_835 = arith.addi %xor3A_829, %add3A_834 : vector<16xi32>
      %select_n3A_836 = arith.select %lt3A_832, %add3A_835, %xor3A_829 : vector<16xi1>, vector<16xi32>
      %broadcast_in_dim3A_837 = vector.shape_cast %select_n3A_836 : vector<16xi32> to vector<16x1xi32>
      %gather3A_838 = vector.shape_cast %broadcast_in_dim3A_837 : vector<16x1xi32> to vector<16xi32>
      %gather3A_839 = tpu.dynamic_gather %add3A_826[%gather3A_838] in [0] : vector<16xf32>, vector<16xi32> -> vector<16xf32>
      %add3A_840 = arith.addf %add3A_826, %gather3A_839 : vector<16xf32>
      %xor3A_841 = arith.constant 8 : i32
      %xor3A_842 = vector.broadcast %xor3A_841 : i32 to vector<16xi32>
      %xor3A_843 = arith.xori %iota3A, %xor3A_842 : vector<16xi32>
      %lt3A_844 = arith.constant 0 : i32
      %lt3A_845 = vector.broadcast %lt3A_844 : i32 to vector<16xi32>
      %lt3A_846 = arith.cmpi slt, %xor3A_843, %lt3A_845 : vector<16xi32>
      %add3A_847 = arith.constant 16 : i32
      %add3A_848 = vector.broadcast %add3A_847 : i32 to vector<16xi32>
      %add3A_849 = arith.addi %xor3A_843, %add3A_848 : vector<16xi32>
      %select_n3A_850 = arith.select %lt3A_846, %add3A_849, %xor3A_843 : vector<16xi1>, vector<16xi32>
      %broadcast_in_dim3A_851 = vector.shape_cast %select_n3A_850 : vector<16xi32> to vector<16x1xi32>
      %gather3A_852 = vector.shape_cast %broadcast_in_dim3A_851 : vector<16x1xi32> to vector<16xi32>
      %gather3A_853 = tpu.dynamic_gather %add3A_840[%gather3A_852] in [0] : vector<16xf32>, vector<16xi32> -> vector<16xf32>
      %add3A_854 = arith.addf %add3A_840, %gather3A_853 : vector<16xf32>
      %eq3A_855 = arith.constant 4 : i32
      %eq3A_856 = vector.broadcast %eq3A_855 : i32 to vector<16xi32>
      %eq3A_857 = arith.cmpi eq, %iota3A, %eq3A_856 : vector<16xi32>
      %select_n3A_858 = arith.select %eq3A_857, %add3A_854, %select_n3A_768 : vector<16xi1>, vector<16xf32>
      %broadcast_in_dim3A_859 = arith.constant 0.000000e+00 : f32
      %broadcast_in_dim3A_860 = vector.broadcast %broadcast_in_dim3A_859 : f32 to vector<16xf32>
      %get3A_861 = arith.constant 5 : i32
      %get3A_862 = arith.index_cast %get3A_861 : i32 to index
      %get3A_863 = arith.constant 0 : index
      %get3A_864 = tpu.vector_load %arg10[%get3A_862, %get3A_863] {strides = array<i32>} : memref<32x64xf32, #tpu.memory_space<vmem>>, vector<1x16xf32>,
      %get3A_865 = vector.shape_cast %get3A_864 : vector<1x16xf32> to vector<16xf32>
      %mul3A_866 = arith.mulf %get3A_865, %mul3A_399 : vector<16xf32>
      %add3A_867 = arith.addf %broadcast_in_dim3A_860, %mul3A_866 : vector<16xf32>
      %get3A_868 = arith.constant 5 : i32
      %get3A_869 = arith.index_cast %get3A_868 : i32 to index
      %get3A_870 = arith.constant 16 : index
      %get3A_871 = tpu.vector_load %arg10[%get3A_869, %get3A_870] {strides = array<i32>} : memref<32x64xf32, #tpu.memory_space<vmem>>, vector<1x16xf32>,
      %get3A_872 = vector.shape_cast %get3A_871 : vector<1x16xf32> to vector<16xf32>
      %mul3A_873 = arith.mulf %get3A_872, %mul3A_402 : vector<16xf32>
      %add3A_874 = arith.addf %add3A_867, %mul3A_873 : vector<16xf32>
      %get3A_875 = arith.constant 5 : i32
      %get3A_876 = arith.index_cast %get3A_875 : i32 to index
      %get3A_877 = arith.constant 32 : index
      %get3A_878 = tpu.vector_load %arg10[%get3A_876, %get3A_877] {strides = array<i32>} : memref<32x64xf32, #tpu.memory_space<vmem>>, vector<1x16xf32>,
      %get3A_879 = vector.shape_cast %get3A_878 : vector<1x16xf32> to vector<16xf32>
      %mul3A_880 = arith.mulf %get3A_879, %mul3A_405 : vector<16xf32>
      %add3A_881 = arith.addf %add3A_874, %mul3A_880 : vector<16xf32>
      %get3A_882 = arith.constant 5 : i32
      %get3A_883 = arith.index_cast %get3A_882 : i32 to index
      %get3A_884 = arith.constant 48 : index
      %get3A_885 = tpu.vector_load %arg10[%get3A_883, %get3A_884] {strides = array<i32>} : memref<32x64xf32, #tpu.memory_space<vmem>>, vector<1x16xf32>,
      %get3A_886 = vector.shape_cast %get3A_885 : vector<1x16xf32> to vector<16xf32>
      %mul3A_887 = arith.mulf %get3A_886, %mul3A_408 : vector<16xf32>
      %add3A_888 = arith.addf %add3A_881, %mul3A_887 : vector<16xf32>
      %xor3A_889 = arith.constant 1 : i32
      %xor3A_890 = vector.broadcast %xor3A_889 : i32 to vector<16xi32>
      %xor3A_891 = arith.xori %iota3A, %xor3A_890 : vector<16xi32>
      %lt3A_892 = arith.constant 0 : i32
      %lt3A_893 = vector.broadcast %lt3A_892 : i32 to vector<16xi32>
      %lt3A_894 = arith.cmpi slt, %xor3A_891, %lt3A_893 : vector<16xi32>
      %add3A_895 = arith.constant 16 : i32
      %add3A_896 = vector.broadcast %add3A_895 : i32 to vector<16xi32>
      %add3A_897 = arith.addi %xor3A_891, %add3A_896 : vector<16xi32>
      %select_n3A_898 = arith.select %lt3A_894, %add3A_897, %xor3A_891 : vector<16xi1>, vector<16xi32>
      %broadcast_in_dim3A_899 = vector.shape_cast %select_n3A_898 : vector<16xi32> to vector<16x1xi32>
      %gather3A_900 = vector.shape_cast %broadcast_in_dim3A_899 : vector<16x1xi32> to vector<16xi32>
      %gather3A_901 = tpu.dynamic_gather %add3A_888[%gather3A_900] in [0] : vector<16xf32>, vector<16xi32> -> vector<16xf32>
      %add3A_902 = arith.addf %add3A_888, %gather3A_901 : vector<16xf32>
      %xor3A_903 = arith.constant 2 : i32
      %xor3A_904 = vector.broadcast %xor3A_903 : i32 to vector<16xi32>
      %xor3A_905 = arith.xori %iota3A, %xor3A_904 : vector<16xi32>
      %lt3A_906 = arith.constant 0 : i32
      %lt3A_907 = vector.broadcast %lt3A_906 : i32 to vector<16xi32>
      %lt3A_908 = arith.cmpi slt, %xor3A_905, %lt3A_907 : vector<16xi32>
      %add3A_909 = arith.constant 16 : i32
      %add3A_910 = vector.broadcast %add3A_909 : i32 to vector<16xi32>
      %add3A_911 = arith.addi %xor3A_905, %add3A_910 : vector<16xi32>
      %select_n3A_912 = arith.select %lt3A_908, %add3A_911, %xor3A_905 : vector<16xi1>, vector<16xi32>
      %broadcast_in_dim3A_913 = vector.shape_cast %select_n3A_912 : vector<16xi32> to vector<16x1xi32>
      %gather3A_914 = vector.shape_cast %broadcast_in_dim3A_913 : vector<16x1xi32> to vector<16xi32>
      %gather3A_915 = tpu.dynamic_gather %add3A_902[%gather3A_914] in [0] : vector<16xf32>, vector<16xi32> -> vector<16xf32>
      %add3A_916 = arith.addf %add3A_902, %gather3A_915 : vector<16xf32>
      %xor3A_917 = arith.constant 4 : i32
      %xor3A_918 = vector.broadcast %xor3A_917 : i32 to vector<16xi32>
      %xor3A_919 = arith.xori %iota3A, %xor3A_918 : vector<16xi32>
      %lt3A_920 = arith.constant 0 : i32
      %lt3A_921 = vector.broadcast %lt3A_920 : i32 to vector<16xi32>
      %lt3A_922 = arith.cmpi slt, %xor3A_919, %lt3A_921 : vector<16xi32>
      %add3A_923 = arith.constant 16 : i32
      %add3A_924 = vector.broadcast %add3A_923 : i32 to vector<16xi32>
      %add3A_925 = arith.addi %xor3A_919, %add3A_924 : vector<16xi32>
      %select_n3A_926 = arith.select %lt3A_922, %add3A_925, %xor3A_919 : vector<16xi1>, vector<16xi32>
      %broadcast_in_dim3A_927 = vector.shape_cast %select_n3A_926 : vector<16xi32> to vector<16x1xi32>
      %gather3A_928 = vector.shape_cast %broadcast_in_dim3A_927 : vector<16x1xi32> to vector<16xi32>
      %gather3A_929 = tpu.dynamic_gather %add3A_916[%gather3A_928] in [0] : vector<16xf32>, vector<16xi32> -> vector<16xf32>
      %add3A_930 = arith.addf %add3A_916, %gather3A_929 : vector<16xf32>
      %xor3A_931 = arith.constant 8 : i32
      %xor3A_932 = vector.broadcast %xor3A_931 : i32 to vector<16xi32>
      %xor3A_933 = arith.xori %iota3A, %xor3A_932 : vector<16xi32>
      %lt3A_934 = arith.constant 0 : i32
      %lt3A_935 = vector.broadcast %lt3A_934 : i32 to vector<16xi32>
      %lt3A_936 = arith.cmpi slt, %xor3A_933, %lt3A_935 : vector<16xi32>
      %add3A_937 = arith.constant 16 : i32
      %add3A_938 = vector.broadcast %add3A_937 : i32 to vector<16xi32>
      %add3A_939 = arith.addi %xor3A_933, %add3A_938 : vector<16xi32>
      %select_n3A_940 = arith.select %lt3A_936, %add3A_939, %xor3A_933 : vector<16xi1>, vector<16xi32>
      %broadcast_in_dim3A_941 = vector.shape_cast %select_n3A_940 : vector<16xi32> to vector<16x1xi32>
      %gather3A_942 = vector.shape_cast %broadcast_in_dim3A_941 : vector<16x1xi32> to vector<16xi32>
      %gather3A_943 = tpu.dynamic_gather %add3A_930[%gather3A_942] in [0] : vector<16xf32>, vector<16xi32> -> vector<16xf32>
      %add3A_944 = arith.addf %add3A_930, %gather3A_943 : vector<16xf32>
      %eq3A_945 = arith.constant 5 : i32
      %eq3A_946 = vector.broadcast %eq3A_945 : i32 to vector<16xi32>
      %eq3A_947 = arith.cmpi eq, %iota3A, %eq3A_946 : vector<16xi32>
      %select_n3A_948 = arith.select %eq3A_947, %add3A_944, %select_n3A_858 : vector<16xi1>, vector<16xf32>
      %broadcast_in_dim3A_949 = arith.constant 0.000000e+00 : f32
      %broadcast_in_dim3A_950 = vector.broadcast %broadcast_in_dim3A_949 : f32 to vector<16xf32>
      %get3A_951 = arith.constant 6 : i32
      %get3A_952 = arith.index_cast %get3A_951 : i32 to index
      %get3A_953 = arith.constant 0 : index
      %get3A_954 = tpu.vector_load %arg10[%get3A_952, %get3A_953] {strides = array<i32>} : memref<32x64xf32, #tpu.memory_space<vmem>>, vector<1x16xf32>,
      %get3A_955 = vector.shape_cast %get3A_954 : vector<1x16xf32> to vector<16xf32>
      %mul3A_956 = arith.mulf %get3A_955, %mul3A_399 : vector<16xf32>
      %add3A_957 = arith.addf %broadcast_in_dim3A_950, %mul3A_956 : vector<16xf32>
      %get3A_958 = arith.constant 6 : i32
      %get3A_959 = arith.index_cast %get3A_958 : i32 to index
      %get3A_960 = arith.constant 16 : index
      %get3A_961 = tpu.vector_load %arg10[%get3A_959, %get3A_960] {strides = array<i32>} : memref<32x64xf32, #tpu.memory_space<vmem>>, vector<1x16xf32>,
      %get3A_962 = vector.shape_cast %get3A_961 : vector<1x16xf32> to vector<16xf32>
      %mul3A_963 = arith.mulf %get3A_962, %mul3A_402 : vector<16xf32>
      %add3A_964 = arith.addf %add3A_957, %mul3A_963 : vector<16xf32>
      %get3A_965 = arith.constant 6 : i32
      %get3A_966 = arith.index_cast %get3A_965 : i32 to index
      %get3A_967 = arith.constant 32 : index
      %get3A_968 = tpu.vector_load %arg10[%get3A_966, %get3A_967] {strides = array<i32>} : memref<32x64xf32, #tpu.memory_space<vmem>>, vector<1x16xf32>,
      %get3A_969 = vector.shape_cast %get3A_968 : vector<1x16xf32> to vector<16xf32>
      %mul3A_970 = arith.mulf %get3A_969, %mul3A_405 : vector<16xf32>
      %add3A_971 = arith.addf %add3A_964, %mul3A_970 : vector<16xf32>
      %get3A_972 = arith.constant 6 : i32
      %get3A_973 = arith.index_cast %get3A_972 : i32 to index
      %get3A_974 = arith.constant 48 : index
      %get3A_975 = tpu.vector_load %arg10[%get3A_973, %get3A_974] {strides = array<i32>} : memref<32x64xf32, #tpu.memory_space<vmem>>, vector<1x16xf32>,
      %get3A_976 = vector.shape_cast %get3A_975 : vector<1x16xf32> to vector<16xf32>
      %mul3A_977 = arith.mulf %get3A_976, %mul3A_408 : vector<16xf32>
      %add3A_978 = arith.addf %add3A_971, %mul3A_977 : vector<16xf32>
      %xor3A_979 = arith.constant 1 : i32
      %xor3A_980 = vector.broadcast %xor3A_979 : i32 to vector<16xi32>
      %xor3A_981 = arith.xori %iota3A, %xor3A_980 : vector<16xi32>
      %lt3A_982 = arith.constant 0 : i32
      %lt3A_983 = vector.broadcast %lt3A_982 : i32 to vector<16xi32>
      %lt3A_984 = arith.cmpi slt, %xor3A_981, %lt3A_983 : vector<16xi32>
      %add3A_985 = arith.constant 16 : i32
      %add3A_986 = vector.broadcast %add3A_985 : i32 to vector<16xi32>
      %add3A_987 = arith.addi %xor3A_981, %add3A_986 : vector<16xi32>
      %select_n3A_988 = arith.select %lt3A_984, %add3A_987, %xor3A_981 : vector<16xi1>, vector<16xi32>
      %broadcast_in_dim3A_989 = vector.shape_cast %select_n3A_988 : vector<16xi32> to vector<16x1xi32>
      %gather3A_990 = vector.shape_cast %broadcast_in_dim3A_989 : vector<16x1xi32> to vector<16xi32>
      %gather3A_991 = tpu.dynamic_gather %add3A_978[%gather3A_990] in [0] : vector<16xf32>, vector<16xi32> -> vector<16xf32>
      %add3A_992 = arith.addf %add3A_978, %gather3A_991 : vector<16xf32>
      %xor3A_993 = arith.constant 2 : i32
      %xor3A_994 = vector.broadcast %xor3A_993 : i32 to vector<16xi32>
      %xor3A_995 = arith.xori %iota3A, %xor3A_994 : vector<16xi32>
      %lt3A_996 = arith.constant 0 : i32
      %lt3A_997 = vector.broadcast %lt3A_996 : i32 to vector<16xi32>
      %lt3A_998 = arith.cmpi slt, %xor3A_995, %lt3A_997 : vector<16xi32>
      %add3A_999 = arith.constant 16 : i32
      %add3A_1000 = vector.broadcast %add3A_999 : i32 to vector<16xi32>
      %add3A_1001 = arith.addi %xor3A_995, %add3A_1000 : vector<16xi32>
      %select_n3A_1002 = arith.select %lt3A_998, %add3A_1001, %xor3A_995 : vector<16xi1>, vector<16xi32>
      %broadcast_in_dim3A_1003 = vector.shape_cast %select_n3A_1002 : vector<16xi32> to vector<16x1xi32>
      %gather3A_1004 = vector.shape_cast %broadcast_in_dim3A_1003 : vector<16x1xi32> to vector<16xi32>
      %gather3A_1005 = tpu.dynamic_gather %add3A_992[%gather3A_1004] in [0] : vector<16xf32>, vector<16xi32> -> vector<16xf32>
      %add3A_1006 = arith.addf %add3A_992, %gather3A_1005 : vector<16xf32>
      %xor3A_1007 = arith.constant 4 : i32
      %xor3A_1008 = vector.broadcast %xor3A_1007 : i32 to vector<16xi32>
      %xor3A_1009 = arith.xori %iota3A, %xor3A_1008 : vector<16xi32>
      %lt3A_1010 = arith.constant 0 : i32
      %lt3A_1011 = vector.broadcast %lt3A_1010 : i32 to vector<16xi32>
      %lt3A_1012 = arith.cmpi slt, %xor3A_1009, %lt3A_1011 : vector<16xi32>
      %add3A_1013 = arith.constant 16 : i32
      %add3A_1014 = vector.broadcast %add3A_1013 : i32 to vector<16xi32>
      %add3A_1015 = arith.addi %xor3A_1009, %add3A_1014 : vector<16xi32>
      %select_n3A_1016 = arith.select %lt3A_1012, %add3A_1015, %xor3A_1009 : vector<16xi1>, vector<16xi32>
      %broadcast_in_dim3A_1017 = vector.shape_cast %select_n3A_1016 : vector<16xi32> to vector<16x1xi32>
      %gather3A_1018 = vector.shape_cast %broadcast_in_dim3A_1017 : vector<16x1xi32> to vector<16xi32>
      %gather3A_1019 = tpu.dynamic_gather %add3A_1006[%gather3A_1018] in [0] : vector<16xf32>, vector<16xi32> -> vector<16xf32>
      %add3A_1020 = arith.addf %add3A_1006, %gather3A_1019 : vector<16xf32>
      %xor3A_1021 = arith.constant 8 : i32
      %xor3A_1022 = vector.broadcast %xor3A_1021 : i32 to vector<16xi32>
      %xor3A_1023 = arith.xori %iota3A, %xor3A_1022 : vector<16xi32>
      %lt3A_1024 = arith.constant 0 : i32
      %lt3A_1025 = vector.broadcast %lt3A_1024 : i32 to vector<16xi32>
      %lt3A_1026 = arith.cmpi slt, %xor3A_1023, %lt3A_1025 : vector<16xi32>
      %add3A_1027 = arith.constant 16 : i32
      %add3A_1028 = vector.broadcast %add3A_1027 : i32 to vector<16xi32>
      %add3A_1029 = arith.addi %xor3A_1023, %add3A_1028 : vector<16xi32>
      %select_n3A_1030 = arith.select %lt3A_1026, %add3A_1029, %xor3A_1023 : vector<16xi1>, vector<16xi32>
      %broadcast_in_dim3A_1031 = vector.shape_cast %select_n3A_1030 : vector<16xi32> to vector<16x1xi32>
      %gather3A_1032 = vector.shape_cast %broadcast_in_dim3A_1031 : vector<16x1xi32> to vector<16xi32>
      %gather3A_1033 = tpu.dynamic_gather %add3A_1020[%gather3A_1032] in [0] : vector<16xf32>, vector<16xi32> -> vector<16xf32>
      %add3A_1034 = arith.addf %add3A_1020, %gather3A_1033 : vector<16xf32>
      %eq3A_1035 = arith.constant 6 : i32
      %eq3A_1036 = vector.broadcast %eq3A_1035 : i32 to vector<16xi32>
      %eq3A_1037 = arith.cmpi eq, %iota3A, %eq3A_1036 : vector<16xi32>
      %select_n3A_1038 = arith.select %eq3A_1037, %add3A_1034, %select_n3A_948 : vector<16xi1>, vector<16xf32>
      %broadcast_in_dim3A_1039 = arith.constant 0.000000e+00 : f32
      %broadcast_in_dim3A_1040 = vector.broadcast %broadcast_in_dim3A_1039 : f32 to vector<16xf32>
      %get3A_1041 = arith.constant 7 : i32
      %get3A_1042 = arith.index_cast %get3A_1041 : i32 to index
      %get3A_1043 = arith.constant 0 : index
      %get3A_1044 = tpu.vector_load %arg10[%get3A_1042, %get3A_1043] {strides = array<i32>} : memref<32x64xf32, #tpu.memory_space<vmem>>, vector<1x16xf32>,
      %get3A_1045 = vector.shape_cast %get3A_1044 : vector<1x16xf32> to vector<16xf32>
      %mul3A_1046 = arith.mulf %get3A_1045, %mul3A_399 : vector<16xf32>
      %add3A_1047 = arith.addf %broadcast_in_dim3A_1040, %mul3A_1046 : vector<16xf32>
      %get3A_1048 = arith.constant 7 : i32
      %get3A_1049 = arith.index_cast %get3A_1048 : i32 to index
      %get3A_1050 = arith.constant 16 : index
      %get3A_1051 = tpu.vector_load %arg10[%get3A_1049, %get3A_1050] {strides = array<i32>} : memref<32x64xf32, #tpu.memory_space<vmem>>, vector<1x16xf32>,
      %get3A_1052 = vector.shape_cast %get3A_1051 : vector<1x16xf32> to vector<16xf32>
      %mul3A_1053 = arith.mulf %get3A_1052, %mul3A_402 : vector<16xf32>
      %add3A_1054 = arith.addf %add3A_1047, %mul3A_1053 : vector<16xf32>
      %get3A_1055 = arith.constant 7 : i32
      %get3A_1056 = arith.index_cast %get3A_1055 : i32 to index
      %get3A_1057 = arith.constant 32 : index
      %get3A_1058 = tpu.vector_load %arg10[%get3A_1056, %get3A_1057] {strides = array<i32>} : memref<32x64xf32, #tpu.memory_space<vmem>>, vector<1x16xf32>,
      %get3A_1059 = vector.shape_cast %get3A_1058 : vector<1x16xf32> to vector<16xf32>
      %mul3A_1060 = arith.mulf %get3A_1059, %mul3A_405 : vector<16xf32>
      %add3A_1061 = arith.addf %add3A_1054, %mul3A_1060 : vector<16xf32>
      %get3A_1062 = arith.constant 7 : i32
      %get3A_1063 = arith.index_cast %get3A_1062 : i32 to index
      %get3A_1064 = arith.constant 48 : index
      %get3A_1065 = tpu.vector_load %arg10[%get3A_1063, %get3A_1064] {strides = array<i32>} : memref<32x64xf32, #tpu.memory_space<vmem>>, vector<1x16xf32>,
      %get3A_1066 = vector.shape_cast %get3A_1065 : vector<1x16xf32> to vector<16xf32>
      %mul3A_1067 = arith.mulf %get3A_1066, %mul3A_408 : vector<16xf32>
      %add3A_1068 = arith.addf %add3A_1061, %mul3A_1067 : vector<16xf32>
      %xor3A_1069 = arith.constant 1 : i32
      %xor3A_1070 = vector.broadcast %xor3A_1069 : i32 to vector<16xi32>
      %xor3A_1071 = arith.xori %iota3A, %xor3A_1070 : vector<16xi32>
      %lt3A_1072 = arith.constant 0 : i32
      %lt3A_1073 = vector.broadcast %lt3A_1072 : i32 to vector<16xi32>
      %lt3A_1074 = arith.cmpi slt, %xor3A_1071, %lt3A_1073 : vector<16xi32>
      %add3A_1075 = arith.constant 16 : i32
      %add3A_1076 = vector.broadcast %add3A_1075 : i32 to vector<16xi32>
      %add3A_1077 = arith.addi %xor3A_1071, %add3A_1076 : vector<16xi32>
      %select_n3A_1078 = arith.select %lt3A_1074, %add3A_1077, %xor3A_1071 : vector<16xi1>, vector<16xi32>
      %broadcast_in_dim3A_1079 = vector.shape_cast %select_n3A_1078 : vector<16xi32> to vector<16x1xi32>
      %gather3A_1080 = vector.shape_cast %broadcast_in_dim3A_1079 : vector<16x1xi32> to vector<16xi32>
      %gather3A_1081 = tpu.dynamic_gather %add3A_1068[%gather3A_1080] in [0] : vector<16xf32>, vector<16xi32> -> vector<16xf32>
      %add3A_1082 = arith.addf %add3A_1068, %gather3A_1081 : vector<16xf32>
      %xor3A_1083 = arith.constant 2 : i32
      %xor3A_1084 = vector.broadcast %xor3A_1083 : i32 to vector<16xi32>
      %xor3A_1085 = arith.xori %iota3A, %xor3A_1084 : vector<16xi32>
      %lt3A_1086 = arith.constant 0 : i32
      %lt3A_1087 = vector.broadcast %lt3A_1086 : i32 to vector<16xi32>
      %lt3A_1088 = arith.cmpi slt, %xor3A_1085, %lt3A_1087 : vector<16xi32>
      %add3A_1089 = arith.constant 16 : i32
      %add3A_1090 = vector.broadcast %add3A_1089 : i32 to vector<16xi32>
      %add3A_1091 = arith.addi %xor3A_1085, %add3A_1090 : vector<16xi32>
      %select_n3A_1092 = arith.select %lt3A_1088, %add3A_1091, %xor3A_1085 : vector<16xi1>, vector<16xi32>
      %broadcast_in_dim3A_1093 = vector.shape_cast %select_n3A_1092 : vector<16xi32> to vector<16x1xi32>
      %gather3A_1094 = vector.shape_cast %broadcast_in_dim3A_1093 : vector<16x1xi32> to vector<16xi32>
      %gather3A_1095 = tpu.dynamic_gather %add3A_1082[%gather3A_1094] in [0] : vector<16xf32>, vector<16xi32> -> vector<16xf32>
      %add3A_1096 = arith.addf %add3A_1082, %gather3A_1095 : vector<16xf32>
      %xor3A_1097 = arith.constant 4 : i32
      %xor3A_1098 = vector.broadcast %xor3A_1097 : i32 to vector<16xi32>
      %xor3A_1099 = arith.xori %iota3A, %xor3A_1098 : vector<16xi32>
      %lt3A_1100 = arith.constant 0 : i32
      %lt3A_1101 = vector.broadcast %lt3A_1100 : i32 to vector<16xi32>
      %lt3A_1102 = arith.cmpi slt, %xor3A_1099, %lt3A_1101 : vector<16xi32>
      %add3A_1103 = arith.constant 16 : i32
      %add3A_1104 = vector.broadcast %add3A_1103 : i32 to vector<16xi32>
      %add3A_1105 = arith.addi %xor3A_1099, %add3A_1104 : vector<16xi32>
      %select_n3A_1106 = arith.select %lt3A_1102, %add3A_1105, %xor3A_1099 : vector<16xi1>, vector<16xi32>
      %broadcast_in_dim3A_1107 = vector.shape_cast %select_n3A_1106 : vector<16xi32> to vector<16x1xi32>
      %gather3A_1108 = vector.shape_cast %broadcast_in_dim3A_1107 : vector<16x1xi32> to vector<16xi32>
      %gather3A_1109 = tpu.dynamic_gather %add3A_1096[%gather3A_1108] in [0] : vector<16xf32>, vector<16xi32> -> vector<16xf32>
      %add3A_1110 = arith.addf %add3A_1096, %gather3A_1109 : vector<16xf32>
      %xor3A_1111 = arith.constant 8 : i32
      %xor3A_1112 = vector.broadcast %xor3A_1111 : i32 to vector<16xi32>
      %xor3A_1113 = arith.xori %iota3A, %xor3A_1112 : vector<16xi32>
      %lt3A_1114 = arith.constant 0 : i32
      %lt3A_1115 = vector.broadcast %lt3A_1114 : i32 to vector<16xi32>
      %lt3A_1116 = arith.cmpi slt, %xor3A_1113, %lt3A_1115 : vector<16xi32>
      %add3A_1117 = arith.constant 16 : i32
      %add3A_1118 = vector.broadcast %add3A_1117 : i32 to vector<16xi32>
      %add3A_1119 = arith.addi %xor3A_1113, %add3A_1118 : vector<16xi32>
      %select_n3A_1120 = arith.select %lt3A_1116, %add3A_1119, %xor3A_1113 : vector<16xi1>, vector<16xi32>
      %broadcast_in_dim3A_1121 = vector.shape_cast %select_n3A_1120 : vector<16xi32> to vector<16x1xi32>
      %gather3A_1122 = vector.shape_cast %broadcast_in_dim3A_1121 : vector<16x1xi32> to vector<16xi32>
      %gather3A_1123 = tpu.dynamic_gather %add3A_1110[%gather3A_1122] in [0] : vector<16xf32>, vector<16xi32> -> vector<16xf32>
      %add3A_1124 = arith.addf %add3A_1110, %gather3A_1123 : vector<16xf32>
      %eq3A_1125 = arith.constant 7 : i32
      %eq3A_1126 = vector.broadcast %eq3A_1125 : i32 to vector<16xi32>
      %eq3A_1127 = arith.cmpi eq, %iota3A, %eq3A_1126 : vector<16xi32>
      %select_n3A_1128 = arith.select %eq3A_1127, %add3A_1124, %select_n3A_1038 : vector<16xi1>, vector<16xf32>
      %broadcast_in_dim3A_1129 = arith.constant 0.000000e+00 : f32
      %broadcast_in_dim3A_1130 = vector.broadcast %broadcast_in_dim3A_1129 : f32 to vector<16xf32>
      %get3A_1131 = arith.constant 8 : i32
      %get3A_1132 = arith.index_cast %get3A_1131 : i32 to index
      %get3A_1133 = arith.constant 0 : index
      %get3A_1134 = tpu.vector_load %arg10[%get3A_1132, %get3A_1133] {strides = array<i32>} : memref<32x64xf32, #tpu.memory_space<vmem>>, vector<1x16xf32>,
      %get3A_1135 = vector.shape_cast %get3A_1134 : vector<1x16xf32> to vector<16xf32>
      %mul3A_1136 = arith.mulf %get3A_1135, %mul3A_399 : vector<16xf32>
      %add3A_1137 = arith.addf %broadcast_in_dim3A_1130, %mul3A_1136 : vector<16xf32>
      %get3A_1138 = arith.constant 8 : i32
      %get3A_1139 = arith.index_cast %get3A_1138 : i32 to index
      %get3A_1140 = arith.constant 16 : index
      %get3A_1141 = tpu.vector_load %arg10[%get3A_1139, %get3A_1140] {strides = array<i32>} : memref<32x64xf32, #tpu.memory_space<vmem>>, vector<1x16xf32>,
      %get3A_1142 = vector.shape_cast %get3A_1141 : vector<1x16xf32> to vector<16xf32>
      %mul3A_1143 = arith.mulf %get3A_1142, %mul3A_402 : vector<16xf32>
      %add3A_1144 = arith.addf %add3A_1137, %mul3A_1143 : vector<16xf32>
      %get3A_1145 = arith.constant 8 : i32
      %get3A_1146 = arith.index_cast %get3A_1145 : i32 to index
      %get3A_1147 = arith.constant 32 : index
      %get3A_1148 = tpu.vector_load %arg10[%get3A_1146, %get3A_1147] {strides = array<i32>} : memref<32x64xf32, #tpu.memory_space<vmem>>, vector<1x16xf32>,
      %get3A_1149 = vector.shape_cast %get3A_1148 : vector<1x16xf32> to vector<16xf32>
      %mul3A_1150 = arith.mulf %get3A_1149, %mul3A_405 : vector<16xf32>
      %add3A_1151 = arith.addf %add3A_1144, %mul3A_1150 : vector<16xf32>
      %get3A_1152 = arith.constant 8 : i32
      %get3A_1153 = arith.index_cast %get3A_1152 : i32 to index
      %get3A_1154 = arith.constant 48 : index
      %get3A_1155 = tpu.vector_load %arg10[%get3A_1153, %get3A_1154] {strides = array<i32>} : memref<32x64xf32, #tpu.memory_space<vmem>>, vector<1x16xf32>,
      %get3A_1156 = vector.shape_cast %get3A_1155 : vector<1x16xf32> to vector<16xf32>
      %mul3A_1157 = arith.mulf %get3A_1156, %mul3A_408 : vector<16xf32>
      %add3A_1158 = arith.addf %add3A_1151, %mul3A_1157 : vector<16xf32>
      %xor3A_1159 = arith.constant 1 : i32
      %xor3A_1160 = vector.broadcast %xor3A_1159 : i32 to vector<16xi32>
      %xor3A_1161 = arith.xori %iota3A, %xor3A_1160 : vector<16xi32>
      %lt3A_1162 = arith.constant 0 : i32
      %lt3A_1163 = vector.broadcast %lt3A_1162 : i32 to vector<16xi32>
      %lt3A_1164 = arith.cmpi slt, %xor3A_1161, %lt3A_1163 : vector<16xi32>
      %add3A_1165 = arith.constant 16 : i32
      %add3A_1166 = vector.broadcast %add3A_1165 : i32 to vector<16xi32>
      %add3A_1167 = arith.addi %xor3A_1161, %add3A_1166 : vector<16xi32>
      %select_n3A_1168 = arith.select %lt3A_1164, %add3A_1167, %xor3A_1161 : vector<16xi1>, vector<16xi32>
      %broadcast_in_dim3A_1169 = vector.shape_cast %select_n3A_1168 : vector<16xi32> to vector<16x1xi32>
      %gather3A_1170 = vector.shape_cast %broadcast_in_dim3A_1169 : vector<16x1xi32> to vector<16xi32>
      %gather3A_1171 = tpu.dynamic_gather %add3A_1158[%gather3A_1170] in [0] : vector<16xf32>, vector<16xi32> -> vector<16xf32>
      %add3A_1172 = arith.addf %add3A_1158, %gather3A_1171 : vector<16xf32>
      %xor3A_1173 = arith.constant 2 : i32
      %xor3A_1174 = vector.broadcast %xor3A_1173 : i32 to vector<16xi32>
      %xor3A_1175 = arith.xori %iota3A, %xor3A_1174 : vector<16xi32>
      %lt3A_1176 = arith.constant 0 : i32
      %lt3A_1177 = vector.broadcast %lt3A_1176 : i32 to vector<16xi32>
      %lt3A_1178 = arith.cmpi slt, %xor3A_1175, %lt3A_1177 : vector<16xi32>
      %add3A_1179 = arith.constant 16 : i32
      %add3A_1180 = vector.broadcast %add3A_1179 : i32 to vector<16xi32>
      %add3A_1181 = arith.addi %xor3A_1175, %add3A_1180 : vector<16xi32>
      %select_n3A_1182 = arith.select %lt3A_1178, %add3A_1181, %xor3A_1175 : vector<16xi1>, vector<16xi32>
      %broadcast_in_dim3A_1183 = vector.shape_cast %select_n3A_1182 : vector<16xi32> to vector<16x1xi32>
      %gather3A_1184 = vector.shape_cast %broadcast_in_dim3A_1183 : vector<16x1xi32> to vector<16xi32>
      %gather3A_1185 = tpu.dynamic_gather %add3A_1172[%gather3A_1184] in [0] : vector<16xf32>, vector<16xi32> -> vector<16xf32>
      %add3A_1186 = arith.addf %add3A_1172, %gather3A_1185 : vector<16xf32>
      %xor3A_1187 = arith.constant 4 : i32
      %xor3A_1188 = vector.broadcast %xor3A_1187 : i32 to vector<16xi32>
      %xor3A_1189 = arith.xori %iota3A, %xor3A_1188 : vector<16xi32>
      %lt3A_1190 = arith.constant 0 : i32
      %lt3A_1191 = vector.broadcast %lt3A_1190 : i32 to vector<16xi32>
      %lt3A_1192 = arith.cmpi slt, %xor3A_1189, %lt3A_1191 : vector<16xi32>
      %add3A_1193 = arith.constant 16 : i32
      %add3A_1194 = vector.broadcast %add3A_1193 : i32 to vector<16xi32>
      %add3A_1195 = arith.addi %xor3A_1189, %add3A_1194 : vector<16xi32>
      %select_n3A_1196 = arith.select %lt3A_1192, %add3A_1195, %xor3A_1189 : vector<16xi1>, vector<16xi32>
      %broadcast_in_dim3A_1197 = vector.shape_cast %select_n3A_1196 : vector<16xi32> to vector<16x1xi32>
      %gather3A_1198 = vector.shape_cast %broadcast_in_dim3A_1197 : vector<16x1xi32> to vector<16xi32>
      %gather3A_1199 = tpu.dynamic_gather %add3A_1186[%gather3A_1198] in [0] : vector<16xf32>, vector<16xi32> -> vector<16xf32>
      %add3A_1200 = arith.addf %add3A_1186, %gather3A_1199 : vector<16xf32>
      %xor3A_1201 = arith.constant 8 : i32
      %xor3A_1202 = vector.broadcast %xor3A_1201 : i32 to vector<16xi32>
      %xor3A_1203 = arith.xori %iota3A, %xor3A_1202 : vector<16xi32>
      %lt3A_1204 = arith.constant 0 : i32
      %lt3A_1205 = vector.broadcast %lt3A_1204 : i32 to vector<16xi32>
      %lt3A_1206 = arith.cmpi slt, %xor3A_1203, %lt3A_1205 : vector<16xi32>
      %add3A_1207 = arith.constant 16 : i32
      %add3A_1208 = vector.broadcast %add3A_1207 : i32 to vector<16xi32>
      %add3A_1209 = arith.addi %xor3A_1203, %add3A_1208 : vector<16xi32>
      %select_n3A_1210 = arith.select %lt3A_1206, %add3A_1209, %xor3A_1203 : vector<16xi1>, vector<16xi32>
      %broadcast_in_dim3A_1211 = vector.shape_cast %select_n3A_1210 : vector<16xi32> to vector<16x1xi32>
      %gather3A_1212 = vector.shape_cast %broadcast_in_dim3A_1211 : vector<16x1xi32> to vector<16xi32>
      %gather3A_1213 = tpu.dynamic_gather %add3A_1200[%gather3A_1212] in [0] : vector<16xf32>, vector<16xi32> -> vector<16xf32>
      %add3A_1214 = arith.addf %add3A_1200, %gather3A_1213 : vector<16xf32>
      %eq3A_1215 = arith.constant 8 : i32
      %eq3A_1216 = vector.broadcast %eq3A_1215 : i32 to vector<16xi32>
      %eq3A_1217 = arith.cmpi eq, %iota3A, %eq3A_1216 : vector<16xi32>
      %select_n3A_1218 = arith.select %eq3A_1217, %add3A_1214, %select_n3A_1128 : vector<16xi1>, vector<16xf32>
      %broadcast_in_dim3A_1219 = arith.constant 0.000000e+00 : f32
      %broadcast_in_dim3A_1220 = vector.broadcast %broadcast_in_dim3A_1219 : f32 to vector<16xf32>
      %get3A_1221 = arith.constant 9 : i32
      %get3A_1222 = arith.index_cast %get3A_1221 : i32 to index
      %get3A_1223 = arith.constant 0 : index
      %get3A_1224 = tpu.vector_load %arg10[%get3A_1222, %get3A_1223] {strides = array<i32>} : memref<32x64xf32, #tpu.memory_space<vmem>>, vector<1x16xf32>,
      %get3A_1225 = vector.shape_cast %get3A_1224 : vector<1x16xf32> to vector<16xf32>
      %mul3A_1226 = arith.mulf %get3A_1225, %mul3A_399 : vector<16xf32>
      %add3A_1227 = arith.addf %broadcast_in_dim3A_1220, %mul3A_1226 : vector<16xf32>
      %get3A_1228 = arith.constant 9 : i32
      %get3A_1229 = arith.index_cast %get3A_1228 : i32 to index
      %get3A_1230 = arith.constant 16 : index
      %get3A_1231 = tpu.vector_load %arg10[%get3A_1229, %get3A_1230] {strides = array<i32>} : memref<32x64xf32, #tpu.memory_space<vmem>>, vector<1x16xf32>,
      %get3A_1232 = vector.shape_cast %get3A_1231 : vector<1x16xf32> to vector<16xf32>
      %mul3A_1233 = arith.mulf %get3A_1232, %mul3A_402 : vector<16xf32>
      %add3A_1234 = arith.addf %add3A_1227, %mul3A_1233 : vector<16xf32>
      %get3A_1235 = arith.constant 9 : i32
      %get3A_1236 = arith.index_cast %get3A_1235 : i32 to index
      %get3A_1237 = arith.constant 32 : index
      %get3A_1238 = tpu.vector_load %arg10[%get3A_1236, %get3A_1237] {strides = array<i32>} : memref<32x64xf32, #tpu.memory_space<vmem>>, vector<1x16xf32>,
      %get3A_1239 = vector.shape_cast %get3A_1238 : vector<1x16xf32> to vector<16xf32>
      %mul3A_1240 = arith.mulf %get3A_1239, %mul3A_405 : vector<16xf32>
      %add3A_1241 = arith.addf %add3A_1234, %mul3A_1240 : vector<16xf32>
      %get3A_1242 = arith.constant 9 : i32
      %get3A_1243 = arith.index_cast %get3A_1242 : i32 to index
      %get3A_1244 = arith.constant 48 : index
      %get3A_1245 = tpu.vector_load %arg10[%get3A_1243, %get3A_1244] {strides = array<i32>} : memref<32x64xf32, #tpu.memory_space<vmem>>, vector<1x16xf32>,
      %get3A_1246 = vector.shape_cast %get3A_1245 : vector<1x16xf32> to vector<16xf32>
      %mul3A_1247 = arith.mulf %get3A_1246, %mul3A_408 : vector<16xf32>
      %add3A_1248 = arith.addf %add3A_1241, %mul3A_1247 : vector<16xf32>
      %xor3A_1249 = arith.constant 1 : i32
      %xor3A_1250 = vector.broadcast %xor3A_1249 : i32 to vector<16xi32>
      %xor3A_1251 = arith.xori %iota3A, %xor3A_1250 : vector<16xi32>
      %lt3A_1252 = arith.constant 0 : i32
      %lt3A_1253 = vector.broadcast %lt3A_1252 : i32 to vector<16xi32>
      %lt3A_1254 = arith.cmpi slt, %xor3A_1251, %lt3A_1253 : vector<16xi32>
      %add3A_1255 = arith.constant 16 : i32
      %add3A_1256 = vector.broadcast %add3A_1255 : i32 to vector<16xi32>
      %add3A_1257 = arith.addi %xor3A_1251, %add3A_1256 : vector<16xi32>
      %select_n3A_1258 = arith.select %lt3A_1254, %add3A_1257, %xor3A_1251 : vector<16xi1>, vector<16xi32>
      %broadcast_in_dim3A_1259 = vector.shape_cast %select_n3A_1258 : vector<16xi32> to vector<16x1xi32>
      %gather3A_1260 = vector.shape_cast %broadcast_in_dim3A_1259 : vector<16x1xi32> to vector<16xi32>
      %gather3A_1261 = tpu.dynamic_gather %add3A_1248[%gather3A_1260] in [0] : vector<16xf32>, vector<16xi32> -> vector<16xf32>
      %add3A_1262 = arith.addf %add3A_1248, %gather3A_1261 : vector<16xf32>
      %xor3A_1263 = arith.constant 2 : i32
      %xor3A_1264 = vector.broadcast %xor3A_1263 : i32 to vector<16xi32>
      %xor3A_1265 = arith.xori %iota3A, %xor3A_1264 : vector<16xi32>
      %lt3A_1266 = arith.constant 0 : i32
      %lt3A_1267 = vector.broadcast %lt3A_1266 : i32 to vector<16xi32>
      %lt3A_1268 = arith.cmpi slt, %xor3A_1265, %lt3A_1267 : vector<16xi32>
      %add3A_1269 = arith.constant 16 : i32
      %add3A_1270 = vector.broadcast %add3A_1269 : i32 to vector<16xi32>
      %add3A_1271 = arith.addi %xor3A_1265, %add3A_1270 : vector<16xi32>
      %select_n3A_1272 = arith.select %lt3A_1268, %add3A_1271, %xor3A_1265 : vector<16xi1>, vector<16xi32>
      %broadcast_in_dim3A_1273 = vector.shape_cast %select_n3A_1272 : vector<16xi32> to vector<16x1xi32>
      %gather3A_1274 = vector.shape_cast %broadcast_in_dim3A_1273 : vector<16x1xi32> to vector<16xi32>
      %gather3A_1275 = tpu.dynamic_gather %add3A_1262[%gather3A_1274] in [0] : vector<16xf32>, vector<16xi32> -> vector<16xf32>
      %add3A_1276 = arith.addf %add3A_1262, %gather3A_1275 : vector<16xf32>
      %xor3A_1277 = arith.constant 4 : i32
      %xor3A_1278 = vector.broadcast %xor3A_1277 : i32 to vector<16xi32>
      %xor3A_1279 = arith.xori %iota3A, %xor3A_1278 : vector<16xi32>
      %lt3A_1280 = arith.constant 0 : i32
      %lt3A_1281 = vector.broadcast %lt3A_1280 : i32 to vector<16xi32>
      %lt3A_1282 = arith.cmpi slt, %xor3A_1279, %lt3A_1281 : vector<16xi32>
      %add3A_1283 = arith.constant 16 : i32
      %add3A_1284 = vector.broadcast %add3A_1283 : i32 to vector<16xi32>
      %add3A_1285 = arith.addi %xor3A_1279, %add3A_1284 : vector<16xi32>
      %select_n3A_1286 = arith.select %lt3A_1282, %add3A_1285, %xor3A_1279 : vector<16xi1>, vector<16xi32>
      %broadcast_in_dim3A_1287 = vector.shape_cast %select_n3A_1286 : vector<16xi32> to vector<16x1xi32>
      %gather3A_1288 = vector.shape_cast %broadcast_in_dim3A_1287 : vector<16x1xi32> to vector<16xi32>
      %gather3A_1289 = tpu.dynamic_gather %add3A_1276[%gather3A_1288] in [0] : vector<16xf32>, vector<16xi32> -> vector<16xf32>
      %add3A_1290 = arith.addf %add3A_1276, %gather3A_1289 : vector<16xf32>
      %xor3A_1291 = arith.constant 8 : i32
      %xor3A_1292 = vector.broadcast %xor3A_1291 : i32 to vector<16xi32>
      %xor3A_1293 = arith.xori %iota3A, %xor3A_1292 : vector<16xi32>
      %lt3A_1294 = arith.constant 0 : i32
      %lt3A_1295 = vector.broadcast %lt3A_1294 : i32 to vector<16xi32>
      %lt3A_1296 = arith.cmpi slt, %xor3A_1293, %lt3A_1295 : vector<16xi32>
      %add3A_1297 = arith.constant 16 : i32
      %add3A_1298 = vector.broadcast %add3A_1297 : i32 to vector<16xi32>
      %add3A_1299 = arith.addi %xor3A_1293, %add3A_1298 : vector<16xi32>
      %select_n3A_1300 = arith.select %lt3A_1296, %add3A_1299, %xor3A_1293 : vector<16xi1>, vector<16xi32>
      %broadcast_in_dim3A_1301 = vector.shape_cast %select_n3A_1300 : vector<16xi32> to vector<16x1xi32>
      %gather3A_1302 = vector.shape_cast %broadcast_in_dim3A_1301 : vector<16x1xi32> to vector<16xi32>
      %gather3A_1303 = tpu.dynamic_gather %add3A_1290[%gather3A_1302] in [0] : vector<16xf32>, vector<16xi32> -> vector<16xf32>
      %add3A_1304 = arith.addf %add3A_1290, %gather3A_1303 : vector<16xf32>
      %eq3A_1305 = arith.constant 9 : i32
      %eq3A_1306 = vector.broadcast %eq3A_1305 : i32 to vector<16xi32>
      %eq3A_1307 = arith.cmpi eq, %iota3A, %eq3A_1306 : vector<16xi32>
      %select_n3A_1308 = arith.select %eq3A_1307, %add3A_1304, %select_n3A_1218 : vector<16xi1>, vector<16xf32>
      %broadcast_in_dim3A_1309 = arith.constant 0.000000e+00 : f32
      %broadcast_in_dim3A_1310 = vector.broadcast %broadcast_in_dim3A_1309 : f32 to vector<16xf32>
      %get3A_1311 = arith.constant 10 : i32
      %get3A_1312 = arith.index_cast %get3A_1311 : i32 to index
      %get3A_1313 = arith.constant 0 : index
      %get3A_1314 = tpu.vector_load %arg10[%get3A_1312, %get3A_1313] {strides = array<i32>} : memref<32x64xf32, #tpu.memory_space<vmem>>, vector<1x16xf32>,
      %get3A_1315 = vector.shape_cast %get3A_1314 : vector<1x16xf32> to vector<16xf32>
      %mul3A_1316 = arith.mulf %get3A_1315, %mul3A_399 : vector<16xf32>
      %add3A_1317 = arith.addf %broadcast_in_dim3A_1310, %mul3A_1316 : vector<16xf32>
      %get3A_1318 = arith.constant 10 : i32
      %get3A_1319 = arith.index_cast %get3A_1318 : i32 to index
      %get3A_1320 = arith.constant 16 : index
      %get3A_1321 = tpu.vector_load %arg10[%get3A_1319, %get3A_1320] {strides = array<i32>} : memref<32x64xf32, #tpu.memory_space<vmem>>, vector<1x16xf32>,
      %get3A_1322 = vector.shape_cast %get3A_1321 : vector<1x16xf32> to vector<16xf32>
      %mul3A_1323 = arith.mulf %get3A_1322, %mul3A_402 : vector<16xf32>
      %add3A_1324 = arith.addf %add3A_1317, %mul3A_1323 : vector<16xf32>
      %get3A_1325 = arith.constant 10 : i32
      %get3A_1326 = arith.index_cast %get3A_1325 : i32 to index
      %get3A_1327 = arith.constant 32 : index
      %get3A_1328 = tpu.vector_load %arg10[%get3A_1326, %get3A_1327] {strides = array<i32>} : memref<32x64xf32, #tpu.memory_space<vmem>>, vector<1x16xf32>,
      %get3A_1329 = vector.shape_cast %get3A_1328 : vector<1x16xf32> to vector<16xf32>
      %mul3A_1330 = arith.mulf %get3A_1329, %mul3A_405 : vector<16xf32>
      %add3A_1331 = arith.addf %add3A_1324, %mul3A_1330 : vector<16xf32>
      %get3A_1332 = arith.constant 10 : i32
      %get3A_1333 = arith.index_cast %get3A_1332 : i32 to index
      %get3A_1334 = arith.constant 48 : index
      %get3A_1335 = tpu.vector_load %arg10[%get3A_1333, %get3A_1334] {strides = array<i32>} : memref<32x64xf32, #tpu.memory_space<vmem>>, vector<1x16xf32>,
      %get3A_1336 = vector.shape_cast %get3A_1335 : vector<1x16xf32> to vector<16xf32>
      %mul3A_1337 = arith.mulf %get3A_1336, %mul3A_408 : vector<16xf32>
      %add3A_1338 = arith.addf %add3A_1331, %mul3A_1337 : vector<16xf32>
      %xor3A_1339 = arith.constant 1 : i32
      %xor3A_1340 = vector.broadcast %xor3A_1339 : i32 to vector<16xi32>
      %xor3A_1341 = arith.xori %iota3A, %xor3A_1340 : vector<16xi32>
      %lt3A_1342 = arith.constant 0 : i32
      %lt3A_1343 = vector.broadcast %lt3A_1342 : i32 to vector<16xi32>
      %lt3A_1344 = arith.cmpi slt, %xor3A_1341, %lt3A_1343 : vector<16xi32>
      %add3A_1345 = arith.constant 16 : i32
      %add3A_1346 = vector.broadcast %add3A_1345 : i32 to vector<16xi32>
      %add3A_1347 = arith.addi %xor3A_1341, %add3A_1346 : vector<16xi32>
      %select_n3A_1348 = arith.select %lt3A_1344, %add3A_1347, %xor3A_1341 : vector<16xi1>, vector<16xi32>
      %broadcast_in_dim3A_1349 = vector.shape_cast %select_n3A_1348 : vector<16xi32> to vector<16x1xi32>
      %gather3A_1350 = vector.shape_cast %broadcast_in_dim3A_1349 : vector<16x1xi32> to vector<16xi32>
      %gather3A_1351 = tpu.dynamic_gather %add3A_1338[%gather3A_1350] in [0] : vector<16xf32>, vector<16xi32> -> vector<16xf32>
      %add3A_1352 = arith.addf %add3A_1338, %gather3A_1351 : vector<16xf32>
      %xor3A_1353 = arith.constant 2 : i32
      %xor3A_1354 = vector.broadcast %xor3A_1353 : i32 to vector<16xi32>
      %xor3A_1355 = arith.xori %iota3A, %xor3A_1354 : vector<16xi32>
      %lt3A_1356 = arith.constant 0 : i32
      %lt3A_1357 = vector.broadcast %lt3A_1356 : i32 to vector<16xi32>
      %lt3A_1358 = arith.cmpi slt, %xor3A_1355, %lt3A_1357 : vector<16xi32>
      %add3A_1359 = arith.constant 16 : i32
      %add3A_1360 = vector.broadcast %add3A_1359 : i32 to vector<16xi32>
      %add3A_1361 = arith.addi %xor3A_1355, %add3A_1360 : vector<16xi32>
      %select_n3A_1362 = arith.select %lt3A_1358, %add3A_1361, %xor3A_1355 : vector<16xi1>, vector<16xi32>
      %broadcast_in_dim3A_1363 = vector.shape_cast %select_n3A_1362 : vector<16xi32> to vector<16x1xi32>
      %gather3A_1364 = vector.shape_cast %broadcast_in_dim3A_1363 : vector<16x1xi32> to vector<16xi32>
      %gather3A_1365 = tpu.dynamic_gather %add3A_1352[%gather3A_1364] in [0] : vector<16xf32>, vector<16xi32> -> vector<16xf32>
      %add3A_1366 = arith.addf %add3A_1352, %gather3A_1365 : vector<16xf32>
      %xor3A_1367 = arith.constant 4 : i32
      %xor3A_1368 = vector.broadcast %xor3A_1367 : i32 to vector<16xi32>
      %xor3A_1369 = arith.xori %iota3A, %xor3A_1368 : vector<16xi32>
      %lt3A_1370 = arith.constant 0 : i32
      %lt3A_1371 = vector.broadcast %lt3A_1370 : i32 to vector<16xi32>
      %lt3A_1372 = arith.cmpi slt, %xor3A_1369, %lt3A_1371 : vector<16xi32>
      %add3A_1373 = arith.constant 16 : i32
      %add3A_1374 = vector.broadcast %add3A_1373 : i32 to vector<16xi32>
      %add3A_1375 = arith.addi %xor3A_1369, %add3A_1374 : vector<16xi32>
      %select_n3A_1376 = arith.select %lt3A_1372, %add3A_1375, %xor3A_1369 : vector<16xi1>, vector<16xi32>
      %broadcast_in_dim3A_1377 = vector.shape_cast %select_n3A_1376 : vector<16xi32> to vector<16x1xi32>
      %gather3A_1378 = vector.shape_cast %broadcast_in_dim3A_1377 : vector<16x1xi32> to vector<16xi32>
      %gather3A_1379 = tpu.dynamic_gather %add3A_1366[%gather3A_1378] in [0] : vector<16xf32>, vector<16xi32> -> vector<16xf32>
      %add3A_1380 = arith.addf %add3A_1366, %gather3A_1379 : vector<16xf32>
      %xor3A_1381 = arith.constant 8 : i32
      %xor3A_1382 = vector.broadcast %xor3A_1381 : i32 to vector<16xi32>
      %xor3A_1383 = arith.xori %iota3A, %xor3A_1382 : vector<16xi32>
      %lt3A_1384 = arith.constant 0 : i32
      %lt3A_1385 = vector.broadcast %lt3A_1384 : i32 to vector<16xi32>
      %lt3A_1386 = arith.cmpi slt, %xor3A_1383, %lt3A_1385 : vector<16xi32>
      %add3A_1387 = arith.constant 16 : i32
      %add3A_1388 = vector.broadcast %add3A_1387 : i32 to vector<16xi32>
      %add3A_1389 = arith.addi %xor3A_1383, %add3A_1388 : vector<16xi32>
      %select_n3A_1390 = arith.select %lt3A_1386, %add3A_1389, %xor3A_1383 : vector<16xi1>, vector<16xi32>
      %broadcast_in_dim3A_1391 = vector.shape_cast %select_n3A_1390 : vector<16xi32> to vector<16x1xi32>
      %gather3A_1392 = vector.shape_cast %broadcast_in_dim3A_1391 : vector<16x1xi32> to vector<16xi32>
      %gather3A_1393 = tpu.dynamic_gather %add3A_1380[%gather3A_1392] in [0] : vector<16xf32>, vector<16xi32> -> vector<16xf32>
      %add3A_1394 = arith.addf %add3A_1380, %gather3A_1393 : vector<16xf32>
      %eq3A_1395 = arith.constant 10 : i32
      %eq3A_1396 = vector.broadcast %eq3A_1395 : i32 to vector<16xi32>
      %eq3A_1397 = arith.cmpi eq, %iota3A, %eq3A_1396 : vector<16xi32>
      %select_n3A_1398 = arith.select %eq3A_1397, %add3A_1394, %select_n3A_1308 : vector<16xi1>, vector<16xf32>
      %broadcast_in_dim3A_1399 = arith.constant 0.000000e+00 : f32
      %broadcast_in_dim3A_1400 = vector.broadcast %broadcast_in_dim3A_1399 : f32 to vector<16xf32>
      %get3A_1401 = arith.constant 11 : i32
      %get3A_1402 = arith.index_cast %get3A_1401 : i32 to index
      %get3A_1403 = arith.constant 0 : index
      %get3A_1404 = tpu.vector_load %arg10[%get3A_1402, %get3A_1403] {strides = array<i32>} : memref<32x64xf32, #tpu.memory_space<vmem>>, vector<1x16xf32>,
      %get3A_1405 = vector.shape_cast %get3A_1404 : vector<1x16xf32> to vector<16xf32>
      %mul3A_1406 = arith.mulf %get3A_1405, %mul3A_399 : vector<16xf32>
      %add3A_1407 = arith.addf %broadcast_in_dim3A_1400, %mul3A_1406 : vector<16xf32>
      %get3A_1408 = arith.constant 11 : i32
      %get3A_1409 = arith.index_cast %get3A_1408 : i32 to index
      %get3A_1410 = arith.constant 16 : index
      %get3A_1411 = tpu.vector_load %arg10[%get3A_1409, %get3A_1410] {strides = array<i32>} : memref<32x64xf32, #tpu.memory_space<vmem>>, vector<1x16xf32>,
      %get3A_1412 = vector.shape_cast %get3A_1411 : vector<1x16xf32> to vector<16xf32>
      %mul3A_1413 = arith.mulf %get3A_1412, %mul3A_402 : vector<16xf32>
      %add3A_1414 = arith.addf %add3A_1407, %mul3A_1413 : vector<16xf32>
      %get3A_1415 = arith.constant 11 : i32
      %get3A_1416 = arith.index_cast %get3A_1415 : i32 to index
      %get3A_1417 = arith.constant 32 : index
      %get3A_1418 = tpu.vector_load %arg10[%get3A_1416, %get3A_1417] {strides = array<i32>} : memref<32x64xf32, #tpu.memory_space<vmem>>, vector<1x16xf32>,
      %get3A_1419 = vector.shape_cast %get3A_1418 : vector<1x16xf32> to vector<16xf32>
      %mul3A_1420 = arith.mulf %get3A_1419, %mul3A_405 : vector<16xf32>
      %add3A_1421 = arith.addf %add3A_1414, %mul3A_1420 : vector<16xf32>
      %get3A_1422 = arith.constant 11 : i32
      %get3A_1423 = arith.index_cast %get3A_1422 : i32 to index
      %get3A_1424 = arith.constant 48 : index
      %get3A_1425 = tpu.vector_load %arg10[%get3A_1423, %get3A_1424] {strides = array<i32>} : memref<32x64xf32, #tpu.memory_space<vmem>>, vector<1x16xf32>,
      %get3A_1426 = vector.shape_cast %get3A_1425 : vector<1x16xf32> to vector<16xf32>
      %mul3A_1427 = arith.mulf %get3A_1426, %mul3A_408 : vector<16xf32>
      %add3A_1428 = arith.addf %add3A_1421, %mul3A_1427 : vector<16xf32>
      %xor3A_1429 = arith.constant 1 : i32
      %xor3A_1430 = vector.broadcast %xor3A_1429 : i32 to vector<16xi32>
      %xor3A_1431 = arith.xori %iota3A, %xor3A_1430 : vector<16xi32>
      %lt3A_1432 = arith.constant 0 : i32
      %lt3A_1433 = vector.broadcast %lt3A_1432 : i32 to vector<16xi32>
      %lt3A_1434 = arith.cmpi slt, %xor3A_1431, %lt3A_1433 : vector<16xi32>
      %add3A_1435 = arith.constant 16 : i32
      %add3A_1436 = vector.broadcast %add3A_1435 : i32 to vector<16xi32>
      %add3A_1437 = arith.addi %xor3A_1431, %add3A_1436 : vector<16xi32>
      %select_n3A_1438 = arith.select %lt3A_1434, %add3A_1437, %xor3A_1431 : vector<16xi1>, vector<16xi32>
      %broadcast_in_dim3A_1439 = vector.shape_cast %select_n3A_1438 : vector<16xi32> to vector<16x1xi32>
      %gather3A_1440 = vector.shape_cast %broadcast_in_dim3A_1439 : vector<16x1xi32> to vector<16xi32>
      %gather3A_1441 = tpu.dynamic_gather %add3A_1428[%gather3A_1440] in [0] : vector<16xf32>, vector<16xi32> -> vector<16xf32>
      %add3A_1442 = arith.addf %add3A_1428, %gather3A_1441 : vector<16xf32>
      %xor3A_1443 = arith.constant 2 : i32
      %xor3A_1444 = vector.broadcast %xor3A_1443 : i32 to vector<16xi32>
      %xor3A_1445 = arith.xori %iota3A, %xor3A_1444 : vector<16xi32>
      %lt3A_1446 = arith.constant 0 : i32
      %lt3A_1447 = vector.broadcast %lt3A_1446 : i32 to vector<16xi32>
      %lt3A_1448 = arith.cmpi slt, %xor3A_1445, %lt3A_1447 : vector<16xi32>
      %add3A_1449 = arith.constant 16 : i32
      %add3A_1450 = vector.broadcast %add3A_1449 : i32 to vector<16xi32>
      %add3A_1451 = arith.addi %xor3A_1445, %add3A_1450 : vector<16xi32>
      %select_n3A_1452 = arith.select %lt3A_1448, %add3A_1451, %xor3A_1445 : vector<16xi1>, vector<16xi32>
      %broadcast_in_dim3A_1453 = vector.shape_cast %select_n3A_1452 : vector<16xi32> to vector<16x1xi32>
      %gather3A_1454 = vector.shape_cast %broadcast_in_dim3A_1453 : vector<16x1xi32> to vector<16xi32>
      %gather3A_1455 = tpu.dynamic_gather %add3A_1442[%gather3A_1454] in [0] : vector<16xf32>, vector<16xi32> -> vector<16xf32>
      %add3A_1456 = arith.addf %add3A_1442, %gather3A_1455 : vector<16xf32>
      %xor3A_1457 = arith.constant 4 : i32
      %xor3A_1458 = vector.broadcast %xor3A_1457 : i32 to vector<16xi32>
      %xor3A_1459 = arith.xori %iota3A, %xor3A_1458 : vector<16xi32>
      %lt3A_1460 = arith.constant 0 : i32
      %lt3A_1461 = vector.broadcast %lt3A_1460 : i32 to vector<16xi32>
      %lt3A_1462 = arith.cmpi slt, %xor3A_1459, %lt3A_1461 : vector<16xi32>
      %add3A_1463 = arith.constant 16 : i32
      %add3A_1464 = vector.broadcast %add3A_1463 : i32 to vector<16xi32>
      %add3A_1465 = arith.addi %xor3A_1459, %add3A_1464 : vector<16xi32>
      %select_n3A_1466 = arith.select %lt3A_1462, %add3A_1465, %xor3A_1459 : vector<16xi1>, vector<16xi32>
      %broadcast_in_dim3A_1467 = vector.shape_cast %select_n3A_1466 : vector<16xi32> to vector<16x1xi32>
      %gather3A_1468 = vector.shape_cast %broadcast_in_dim3A_1467 : vector<16x1xi32> to vector<16xi32>
      %gather3A_1469 = tpu.dynamic_gather %add3A_1456[%gather3A_1468] in [0] : vector<16xf32>, vector<16xi32> -> vector<16xf32>
      %add3A_1470 = arith.addf %add3A_1456, %gather3A_1469 : vector<16xf32>
      %xor3A_1471 = arith.constant 8 : i32
      %xor3A_1472 = vector.broadcast %xor3A_1471 : i32 to vector<16xi32>
      %xor3A_1473 = arith.xori %iota3A, %xor3A_1472 : vector<16xi32>
      %lt3A_1474 = arith.constant 0 : i32
      %lt3A_1475 = vector.broadcast %lt3A_1474 : i32 to vector<16xi32>
      %lt3A_1476 = arith.cmpi slt, %xor3A_1473, %lt3A_1475 : vector<16xi32>
      %add3A_1477 = arith.constant 16 : i32
      %add3A_1478 = vector.broadcast %add3A_1477 : i32 to vector<16xi32>
      %add3A_1479 = arith.addi %xor3A_1473, %add3A_1478 : vector<16xi32>
      %select_n3A_1480 = arith.select %lt3A_1476, %add3A_1479, %xor3A_1473 : vector<16xi1>, vector<16xi32>
      %broadcast_in_dim3A_1481 = vector.shape_cast %select_n3A_1480 : vector<16xi32> to vector<16x1xi32>
      %gather3A_1482 = vector.shape_cast %broadcast_in_dim3A_1481 : vector<16x1xi32> to vector<16xi32>
      %gather3A_1483 = tpu.dynamic_gather %add3A_1470[%gather3A_1482] in [0] : vector<16xf32>, vector<16xi32> -> vector<16xf32>
      %add3A_1484 = arith.addf %add3A_1470, %gather3A_1483 : vector<16xf32>
      %eq3A_1485 = arith.constant 11 : i32
      %eq3A_1486 = vector.broadcast %eq3A_1485 : i32 to vector<16xi32>
      %eq3A_1487 = arith.cmpi eq, %iota3A, %eq3A_1486 : vector<16xi32>
      %select_n3A_1488 = arith.select %eq3A_1487, %add3A_1484, %select_n3A_1398 : vector<16xi1>, vector<16xf32>
      %broadcast_in_dim3A_1489 = arith.constant 0.000000e+00 : f32
      %broadcast_in_dim3A_1490 = vector.broadcast %broadcast_in_dim3A_1489 : f32 to vector<16xf32>
      %get3A_1491 = arith.constant 12 : i32
      %get3A_1492 = arith.index_cast %get3A_1491 : i32 to index
      %get3A_1493 = arith.constant 0 : index
      %get3A_1494 = tpu.vector_load %arg10[%get3A_1492, %get3A_1493] {strides = array<i32>} : memref<32x64xf32, #tpu.memory_space<vmem>>, vector<1x16xf32>,
      %get3A_1495 = vector.shape_cast %get3A_1494 : vector<1x16xf32> to vector<16xf32>
      %mul3A_1496 = arith.mulf %get3A_1495, %mul3A_399 : vector<16xf32>
      %add3A_1497 = arith.addf %broadcast_in_dim3A_1490, %mul3A_1496 : vector<16xf32>
      %get3A_1498 = arith.constant 12 : i32
      %get3A_1499 = arith.index_cast %get3A_1498 : i32 to index
      %get3A_1500 = arith.constant 16 : index
      %get3A_1501 = tpu.vector_load %arg10[%get3A_1499, %get3A_1500] {strides = array<i32>} : memref<32x64xf32, #tpu.memory_space<vmem>>, vector<1x16xf32>,
      %get3A_1502 = vector.shape_cast %get3A_1501 : vector<1x16xf32> to vector<16xf32>
      %mul3A_1503 = arith.mulf %get3A_1502, %mul3A_402 : vector<16xf32>
      %add3A_1504 = arith.addf %add3A_1497, %mul3A_1503 : vector<16xf32>
      %get3A_1505 = arith.constant 12 : i32
      %get3A_1506 = arith.index_cast %get3A_1505 : i32 to index
      %get3A_1507 = arith.constant 32 : index
      %get3A_1508 = tpu.vector_load %arg10[%get3A_1506, %get3A_1507] {strides = array<i32>} : memref<32x64xf32, #tpu.memory_space<vmem>>, vector<1x16xf32>,
      %get3A_1509 = vector.shape_cast %get3A_1508 : vector<1x16xf32> to vector<16xf32>
      %mul3A_1510 = arith.mulf %get3A_1509, %mul3A_405 : vector<16xf32>
      %add3A_1511 = arith.addf %add3A_1504, %mul3A_1510 : vector<16xf32>
      %get3A_1512 = arith.constant 12 : i32
      %get3A_1513 = arith.index_cast %get3A_1512 : i32 to index
      %get3A_1514 = arith.constant 48 : index
      %get3A_1515 = tpu.vector_load %arg10[%get3A_1513, %get3A_1514] {strides = array<i32>} : memref<32x64xf32, #tpu.memory_space<vmem>>, vector<1x16xf32>,
      %get3A_1516 = vector.shape_cast %get3A_1515 : vector<1x16xf32> to vector<16xf32>
      %mul3A_1517 = arith.mulf %get3A_1516, %mul3A_408 : vector<16xf32>
      %add3A_1518 = arith.addf %add3A_1511, %mul3A_1517 : vector<16xf32>
      %xor3A_1519 = arith.constant 1 : i32
      %xor3A_1520 = vector.broadcast %xor3A_1519 : i32 to vector<16xi32>
      %xor3A_1521 = arith.xori %iota3A, %xor3A_1520 : vector<16xi32>
      %lt3A_1522 = arith.constant 0 : i32
      %lt3A_1523 = vector.broadcast %lt3A_1522 : i32 to vector<16xi32>
      %lt3A_1524 = arith.cmpi slt, %xor3A_1521, %lt3A_1523 : vector<16xi32>
      %add3A_1525 = arith.constant 16 : i32
      %add3A_1526 = vector.broadcast %add3A_1525 : i32 to vector<16xi32>
      %add3A_1527 = arith.addi %xor3A_1521, %add3A_1526 : vector<16xi32>
      %select_n3A_1528 = arith.select %lt3A_1524, %add3A_1527, %xor3A_1521 : vector<16xi1>, vector<16xi32>
      %broadcast_in_dim3A_1529 = vector.shape_cast %select_n3A_1528 : vector<16xi32> to vector<16x1xi32>
      %gather3A_1530 = vector.shape_cast %broadcast_in_dim3A_1529 : vector<16x1xi32> to vector<16xi32>
      %gather3A_1531 = tpu.dynamic_gather %add3A_1518[%gather3A_1530] in [0] : vector<16xf32>, vector<16xi32> -> vector<16xf32>
      %add3A_1532 = arith.addf %add3A_1518, %gather3A_1531 : vector<16xf32>
      %xor3A_1533 = arith.constant 2 : i32
      %xor3A_1534 = vector.broadcast %xor3A_1533 : i32 to vector<16xi32>
      %xor3A_1535 = arith.xori %iota3A, %xor3A_1534 : vector<16xi32>
      %lt3A_1536 = arith.constant 0 : i32
      %lt3A_1537 = vector.broadcast %lt3A_1536 : i32 to vector<16xi32>
      %lt3A_1538 = arith.cmpi slt, %xor3A_1535, %lt3A_1537 : vector<16xi32>
      %add3A_1539 = arith.constant 16 : i32
      %add3A_1540 = vector.broadcast %add3A_1539 : i32 to vector<16xi32>
      %add3A_1541 = arith.addi %xor3A_1535, %add3A_1540 : vector<16xi32>
      %select_n3A_1542 = arith.select %lt3A_1538, %add3A_1541, %xor3A_1535 : vector<16xi1>, vector<16xi32>
      %broadcast_in_dim3A_1543 = vector.shape_cast %select_n3A_1542 : vector<16xi32> to vector<16x1xi32>
      %gather3A_1544 = vector.shape_cast %broadcast_in_dim3A_1543 : vector<16x1xi32> to vector<16xi32>
      %gather3A_1545 = tpu.dynamic_gather %add3A_1532[%gather3A_1544] in [0] : vector<16xf32>, vector<16xi32> -> vector<16xf32>
      %add3A_1546 = arith.addf %add3A_1532, %gather3A_1545 : vector<16xf32>
      %xor3A_1547 = arith.constant 4 : i32
      %xor3A_1548 = vector.broadcast %xor3A_1547 : i32 to vector<16xi32>
      %xor3A_1549 = arith.xori %iota3A, %xor3A_1548 : vector<16xi32>
      %lt3A_1550 = arith.constant 0 : i32
      %lt3A_1551 = vector.broadcast %lt3A_1550 : i32 to vector<16xi32>
      %lt3A_1552 = arith.cmpi slt, %xor3A_1549, %lt3A_1551 : vector<16xi32>
      %add3A_1553 = arith.constant 16 : i32
      %add3A_1554 = vector.broadcast %add3A_1553 : i32 to vector<16xi32>
      %add3A_1555 = arith.addi %xor3A_1549, %add3A_1554 : vector<16xi32>
      %select_n3A_1556 = arith.select %lt3A_1552, %add3A_1555, %xor3A_1549 : vector<16xi1>, vector<16xi32>
      %broadcast_in_dim3A_1557 = vector.shape_cast %select_n3A_1556 : vector<16xi32> to vector<16x1xi32>
      %gather3A_1558 = vector.shape_cast %broadcast_in_dim3A_1557 : vector<16x1xi32> to vector<16xi32>
      %gather3A_1559 = tpu.dynamic_gather %add3A_1546[%gather3A_1558] in [0] : vector<16xf32>, vector<16xi32> -> vector<16xf32>
      %add3A_1560 = arith.addf %add3A_1546, %gather3A_1559 : vector<16xf32>
      %xor3A_1561 = arith.constant 8 : i32
      %xor3A_1562 = vector.broadcast %xor3A_1561 : i32 to vector<16xi32>
      %xor3A_1563 = arith.xori %iota3A, %xor3A_1562 : vector<16xi32>
      %lt3A_1564 = arith.constant 0 : i32
      %lt3A_1565 = vector.broadcast %lt3A_1564 : i32 to vector<16xi32>
      %lt3A_1566 = arith.cmpi slt, %xor3A_1563, %lt3A_1565 : vector<16xi32>
      %add3A_1567 = arith.constant 16 : i32
      %add3A_1568 = vector.broadcast %add3A_1567 : i32 to vector<16xi32>
      %add3A_1569 = arith.addi %xor3A_1563, %add3A_1568 : vector<16xi32>
      %select_n3A_1570 = arith.select %lt3A_1566, %add3A_1569, %xor3A_1563 : vector<16xi1>, vector<16xi32>
      %broadcast_in_dim3A_1571 = vector.shape_cast %select_n3A_1570 : vector<16xi32> to vector<16x1xi32>
      %gather3A_1572 = vector.shape_cast %broadcast_in_dim3A_1571 : vector<16x1xi32> to vector<16xi32>
      %gather3A_1573 = tpu.dynamic_gather %add3A_1560[%gather3A_1572] in [0] : vector<16xf32>, vector<16xi32> -> vector<16xf32>
      %add3A_1574 = arith.addf %add3A_1560, %gather3A_1573 : vector<16xf32>
      %eq3A_1575 = arith.constant 12 : i32
      %eq3A_1576 = vector.broadcast %eq3A_1575 : i32 to vector<16xi32>
      %eq3A_1577 = arith.cmpi eq, %iota3A, %eq3A_1576 : vector<16xi32>
      %select_n3A_1578 = arith.select %eq3A_1577, %add3A_1574, %select_n3A_1488 : vector<16xi1>, vector<16xf32>
      %broadcast_in_dim3A_1579 = arith.constant 0.000000e+00 : f32
      %broadcast_in_dim3A_1580 = vector.broadcast %broadcast_in_dim3A_1579 : f32 to vector<16xf32>
      %get3A_1581 = arith.constant 13 : i32
      %get3A_1582 = arith.index_cast %get3A_1581 : i32 to index
      %get3A_1583 = arith.constant 0 : index
      %get3A_1584 = tpu.vector_load %arg10[%get3A_1582, %get3A_1583] {strides = array<i32>} : memref<32x64xf32, #tpu.memory_space<vmem>>, vector<1x16xf32>,
      %get3A_1585 = vector.shape_cast %get3A_1584 : vector<1x16xf32> to vector<16xf32>
      %mul3A_1586 = arith.mulf %get3A_1585, %mul3A_399 : vector<16xf32>
      %add3A_1587 = arith.addf %broadcast_in_dim3A_1580, %mul3A_1586 : vector<16xf32>
      %get3A_1588 = arith.constant 13 : i32
      %get3A_1589 = arith.index_cast %get3A_1588 : i32 to index
      %get3A_1590 = arith.constant 16 : index
      %get3A_1591 = tpu.vector_load %arg10[%get3A_1589, %get3A_1590] {strides = array<i32>} : memref<32x64xf32, #tpu.memory_space<vmem>>, vector<1x16xf32>,
      %get3A_1592 = vector.shape_cast %get3A_1591 : vector<1x16xf32> to vector<16xf32>
      %mul3A_1593 = arith.mulf %get3A_1592, %mul3A_402 : vector<16xf32>
      %add3A_1594 = arith.addf %add3A_1587, %mul3A_1593 : vector<16xf32>
      %get3A_1595 = arith.constant 13 : i32
      %get3A_1596 = arith.index_cast %get3A_1595 : i32 to index
      %get3A_1597 = arith.constant 32 : index
      %get3A_1598 = tpu.vector_load %arg10[%get3A_1596, %get3A_1597] {strides = array<i32>} : memref<32x64xf32, #tpu.memory_space<vmem>>, vector<1x16xf32>,
      %get3A_1599 = vector.shape_cast %get3A_1598 : vector<1x16xf32> to vector<16xf32>
      %mul3A_1600 = arith.mulf %get3A_1599, %mul3A_405 : vector<16xf32>
      %add3A_1601 = arith.addf %add3A_1594, %mul3A_1600 : vector<16xf32>
      %get3A_1602 = arith.constant 13 : i32
      %get3A_1603 = arith.index_cast %get3A_1602 : i32 to index
      %get3A_1604 = arith.constant 48 : index
      %get3A_1605 = tpu.vector_load %arg10[%get3A_1603, %get3A_1604] {strides = array<i32>} : memref<32x64xf32, #tpu.memory_space<vmem>>, vector<1x16xf32>,
      %get3A_1606 = vector.shape_cast %get3A_1605 : vector<1x16xf32> to vector<16xf32>
      %mul3A_1607 = arith.mulf %get3A_1606, %mul3A_408 : vector<16xf32>
      %add3A_1608 = arith.addf %add3A_1601, %mul3A_1607 : vector<16xf32>
      %xor3A_1609 = arith.constant 1 : i32
      %xor3A_1610 = vector.broadcast %xor3A_1609 : i32 to vector<16xi32>
      %xor3A_1611 = arith.xori %iota3A, %xor3A_1610 : vector<16xi32>
      %lt3A_1612 = arith.constant 0 : i32
      %lt3A_1613 = vector.broadcast %lt3A_1612 : i32 to vector<16xi32>
      %lt3A_1614 = arith.cmpi slt, %xor3A_1611, %lt3A_1613 : vector<16xi32>
      %add3A_1615 = arith.constant 16 : i32
      %add3A_1616 = vector.broadcast %add3A_1615 : i32 to vector<16xi32>
      %add3A_1617 = arith.addi %xor3A_1611, %add3A_1616 : vector<16xi32>
      %select_n3A_1618 = arith.select %lt3A_1614, %add3A_1617, %xor3A_1611 : vector<16xi1>, vector<16xi32>
      %broadcast_in_dim3A_1619 = vector.shape_cast %select_n3A_1618 : vector<16xi32> to vector<16x1xi32>
      %gather3A_1620 = vector.shape_cast %broadcast_in_dim3A_1619 : vector<16x1xi32> to vector<16xi32>
      %gather3A_1621 = tpu.dynamic_gather %add3A_1608[%gather3A_1620] in [0] : vector<16xf32>, vector<16xi32> -> vector<16xf32>
      %add3A_1622 = arith.addf %add3A_1608, %gather3A_1621 : vector<16xf32>
      %xor3A_1623 = arith.constant 2 : i32
      %xor3A_1624 = vector.broadcast %xor3A_1623 : i32 to vector<16xi32>
      %xor3A_1625 = arith.xori %iota3A, %xor3A_1624 : vector<16xi32>
      %lt3A_1626 = arith.constant 0 : i32
      %lt3A_1627 = vector.broadcast %lt3A_1626 : i32 to vector<16xi32>
      %lt3A_1628 = arith.cmpi slt, %xor3A_1625, %lt3A_1627 : vector<16xi32>
      %add3A_1629 = arith.constant 16 : i32
      %add3A_1630 = vector.broadcast %add3A_1629 : i32 to vector<16xi32>
      %add3A_1631 = arith.addi %xor3A_1625, %add3A_1630 : vector<16xi32>
      %select_n3A_1632 = arith.select %lt3A_1628, %add3A_1631, %xor3A_1625 : vector<16xi1>, vector<16xi32>
      %broadcast_in_dim3A_1633 = vector.shape_cast %select_n3A_1632 : vector<16xi32> to vector<16x1xi32>
      %gather3A_1634 = vector.shape_cast %broadcast_in_dim3A_1633 : vector<16x1xi32> to vector<16xi32>
      %gather3A_1635 = tpu.dynamic_gather %add3A_1622[%gather3A_1634] in [0] : vector<16xf32>, vector<16xi32> -> vector<16xf32>
      %add3A_1636 = arith.addf %add3A_1622, %gather3A_1635 : vector<16xf32>
      %xor3A_1637 = arith.constant 4 : i32
      %xor3A_1638 = vector.broadcast %xor3A_1637 : i32 to vector<16xi32>
      %xor3A_1639 = arith.xori %iota3A, %xor3A_1638 : vector<16xi32>
      %lt3A_1640 = arith.constant 0 : i32
      %lt3A_1641 = vector.broadcast %lt3A_1640 : i32 to vector<16xi32>
      %lt3A_1642 = arith.cmpi slt, %xor3A_1639, %lt3A_1641 : vector<16xi32>
      %add3A_1643 = arith.constant 16 : i32
      %add3A_1644 = vector.broadcast %add3A_1643 : i32 to vector<16xi32>
      %add3A_1645 = arith.addi %xor3A_1639, %add3A_1644 : vector<16xi32>
      %select_n3A_1646 = arith.select %lt3A_1642, %add3A_1645, %xor3A_1639 : vector<16xi1>, vector<16xi32>
      %broadcast_in_dim3A_1647 = vector.shape_cast %select_n3A_1646 : vector<16xi32> to vector<16x1xi32>
      %gather3A_1648 = vector.shape_cast %broadcast_in_dim3A_1647 : vector<16x1xi32> to vector<16xi32>
      %gather3A_1649 = tpu.dynamic_gather %add3A_1636[%gather3A_1648] in [0] : vector<16xf32>, vector<16xi32> -> vector<16xf32>
      %add3A_1650 = arith.addf %add3A_1636, %gather3A_1649 : vector<16xf32>
      %xor3A_1651 = arith.constant 8 : i32
      %xor3A_1652 = vector.broadcast %xor3A_1651 : i32 to vector<16xi32>
      %xor3A_1653 = arith.xori %iota3A, %xor3A_1652 : vector<16xi32>
      %lt3A_1654 = arith.constant 0 : i32
      %lt3A_1655 = vector.broadcast %lt3A_1654 : i32 to vector<16xi32>
      %lt3A_1656 = arith.cmpi slt, %xor3A_1653, %lt3A_1655 : vector<16xi32>
      %add3A_1657 = arith.constant 16 : i32
      %add3A_1658 = vector.broadcast %add3A_1657 : i32 to vector<16xi32>
      %add3A_1659 = arith.addi %xor3A_1653, %add3A_1658 : vector<16xi32>
      %select_n3A_1660 = arith.select %lt3A_1656, %add3A_1659, %xor3A_1653 : vector<16xi1>, vector<16xi32>
      %broadcast_in_dim3A_1661 = vector.shape_cast %select_n3A_1660 : vector<16xi32> to vector<16x1xi32>
      %gather3A_1662 = vector.shape_cast %broadcast_in_dim3A_1661 : vector<16x1xi32> to vector<16xi32>
      %gather3A_1663 = tpu.dynamic_gather %add3A_1650[%gather3A_1662] in [0] : vector<16xf32>, vector<16xi32> -> vector<16xf32>
      %add3A_1664 = arith.addf %add3A_1650, %gather3A_1663 : vector<16xf32>
      %eq3A_1665 = arith.constant 13 : i32
      %eq3A_1666 = vector.broadcast %eq3A_1665 : i32 to vector<16xi32>
      %eq3A_1667 = arith.cmpi eq, %iota3A, %eq3A_1666 : vector<16xi32>
      %select_n3A_1668 = arith.select %eq3A_1667, %add3A_1664, %select_n3A_1578 : vector<16xi1>, vector<16xf32>
      %broadcast_in_dim3A_1669 = arith.constant 0.000000e+00 : f32
      %broadcast_in_dim3A_1670 = vector.broadcast %broadcast_in_dim3A_1669 : f32 to vector<16xf32>
      %get3A_1671 = arith.constant 14 : i32
      %get3A_1672 = arith.index_cast %get3A_1671 : i32 to index
      %get3A_1673 = arith.constant 0 : index
      %get3A_1674 = tpu.vector_load %arg10[%get3A_1672, %get3A_1673] {strides = array<i32>} : memref<32x64xf32, #tpu.memory_space<vmem>>, vector<1x16xf32>,
      %get3A_1675 = vector.shape_cast %get3A_1674 : vector<1x16xf32> to vector<16xf32>
      %mul3A_1676 = arith.mulf %get3A_1675, %mul3A_399 : vector<16xf32>
      %add3A_1677 = arith.addf %broadcast_in_dim3A_1670, %mul3A_1676 : vector<16xf32>
      %get3A_1678 = arith.constant 14 : i32
      %get3A_1679 = arith.index_cast %get3A_1678 : i32 to index
      %get3A_1680 = arith.constant 16 : index
      %get3A_1681 = tpu.vector_load %arg10[%get3A_1679, %get3A_1680] {strides = array<i32>} : memref<32x64xf32, #tpu.memory_space<vmem>>, vector<1x16xf32>,
      %get3A_1682 = vector.shape_cast %get3A_1681 : vector<1x16xf32> to vector<16xf32>
      %mul3A_1683 = arith.mulf %get3A_1682, %mul3A_402 : vector<16xf32>
      %add3A_1684 = arith.addf %add3A_1677, %mul3A_1683 : vector<16xf32>
      %get3A_1685 = arith.constant 14 : i32
      %get3A_1686 = arith.index_cast %get3A_1685 : i32 to index
      %get3A_1687 = arith.constant 32 : index
      %get3A_1688 = tpu.vector_load %arg10[%get3A_1686, %get3A_1687] {strides = array<i32>} : memref<32x64xf32, #tpu.memory_space<vmem>>, vector<1x16xf32>,
      %get3A_1689 = vector.shape_cast %get3A_1688 : vector<1x16xf32> to vector<16xf32>
      %mul3A_1690 = arith.mulf %get3A_1689, %mul3A_405 : vector<16xf32>
      %add3A_1691 = arith.addf %add3A_1684, %mul3A_1690 : vector<16xf32>
      %get3A_1692 = arith.constant 14 : i32
      %get3A_1693 = arith.index_cast %get3A_1692 : i32 to index
      %get3A_1694 = arith.constant 48 : index
      %get3A_1695 = tpu.vector_load %arg10[%get3A_1693, %get3A_1694] {strides = array<i32>} : memref<32x64xf32, #tpu.memory_space<vmem>>, vector<1x16xf32>,
      %get3A_1696 = vector.shape_cast %get3A_1695 : vector<1x16xf32> to vector<16xf32>
      %mul3A_1697 = arith.mulf %get3A_1696, %mul3A_408 : vector<16xf32>
      %add3A_1698 = arith.addf %add3A_1691, %mul3A_1697 : vector<16xf32>
      %xor3A_1699 = arith.constant 1 : i32
      %xor3A_1700 = vector.broadcast %xor3A_1699 : i32 to vector<16xi32>
      %xor3A_1701 = arith.xori %iota3A, %xor3A_1700 : vector<16xi32>
      %lt3A_1702 = arith.constant 0 : i32
      %lt3A_1703 = vector.broadcast %lt3A_1702 : i32 to vector<16xi32>
      %lt3A_1704 = arith.cmpi slt, %xor3A_1701, %lt3A_1703 : vector<16xi32>
      %add3A_1705 = arith.constant 16 : i32
      %add3A_1706 = vector.broadcast %add3A_1705 : i32 to vector<16xi32>
      %add3A_1707 = arith.addi %xor3A_1701, %add3A_1706 : vector<16xi32>
      %select_n3A_1708 = arith.select %lt3A_1704, %add3A_1707, %xor3A_1701 : vector<16xi1>, vector<16xi32>
      %broadcast_in_dim3A_1709 = vector.shape_cast %select_n3A_1708 : vector<16xi32> to vector<16x1xi32>
      %gather3A_1710 = vector.shape_cast %broadcast_in_dim3A_1709 : vector<16x1xi32> to vector<16xi32>
      %gather3A_1711 = tpu.dynamic_gather %add3A_1698[%gather3A_1710] in [0] : vector<16xf32>, vector<16xi32> -> vector<16xf32>
      %add3A_1712 = arith.addf %add3A_1698, %gather3A_1711 : vector<16xf32>
      %xor3A_1713 = arith.constant 2 : i32
      %xor3A_1714 = vector.broadcast %xor3A_1713 : i32 to vector<16xi32>
      %xor3A_1715 = arith.xori %iota3A, %xor3A_1714 : vector<16xi32>
      %lt3A_1716 = arith.constant 0 : i32
      %lt3A_1717 = vector.broadcast %lt3A_1716 : i32 to vector<16xi32>
      %lt3A_1718 = arith.cmpi slt, %xor3A_1715, %lt3A_1717 : vector<16xi32>
      %add3A_1719 = arith.constant 16 : i32
      %add3A_1720 = vector.broadcast %add3A_1719 : i32 to vector<16xi32>
      %add3A_1721 = arith.addi %xor3A_1715, %add3A_1720 : vector<16xi32>
      %select_n3A_1722 = arith.select %lt3A_1718, %add3A_1721, %xor3A_1715 : vector<16xi1>, vector<16xi32>
      %broadcast_in_dim3A_1723 = vector.shape_cast %select_n3A_1722 : vector<16xi32> to vector<16x1xi32>
      %gather3A_1724 = vector.shape_cast %broadcast_in_dim3A_1723 : vector<16x1xi32> to vector<16xi32>
      %gather3A_1725 = tpu.dynamic_gather %add3A_1712[%gather3A_1724] in [0] : vector<16xf32>, vector<16xi32> -> vector<16xf32>
      %add3A_1726 = arith.addf %add3A_1712, %gather3A_1725 : vector<16xf32>
      %xor3A_1727 = arith.constant 4 : i32
      %xor3A_1728 = vector.broadcast %xor3A_1727 : i32 to vector<16xi32>
      %xor3A_1729 = arith.xori %iota3A, %xor3A_1728 : vector<16xi32>
      %lt3A_1730 = arith.constant 0 : i32
      %lt3A_1731 = vector.broadcast %lt3A_1730 : i32 to vector<16xi32>
      %lt3A_1732 = arith.cmpi slt, %xor3A_1729, %lt3A_1731 : vector<16xi32>
      %add3A_1733 = arith.constant 16 : i32
      %add3A_1734 = vector.broadcast %add3A_1733 : i32 to vector<16xi32>
      %add3A_1735 = arith.addi %xor3A_1729, %add3A_1734 : vector<16xi32>
      %select_n3A_1736 = arith.select %lt3A_1732, %add3A_1735, %xor3A_1729 : vector<16xi1>, vector<16xi32>
      %broadcast_in_dim3A_1737 = vector.shape_cast %select_n3A_1736 : vector<16xi32> to vector<16x1xi32>
      %gather3A_1738 = vector.shape_cast %broadcast_in_dim3A_1737 : vector<16x1xi32> to vector<16xi32>
      %gather3A_1739 = tpu.dynamic_gather %add3A_1726[%gather3A_1738] in [0] : vector<16xf32>, vector<16xi32> -> vector<16xf32>
      %add3A_1740 = arith.addf %add3A_1726, %gather3A_1739 : vector<16xf32>
      %xor3A_1741 = arith.constant 8 : i32
      %xor3A_1742 = vector.broadcast %xor3A_1741 : i32 to vector<16xi32>
      %xor3A_1743 = arith.xori %iota3A, %xor3A_1742 : vector<16xi32>
      %lt3A_1744 = arith.constant 0 : i32
      %lt3A_1745 = vector.broadcast %lt3A_1744 : i32 to vector<16xi32>
      %lt3A_1746 = arith.cmpi slt, %xor3A_1743, %lt3A_1745 : vector<16xi32>
      %add3A_1747 = arith.constant 16 : i32
      %add3A_1748 = vector.broadcast %add3A_1747 : i32 to vector<16xi32>
      %add3A_1749 = arith.addi %xor3A_1743, %add3A_1748 : vector<16xi32>
      %select_n3A_1750 = arith.select %lt3A_1746, %add3A_1749, %xor3A_1743 : vector<16xi1>, vector<16xi32>
      %broadcast_in_dim3A_1751 = vector.shape_cast %select_n3A_1750 : vector<16xi32> to vector<16x1xi32>
      %gather3A_1752 = vector.shape_cast %broadcast_in_dim3A_1751 : vector<16x1xi32> to vector<16xi32>
      %gather3A_1753 = tpu.dynamic_gather %add3A_1740[%gather3A_1752] in [0] : vector<16xf32>, vector<16xi32> -> vector<16xf32>
      %add3A_1754 = arith.addf %add3A_1740, %gather3A_1753 : vector<16xf32>
      %eq3A_1755 = arith.constant 14 : i32
      %eq3A_1756 = vector.broadcast %eq3A_1755 : i32 to vector<16xi32>
      %eq3A_1757 = arith.cmpi eq, %iota3A, %eq3A_1756 : vector<16xi32>
      %select_n3A_1758 = arith.select %eq3A_1757, %add3A_1754, %select_n3A_1668 : vector<16xi1>, vector<16xf32>
      %broadcast_in_dim3A_1759 = arith.constant 0.000000e+00 : f32
      %broadcast_in_dim3A_1760 = vector.broadcast %broadcast_in_dim3A_1759 : f32 to vector<16xf32>
      %get3A_1761 = arith.constant 15 : i32
      %get3A_1762 = arith.index_cast %get3A_1761 : i32 to index
      %get3A_1763 = arith.constant 0 : index
      %get3A_1764 = tpu.vector_load %arg10[%get3A_1762, %get3A_1763] {strides = array<i32>} : memref<32x64xf32, #tpu.memory_space<vmem>>, vector<1x16xf32>,
      %get3A_1765 = vector.shape_cast %get3A_1764 : vector<1x16xf32> to vector<16xf32>
      %mul3A_1766 = arith.mulf %get3A_1765, %mul3A_399 : vector<16xf32>
      %add3A_1767 = arith.addf %broadcast_in_dim3A_1760, %mul3A_1766 : vector<16xf32>
      %get3A_1768 = arith.constant 15 : i32
      %get3A_1769 = arith.index_cast %get3A_1768 : i32 to index
      %get3A_1770 = arith.constant 16 : index
      %get3A_1771 = tpu.vector_load %arg10[%get3A_1769, %get3A_1770] {strides = array<i32>} : memref<32x64xf32, #tpu.memory_space<vmem>>, vector<1x16xf32>,
      %get3A_1772 = vector.shape_cast %get3A_1771 : vector<1x16xf32> to vector<16xf32>
      %mul3A_1773 = arith.mulf %get3A_1772, %mul3A_402 : vector<16xf32>
      %add3A_1774 = arith.addf %add3A_1767, %mul3A_1773 : vector<16xf32>
      %get3A_1775 = arith.constant 15 : i32
      %get3A_1776 = arith.index_cast %get3A_1775 : i32 to index
      %get3A_1777 = arith.constant 32 : index
      %get3A_1778 = tpu.vector_load %arg10[%get3A_1776, %get3A_1777] {strides = array<i32>} : memref<32x64xf32, #tpu.memory_space<vmem>>, vector<1x16xf32>,
      %get3A_1779 = vector.shape_cast %get3A_1778 : vector<1x16xf32> to vector<16xf32>
      %mul3A_1780 = arith.mulf %get3A_1779, %mul3A_405 : vector<16xf32>
      %add3A_1781 = arith.addf %add3A_1774, %mul3A_1780 : vector<16xf32>
      %get3A_1782 = arith.constant 15 : i32
      %get3A_1783 = arith.index_cast %get3A_1782 : i32 to index
      %get3A_1784 = arith.constant 48 : index
      %get3A_1785 = tpu.vector_load %arg10[%get3A_1783, %get3A_1784] {strides = array<i32>} : memref<32x64xf32, #tpu.memory_space<vmem>>, vector<1x16xf32>,
      %get3A_1786 = vector.shape_cast %get3A_1785 : vector<1x16xf32> to vector<16xf32>
      %mul3A_1787 = arith.mulf %get3A_1786, %mul3A_408 : vector<16xf32>
      %add3A_1788 = arith.addf %add3A_1781, %mul3A_1787 : vector<16xf32>
      %xor3A_1789 = arith.constant 1 : i32
      %xor3A_1790 = vector.broadcast %xor3A_1789 : i32 to vector<16xi32>
      %xor3A_1791 = arith.xori %iota3A, %xor3A_1790 : vector<16xi32>
      %lt3A_1792 = arith.constant 0 : i32
      %lt3A_1793 = vector.broadcast %lt3A_1792 : i32 to vector<16xi32>
      %lt3A_1794 = arith.cmpi slt, %xor3A_1791, %lt3A_1793 : vector<16xi32>
      %add3A_1795 = arith.constant 16 : i32
      %add3A_1796 = vector.broadcast %add3A_1795 : i32 to vector<16xi32>
      %add3A_1797 = arith.addi %xor3A_1791, %add3A_1796 : vector<16xi32>
      %select_n3A_1798 = arith.select %lt3A_1794, %add3A_1797, %xor3A_1791 : vector<16xi1>, vector<16xi32>
      %broadcast_in_dim3A_1799 = vector.shape_cast %select_n3A_1798 : vector<16xi32> to vector<16x1xi32>
      %gather3A_1800 = vector.shape_cast %broadcast_in_dim3A_1799 : vector<16x1xi32> to vector<16xi32>
      %gather3A_1801 = tpu.dynamic_gather %add3A_1788[%gather3A_1800] in [0] : vector<16xf32>, vector<16xi32> -> vector<16xf32>
      %add3A_1802 = arith.addf %add3A_1788, %gather3A_1801 : vector<16xf32>
      %xor3A_1803 = arith.constant 2 : i32
      %xor3A_1804 = vector.broadcast %xor3A_1803 : i32 to vector<16xi32>
      %xor3A_1805 = arith.xori %iota3A, %xor3A_1804 : vector<16xi32>
      %lt3A_1806 = arith.constant 0 : i32
      %lt3A_1807 = vector.broadcast %lt3A_1806 : i32 to vector<16xi32>
      %lt3A_1808 = arith.cmpi slt, %xor3A_1805, %lt3A_1807 : vector<16xi32>
      %add3A_1809 = arith.constant 16 : i32
      %add3A_1810 = vector.broadcast %add3A_1809 : i32 to vector<16xi32>
      %add3A_1811 = arith.addi %xor3A_1805, %add3A_1810 : vector<16xi32>
      %select_n3A_1812 = arith.select %lt3A_1808, %add3A_1811, %xor3A_1805 : vector<16xi1>, vector<16xi32>
      %broadcast_in_dim3A_1813 = vector.shape_cast %select_n3A_1812 : vector<16xi32> to vector<16x1xi32>
      %gather3A_1814 = vector.shape_cast %broadcast_in_dim3A_1813 : vector<16x1xi32> to vector<16xi32>
      %gather3A_1815 = tpu.dynamic_gather %add3A_1802[%gather3A_1814] in [0] : vector<16xf32>, vector<16xi32> -> vector<16xf32>
      %add3A_1816 = arith.addf %add3A_1802, %gather3A_1815 : vector<16xf32>
      %xor3A_1817 = arith.constant 4 : i32
      %xor3A_1818 = vector.broadcast %xor3A_1817 : i32 to vector<16xi32>
      %xor3A_1819 = arith.xori %iota3A, %xor3A_1818 : vector<16xi32>
      %lt3A_1820 = arith.constant 0 : i32
      %lt3A_1821 = vector.broadcast %lt3A_1820 : i32 to vector<16xi32>
      %lt3A_1822 = arith.cmpi slt, %xor3A_1819, %lt3A_1821 : vector<16xi32>
      %add3A_1823 = arith.constant 16 : i32
      %add3A_1824 = vector.broadcast %add3A_1823 : i32 to vector<16xi32>
      %add3A_1825 = arith.addi %xor3A_1819, %add3A_1824 : vector<16xi32>
      %select_n3A_1826 = arith.select %lt3A_1822, %add3A_1825, %xor3A_1819 : vector<16xi1>, vector<16xi32>
      %broadcast_in_dim3A_1827 = vector.shape_cast %select_n3A_1826 : vector<16xi32> to vector<16x1xi32>
      %gather3A_1828 = vector.shape_cast %broadcast_in_dim3A_1827 : vector<16x1xi32> to vector<16xi32>
      %gather3A_1829 = tpu.dynamic_gather %add3A_1816[%gather3A_1828] in [0] : vector<16xf32>, vector<16xi32> -> vector<16xf32>
      %add3A_1830 = arith.addf %add3A_1816, %gather3A_1829 : vector<16xf32>
      %xor3A_1831 = arith.constant 8 : i32
      %xor3A_1832 = vector.broadcast %xor3A_1831 : i32 to vector<16xi32>
      %xor3A_1833 = arith.xori %iota3A, %xor3A_1832 : vector<16xi32>
      %lt3A_1834 = arith.constant 0 : i32
      %lt3A_1835 = vector.broadcast %lt3A_1834 : i32 to vector<16xi32>
      %lt3A_1836 = arith.cmpi slt, %xor3A_1833, %lt3A_1835 : vector<16xi32>
      %add3A_1837 = arith.constant 16 : i32
      %add3A_1838 = vector.broadcast %add3A_1837 : i32 to vector<16xi32>
      %add3A_1839 = arith.addi %xor3A_1833, %add3A_1838 : vector<16xi32>
      %select_n3A_1840 = arith.select %lt3A_1836, %add3A_1839, %xor3A_1833 : vector<16xi1>, vector<16xi32>
      %broadcast_in_dim3A_1841 = vector.shape_cast %select_n3A_1840 : vector<16xi32> to vector<16x1xi32>
      %gather3A_1842 = vector.shape_cast %broadcast_in_dim3A_1841 : vector<16x1xi32> to vector<16xi32>
      %gather3A_1843 = tpu.dynamic_gather %add3A_1830[%gather3A_1842] in [0] : vector<16xf32>, vector<16xi32> -> vector<16xf32>
      %add3A_1844 = arith.addf %add3A_1830, %gather3A_1843 : vector<16xf32>
      %eq3A_1845 = arith.constant 15 : i32
      %eq3A_1846 = vector.broadcast %eq3A_1845 : i32 to vector<16xi32>
      %eq3A_1847 = arith.cmpi eq, %iota3A, %eq3A_1846 : vector<16xi32>
      %select_n3A_1848 = arith.select %eq3A_1847, %add3A_1844, %select_n3A_1758 : vector<16xi1>, vector<16xf32>
      %broadcast_in_dim3A_1849 = arith.constant 0.000000e+00 : f32
      %broadcast_in_dim3A_1850 = vector.broadcast %broadcast_in_dim3A_1849 : f32 to vector<16xf32>
      %get3A_1851 = arith.constant 16 : i32
      %get3A_1852 = arith.index_cast %get3A_1851 : i32 to index
      %get3A_1853 = arith.constant 0 : index
      %get3A_1854 = tpu.vector_load %arg10[%get3A_1852, %get3A_1853] {strides = array<i32>} : memref<32x64xf32, #tpu.memory_space<vmem>>, vector<1x16xf32>,
      %get3A_1855 = vector.shape_cast %get3A_1854 : vector<1x16xf32> to vector<16xf32>
      %mul3A_1856 = arith.mulf %get3A_1855, %mul3A_399 : vector<16xf32>
      %add3A_1857 = arith.addf %broadcast_in_dim3A_1850, %mul3A_1856 : vector<16xf32>
      %get3A_1858 = arith.constant 16 : i32
      %get3A_1859 = arith.index_cast %get3A_1858 : i32 to index
      %get3A_1860 = arith.constant 16 : index
      %get3A_1861 = tpu.vector_load %arg10[%get3A_1859, %get3A_1860] {strides = array<i32>} : memref<32x64xf32, #tpu.memory_space<vmem>>, vector<1x16xf32>,
      %get3A_1862 = vector.shape_cast %get3A_1861 : vector<1x16xf32> to vector<16xf32>
      %mul3A_1863 = arith.mulf %get3A_1862, %mul3A_402 : vector<16xf32>
      %add3A_1864 = arith.addf %add3A_1857, %mul3A_1863 : vector<16xf32>
      %get3A_1865 = arith.constant 16 : i32
      %get3A_1866 = arith.index_cast %get3A_1865 : i32 to index
      %get3A_1867 = arith.constant 32 : index
      %get3A_1868 = tpu.vector_load %arg10[%get3A_1866, %get3A_1867] {strides = array<i32>} : memref<32x64xf32, #tpu.memory_space<vmem>>, vector<1x16xf32>,
      %get3A_1869 = vector.shape_cast %get3A_1868 : vector<1x16xf32> to vector<16xf32>
      %mul3A_1870 = arith.mulf %get3A_1869, %mul3A_405 : vector<16xf32>
      %add3A_1871 = arith.addf %add3A_1864, %mul3A_1870 : vector<16xf32>
      %get3A_1872 = arith.constant 16 : i32
      %get3A_1873 = arith.index_cast %get3A_1872 : i32 to index
      %get3A_1874 = arith.constant 48 : index
      %get3A_1875 = tpu.vector_load %arg10[%get3A_1873, %get3A_1874] {strides = array<i32>} : memref<32x64xf32, #tpu.memory_space<vmem>>, vector<1x16xf32>,
      %get3A_1876 = vector.shape_cast %get3A_1875 : vector<1x16xf32> to vector<16xf32>
      %mul3A_1877 = arith.mulf %get3A_1876, %mul3A_408 : vector<16xf32>
      %add3A_1878 = arith.addf %add3A_1871, %mul3A_1877 : vector<16xf32>
      %xor3A_1879 = arith.constant 1 : i32
      %xor3A_1880 = vector.broadcast %xor3A_1879 : i32 to vector<16xi32>
      %xor3A_1881 = arith.xori %iota3A, %xor3A_1880 : vector<16xi32>
      %lt3A_1882 = arith.constant 0 : i32
      %lt3A_1883 = vector.broadcast %lt3A_1882 : i32 to vector<16xi32>
      %lt3A_1884 = arith.cmpi slt, %xor3A_1881, %lt3A_1883 : vector<16xi32>
      %add3A_1885 = arith.constant 16 : i32
      %add3A_1886 = vector.broadcast %add3A_1885 : i32 to vector<16xi32>
      %add3A_1887 = arith.addi %xor3A_1881, %add3A_1886 : vector<16xi32>
      %select_n3A_1888 = arith.select %lt3A_1884, %add3A_1887, %xor3A_1881 : vector<16xi1>, vector<16xi32>
      %broadcast_in_dim3A_1889 = vector.shape_cast %select_n3A_1888 : vector<16xi32> to vector<16x1xi32>
      %gather3A_1890 = vector.shape_cast %broadcast_in_dim3A_1889 : vector<16x1xi32> to vector<16xi32>
      %gather3A_1891 = tpu.dynamic_gather %add3A_1878[%gather3A_1890] in [0] : vector<16xf32>, vector<16xi32> -> vector<16xf32>
      %add3A_1892 = arith.addf %add3A_1878, %gather3A_1891 : vector<16xf32>
      %xor3A_1893 = arith.constant 2 : i32
      %xor3A_1894 = vector.broadcast %xor3A_1893 : i32 to vector<16xi32>
      %xor3A_1895 = arith.xori %iota3A, %xor3A_1894 : vector<16xi32>
      %lt3A_1896 = arith.constant 0 : i32
      %lt3A_1897 = vector.broadcast %lt3A_1896 : i32 to vector<16xi32>
      %lt3A_1898 = arith.cmpi slt, %xor3A_1895, %lt3A_1897 : vector<16xi32>
      %add3A_1899 = arith.constant 16 : i32
      %add3A_1900 = vector.broadcast %add3A_1899 : i32 to vector<16xi32>
      %add3A_1901 = arith.addi %xor3A_1895, %add3A_1900 : vector<16xi32>
      %select_n3A_1902 = arith.select %lt3A_1898, %add3A_1901, %xor3A_1895 : vector<16xi1>, vector<16xi32>
      %broadcast_in_dim3A_1903 = vector.shape_cast %select_n3A_1902 : vector<16xi32> to vector<16x1xi32>
      %gather3A_1904 = vector.shape_cast %broadcast_in_dim3A_1903 : vector<16x1xi32> to vector<16xi32>
      %gather3A_1905 = tpu.dynamic_gather %add3A_1892[%gather3A_1904] in [0] : vector<16xf32>, vector<16xi32> -> vector<16xf32>
      %add3A_1906 = arith.addf %add3A_1892, %gather3A_1905 : vector<16xf32>
      %xor3A_1907 = arith.constant 4 : i32
      %xor3A_1908 = vector.broadcast %xor3A_1907 : i32 to vector<16xi32>
      %xor3A_1909 = arith.xori %iota3A, %xor3A_1908 : vector<16xi32>
      %lt3A_1910 = arith.constant 0 : i32
      %lt3A_1911 = vector.broadcast %lt3A_1910 : i32 to vector<16xi32>
      %lt3A_1912 = arith.cmpi slt, %xor3A_1909, %lt3A_1911 : vector<16xi32>
      %add3A_1913 = arith.constant 16 : i32
      %add3A_1914 = vector.broadcast %add3A_1913 : i32 to vector<16xi32>
      %add3A_1915 = arith.addi %xor3A_1909, %add3A_1914 : vector<16xi32>
      %select_n3A_1916 = arith.select %lt3A_1912, %add3A_1915, %xor3A_1909 : vector<16xi1>, vector<16xi32>
      %broadcast_in_dim3A_1917 = vector.shape_cast %select_n3A_1916 : vector<16xi32> to vector<16x1xi32>
      %gather3A_1918 = vector.shape_cast %broadcast_in_dim3A_1917 : vector<16x1xi32> to vector<16xi32>
      %gather3A_1919 = tpu.dynamic_gather %add3A_1906[%gather3A_1918] in [0] : vector<16xf32>, vector<16xi32> -> vector<16xf32>
      %add3A_1920 = arith.addf %add3A_1906, %gather3A_1919 : vector<16xf32>
      %xor3A_1921 = arith.constant 8 : i32
      %xor3A_1922 = vector.broadcast %xor3A_1921 : i32 to vector<16xi32>
      %xor3A_1923 = arith.xori %iota3A, %xor3A_1922 : vector<16xi32>
      %lt3A_1924 = arith.constant 0 : i32
      %lt3A_1925 = vector.broadcast %lt3A_1924 : i32 to vector<16xi32>
      %lt3A_1926 = arith.cmpi slt, %xor3A_1923, %lt3A_1925 : vector<16xi32>
      %add3A_1927 = arith.constant 16 : i32
      %add3A_1928 = vector.broadcast %add3A_1927 : i32 to vector<16xi32>
      %add3A_1929 = arith.addi %xor3A_1923, %add3A_1928 : vector<16xi32>
      %select_n3A_1930 = arith.select %lt3A_1926, %add3A_1929, %xor3A_1923 : vector<16xi1>, vector<16xi32>
      %broadcast_in_dim3A_1931 = vector.shape_cast %select_n3A_1930 : vector<16xi32> to vector<16x1xi32>
      %gather3A_1932 = vector.shape_cast %broadcast_in_dim3A_1931 : vector<16x1xi32> to vector<16xi32>
      %gather3A_1933 = tpu.dynamic_gather %add3A_1920[%gather3A_1932] in [0] : vector<16xf32>, vector<16xi32> -> vector<16xf32>
      %add3A_1934 = arith.addf %add3A_1920, %gather3A_1933 : vector<16xf32>
      %eq3A_1935 = arith.constant 0 : i32
      %eq3A_1936 = vector.broadcast %eq3A_1935 : i32 to vector<16xi32>
      %eq3A_1937 = arith.cmpi eq, %iota3A, %eq3A_1936 : vector<16xi32>
      %select_n3A_1938 = arith.select %eq3A_1937, %add3A_1934, %broadcast_in_dim3A_412 : vector<16xi1>, vector<16xf32>
      %broadcast_in_dim3A_1939 = arith.constant 0.000000e+00 : f32
      %broadcast_in_dim3A_1940 = vector.broadcast %broadcast_in_dim3A_1939 : f32 to vector<16xf32>
      %get3A_1941 = arith.constant 17 : i32
      %get3A_1942 = arith.index_cast %get3A_1941 : i32 to index
      %get3A_1943 = arith.constant 0 : index
      %get3A_1944 = tpu.vector_load %arg10[%get3A_1942, %get3A_1943] {strides = array<i32>} : memref<32x64xf32, #tpu.memory_space<vmem>>, vector<1x16xf32>,
      %get3A_1945 = vector.shape_cast %get3A_1944 : vector<1x16xf32> to vector<16xf32>
      %mul3A_1946 = arith.mulf %get3A_1945, %mul3A_399 : vector<16xf32>
      %add3A_1947 = arith.addf %broadcast_in_dim3A_1940, %mul3A_1946 : vector<16xf32>
      %get3A_1948 = arith.constant 17 : i32
      %get3A_1949 = arith.index_cast %get3A_1948 : i32 to index
      %get3A_1950 = arith.constant 16 : index
      %get3A_1951 = tpu.vector_load %arg10[%get3A_1949, %get3A_1950] {strides = array<i32>} : memref<32x64xf32, #tpu.memory_space<vmem>>, vector<1x16xf32>,
      %get3A_1952 = vector.shape_cast %get3A_1951 : vector<1x16xf32> to vector<16xf32>
      %mul3A_1953 = arith.mulf %get3A_1952, %mul3A_402 : vector<16xf32>
      %add3A_1954 = arith.addf %add3A_1947, %mul3A_1953 : vector<16xf32>
      %get3A_1955 = arith.constant 17 : i32
      %get3A_1956 = arith.index_cast %get3A_1955 : i32 to index
      %get3A_1957 = arith.constant 32 : index
      %get3A_1958 = tpu.vector_load %arg10[%get3A_1956, %get3A_1957] {strides = array<i32>} : memref<32x64xf32, #tpu.memory_space<vmem>>, vector<1x16xf32>,
      %get3A_1959 = vector.shape_cast %get3A_1958 : vector<1x16xf32> to vector<16xf32>
      %mul3A_1960 = arith.mulf %get3A_1959, %mul3A_405 : vector<16xf32>
      %add3A_1961 = arith.addf %add3A_1954, %mul3A_1960 : vector<16xf32>
      %get3A_1962 = arith.constant 17 : i32
      %get3A_1963 = arith.index_cast %get3A_1962 : i32 to index
      %get3A_1964 = arith.constant 48 : index
      %get3A_1965 = tpu.vector_load %arg10[%get3A_1963, %get3A_1964] {strides = array<i32>} : memref<32x64xf32, #tpu.memory_space<vmem>>, vector<1x16xf32>,
      %get3A_1966 = vector.shape_cast %get3A_1965 : vector<1x16xf32> to vector<16xf32>
      %mul3A_1967 = arith.mulf %get3A_1966, %mul3A_408 : vector<16xf32>
      %add3A_1968 = arith.addf %add3A_1961, %mul3A_1967 : vector<16xf32>
      %xor3A_1969 = arith.constant 1 : i32
      %xor3A_1970 = vector.broadcast %xor3A_1969 : i32 to vector<16xi32>
      %xor3A_1971 = arith.xori %iota3A, %xor3A_1970 : vector<16xi32>
      %lt3A_1972 = arith.constant 0 : i32
      %lt3A_1973 = vector.broadcast %lt3A_1972 : i32 to vector<16xi32>
      %lt3A_1974 = arith.cmpi slt, %xor3A_1971, %lt3A_1973 : vector<16xi32>
      %add3A_1975 = arith.constant 16 : i32
      %add3A_1976 = vector.broadcast %add3A_1975 : i32 to vector<16xi32>
      %add3A_1977 = arith.addi %xor3A_1971, %add3A_1976 : vector<16xi32>
      %select_n3A_1978 = arith.select %lt3A_1974, %add3A_1977, %xor3A_1971 : vector<16xi1>, vector<16xi32>
      %broadcast_in_dim3A_1979 = vector.shape_cast %select_n3A_1978 : vector<16xi32> to vector<16x1xi32>
      %gather3A_1980 = vector.shape_cast %broadcast_in_dim3A_1979 : vector<16x1xi32> to vector<16xi32>
      %gather3A_1981 = tpu.dynamic_gather %add3A_1968[%gather3A_1980] in [0] : vector<16xf32>, vector<16xi32> -> vector<16xf32>
      %add3A_1982 = arith.addf %add3A_1968, %gather3A_1981 : vector<16xf32>
      %xor3A_1983 = arith.constant 2 : i32
      %xor3A_1984 = vector.broadcast %xor3A_1983 : i32 to vector<16xi32>
      %xor3A_1985 = arith.xori %iota3A, %xor3A_1984 : vector<16xi32>
      %lt3A_1986 = arith.constant 0 : i32
      %lt3A_1987 = vector.broadcast %lt3A_1986 : i32 to vector<16xi32>
      %lt3A_1988 = arith.cmpi slt, %xor3A_1985, %lt3A_1987 : vector<16xi32>
      %add3A_1989 = arith.constant 16 : i32
      %add3A_1990 = vector.broadcast %add3A_1989 : i32 to vector<16xi32>
      %add3A_1991 = arith.addi %xor3A_1985, %add3A_1990 : vector<16xi32>
      %select_n3A_1992 = arith.select %lt3A_1988, %add3A_1991, %xor3A_1985 : vector<16xi1>, vector<16xi32>
      %broadcast_in_dim3A_1993 = vector.shape_cast %select_n3A_1992 : vector<16xi32> to vector<16x1xi32>
      %gather3A_1994 = vector.shape_cast %broadcast_in_dim3A_1993 : vector<16x1xi32> to vector<16xi32>
      %gather3A_1995 = tpu.dynamic_gather %add3A_1982[%gather3A_1994] in [0] : vector<16xf32>, vector<16xi32> -> vector<16xf32>
      %add3A_1996 = arith.addf %add3A_1982, %gather3A_1995 : vector<16xf32>
      %xor3A_1997 = arith.constant 4 : i32
      %xor3A_1998 = vector.broadcast %xor3A_1997 : i32 to vector<16xi32>
      %xor3A_1999 = arith.xori %iota3A, %xor3A_1998 : vector<16xi32>
      %lt3A_2000 = arith.constant 0 : i32
      %lt3A_2001 = vector.broadcast %lt3A_2000 : i32 to vector<16xi32>
      %lt3A_2002 = arith.cmpi slt, %xor3A_1999, %lt3A_2001 : vector<16xi32>
      %add3A_2003 = arith.constant 16 : i32
      %add3A_2004 = vector.broadcast %add3A_2003 : i32 to vector<16xi32>
      %add3A_2005 = arith.addi %xor3A_1999, %add3A_2004 : vector<16xi32>
      %select_n3A_2006 = arith.select %lt3A_2002, %add3A_2005, %xor3A_1999 : vector<16xi1>, vector<16xi32>
      %broadcast_in_dim3A_2007 = vector.shape_cast %select_n3A_2006 : vector<16xi32> to vector<16x1xi32>
      %gather3A_2008 = vector.shape_cast %broadcast_in_dim3A_2007 : vector<16x1xi32> to vector<16xi32>
      %gather3A_2009 = tpu.dynamic_gather %add3A_1996[%gather3A_2008] in [0] : vector<16xf32>, vector<16xi32> -> vector<16xf32>
      %add3A_2010 = arith.addf %add3A_1996, %gather3A_2009 : vector<16xf32>
      %xor3A_2011 = arith.constant 8 : i32
      %xor3A_2012 = vector.broadcast %xor3A_2011 : i32 to vector<16xi32>
      %xor3A_2013 = arith.xori %iota3A, %xor3A_2012 : vector<16xi32>
      %lt3A_2014 = arith.constant 0 : i32
      %lt3A_2015 = vector.broadcast %lt3A_2014 : i32 to vector<16xi32>
      %lt3A_2016 = arith.cmpi slt, %xor3A_2013, %lt3A_2015 : vector<16xi32>
      %add3A_2017 = arith.constant 16 : i32
      %add3A_2018 = vector.broadcast %add3A_2017 : i32 to vector<16xi32>
      %add3A_2019 = arith.addi %xor3A_2013, %add3A_2018 : vector<16xi32>
      %select_n3A_2020 = arith.select %lt3A_2016, %add3A_2019, %xor3A_2013 : vector<16xi1>, vector<16xi32>
      %broadcast_in_dim3A_2021 = vector.shape_cast %select_n3A_2020 : vector<16xi32> to vector<16x1xi32>
      %gather3A_2022 = vector.shape_cast %broadcast_in_dim3A_2021 : vector<16x1xi32> to vector<16xi32>
      %gather3A_2023 = tpu.dynamic_gather %add3A_2010[%gather3A_2022] in [0] : vector<16xf32>, vector<16xi32> -> vector<16xf32>
      %add3A_2024 = arith.addf %add3A_2010, %gather3A_2023 : vector<16xf32>
      %eq3A_2025 = arith.constant 1 : i32
      %eq3A_2026 = vector.broadcast %eq3A_2025 : i32 to vector<16xi32>
      %eq3A_2027 = arith.cmpi eq, %iota3A, %eq3A_2026 : vector<16xi32>
      %select_n3A_2028 = arith.select %eq3A_2027, %add3A_2024, %select_n3A_1938 : vector<16xi1>, vector<16xf32>
      %broadcast_in_dim3A_2029 = arith.constant 0.000000e+00 : f32
      %broadcast_in_dim3A_2030 = vector.broadcast %broadcast_in_dim3A_2029 : f32 to vector<16xf32>
      %get3A_2031 = arith.constant 18 : i32
      %get3A_2032 = arith.index_cast %get3A_2031 : i32 to index
      %get3A_2033 = arith.constant 0 : index
      %get3A_2034 = tpu.vector_load %arg10[%get3A_2032, %get3A_2033] {strides = array<i32>} : memref<32x64xf32, #tpu.memory_space<vmem>>, vector<1x16xf32>,
      %get3A_2035 = vector.shape_cast %get3A_2034 : vector<1x16xf32> to vector<16xf32>
      %mul3A_2036 = arith.mulf %get3A_2035, %mul3A_399 : vector<16xf32>
      %add3A_2037 = arith.addf %broadcast_in_dim3A_2030, %mul3A_2036 : vector<16xf32>
      %get3A_2038 = arith.constant 18 : i32
      %get3A_2039 = arith.index_cast %get3A_2038 : i32 to index
      %get3A_2040 = arith.constant 16 : index
      %get3A_2041 = tpu.vector_load %arg10[%get3A_2039, %get3A_2040] {strides = array<i32>} : memref<32x64xf32, #tpu.memory_space<vmem>>, vector<1x16xf32>,
      %get3A_2042 = vector.shape_cast %get3A_2041 : vector<1x16xf32> to vector<16xf32>
      %mul3A_2043 = arith.mulf %get3A_2042, %mul3A_402 : vector<16xf32>
      %add3A_2044 = arith.addf %add3A_2037, %mul3A_2043 : vector<16xf32>
      %get3A_2045 = arith.constant 18 : i32
      %get3A_2046 = arith.index_cast %get3A_2045 : i32 to index
      %get3A_2047 = arith.constant 32 : index
      %get3A_2048 = tpu.vector_load %arg10[%get3A_2046, %get3A_2047] {strides = array<i32>} : memref<32x64xf32, #tpu.memory_space<vmem>>, vector<1x16xf32>,
      %get3A_2049 = vector.shape_cast %get3A_2048 : vector<1x16xf32> to vector<16xf32>
      %mul3A_2050 = arith.mulf %get3A_2049, %mul3A_405 : vector<16xf32>
      %add3A_2051 = arith.addf %add3A_2044, %mul3A_2050 : vector<16xf32>
      %get3A_2052 = arith.constant 18 : i32
      %get3A_2053 = arith.index_cast %get3A_2052 : i32 to index
      %get3A_2054 = arith.constant 48 : index
      %get3A_2055 = tpu.vector_load %arg10[%get3A_2053, %get3A_2054] {strides = array<i32>} : memref<32x64xf32, #tpu.memory_space<vmem>>, vector<1x16xf32>,
      %get3A_2056 = vector.shape_cast %get3A_2055 : vector<1x16xf32> to vector<16xf32>
      %mul3A_2057 = arith.mulf %get3A_2056, %mul3A_408 : vector<16xf32>
      %add3A_2058 = arith.addf %add3A_2051, %mul3A_2057 : vector<16xf32>
      %xor3A_2059 = arith.constant 1 : i32
      %xor3A_2060 = vector.broadcast %xor3A_2059 : i32 to vector<16xi32>
      %xor3A_2061 = arith.xori %iota3A, %xor3A_2060 : vector<16xi32>
      %lt3A_2062 = arith.constant 0 : i32
      %lt3A_2063 = vector.broadcast %lt3A_2062 : i32 to vector<16xi32>
      %lt3A_2064 = arith.cmpi slt, %xor3A_2061, %lt3A_2063 : vector<16xi32>
      %add3A_2065 = arith.constant 16 : i32
      %add3A_2066 = vector.broadcast %add3A_2065 : i32 to vector<16xi32>
      %add3A_2067 = arith.addi %xor3A_2061, %add3A_2066 : vector<16xi32>
      %select_n3A_2068 = arith.select %lt3A_2064, %add3A_2067, %xor3A_2061 : vector<16xi1>, vector<16xi32>
      %broadcast_in_dim3A_2069 = vector.shape_cast %select_n3A_2068 : vector<16xi32> to vector<16x1xi32>
      %gather3A_2070 = vector.shape_cast %broadcast_in_dim3A_2069 : vector<16x1xi32> to vector<16xi32>
      %gather3A_2071 = tpu.dynamic_gather %add3A_2058[%gather3A_2070] in [0] : vector<16xf32>, vector<16xi32> -> vector<16xf32>
      %add3A_2072 = arith.addf %add3A_2058, %gather3A_2071 : vector<16xf32>
      %xor3A_2073 = arith.constant 2 : i32
      %xor3A_2074 = vector.broadcast %xor3A_2073 : i32 to vector<16xi32>
      %xor3A_2075 = arith.xori %iota3A, %xor3A_2074 : vector<16xi32>
      %lt3A_2076 = arith.constant 0 : i32
      %lt3A_2077 = vector.broadcast %lt3A_2076 : i32 to vector<16xi32>
      %lt3A_2078 = arith.cmpi slt, %xor3A_2075, %lt3A_2077 : vector<16xi32>
      %add3A_2079 = arith.constant 16 : i32
      %add3A_2080 = vector.broadcast %add3A_2079 : i32 to vector<16xi32>
      %add3A_2081 = arith.addi %xor3A_2075, %add3A_2080 : vector<16xi32>
      %select_n3A_2082 = arith.select %lt3A_2078, %add3A_2081, %xor3A_2075 : vector<16xi1>, vector<16xi32>
      %broadcast_in_dim3A_2083 = vector.shape_cast %select_n3A_2082 : vector<16xi32> to vector<16x1xi32>
      %gather3A_2084 = vector.shape_cast %broadcast_in_dim3A_2083 : vector<16x1xi32> to vector<16xi32>
      %gather3A_2085 = tpu.dynamic_gather %add3A_2072[%gather3A_2084] in [0] : vector<16xf32>, vector<16xi32> -> vector<16xf32>
      %add3A_2086 = arith.addf %add3A_2072, %gather3A_2085 : vector<16xf32>
      %xor3A_2087 = arith.constant 4 : i32
      %xor3A_2088 = vector.broadcast %xor3A_2087 : i32 to vector<16xi32>
      %xor3A_2089 = arith.xori %iota3A, %xor3A_2088 : vector<16xi32>
      %lt3A_2090 = arith.constant 0 : i32
      %lt3A_2091 = vector.broadcast %lt3A_2090 : i32 to vector<16xi32>
      %lt3A_2092 = arith.cmpi slt, %xor3A_2089, %lt3A_2091 : vector<16xi32>
      %add3A_2093 = arith.constant 16 : i32
      %add3A_2094 = vector.broadcast %add3A_2093 : i32 to vector<16xi32>
      %add3A_2095 = arith.addi %xor3A_2089, %add3A_2094 : vector<16xi32>
      %select_n3A_2096 = arith.select %lt3A_2092, %add3A_2095, %xor3A_2089 : vector<16xi1>, vector<16xi32>
      %broadcast_in_dim3A_2097 = vector.shape_cast %select_n3A_2096 : vector<16xi32> to vector<16x1xi32>
      %gather3A_2098 = vector.shape_cast %broadcast_in_dim3A_2097 : vector<16x1xi32> to vector<16xi32>
      %gather3A_2099 = tpu.dynamic_gather %add3A_2086[%gather3A_2098] in [0] : vector<16xf32>, vector<16xi32> -> vector<16xf32>
      %add3A_2100 = arith.addf %add3A_2086, %gather3A_2099 : vector<16xf32>
      %xor3A_2101 = arith.constant 8 : i32
      %xor3A_2102 = vector.broadcast %xor3A_2101 : i32 to vector<16xi32>
      %xor3A_2103 = arith.xori %iota3A, %xor3A_2102 : vector<16xi32>
      %lt3A_2104 = arith.constant 0 : i32
      %lt3A_2105 = vector.broadcast %lt3A_2104 : i32 to vector<16xi32>
      %lt3A_2106 = arith.cmpi slt, %xor3A_2103, %lt3A_2105 : vector<16xi32>
      %add3A_2107 = arith.constant 16 : i32
      %add3A_2108 = vector.broadcast %add3A_2107 : i32 to vector<16xi32>
      %add3A_2109 = arith.addi %xor3A_2103, %add3A_2108 : vector<16xi32>
      %select_n3A_2110 = arith.select %lt3A_2106, %add3A_2109, %xor3A_2103 : vector<16xi1>, vector<16xi32>
      %broadcast_in_dim3A_2111 = vector.shape_cast %select_n3A_2110 : vector<16xi32> to vector<16x1xi32>
      %gather3A_2112 = vector.shape_cast %broadcast_in_dim3A_2111 : vector<16x1xi32> to vector<16xi32>
      %gather3A_2113 = tpu.dynamic_gather %add3A_2100[%gather3A_2112] in [0] : vector<16xf32>, vector<16xi32> -> vector<16xf32>
      %add3A_2114 = arith.addf %add3A_2100, %gather3A_2113 : vector<16xf32>
      %eq3A_2115 = arith.constant 2 : i32
      %eq3A_2116 = vector.broadcast %eq3A_2115 : i32 to vector<16xi32>
      %eq3A_2117 = arith.cmpi eq, %iota3A, %eq3A_2116 : vector<16xi32>
      %select_n3A_2118 = arith.select %eq3A_2117, %add3A_2114, %select_n3A_2028 : vector<16xi1>, vector<16xf32>
      %broadcast_in_dim3A_2119 = arith.constant 0.000000e+00 : f32
      %broadcast_in_dim3A_2120 = vector.broadcast %broadcast_in_dim3A_2119 : f32 to vector<16xf32>
      %get3A_2121 = arith.constant 19 : i32
      %get3A_2122 = arith.index_cast %get3A_2121 : i32 to index
      %get3A_2123 = arith.constant 0 : index
      %get3A_2124 = tpu.vector_load %arg10[%get3A_2122, %get3A_2123] {strides = array<i32>} : memref<32x64xf32, #tpu.memory_space<vmem>>, vector<1x16xf32>,
      %get3A_2125 = vector.shape_cast %get3A_2124 : vector<1x16xf32> to vector<16xf32>
      %mul3A_2126 = arith.mulf %get3A_2125, %mul3A_399 : vector<16xf32>
      %add3A_2127 = arith.addf %broadcast_in_dim3A_2120, %mul3A_2126 : vector<16xf32>
      %get3A_2128 = arith.constant 19 : i32
      %get3A_2129 = arith.index_cast %get3A_2128 : i32 to index
      %get3A_2130 = arith.constant 16 : index
      %get3A_2131 = tpu.vector_load %arg10[%get3A_2129, %get3A_2130] {strides = array<i32>} : memref<32x64xf32, #tpu.memory_space<vmem>>, vector<1x16xf32>,
      %get3A_2132 = vector.shape_cast %get3A_2131 : vector<1x16xf32> to vector<16xf32>
      %mul3A_2133 = arith.mulf %get3A_2132, %mul3A_402 : vector<16xf32>
      %add3A_2134 = arith.addf %add3A_2127, %mul3A_2133 : vector<16xf32>
      %get3A_2135 = arith.constant 19 : i32
      %get3A_2136 = arith.index_cast %get3A_2135 : i32 to index
      %get3A_2137 = arith.constant 32 : index
      %get3A_2138 = tpu.vector_load %arg10[%get3A_2136, %get3A_2137] {strides = array<i32>} : memref<32x64xf32, #tpu.memory_space<vmem>>, vector<1x16xf32>,
      %get3A_2139 = vector.shape_cast %get3A_2138 : vector<1x16xf32> to vector<16xf32>
      %mul3A_2140 = arith.mulf %get3A_2139, %mul3A_405 : vector<16xf32>
      %add3A_2141 = arith.addf %add3A_2134, %mul3A_2140 : vector<16xf32>
      %get3A_2142 = arith.constant 19 : i32
      %get3A_2143 = arith.index_cast %get3A_2142 : i32 to index
      %get3A_2144 = arith.constant 48 : index
      %get3A_2145 = tpu.vector_load %arg10[%get3A_2143, %get3A_2144] {strides = array<i32>} : memref<32x64xf32, #tpu.memory_space<vmem>>, vector<1x16xf32>,
      %get3A_2146 = vector.shape_cast %get3A_2145 : vector<1x16xf32> to vector<16xf32>
      %mul3A_2147 = arith.mulf %get3A_2146, %mul3A_408 : vector<16xf32>
      %add3A_2148 = arith.addf %add3A_2141, %mul3A_2147 : vector<16xf32>
      %xor3A_2149 = arith.constant 1 : i32
      %xor3A_2150 = vector.broadcast %xor3A_2149 : i32 to vector<16xi32>
      %xor3A_2151 = arith.xori %iota3A, %xor3A_2150 : vector<16xi32>
      %lt3A_2152 = arith.constant 0 : i32
      %lt3A_2153 = vector.broadcast %lt3A_2152 : i32 to vector<16xi32>
      %lt3A_2154 = arith.cmpi slt, %xor3A_2151, %lt3A_2153 : vector<16xi32>
      %add3A_2155 = arith.constant 16 : i32
      %add3A_2156 = vector.broadcast %add3A_2155 : i32 to vector<16xi32>
      %add3A_2157 = arith.addi %xor3A_2151, %add3A_2156 : vector<16xi32>
      %select_n3A_2158 = arith.select %lt3A_2154, %add3A_2157, %xor3A_2151 : vector<16xi1>, vector<16xi32>
      %broadcast_in_dim3A_2159 = vector.shape_cast %select_n3A_2158 : vector<16xi32> to vector<16x1xi32>
      %gather3A_2160 = vector.shape_cast %broadcast_in_dim3A_2159 : vector<16x1xi32> to vector<16xi32>
      %gather3A_2161 = tpu.dynamic_gather %add3A_2148[%gather3A_2160] in [0] : vector<16xf32>, vector<16xi32> -> vector<16xf32>
      %add3A_2162 = arith.addf %add3A_2148, %gather3A_2161 : vector<16xf32>
      %xor3A_2163 = arith.constant 2 : i32
      %xor3A_2164 = vector.broadcast %xor3A_2163 : i32 to vector<16xi32>
      %xor3A_2165 = arith.xori %iota3A, %xor3A_2164 : vector<16xi32>
      %lt3A_2166 = arith.constant 0 : i32
      %lt3A_2167 = vector.broadcast %lt3A_2166 : i32 to vector<16xi32>
      %lt3A_2168 = arith.cmpi slt, %xor3A_2165, %lt3A_2167 : vector<16xi32>
      %add3A_2169 = arith.constant 16 : i32
      %add3A_2170 = vector.broadcast %add3A_2169 : i32 to vector<16xi32>
      %add3A_2171 = arith.addi %xor3A_2165, %add3A_2170 : vector<16xi32>
      %select_n3A_2172 = arith.select %lt3A_2168, %add3A_2171, %xor3A_2165 : vector<16xi1>, vector<16xi32>
      %broadcast_in_dim3A_2173 = vector.shape_cast %select_n3A_2172 : vector<16xi32> to vector<16x1xi32>
      %gather3A_2174 = vector.shape_cast %broadcast_in_dim3A_2173 : vector<16x1xi32> to vector<16xi32>
      %gather3A_2175 = tpu.dynamic_gather %add3A_2162[%gather3A_2174] in [0] : vector<16xf32>, vector<16xi32> -> vector<16xf32>
      %add3A_2176 = arith.addf %add3A_2162, %gather3A_2175 : vector<16xf32>
      %xor3A_2177 = arith.constant 4 : i32
      %xor3A_2178 = vector.broadcast %xor3A_2177 : i32 to vector<16xi32>
      %xor3A_2179 = arith.xori %iota3A, %xor3A_2178 : vector<16xi32>
      %lt3A_2180 = arith.constant 0 : i32
      %lt3A_2181 = vector.broadcast %lt3A_2180 : i32 to vector<16xi32>
      %lt3A_2182 = arith.cmpi slt, %xor3A_2179, %lt3A_2181 : vector<16xi32>
      %add3A_2183 = arith.constant 16 : i32
      %add3A_2184 = vector.broadcast %add3A_2183 : i32 to vector<16xi32>
      %add3A_2185 = arith.addi %xor3A_2179, %add3A_2184 : vector<16xi32>
      %select_n3A_2186 = arith.select %lt3A_2182, %add3A_2185, %xor3A_2179 : vector<16xi1>, vector<16xi32>
      %broadcast_in_dim3A_2187 = vector.shape_cast %select_n3A_2186 : vector<16xi32> to vector<16x1xi32>
      %gather3A_2188 = vector.shape_cast %broadcast_in_dim3A_2187 : vector<16x1xi32> to vector<16xi32>
      %gather3A_2189 = tpu.dynamic_gather %add3A_2176[%gather3A_2188] in [0] : vector<16xf32>, vector<16xi32> -> vector<16xf32>
      %add3A_2190 = arith.addf %add3A_2176, %gather3A_2189 : vector<16xf32>
      %xor3A_2191 = arith.constant 8 : i32
      %xor3A_2192 = vector.broadcast %xor3A_2191 : i32 to vector<16xi32>
      %xor3A_2193 = arith.xori %iota3A, %xor3A_2192 : vector<16xi32>
      %lt3A_2194 = arith.constant 0 : i32
      %lt3A_2195 = vector.broadcast %lt3A_2194 : i32 to vector<16xi32>
      %lt3A_2196 = arith.cmpi slt, %xor3A_2193, %lt3A_2195 : vector<16xi32>
      %add3A_2197 = arith.constant 16 : i32
      %add3A_2198 = vector.broadcast %add3A_2197 : i32 to vector<16xi32>
      %add3A_2199 = arith.addi %xor3A_2193, %add3A_2198 : vector<16xi32>
      %select_n3A_2200 = arith.select %lt3A_2196, %add3A_2199, %xor3A_2193 : vector<16xi1>, vector<16xi32>
      %broadcast_in_dim3A_2201 = vector.shape_cast %select_n3A_2200 : vector<16xi32> to vector<16x1xi32>
      %gather3A_2202 = vector.shape_cast %broadcast_in_dim3A_2201 : vector<16x1xi32> to vector<16xi32>
      %gather3A_2203 = tpu.dynamic_gather %add3A_2190[%gather3A_2202] in [0] : vector<16xf32>, vector<16xi32> -> vector<16xf32>
      %add3A_2204 = arith.addf %add3A_2190, %gather3A_2203 : vector<16xf32>
      %eq3A_2205 = arith.constant 3 : i32
      %eq3A_2206 = vector.broadcast %eq3A_2205 : i32 to vector<16xi32>
      %eq3A_2207 = arith.cmpi eq, %iota3A, %eq3A_2206 : vector<16xi32>
      %select_n3A_2208 = arith.select %eq3A_2207, %add3A_2204, %select_n3A_2118 : vector<16xi1>, vector<16xf32>
      %broadcast_in_dim3A_2209 = arith.constant 0.000000e+00 : f32
      %broadcast_in_dim3A_2210 = vector.broadcast %broadcast_in_dim3A_2209 : f32 to vector<16xf32>
      %get3A_2211 = arith.constant 20 : i32
      %get3A_2212 = arith.index_cast %get3A_2211 : i32 to index
      %get3A_2213 = arith.constant 0 : index
      %get3A_2214 = tpu.vector_load %arg10[%get3A_2212, %get3A_2213] {strides = array<i32>} : memref<32x64xf32, #tpu.memory_space<vmem>>, vector<1x16xf32>,
      %get3A_2215 = vector.shape_cast %get3A_2214 : vector<1x16xf32> to vector<16xf32>
      %mul3A_2216 = arith.mulf %get3A_2215, %mul3A_399 : vector<16xf32>
      %add3A_2217 = arith.addf %broadcast_in_dim3A_2210, %mul3A_2216 : vector<16xf32>
      %get3A_2218 = arith.constant 20 : i32
      %get3A_2219 = arith.index_cast %get3A_2218 : i32 to index
      %get3A_2220 = arith.constant 16 : index
      %get3A_2221 = tpu.vector_load %arg10[%get3A_2219, %get3A_2220] {strides = array<i32>} : memref<32x64xf32, #tpu.memory_space<vmem>>, vector<1x16xf32>,
      %get3A_2222 = vector.shape_cast %get3A_2221 : vector<1x16xf32> to vector<16xf32>
      %mul3A_2223 = arith.mulf %get3A_2222, %mul3A_402 : vector<16xf32>
      %add3A_2224 = arith.addf %add3A_2217, %mul3A_2223 : vector<16xf32>
      %get3A_2225 = arith.constant 20 : i32
      %get3A_2226 = arith.index_cast %get3A_2225 : i32 to index
      %get3A_2227 = arith.constant 32 : index
      %get3A_2228 = tpu.vector_load %arg10[%get3A_2226, %get3A_2227] {strides = array<i32>} : memref<32x64xf32, #tpu.memory_space<vmem>>, vector<1x16xf32>,
      %get3A_2229 = vector.shape_cast %get3A_2228 : vector<1x16xf32> to vector<16xf32>
      %mul3A_2230 = arith.mulf %get3A_2229, %mul3A_405 : vector<16xf32>
      %add3A_2231 = arith.addf %add3A_2224, %mul3A_2230 : vector<16xf32>
      %get3A_2232 = arith.constant 20 : i32
      %get3A_2233 = arith.index_cast %get3A_2232 : i32 to index
      %get3A_2234 = arith.constant 48 : index
      %get3A_2235 = tpu.vector_load %arg10[%get3A_2233, %get3A_2234] {strides = array<i32>} : memref<32x64xf32, #tpu.memory_space<vmem>>, vector<1x16xf32>,
      %get3A_2236 = vector.shape_cast %get3A_2235 : vector<1x16xf32> to vector<16xf32>
      %mul3A_2237 = arith.mulf %get3A_2236, %mul3A_408 : vector<16xf32>
      %add3A_2238 = arith.addf %add3A_2231, %mul3A_2237 : vector<16xf32>
      %xor3A_2239 = arith.constant 1 : i32
      %xor3A_2240 = vector.broadcast %xor3A_2239 : i32 to vector<16xi32>
      %xor3A_2241 = arith.xori %iota3A, %xor3A_2240 : vector<16xi32>
      %lt3A_2242 = arith.constant 0 : i32
      %lt3A_2243 = vector.broadcast %lt3A_2242 : i32 to vector<16xi32>
      %lt3A_2244 = arith.cmpi slt, %xor3A_2241, %lt3A_2243 : vector<16xi32>
      %add3A_2245 = arith.constant 16 : i32
      %add3A_2246 = vector.broadcast %add3A_2245 : i32 to vector<16xi32>
      %add3A_2247 = arith.addi %xor3A_2241, %add3A_2246 : vector<16xi32>
      %select_n3A_2248 = arith.select %lt3A_2244, %add3A_2247, %xor3A_2241 : vector<16xi1>, vector<16xi32>
      %broadcast_in_dim3A_2249 = vector.shape_cast %select_n3A_2248 : vector<16xi32> to vector<16x1xi32>
      %gather3A_2250 = vector.shape_cast %broadcast_in_dim3A_2249 : vector<16x1xi32> to vector<16xi32>
      %gather3A_2251 = tpu.dynamic_gather %add3A_2238[%gather3A_2250] in [0] : vector<16xf32>, vector<16xi32> -> vector<16xf32>
      %add3A_2252 = arith.addf %add3A_2238, %gather3A_2251 : vector<16xf32>
      %xor3A_2253 = arith.constant 2 : i32
      %xor3A_2254 = vector.broadcast %xor3A_2253 : i32 to vector<16xi32>
      %xor3A_2255 = arith.xori %iota3A, %xor3A_2254 : vector<16xi32>
      %lt3A_2256 = arith.constant 0 : i32
      %lt3A_2257 = vector.broadcast %lt3A_2256 : i32 to vector<16xi32>
      %lt3A_2258 = arith.cmpi slt, %xor3A_2255, %lt3A_2257 : vector<16xi32>
      %add3A_2259 = arith.constant 16 : i32
      %add3A_2260 = vector.broadcast %add3A_2259 : i32 to vector<16xi32>
      %add3A_2261 = arith.addi %xor3A_2255, %add3A_2260 : vector<16xi32>
      %select_n3A_2262 = arith.select %lt3A_2258, %add3A_2261, %xor3A_2255 : vector<16xi1>, vector<16xi32>
      %broadcast_in_dim3A_2263 = vector.shape_cast %select_n3A_2262 : vector<16xi32> to vector<16x1xi32>
      %gather3A_2264 = vector.shape_cast %broadcast_in_dim3A_2263 : vector<16x1xi32> to vector<16xi32>
      %gather3A_2265 = tpu.dynamic_gather %add3A_2252[%gather3A_2264] in [0] : vector<16xf32>, vector<16xi32> -> vector<16xf32>
      %add3A_2266 = arith.addf %add3A_2252, %gather3A_2265 : vector<16xf32>
      %xor3A_2267 = arith.constant 4 : i32
      %xor3A_2268 = vector.broadcast %xor3A_2267 : i32 to vector<16xi32>
      %xor3A_2269 = arith.xori %iota3A, %xor3A_2268 : vector<16xi32>
      %lt3A_2270 = arith.constant 0 : i32
      %lt3A_2271 = vector.broadcast %lt3A_2270 : i32 to vector<16xi32>
      %lt3A_2272 = arith.cmpi slt, %xor3A_2269, %lt3A_2271 : vector<16xi32>
      %add3A_2273 = arith.constant 16 : i32
      %add3A_2274 = vector.broadcast %add3A_2273 : i32 to vector<16xi32>
      %add3A_2275 = arith.addi %xor3A_2269, %add3A_2274 : vector<16xi32>
      %select_n3A_2276 = arith.select %lt3A_2272, %add3A_2275, %xor3A_2269 : vector<16xi1>, vector<16xi32>
      %broadcast_in_dim3A_2277 = vector.shape_cast %select_n3A_2276 : vector<16xi32> to vector<16x1xi32>
      %gather3A_2278 = vector.shape_cast %broadcast_in_dim3A_2277 : vector<16x1xi32> to vector<16xi32>
      %gather3A_2279 = tpu.dynamic_gather %add3A_2266[%gather3A_2278] in [0] : vector<16xf32>, vector<16xi32> -> vector<16xf32>
      %add3A_2280 = arith.addf %add3A_2266, %gather3A_2279 : vector<16xf32>
      %xor3A_2281 = arith.constant 8 : i32
      %xor3A_2282 = vector.broadcast %xor3A_2281 : i32 to vector<16xi32>
      %xor3A_2283 = arith.xori %iota3A, %xor3A_2282 : vector<16xi32>
      %lt3A_2284 = arith.constant 0 : i32
      %lt3A_2285 = vector.broadcast %lt3A_2284 : i32 to vector<16xi32>
      %lt3A_2286 = arith.cmpi slt, %xor3A_2283, %lt3A_2285 : vector<16xi32>
      %add3A_2287 = arith.constant 16 : i32
      %add3A_2288 = vector.broadcast %add3A_2287 : i32 to vector<16xi32>
      %add3A_2289 = arith.addi %xor3A_2283, %add3A_2288 : vector<16xi32>
      %select_n3A_2290 = arith.select %lt3A_2286, %add3A_2289, %xor3A_2283 : vector<16xi1>, vector<16xi32>
      %broadcast_in_dim3A_2291 = vector.shape_cast %select_n3A_2290 : vector<16xi32> to vector<16x1xi32>
      %gather3A_2292 = vector.shape_cast %broadcast_in_dim3A_2291 : vector<16x1xi32> to vector<16xi32>
      %gather3A_2293 = tpu.dynamic_gather %add3A_2280[%gather3A_2292] in [0] : vector<16xf32>, vector<16xi32> -> vector<16xf32>
      %add3A_2294 = arith.addf %add3A_2280, %gather3A_2293 : vector<16xf32>
      %neg3A = arith.constant 0.000000e+00 : f32
      %neg3A_2295 = vector.broadcast %neg3A : f32 to vector<16xf32>
      %neg3A_2296 = arith.subf %neg3A_2295, %add3A_2294 : vector<16xf32>
      %eq3A_2297 = arith.constant 4 : i32
      %eq3A_2298 = vector.broadcast %eq3A_2297 : i32 to vector<16xi32>
      %eq3A_2299 = arith.cmpi eq, %iota3A, %eq3A_2298 : vector<16xi32>
      %select_n3A_2300 = arith.select %eq3A_2299, %neg3A_2296, %select_n3A_2208 : vector<16xi1>, vector<16xf32>
      %abs3A = math.absf %select_n3A_1848 : vector<16xf32>
      %max3A = arith.constant 0.000000e+00 : f32
      %max3A_2301 = vector.broadcast %max3A : f32 to vector<16xf32>
      %max3A_2302 = arith.maximumf %select_n3A_1848, %max3A_2301 : vector<16xf32>
      %neg3A_2303 = arith.constant 0.000000e+00 : f32
      %neg3A_2304 = vector.broadcast %neg3A_2303 : f32 to vector<16xf32>
      %neg3A_2305 = arith.subf %neg3A_2304, %abs3A : vector<16xf32>
      %exp3A = math.exp %neg3A_2305 : vector<16xf32>
      %add3A_2306 = arith.constant 1.000000e+00 : f32
      %add3A_2307 = vector.broadcast %add3A_2306 : f32 to vector<16xf32>
      %add3A_2308 = arith.addf %add3A_2307, %exp3A : vector<16xf32>
      %bitcast_convert_type3A = tpu.bitcast %add3A_2308 : vector<16xf32> -> vector<16xi32>
      %shift_right_arithmetic3A = arith.constant 23 : i32
      %shift_right_arithmetic3A_2309 = vector.broadcast %shift_right_arithmetic3A : i32 to vector<16xi32>
      %shift_right_arithmetic3A_2310 = arith.shrsi %bitcast_convert_type3A, %shift_right_arithmetic3A_2309 : vector<16xi32>
      %and3A_2311 = arith.constant 255 : i32
      %and3A_2312 = vector.broadcast %and3A_2311 : i32 to vector<16xi32>
      %and3A_2313 = arith.andi %shift_right_arithmetic3A_2310, %and3A_2312 : vector<16xi32>
      %sub3A = arith.constant 127 : i32
      %sub3A_2314 = vector.broadcast %sub3A : i32 to vector<16xi32>
      %sub3A_2315 = arith.subi %and3A_2313, %sub3A_2314 : vector<16xi32>
      %and3A_2316 = arith.constant 8388607 : i32
      %and3A_2317 = vector.broadcast %and3A_2316 : i32 to vector<16xi32>
      %and3A_2318 = arith.andi %bitcast_convert_type3A, %and3A_2317 : vector<16xi32>
      %or3A = arith.constant 1065353216 : i32
      %or3A_2319 = vector.broadcast %or3A : i32 to vector<16xi32>
      %or3A_2320 = arith.ori %and3A_2318, %or3A_2319 : vector<16xi32>
      %bitcast_convert_type3A_2321 = tpu.bitcast %or3A_2320 : vector<16xi32> -> vector<16xf32>
      %sub3A_2322 = arith.constant 1.000000e+00 : f32
      %sub3A_2323 = vector.broadcast %sub3A_2322 : f32 to vector<16xf32>
      %sub3A_2324 = arith.subf %bitcast_convert_type3A_2321, %sub3A_2323 : vector<16xf32>
      %add3A_2325 = arith.constant 1.000000e+00 : f32
      %add3A_2326 = vector.broadcast %add3A_2325 : f32 to vector<16xf32>
      %add3A_2327 = arith.addf %bitcast_convert_type3A_2321, %add3A_2326 : vector<16xf32>
      %div3A = arith.divf %sub3A_2324, %add3A_2327 : vector<16xf32>
      %mul3A_2328 = arith.mulf %div3A, %div3A : vector<16xf32>
      %mul3A_2329 = arith.constant 0.111111112 : f32
      %mul3A_2330 = vector.broadcast %mul3A_2329 : f32 to vector<16xf32>
      %mul3A_2331 = arith.mulf %mul3A_2328, %mul3A_2330 : vector<16xf32>
      %add3A_2332 = arith.constant 0.142857149 : f32
      %add3A_2333 = vector.broadcast %add3A_2332 : f32 to vector<16xf32>
      %add3A_2334 = arith.addf %add3A_2333, %mul3A_2331 : vector<16xf32>
      %mul3A_2335 = arith.mulf %mul3A_2328, %add3A_2334 : vector<16xf32>
      %add3A_2336 = arith.constant 2.000000e-01 : f32
      %add3A_2337 = vector.broadcast %add3A_2336 : f32 to vector<16xf32>
      %add3A_2338 = arith.addf %add3A_2337, %mul3A_2335 : vector<16xf32>
      %mul3A_2339 = arith.mulf %mul3A_2328, %add3A_2338 : vector<16xf32>
      %add3A_2340 = arith.constant 0.333333343 : f32
      %add3A_2341 = vector.broadcast %add3A_2340 : f32 to vector<16xf32>
      %add3A_2342 = arith.addf %add3A_2341, %mul3A_2339 : vector<16xf32>
      %mul3A_2343 = arith.mulf %mul3A_2328, %add3A_2342 : vector<16xf32>
      %add3A_2344 = arith.constant 1.000000e+00 : f32
      %add3A_2345 = vector.broadcast %add3A_2344 : f32 to vector<16xf32>
      %add3A_2346 = arith.addf %add3A_2345, %mul3A_2343 : vector<16xf32>
      %convert_element_type3A_2347 = arith.sitofp %sub3A_2315 : vector<16xi32> to vector<16xf32>
      %mul3A_2348 = arith.constant 0.693147182 : f32
      %mul3A_2349 = vector.broadcast %mul3A_2348 : f32 to vector<16xf32>
      %mul3A_2350 = arith.mulf %convert_element_type3A_2347, %mul3A_2349 : vector<16xf32>
      %mul3A_2351 = arith.constant 2.000000e+00 : f32
      %mul3A_2352 = vector.broadcast %mul3A_2351 : f32 to vector<16xf32>
      %mul3A_2353 = arith.mulf %mul3A_2352, %div3A : vector<16xf32>
      %mul3A_2354 = arith.mulf %mul3A_2353, %add3A_2346 : vector<16xf32>
      %add3A_2355 = arith.addf %mul3A_2350, %mul3A_2354 : vector<16xf32>
      %add3A_2356 = arith.addf %max3A_2302, %add3A_2355 : vector<16xf32>
      %lt3A_2357 = arith.constant 5 : i32
      %lt3A_2358 = vector.broadcast %lt3A_2357 : i32 to vector<16xi32>
      %lt3A_2359 = arith.cmpi slt, %iota3A, %lt3A_2358 : vector<16xi32>
      %abs3A_2360 = math.absf %select_n3A_2300 : vector<16xf32>
      %max3A_2361 = arith.constant 0.000000e+00 : f32
      %max3A_2362 = vector.broadcast %max3A_2361 : f32 to vector<16xf32>
      %max3A_2363 = arith.maximumf %select_n3A_2300, %max3A_2362 : vector<16xf32>
      %neg3A_2364 = arith.constant 0.000000e+00 : f32
      %neg3A_2365 = vector.broadcast %neg3A_2364 : f32 to vector<16xf32>
      %neg3A_2366 = arith.subf %neg3A_2365, %abs3A_2360 : vector<16xf32>
      %exp3A_2367 = math.exp %neg3A_2366 : vector<16xf32>
      %add3A_2368 = arith.constant 1.000000e+00 : f32
      %add3A_2369 = vector.broadcast %add3A_2368 : f32 to vector<16xf32>
      %add3A_2370 = arith.addf %add3A_2369, %exp3A_2367 : vector<16xf32>
      %bitcast_convert_type3A_2371 = tpu.bitcast %add3A_2370 : vector<16xf32> -> vector<16xi32>
      %shift_right_arithmetic3A_2372 = arith.constant 23 : i32
      %shift_right_arithmetic3A_2373 = vector.broadcast %shift_right_arithmetic3A_2372 : i32 to vector<16xi32>
      %shift_right_arithmetic3A_2374 = arith.shrsi %bitcast_convert_type3A_2371, %shift_right_arithmetic3A_2373 : vector<16xi32>
      %and3A_2375 = arith.constant 255 : i32
      %and3A_2376 = vector.broadcast %and3A_2375 : i32 to vector<16xi32>
      %and3A_2377 = arith.andi %shift_right_arithmetic3A_2374, %and3A_2376 : vector<16xi32>
      %sub3A_2378 = arith.constant 127 : i32
      %sub3A_2379 = vector.broadcast %sub3A_2378 : i32 to vector<16xi32>
      %sub3A_2380 = arith.subi %and3A_2377, %sub3A_2379 : vector<16xi32>
      %and3A_2381 = arith.constant 8388607 : i32
      %and3A_2382 = vector.broadcast %and3A_2381 : i32 to vector<16xi32>
      %and3A_2383 = arith.andi %bitcast_convert_type3A_2371, %and3A_2382 : vector<16xi32>
      %or3A_2384 = arith.constant 1065353216 : i32
      %or3A_2385 = vector.broadcast %or3A_2384 : i32 to vector<16xi32>
      %or3A_2386 = arith.ori %and3A_2383, %or3A_2385 : vector<16xi32>
      %bitcast_convert_type3A_2387 = tpu.bitcast %or3A_2386 : vector<16xi32> -> vector<16xf32>
      %sub3A_2388 = arith.constant 1.000000e+00 : f32
      %sub3A_2389 = vector.broadcast %sub3A_2388 : f32 to vector<16xf32>
      %sub3A_2390 = arith.subf %bitcast_convert_type3A_2387, %sub3A_2389 : vector<16xf32>
      %add3A_2391 = arith.constant 1.000000e+00 : f32
      %add3A_2392 = vector.broadcast %add3A_2391 : f32 to vector<16xf32>
      %add3A_2393 = arith.addf %bitcast_convert_type3A_2387, %add3A_2392 : vector<16xf32>
      %div3A_2394 = arith.divf %sub3A_2390, %add3A_2393 : vector<16xf32>
      %mul3A_2395 = arith.mulf %div3A_2394, %div3A_2394 : vector<16xf32>
      %mul3A_2396 = arith.constant 0.111111112 : f32
      %mul3A_2397 = vector.broadcast %mul3A_2396 : f32 to vector<16xf32>
      %mul3A_2398 = arith.mulf %mul3A_2395, %mul3A_2397 : vector<16xf32>
      %add3A_2399 = arith.constant 0.142857149 : f32
      %add3A_2400 = vector.broadcast %add3A_2399 : f32 to vector<16xf32>
      %add3A_2401 = arith.addf %add3A_2400, %mul3A_2398 : vector<16xf32>
      %mul3A_2402 = arith.mulf %mul3A_2395, %add3A_2401 : vector<16xf32>
      %add3A_2403 = arith.constant 2.000000e-01 : f32
      %add3A_2404 = vector.broadcast %add3A_2403 : f32 to vector<16xf32>
      %add3A_2405 = arith.addf %add3A_2404, %mul3A_2402 : vector<16xf32>
      %mul3A_2406 = arith.mulf %mul3A_2395, %add3A_2405 : vector<16xf32>
      %add3A_2407 = arith.constant 0.333333343 : f32
      %add3A_2408 = vector.broadcast %add3A_2407 : f32 to vector<16xf32>
      %add3A_2409 = arith.addf %add3A_2408, %mul3A_2406 : vector<16xf32>
      %mul3A_2410 = arith.mulf %mul3A_2395, %add3A_2409 : vector<16xf32>
      %add3A_2411 = arith.constant 1.000000e+00 : f32
      %add3A_2412 = vector.broadcast %add3A_2411 : f32 to vector<16xf32>
      %add3A_2413 = arith.addf %add3A_2412, %mul3A_2410 : vector<16xf32>
      %convert_element_type3A_2414 = arith.sitofp %sub3A_2380 : vector<16xi32> to vector<16xf32>
      %mul3A_2415 = arith.constant 0.693147182 : f32
      %mul3A_2416 = vector.broadcast %mul3A_2415 : f32 to vector<16xf32>
      %mul3A_2417 = arith.mulf %convert_element_type3A_2414, %mul3A_2416 : vector<16xf32>
      %mul3A_2418 = arith.constant 2.000000e+00 : f32
      %mul3A_2419 = vector.broadcast %mul3A_2418 : f32 to vector<16xf32>
      %mul3A_2420 = arith.mulf %mul3A_2419, %div3A_2394 : vector<16xf32>
      %mul3A_2421 = arith.mulf %mul3A_2420, %add3A_2413 : vector<16xf32>
      %add3A_2422 = arith.addf %mul3A_2417, %mul3A_2421 : vector<16xf32>
      %add3A_2423 = arith.addf %max3A_2363, %add3A_2422 : vector<16xf32>
      %jit3A = arith.constant 0.000000e+00 : f32
      %broadcast_in_dim3A_2424 = vector.broadcast %jit3A : f32 to vector<16xf32>
      %select_n3A_2425 = arith.select %lt3A_2359, %add3A_2423, %broadcast_in_dim3A_2424 : vector<16xi1>, vector<16xf32>
      %add3A_2426 = arith.addf %add3A_2356, %select_n3A_2425 : vector<16xf32>
      %xor3A_2427 = arith.constant 1 : i32
      %xor3A_2428 = vector.broadcast %xor3A_2427 : i32 to vector<16xi32>
      %xor3A_2429 = arith.xori %iota3A, %xor3A_2428 : vector<16xi32>
      %lt3A_2430 = arith.constant 0 : i32
      %lt3A_2431 = vector.broadcast %lt3A_2430 : i32 to vector<16xi32>
      %lt3A_2432 = arith.cmpi slt, %xor3A_2429, %lt3A_2431 : vector<16xi32>
      %add3A_2433 = arith.constant 16 : i32
      %add3A_2434 = vector.broadcast %add3A_2433 : i32 to vector<16xi32>
      %add3A_2435 = arith.addi %xor3A_2429, %add3A_2434 : vector<16xi32>
      %select_n3A_2436 = arith.select %lt3A_2432, %add3A_2435, %xor3A_2429 : vector<16xi1>, vector<16xi32>
      %broadcast_in_dim3A_2437 = vector.shape_cast %select_n3A_2436 : vector<16xi32> to vector<16x1xi32>
      %gather3A_2438 = vector.shape_cast %broadcast_in_dim3A_2437 : vector<16x1xi32> to vector<16xi32>
      %gather3A_2439 = tpu.dynamic_gather %add3A_2426[%gather3A_2438] in [0] : vector<16xf32>, vector<16xi32> -> vector<16xf32>
      %add3A_2440 = arith.addf %add3A_2426, %gather3A_2439 : vector<16xf32>
      %xor3A_2441 = arith.constant 2 : i32
      %xor3A_2442 = vector.broadcast %xor3A_2441 : i32 to vector<16xi32>
      %xor3A_2443 = arith.xori %iota3A, %xor3A_2442 : vector<16xi32>
      %lt3A_2444 = arith.constant 0 : i32
      %lt3A_2445 = vector.broadcast %lt3A_2444 : i32 to vector<16xi32>
      %lt3A_2446 = arith.cmpi slt, %xor3A_2443, %lt3A_2445 : vector<16xi32>
      %add3A_2447 = arith.constant 16 : i32
      %add3A_2448 = vector.broadcast %add3A_2447 : i32 to vector<16xi32>
      %add3A_2449 = arith.addi %xor3A_2443, %add3A_2448 : vector<16xi32>
      %select_n3A_2450 = arith.select %lt3A_2446, %add3A_2449, %xor3A_2443 : vector<16xi1>, vector<16xi32>
      %broadcast_in_dim3A_2451 = vector.shape_cast %select_n3A_2450 : vector<16xi32> to vector<16x1xi32>
      %gather3A_2452 = vector.shape_cast %broadcast_in_dim3A_2451 : vector<16x1xi32> to vector<16xi32>
      %gather3A_2453 = tpu.dynamic_gather %add3A_2440[%gather3A_2452] in [0] : vector<16xf32>, vector<16xi32> -> vector<16xf32>
      %add3A_2454 = arith.addf %add3A_2440, %gather3A_2453 : vector<16xf32>
      %xor3A_2455 = arith.constant 4 : i32
      %xor3A_2456 = vector.broadcast %xor3A_2455 : i32 to vector<16xi32>
      %xor3A_2457 = arith.xori %iota3A, %xor3A_2456 : vector<16xi32>
      %lt3A_2458 = arith.constant 0 : i32
      %lt3A_2459 = vector.broadcast %lt3A_2458 : i32 to vector<16xi32>
      %lt3A_2460 = arith.cmpi slt, %xor3A_2457, %lt3A_2459 : vector<16xi32>
      %add3A_2461 = arith.constant 16 : i32
      %add3A_2462 = vector.broadcast %add3A_2461 : i32 to vector<16xi32>
      %add3A_2463 = arith.addi %xor3A_2457, %add3A_2462 : vector<16xi32>
      %select_n3A_2464 = arith.select %lt3A_2460, %add3A_2463, %xor3A_2457 : vector<16xi1>, vector<16xi32>
      %broadcast_in_dim3A_2465 = vector.shape_cast %select_n3A_2464 : vector<16xi32> to vector<16x1xi32>
      %gather3A_2466 = vector.shape_cast %broadcast_in_dim3A_2465 : vector<16x1xi32> to vector<16xi32>
      %gather3A_2467 = tpu.dynamic_gather %add3A_2454[%gather3A_2466] in [0] : vector<16xf32>, vector<16xi32> -> vector<16xf32>
      %add3A_2468 = arith.addf %add3A_2454, %gather3A_2467 : vector<16xf32>
      %xor3A_2469 = arith.constant 8 : i32
      %xor3A_2470 = vector.broadcast %xor3A_2469 : i32 to vector<16xi32>
      %xor3A_2471 = arith.xori %iota3A, %xor3A_2470 : vector<16xi32>
      %lt3A_2472 = arith.constant 0 : i32
      %lt3A_2473 = vector.broadcast %lt3A_2472 : i32 to vector<16xi32>
      %lt3A_2474 = arith.cmpi slt, %xor3A_2471, %lt3A_2473 : vector<16xi32>
      %add3A_2475 = arith.constant 16 : i32
      %add3A_2476 = vector.broadcast %add3A_2475 : i32 to vector<16xi32>
      %add3A_2477 = arith.addi %xor3A_2471, %add3A_2476 : vector<16xi32>
      %select_n3A_2478 = arith.select %lt3A_2474, %add3A_2477, %xor3A_2471 : vector<16xi1>, vector<16xi32>
      %broadcast_in_dim3A_2479 = vector.shape_cast %select_n3A_2478 : vector<16xi32> to vector<16x1xi32>
      %gather3A_2480 = vector.shape_cast %broadcast_in_dim3A_2479 : vector<16x1xi32> to vector<16xi32>
      %gather3A_2481 = tpu.dynamic_gather %add3A_2468[%gather3A_2480] in [0] : vector<16xf32>, vector<16xi32> -> vector<16xf32>
      %add3A_2482 = arith.addf %add3A_2468, %gather3A_2481 : vector<16xf32>
      %swap3A = arith.constant 0 : index
      %swap3A_2483 = tpu.vector_load %arg13[%swap3A] {strides = array<i32>} : memref<16xf32, #tpu.memory_space<vmem>>, vector<16xf32>,
      %swap3A_2484 = vector.shape_cast %swap3A_2483 : vector<16xf32> to vector<16xf32>
      %swap3A_2485 = vector.shape_cast %add3A_2482 : vector<16xf32> to vector<16xf32>
      tpu.vector_store %arg13[%swap3A], %swap3A_2485 {strides = array<i32>} : memref<16xf32, #tpu.memory_space<vmem>>, vector<16xf32>,
      "tpu.region"() ({
        %run_scoped3A = tpu.sem_alloc : memref<!tpu.dma_semaphore, #tpu.memory_space<semaphore_mem>>
        tpu.enqueue_dma source(%arg13 : memref<16xf32, #tpu.memory_space<vmem>>) target(%arg6 : memref<16xf32, #tpu.memory_space<hbm>>) target_semaphore(%run_scoped3A : memref<!tpu.dma_semaphore, #tpu.memory_space<semaphore_mem>>)
        tpu.wait_dma2 semaphore(%run_scoped3A : memref<!tpu.dma_semaphore, #tpu.memory_space<semaphore_mem>>) src(%arg13 : memref<16xf32, #tpu.memory_space<vmem>>) dst(%arg6 : memref<16xf32, #tpu.memory_space<hbm>>)
        tpu.yield
      }) : () -> ()
    } else {
    }
    return
  }
}

</mosaic_0001>

<sc_bundles>
// kernel: kernel.3.cloned.1.call-start
scs
__scs_entry_jumppad:
0x0: {  	(pc) =	sbr.rel $0x88, $3  }
0x1: {  	(tag) =	ssettag $0x0;
	lr =	simm.s32 $0x1  }
0x2: {  	[smem:$0x3F9C] =	sst lr;
	_ =	strace $0xD0000000  }
0x3: {  	_ = 	snop  }
0x4: {  	_ = 	snop  }
0x5: {  	_ = 	snop  }
0x6: {  	_ = 	snop  }
0x7: {  	_ = 	snop  }
__scs_overlays_trampoline_lowered:
0x8: {  	[smem:$0x3FAB] =	sst s0  }
0x9: {  	[smem:$0x3FAC] =	sst s1  }
0xa: {  	[smem:$0x3FAD] =	sst s2  }
0xb: {  	[smem:$0x3FAE] =	sst s3  }
0xc: {  	[smem:$0x3FAF] =	sst s4  }
0xd: {  	[smem:$0x3FB0] =	sst s5  }
0xe: {  	[smem:$0x3FB1] =	sst s6  }
0xf: {  	[smem:$0x3FB2] =	sst s7  }
0x10: {  	[smem:$0x3FB3] =	sst s8  }
0x11: {  	[smem:$0x3FB4] =	sst s9;
	s0 =	simm.s32 @!p0 $0x0  }
0x12: {  	s1 =	sld [smem:$0x3F9A];
	s0 =	simm.s32 @p0 $0x1  }
0x13: {  	[smem:$0x3FB5] =	sst s0;
	s0 =	simm.s32 @!p1 $0x0  }
0x14: {  	s2 =	sld [smem:$0x3F99];
	s0 =	simm.s32 @p1 $0x1  }
0x15: {  	[smem:$0x3FB6] =	sst s0;
	s0 =	simm.s32 @!p2 $0x0  }
0x16: {  	s3 =	sld [smem:$0x3FDB];
	s0 =	simm.s32 @p2 $0x1  }
0x17: {  	s4 =	simm.s32 $0x1BF5;
	[smem:$0x3FB8] =	sst s0  }
0x18: {  	s0 =	sld [smem:$0x3F9B];
	_ =	swait.ge [sflag:s4], $0x0  }
0x19: {  	s7 =	sld [smem:$0x3F9C]  }
0x1a: {  	s8 =	sadd.s32 $0xFFFFE003, lr  }
0x1b: {  	s9 =	sadd.s32 $0xFFFFFEF7, lr;
	s5 =	simm.s32 $0xFFFFFFFF;
	p2 =	slt.u32 s8, $0xFFFFF086  }
0x1c: {  	p1 =	slt.u32 s9, $0xF7A;
	s5 =	simm.s32 @!p2 $0x0  }
0x1d: {  	s5 =	simm.s32 @p1 $0x1;
	p0 =	seq.s32 s7, s2  }
0x1e: {  	s7 =	smul.u32 @!p0 $0xF7A, s2;
	p2 =	seq.s32 @!p0 s5, $0x0  }
0x1f: {  	s9 =	smul.u32 $0xF7A, s1;
	s8 =	simm.s32 @!p0 $0x1BF5;
	p2 =	por !p2, p0  }
0x20: {  	[sflag:s8] =	ssyncset.s32 @!p0 $0xFFFFF086;
	s6 =	sadd.s32 @!p0 s3, s7;
	s7 =	simm.s32 @!p0 $0x108  }
0x21: {  	s3 =	sadd.s32 s3, s9;
	s6 =	sadd.s32 @!p0 $0x88, s6;
	s7 =	simm.s32 @p2 $0x1082  }
0x22: {  	[simem:s7], [sflag:s8] =	dma.local @!p0 [hbm:s6], $0xF7A  }
0x23: {  	s9 =	sor.u32 $0xD0000000, s2;
	s6 =	simm.s32 $0x108;
	_ =	swait.ge @!p0 [sflag:s8], $0x0  }
0x24: {  	s3 =	sadd.s32 $0x88, s3;
	s6 =	simm.s32 @!p1 $0x1082;
	[sflag:s4] =	ssyncset.s32 $0xFFFFF086  }
0x25: {  	[simem:s6], [sflag:s4] =	dma.local [hbm:s3], $0xF7A  }
0x26: {  	[smem:$0x3F9C] =	sst s1;
	(tag) =	ssettag s2;
	_ =	strace s9  }
0x27: {  	s1 =	sld [smem:$0x3FAC]  }
0x28: {  	s2 =	sld [smem:$0x3FAD]  }
0x29: {  	s4 =	sld [smem:$0x3FAF]  }
0x2a: {  	p0 =	seq.s32 s5, $0x0;
	s5 =	sld [smem:$0x3FB0]  }
0x2b: {  	s6 =	sld [smem:$0x3FB1]  }
0x2c: {  	s7 =	sld [smem:$0x3FB2]  }
0x2d: {  	s3 =	simm.s32 $0x108;
	s8 =	sld [smem:$0x3FB3]  }
0x2e: {  	s3 =	simm.s32 @!p0 $0x1082;
	s9 =	sld [smem:$0x3FB4]  }
0x2f: {  	lr =	sadd.s32 s0, s3;
	s0 =	sld [smem:$0x3FAB]  }
0x30: {  	s3 =	sld [smem:$0x3FAE]  }
0x31: {  	[smem:$0x3FB7] =	sst s10  }
0x32: {  	s10 =	sld [smem:$0x3FB5];
	_ =	sdelay $0x3  }
0x33: {  	p0 =	seq.s32 s10, $0x1;
	s10 =	sld [smem:$0x3FB7];
	_ =	sdelay $0x3  }
0x34: {  	[smem:$0x3FB7] =	sst s10  }
0x35: {  	s10 =	sld [smem:$0x3FB6];
	_ =	sdelay $0x3  }
0x36: {  	p1 =	seq.s32 s10, $0x1;
	s10 =	sld [smem:$0x3FB7];
	_ =	sdelay $0x3  }
0x37: {  	[smem:$0x3FB7] =	sst s10  }
0x38: {  	s10 =	sld [smem:$0x3FB8]  }
0x39: {  	_ = 	snop;
	(pc) =	sbr.ind lr, $3  }
0x3a: {  	_ = 	snop  }
0x3b: {  	_ = 	snop  }
0x3c: {  	p2 =	seq.s32 s10, $0x1;
	s10 =	sld [smem:$0x3FB7]  }
0x3d: {  	_ =	shalt  }
0x3e: {  	_ =	shalt  }
0x3f: {  	_ =	shalt  }
0x40: {  	_ =	shalt  }
0x41: {  	_ =	shalt  }
0x42: {  	_ =	shalt  }
0x43: {  	_ =	shalt  }
0x44: {  	_ =	shalt  }
0x45: {  	_ =	shalt  }
0x46: {  	_ =	shalt  }
0x47: {  	_ =	shalt  }
0x48: {  	_ =	shalt  }
0x49: {  	_ =	shalt  }
0x4a: {  	_ =	shalt  }
0x4b: {  	_ =	shalt  }
0x4c: {  	_ =	shalt  }
0x4d: {  	_ =	shalt  }
0x4e: {  	_ =	shalt  }
0x4f: {  	_ =	shalt  }
0x50: {  	_ =	shalt  }
0x51: {  	_ =	shalt  }
0x52: {  	_ =	shalt  }
0x53: {  	_ =	shalt  }
0x54: {  	_ =	shalt  }
0x55: {  	_ =	shalt  }
0x56: {  	_ =	shalt  }
0x57: {  	_ =	shalt  }
0x58: {  	_ =	shalt  }
0x59: {  	_ =	shalt  }
0x5a: {  	_ =	shalt  }
0x5b: {  	_ =	shalt  }
0x5c: {  	_ =	shalt  }
0x5d: {  	_ =	shalt  }
0x5e: {  	_ =	shalt  }
0x5f: {  	_ =	shalt  }
0x60: {  	_ =	shalt  }
0x61: {  	_ =	shalt  }
0x62: {  	_ =	shalt  }
0x63: {  	_ =	shalt  }
0x64: {  	_ =	shalt  }
0x65: {  	_ =	shalt  }
0x66: {  	_ =	shalt  }
0x67: {  	_ =	shalt  }
0x68: {  	_ =	shalt  }
0x69: {  	_ =	shalt  }
0x6a: {  	_ =	shalt  }
0x6b: {  	_ =	shalt  }
0x6c: {  	_ =	shalt  }
0x6d: {  	_ =	shalt  }
0x6e: {  	_ =	shalt  }
0x6f: {  	_ =	shalt  }
0x70: {  	_ =	shalt  }
0x71: {  	_ =	shalt  }
0x72: {  	_ =	shalt  }
0x73: {  	_ =	shalt  }
0x74: {  	_ =	shalt  }
0x75: {  	_ =	shalt  }
0x76: {  	_ =	shalt  }
0x77: {  	_ =	shalt  }
0x78: {  	_ =	shalt  }
0x79: {  	_ =	shalt  }
0x7a: {  	_ =	shalt  }
0x7b: {  	_ =	shalt  }
0x7c: {  	_ =	shalt  }
0x7d: {  	_ =	shalt  }
0x7e: {  	_ =	shalt  }
0x7f: {  	_ =	shalt  }
0x80: {  	_ =	shalt  }
0x81: {  	_ =	shalt  }
0x82: {  	_ =	shalt  }
0x83: {  	_ =	shalt  }
0x84: {  	_ =	shalt  }
0x85: {  	_ =	shalt  }
0x86: {  	_ =	shalt  }
0x87: {  	_ =	shalt  }
.Lfunc_end0:
.L_simem_size_0:
called_computation_lowered:
.L_overlay_start_0:
0x88: {  	s2 =	sld [smem:$0x3FD9]  }
0x89: {  	s3 =	sld [smem:$0x3FFE];
	_ =	sdelay $0x1  }
0x8a: {  	s1 =	srdreg.scid  }
0x8b: {  	s0 =	sand.u32 $0x1, s1  }
0x8c: {  	s17 =	sshll.u32 s0, $0xA;
	s2 =	sadd.s32 s3, s2  }
0x8d: {  	s2 =	sadd.s32 s2, s17  }
0x8e: {  	[smem:$0x3FC3] =	sst s2  }
0x8f: {  	_ = 	snop  }
0x90: {  	s2 =	sld [smem:$0x3FD0];
	(tm) =	ssettm $0x1  }
0x91: {  	s18 =	sld [smem:$0x3FFB];
	_ =	sdelay $0x3  }
0x92: {  	_ =	strace s18  }
0x93: {  	s3 =	sld [smem:$0x3FFC];
	_ =	sdelay $0x3  }
0x94: {  	_ =	strace s3  }
0x95: {  	s3 =	sld [smem:$0x3FFD];
	_ =	sdelay $0x3  }
0x96: {  	_ =	strace s3  }
0x97: {  	_ =	strace $0x8FFFFFFF  }
0x98: {  	s19 =	sld [smem:$0x3FDB];
	_ =	sdelay $0x1  }
0x99: {  	s4 =	simm.s32 $_scs_section_size  }
0x9a: {  	s5 =	simm.s32 $_size__tile_overlayer_lowered;
	s6 =	simm.s32 $_tile_overlayer_lowered  }
0x9b: {  	s22 =	simm.s32 $0x1BFF;
	s21 =	sshll.u32 s6, $0x1;
	s3 =	sadd.s32 s4, s19  }
0x9c: {  	s7 =	simm.s32 $0x0;
	s20 =	sshll.u32 s5, $0x1;
	s5 =	sadd.s32 s21, s3  }
0x9d: {  	[timem:s7], [sflag:s22] =	dma.local [hbm:s5], s20  }
0x9e: {  	_ =	swait.ge [sflag:s22], s20  }
0x9f: {  	s4 =	ssub.s32 $0x0, s20;
	[sflag:s22] =	ssyncset.done $0x0  }
0xa0: {  	[sflag:s22] =	ssyncadd.s32 s4;
	_ =	sdelay $0x1  }
0xa1: {  	s23 =	simm.s32 $0x1B8B  }
0xa2: {  	_ =	swait.ge [sflag:s23], $0x1  }
0xa3: {  	[sflag:s23] =	ssyncset.done $0x0  }
0xa4: {  	s25 =	simm.s32 $0x1B8E;
	s24 =	sld [smem:$0x3FFE];
	[sflag:s23] =	ssyncadd.s32 $0xFFFFFFFF  }
0xa5: {  	s26 =	simm.s32 $execute0_lowered;
	[smem:$0x3FD2] =	sst s25  }
0xa6: {  	s5 =	sshll.u32 s26, $0x1;
	_ =	strace $0x80000046;
	[dreg:$0x1] =	wrdreg $0xFFFFFFFF  }
0xa7: {  	s28 =	simm.s32 $_size_execute0_lowered;
	s3 =	sadd.s32 s3, s5;
	[dreg:$0x0] =	wrdreg $0x0  }
0xa8: {  	s5 =	sshll.u32 s28, $0x1;
	[dreg:$0x2] =	wrdreg s3  }
0xa9: {  	[dreg:$0x3] =	wrdreg s5  }
0xaa: {  	[dreg:$0x4] =	wrdreg $0xC0  }
0xab: {  	_ =	task [dreg:s7], $0x5FFFF  }
0xac: {  	[dreg:$0x1] =	wrdreg $0xFFFFFFFF  }
0xad: {  	[dreg:$0x0] =	wrdreg $0x60  }
0xae: {  	[dreg:$0x2] =	wrdreg s24  }
0xaf: {  	[dreg:$0x3] =	wrdreg s2  }
0xb0: {  	[dreg:$0x4] =	wrdreg $0x22000  }
0xb1: {  	[dreg:$0x5] =	wrdreg $0x9  }
0xb2: {  	_ =	task.clear_ibuf [dreg:s7], $0x6FFFF;
	_ =	strace $0x90000046  }
0xb3: {  	s29 =	simm.s32 $0x9;
	_ =	strace $0x80000048  }
0xb4: {  	_ =	swait.ge [sflag:s29], $0x1  }
0xb5: {  	[sflag:s29] =	ssyncadd.s32 $0xFFFFFFFF  }
0xb6: {  	_ =	strace $0x90000048  }
0xb7: {  	_ =	sfence  }
0xb8: {  	s30 =	sld [smem:$0x0];
	_ =	sdelay $0x2  }
0xb9: {  	s31 =	sshll.u32 s1, $0xD;
	s1 =	sshrl.u32 s1, $0x2  }
0xba: {  	s3 =	sand.u32 $0x4000, s31;
	s1 =	sadd.s32 s1, s30  }
0xbb: {  	s0 =	sor.u32 s3, s0;
	s1 =	sshll.u32 s1, $0x11  }
0xbc: {  	s0 =	sor.u32 s1, s0  }
0xbd: {  	s0 =	sadd.s32 $0x8F2B, s0  }
0xbe: {  	[sflag:s0] =	ssyncadd.remote.s32 $0x1  }
0xbf: {  	_ =	sfence.sel $0xFFFF  }
0xc0: {  	[dreg:$0x0] =	wrdreg $0xFFFFFFFF;
	(pc) =	sbr.abs _section_cstart, $3  }
0xc1: {  	[dreg:$0x1] =	wrdreg $0xFFFFFFFF  }
0xc2: {  	_ =	task.clear_ibuf [dreg:s7], $0x2FFFF;
	_ =	strace $0x9FFFFFFF  }
0xc3: {  	(tm) =	ssettm $0x7FFFFFFF  }
tec
execute0_lowered:
.L_overlay_start_1:
0x0: {  	(tag) =	ssettag $0x1  }
0x1: {  	s0 =	rddreg [dreg:$0x0]  }
0x2: {  	s2 =	rddreg [dreg:$0x2];
	s3 =	simm.s32 $0x0  }
0x3: {  	s10 =	stileid.u32;
	s4 =	srdreg.scid;
	v0 =	vimm.s32 $0xEFCDAB89;
	v1 =	vimm.s32 $0x67452301;
	s28 =	simm.f32 $1.000000000e+00  }
0x4: {  	s24 =	simm.f32 $1.000000000e+00;
	v2 =	vimm.s32 $0xDCFE98BA;
	s12 =	simm.s32 $0x180;
	s13 =	simm.s32 $0x100;
	v4 =	vimm.s32 $0x32107654  }
0x5: {  	s14 =	simm.s32 $0x200;
	s15 =	simm.s32 $0x280;
	s16 =	simm.s32 $0x300;
	v5 =	vimm.s32 $0xFEDCBA98;
	vm0 =	vmmov $0x1;
	vm1 =	vmmov $0x3  }
0x6: {  	s17 =	simm.s32 $0x380;
	s18 =	simm.s32 $0x400;
	s19 =	simm.s32 $0x480;
	vm2 =	vmmov $0x7;
	vm3 =	vmmov $0xf;
	vm4 =	vmmov $0x1f  }
0x7: {  	s20 =	simm.s32 $0x500;
	s21 =	simm.s32 $0x580;
	s22 =	simm.s32 $0x600;
	vm5 =	vmmov $0x3f;
	v0 =	vunpack.c.l.s4.s8 v0;
	v1 =	vunpack.c.l.s4.s8 v1  }
0x8: {  	vm6 =	vmmov $0x7f;
	vm7 =	vmmov $0xff;
	vm8 =	vmmov $0x1ff;
	s30 =	simm.s32 $0x2;
	s31 =	simm.s32 $0x1;
	s29 =	simm.s32 $0x2180  }
0x9: {  	vm9 =	vmmov $0x3ff;
	[smem:$0x7FF] =	sst s3;
	s5 =	sshll.u32 s10, $0x1;
	s11 =	sand.u32 $0x1, s4;
	v0 =	vunpack.c.0.s8.s32 v0;
	v1 =	vunpack.c.0.s8.s32 v1  }
0xa: {  	vm10 =	vmmov $0x7ff;
	vm11 =	vmmov $0xfff;
	s1 =	sadd.s32 $0x1E85200, s0;
	s6 =	sadd.s32 $0x800, s0;
	p0 =	slt.u32 s10, $0xD;
	v2 =	vunpack.c.l.s4.s8 v2  }
0xb: {  	s26 =	sshll.u32 s10, $0x7;
	v5 =	vunpack.c.l.s4.s8 v5;
	_ =	strace $0x80000047;
	s7 =	sadd.s32 s5, s0;
	v3 =	vcombine.low v1, v0;
	v0 =	vimm.s32 $0x54761032  }
0xc: {  	s8 =	ssub.s32 $0x2, s11;
	[dreg:$0x4] =	wrdreg s1;
	s5 =	sadd.s32 $0xF42C00, s0;
	v1 =	vunpack.c.0.s8.s32 v2;
	v2 =	vimm.s32 $0xBA98FEDC;
	v0 =	vunpack.c.l.s4.s8 v0  }
0xd: {  	vm12 =	vmmov $0x1fff;
	v4 =	vunpack.c.l.s4.s8 v4;
	s24 =	simm.s32 @!p0 $0x0;
	p0 =	slt.u32 s10, $0xC;
	s23 =	sor.u32 s10, s11;
	v2 =	vunpack.c.l.s4.s8 v2  }
0xe: {  	p1 =	sne.s32 s11, $0x0;
	s11 =	simm.s32 $0x80;
	s0 =	simm.s32 $0x1900;
	v5 =	vunpack.c.0.s8.s32 v5;
	v6 =	vunpack.c.0.s8.s32 v0;
	v0 =	vimm.s32 $0x76543210  }
.Ltmp0:
0xf: {  	s9 =	sshrl.u32 s8, $0x1;
	s7 =	sadd.s32 $0x1E85000, s7;
	v4 =	vunpack.c.0.s8.s32 v4;
	v2 =	vunpack.c.0.s8.s32 v2;
	v7 =	vunpack.c.l.s4.s8 v0;
	(pc) =	sbr.rel .LBB2_1-.Ltmp0, $4  }
0x10: {  	vm13 =	vmmov $0x3fff;
	vm14 =	vmmov $0x7fff;
	s28 =	simm.s32 @!p0 $0x0;
	p0 =	sne.s32 s10, $0x0;
	s10 =	simm.s32 $0x3;
	v5 =	vand.u32 $0xF, v5  }
0x11: {  	p2 =	sne.s32 s23, $0x0;
	s23 =	simm.s32 $0x680;
	s25 =	ssub.s32 s8, s9;
	v6 =	vcombine.low v6, v1;
	v4 =	vcombine.low v4, v2;
	v7 =	vunpack.c.0.s8.s32 v7  }
0x12: {  	s8 =	sadd.s32 s26, s2;
	s26 =	simm.s32 $0x800;
	s9 =	smax.u32 s25, $0x1;
	v0 =	vmov s24;
	v1 =	vmov s28;
	v2 =	vand.u32 $0xF, v3  }
0x13: {  	s25 =	simm.s32 $0x780;
	s24 =	simm.s32 $0x700;
	s28 =	simm.s32 $0x1980;
	v3 =	vand.u32 $0xF, v6;
	v4 =	vand.u32 $0xF, v4;
	v5 =	vcombine.low v5, v7  }
.LBB2_4:
0x14: {  	_ =	swait.ge [sflag:s31], $0x80  }
0x15: {  	[sflag:s31] =	ssyncset.done $0x0  }
0x16: {  	[sflag:s31] =	ssyncadd.s32 $0xFFFFFF80  }
0x17: {  	_ =	swait.ge [sflag:s31], $0x80  }
0x18: {  	[sflag:s31] =	ssyncset.done $0x0  }
0x19: {  	[sflag:s31] =	ssyncadd.s32 $0xFFFFFF80  }
0x1a: {  	_ =	swait.ge [sflag:s31], $0x80  }
0x1b: {  	[sflag:s31] =	ssyncset.done $0x0  }
0x1c: {  	[sflag:s31] =	ssyncadd.s32 $0xFFFFFF80  }
0x1d: {  	_ =	swait.ge [sflag:s31], $0x80  }
0x1e: {  	[sflag:s31] =	ssyncset.done $0x0  }
0x1f: {  	[sflag:s31] =	ssyncadd.s32 $0xFFFFFF80  }
0x20: {  	_ =	swait.ge [sflag:s31], $0x80  }
0x21: {  	[sflag:s31] =	ssyncset.done $0x0  }
0x22: {  	[sflag:s31] =	ssyncadd.s32 $0xFFFFFF80  }
0x23: {  	_ =	swait.ge [sflag:s31], $0x80  }
0x24: {  	[sflag:s31] =	ssyncset.done $0x0  }
0x25: {  	[sflag:s31] =	ssyncadd.s32 $0xFFFFFF80  }
0x26: {  	_ =	swait.ge [sflag:s31], $0x80  }
0x27: {  	[sflag:s31] =	ssyncset.done $0x0  }
0x28: {  	[sflag:s31] =	ssyncadd.s32 $0xFFFFFF80  }
0x29: {  	_ =	swait.ge [sflag:s31], $0x80  }
0x2a: {  	[sflag:s31] =	ssyncset.done $0x0  }
0x2b: {  	[sflag:s31] =	ssyncadd.s32 $0xFFFFFF80  }
0x2c: {  	_ =	swait.ge [sflag:s31], $0x80  }
0x2d: {  	[sflag:s31] =	ssyncset.done $0x0  }
0x2e: {  	[sflag:s31] =	ssyncadd.s32 $0xFFFFFF80  }
0x2f: {  	_ =	swait.ge [sflag:s31], $0x80  }
0x30: {  	[sflag:s31] =	ssyncset.done $0x0  }
0x31: {  	[sflag:s31] =	ssyncadd.s32 $0xFFFFFF80  }
0x32: {  	_ =	swait.ge [sflag:s31], $0x80  }
0x33: {  	[sflag:s31] =	ssyncset.done $0x0  }
0x34: {  	[sflag:s31] =	ssyncadd.s32 $0xFFFFFF80  }
0x35: {  	_ =	swait.ge [sflag:s31], $0x80  }
0x36: {  	[sflag:s31] =	ssyncset.done $0x0  }
0x37: {  	[sflag:s31] =	ssyncadd.s32 $0xFFFFFF80  }
0x38: {  	_ =	swait.ge [sflag:s31], $0x80  }
0x39: {  	[sflag:s31] =	ssyncset.done $0x0  }
0x3a: {  	[sflag:s31] =	ssyncadd.s32 $0xFFFFFF80  }
0x3b: {  	_ =	swait.ge [sflag:s31], $0x80  }
0x3c: {  	[sflag:s31] =	ssyncset.done $0x0  }
0x3d: {  	[sflag:s31] =	ssyncadd.s32 $0xFFFFFF80  }
0x3e: {  	_ =	swait.ge [sflag:s31], $0x80  }
0x3f: {  	[sflag:s31] =	ssyncset.done $0x0  }
0x40: {  	[sflag:s31] =	ssyncadd.s32 $0xFFFFFF80  }
0x41: {  	_ =	swait.ge [sflag:s31], $0x80  }
0x42: {  	[sflag:s31] =	ssyncset.done $0x0  }
0x43: {  	[sflag:s31] =	ssyncadd.s32 $0xFFFFFF80  }
0x44: {  	v6 =	vld [tilespmem:$0x80]  }
0x45: {  	v7 =	vld [tilespmem:$0x90]  }
0x46: {  	v8 =	vld [tilespmem:$0xA0]  }
0x47: {  	v9 =	vld [tilespmem:$0xB0]  }
0x48: {  	v10 =	vld [tilespmem:$0x100]  }
0x49: {  	v11 =	vld [tilespmem:$0x110]  }
0x4a: {  	v12 =	vld [tilespmem:$0x120]  }
0x4b: {  	v13 =	vld [tilespmem:$0x130]  }
0x4c: {  	v14 =	vld [tilespmem:$0x180]  }
0x4d: {  	v15 =	vld [tilespmem:$0x190]  }
0x4e: {  	v16 =	vld [tilespmem:$0x1A0]  }
0x4f: {  	v17 =	vld [tilespmem:$0x1B0]  }
0x50: {  	v18 =	vld [tilespmem:$0x200]  }
0x51: {  	v19 =	vld [tilespmem:$0x210]  }
0x52: {  	v20 =	vld [tilespmem:$0x220]  }
0x53: {  	v21 =	vld [tilespmem:$0x230]  }
0x54: {  	v22 =	vld [tilespmem:$0x280]  }
0x55: {  	v23 =	vld [tilespmem:$0x290]  }
0x56: {  	v24 =	vld [tilespmem:$0x2A0]  }
0x57: {  	v25 =	vld [tilespmem:$0x2B0]  }
0x58: {  	v26 =	vld [tilespmem:$0x300]  }
0x59: {  	v27 =	vld [tilespmem:$0x310]  }
0x5a: {  	v28 =	vld [tilespmem:$0x320];
	v6 =	vmul.f32 v6, v0;
	v7 =	vmul.f32 v7, v0  }
0x5b: {  	v29 =	vld [tilespmem:$0x330];
	v8 =	vmul.f32 v8, v0;
	v9 =	vmul.f32 v9, v0  }
0x5c: {  	v30 =	vld [tilespmem:$0x380];
	v10 =	vmul.f32 v10, v0;
	v11 =	vmul.f32 v11, v0  }
0x5d: {  	v31 =	vld [tilespmem:$0x390];
	v12 =	vmul.f32 v12, v0;
	v13 =	vmul.f32 v13, v0  }
0x5e: {  	v32 =	vld [tilespmem:$0x3A0];
	v53 =	vmul.f32 v14, v0;
	v54 =	vmul.f32 v15, v0  }
0x5f: {  	v33 =	vld [tilespmem:$0x3B0];
	v55 =	vmul.f32 v16, v0;
	v56 =	vmul.f32 v17, v0  }
0x60: {  	v34 =	vld [tilespmem:$0x400];
	v57 =	vmul.f32 v18, v0;
	v58 =	vmul.f32 v19, v0  }
0x61: {  	v35 =	vld [tilespmem:$0x410];
	v59 =	vmul.f32 v20, v0;
	v60 =	vmul.f32 v21, v0  }
0x62: {  	v37 =	vld [tilespmem:$0x530];
	v61 =	vmul.f32 v22, v0;
	v62 =	vmul.f32 v23, v0  }
0x63: {  	v39 =	vld [tilespmem:$0x580];
	v24 =	vmul.f32 v24, v0;
	v25 =	vmul.f32 v25, v0  }
0x64: {  	v42 =	vld [tilespmem:$0x590];
	v26 =	vmul.f32 v26, v0;
	v38 =	vmul.f32 v27, v0  }
0x65: {  	v45 =	vld [tilespmem:$0x5A0];
	v40 =	vmul.f32 v28, v0;
	v41 =	vmul.f32 v29, v0  }
0x66: {  	v49 =	vld [tilespmem:$0x600];
	v43 =	vmul.f32 v30, v0;
	v44 =	vmul.f32 v31, v0  }
0x67: {  	v47 =	vld [tilespmem:$0x5B0];
	v46 =	vmul.f32 v32, v0;
	v48 =	vmul.f32 v33, v0  }
0x68: {  	v52 =	vld [tilespmem:$0x610];
	v50 =	vmul.f32 v34, v0;
	v51 =	vmul.f32 v35, v0  }
0x69: {  	v14 =	vld [tilespmem:$0x4B0];
	v29 =	vmul.f32 v37, v1;
	v31 =	vmul.f32 v39, v1;
	v6 =	vadd.f32 $0.0e+00, v6  }
0x6a: {  	v21 =	vld [tilespmem:$0x520];
	v32 =	vmul.f32 v42, v1;
	v34 =	vmul.f32 v45, v1;
	v7 =	vadd.f32 $0.0e+00, v7  }
0x6b: {  	v37 =	vmul.f32 v49, v1;
	v49 =	vld [tilespmem:$0x800];
	v8 =	vadd.f32 $0.0e+00, v8;
	v6 =	vadd.f32 v10, v6  }
0x6c: {  	v36 =	vld [tilespmem:$0x420];
	v35 =	vmul.f32 v47, v1;
	v9 =	vadd.f32 $0.0e+00, v9;
	v7 =	vadd.f32 v11, v7  }
0x6d: {  	v15 =	vld [tilespmem:$0x490];
	v39 =	vmul.f32 v52, v1;
	v8 =	vadd.f32 v12, v8;
	v6 =	vadd.f32 v53, v6  }
0x6e: {  	v17 =	vld [tilespmem:$0x4A0];
	v9 =	vadd.f32 v13, v9;
	v14 =	vmul.f32 v14, v1;
	v7 =	vadd.f32 v54, v7  }
0x6f: {  	v11 =	vld [tilespmem:$0x430];
	v21 =	vmul.f32 v21, v1;
	v8 =	vadd.f32 v55, v8;
	v6 =	vadd.f32 v57, v6  }
0x70: {  	v13 =	vld [tilespmem:$0x480];
	v12 =	vmul.f32 v49, v1;
	v9 =	vadd.f32 v56, v9;
	v7 =	vadd.f32 v58, v7  }
0x71: {  	v16 =	vld [tilespmem:$0x500];
	v53 =	vmul.f32 v36, v0;
	v8 =	vadd.f32 v59, v8;
	v6 =	vadd.f32 v61, v6  }
0x72: {  	v63 =	vld [tilespmem:$0x510];
	v9 =	vadd.f32 v60, v9;
	v57 =	vmul.f32 v15, v1;
	v7 =	vadd.f32 v62, v7  }
0x73: {  	v56 =	vld [tilespmem:$0x630];
	v59 =	vmul.f32 v17, v1;
	v8 =	vadd.f32 v24, v8;
	v6 =	vadd.f32 v26, v6  }
0x74: {  	v54 =	vld [tilespmem:$0x620];
	v11 =	vmul.f32 v11, v0;
	v9 =	vadd.f32 v25, v9;
	v7 =	vadd.f32 v38, v7  }
0x75: {  	v58 =	vld [tilespmem:$0x680];
	v55 =	vmul.f32 v13, v1;
	v8 =	vadd.f32 v40, v8;
	v6 =	vadd.f32 v43, v6  }
0x76: {  	v60 =	vld [tilespmem:$0x690];
	v61 =	vmul.f32 v16, v1;
	v9 =	vadd.f32 v41, v9;
	v7 =	vadd.f32 v44, v7  }
0x77: {  	v42 =	vld [tilespmem:$0x790];
	v62 =	vmul.f32 v63, v1;
	v8 =	vadd.f32 v46, v8;
	v6 =	vadd.f32 v50, v6  }
0x78: {  	v47 =	vld [tilespmem:$0x7B0];
	v13 =	vmul.f32 v56, v1;
	v9 =	vadd.f32 v48, v9;
	v7 =	vadd.f32 v51, v7  }
0x79: {  	v63 =	vld [tilespmem:$0x6A0];
	v41 =	vmul.f32 v54, v1;
	v8 =	vadd.f32 v53, v8;
	v6 =	vadd.f32 v55, v6  }
0x7a: {  	v30 =	vld [tilespmem:$0x700];
	v43 =	vmul.f32 v58, v1;
	v9 =	vadd.f32 v11, v9;
	v7 =	vadd.f32 v57, v7  }
0x7b: {  	v33 =	vld [tilespmem:$0x710];
	v44 =	vmul.f32 v60, v1;
	v8 =	vadd.f32 v59, v8;
	v6 =	vadd.f32 v61, v6  }
0x7c: {  	v36 =	vld [tilespmem:$0x720];
	v58 =	vmul.f32 v42, v1;
	v9 =	vadd.f32 v14, v9;
	v7 =	vadd.f32 v62, v7  }
0x7d: {  	v26 =	vld [tilespmem:$0x6B0];
	v60 =	vmul.f32 v47, v1;
	v8 =	vadd.f32 v21, v8;
	v6 =	vadd.f32 v31, v6  }
0x7e: {  	v40 =	vld [tilespmem:$0x780];
	v46 =	vmul.f32 v63, v1;
	v9 =	vadd.f32 v29, v9;
	v7 =	vadd.f32 v32, v7  }
0x7f: {  	v38 =	vld [tilespmem:$0x730];
	v50 =	vmul.f32 v30, v1;
	v8 =	vadd.f32 v34, v8;
	v6 =	vadd.f32 v37, v6  }
0x80: {  	v45 =	vld [tilespmem:$0x7A0];
	v51 =	vmul.f32 v33, v1;
	v9 =	vadd.f32 v35, v9;
	v7 =	vadd.f32 v39, v7  }
0x81: {  	v52 =	vld [tilespmem:$0x810];
	v53 =	vmul.f32 v36, v1;
	v8 =	vadd.f32 v41, v8;
	v6 =	vadd.f32 v43, v6  }
0x82: {  	v48 =	vmul.f32 v26, v1;
	v55 =	vld [tilespmem:$0x820];
	v9 =	vadd.f32 v13, v9;
	v7 =	vadd.f32 v44, v7  }
0x83: {  	v56 =	vmul.f32 v40, v1;
	v57 =	vld [tilespmem:$0x830];
	v8 =	vadd.f32 v46, v8;
	v6 =	vadd.f32 v50, v6  }
0x84: {  	v54 =	vmul.f32 v38, v1;
	v9 =	vadd.f32 v48, v9;
	v7 =	vadd.f32 v51, v7  }
0x85: {  	v59 =	vmul.f32 v45, v1;
	v8 =	vadd.f32 v53, v8;
	v6 =	vadd.f32 v56, v6  }
0x86: {  	v61 =	vmul.f32 v52, v1;
	v9 =	vadd.f32 v54, v9;
	v7 =	vadd.f32 v58, v7  }
0x87: {  	v62 =	vmul.f32 v55, v1;
	v8 =	vadd.f32 v59, v8;
	v6 =	vadd.f32 v12, v6  }
0x88: {  	v63 =	vmul.f32 v57, v1;
	v9 =	vadd.f32 v60, v9;
	v7 =	vadd.f32 v61, v7  }
0x89: {  	v8 =	vadd.f32 v62, v8;
	[tilespmem:$0x1900] =	vst v6  }
0x8a: {  	v6 =	vadd.f32 v63, v9;
	[tilespmem:$0x1910] =	vst v7  }
0x8b: {  	[tilespmem:$0x1920] =	vst v8  }
0x8c: {  	[tilespmem:$0x1930] =	vst v6  }
0x8d: {  	[spmem:s8] =	stream.linear.scatter [tilespmem:s0], [sflag:$0x3], $0x80, $0x38;
	[tilespmem:$0x2240] =	vst v63  }
0x8e: {  	_ =	swait.ge [sflag:s10], $0x80  }
0x8f: {  	[sflag:s10] =	ssyncset.done $0x0  }
0x90: {  	[sflag:s10] =	ssyncadd.s32 $0xFFFFFF80  }
.LBB2_5:
.Ltmp1:
0x91: {  	(pc) =	sbr.rel @!p2 .LBB2_6-.Ltmp1, $2  }
0x92: {  	_ =	sdelay $0x1  }
0x93: {  	[bflag:$0x0] =	sbarrier.arrive $0xFFFF;
	_ =	sdelay $0x1  }
.LBB2_7:
0x94: {  	s9 =	sadd.s32 $0xFFFFFFFF, s9  }
0x95: {  	p3 =	sne.s32 s9, $0x0  }
.Ltmp2:
0x96: {  	_ = 	snop;
	(pc) =	sbr.rel @!p3 .LBB2_8-.Ltmp2, $1  }
0x97: {  	_ =	sdelay $0x3  }
.LBB2_1:
.Ltmp3:
0x98: {  	(pc) =	sbr.rel @p1 .LBB2_5-.Ltmp3, $1  }
0x99: {  	_ =	sdelay $0x3  }
0x9a: {  	[tilespmem:s3], [sflag:$0x3] =	stream.linear.gather [hbm4b:s7+s3], $0x10, $0x38;
	[tilespmem:$0x2240] =	vst v63  }
0x9b: {  	_ =	swait.ge [sflag:s10], $0x10  }
0x9c: {  	[sflag:s10] =	ssyncset.done $0x0  }
0x9d: {  	[sflag:s10] =	ssyncadd.s32 $0xFFFFFFF0  }
0x9e: {  	v6 =	vld [tilespmem:$0x0];
	_ =	sdelay $0x4  }
0x9f: {  	v6 =	vshll.u32 v6, $0x4  }
0xa0: {  	(v2sf) =	vpush v6, $0x0;
	_ =	sdelay $0x1  }
0xa1: {  	(v2sf) =	vpush v6, $0x1;
	_ =	sdelay $0x2  }
0xa2: {  	(v2sf) =	vpush v6, $0x2;
	_ =	sdelay $0x2  }
0xa3: {  	(v2sf) =	vpush v6, $0x3;
	_ =	sdelay $0x6  }
0xa4: {  	s1 =	spop (v2sf);
	(v2sf) =	vpush v6, $0x4;
	_ =	sdelay $0x1  }
0xa5: {  	s1 =	sand.u32 $0x1FFFFFF0, s1;
	s4 =	spop (v2sf);
	(v2sf) =	vpush v6, $0x5  }
0xa6: {  	s1 =	sadd.s32 s6, s1  }
0xa7: {  	[tilespmem:s11], [sflag:$0x1] =	stream.linear.gather [hbm4b:s1+s3], $0x80, $0x38;
	[tilespmem:$0x2240] =	vst v63  }
0xa8: {  	s1 =	sand.u32 $0x1FFFFFF0, s4;
	s4 =	spop (v2sf);
	(v2sf) =	vpush v6, $0x6  }
0xa9: {  	s1 =	sadd.s32 s6, s1  }
0xaa: {  	[tilespmem:s13], [sflag:$0x1] =	stream.linear.gather [hbm4b:s1+s3], $0x80, $0x38;
	[tilespmem:$0x2240] =	vst v63  }
0xab: {  	s1 =	sand.u32 $0x1FFFFFF0, s4;
	s4 =	spop (v2sf);
	(v2sf) =	vpush v6, $0x7;
	_ =	sdelay $0x3  }
0xac: {  	s1 =	sadd.s32 s6, s1  }
0xad: {  	[tilespmem:s12], [sflag:$0x1] =	stream.linear.gather [hbm4b:s1+s3], $0x80, $0x38;
	[tilespmem:$0x2240] =	vst v63  }
0xae: {  	s1 =	sand.u32 $0x1FFFFFF0, s4  }
0xaf: {  	s1 =	sadd.s32 s6, s1;
	s4 =	spop (v2sf);
	(v2sf) =	vpush v6, $0x8  }
0xb0: {  	[tilespmem:s14], [sflag:$0x1] =	stream.linear.gather [hbm4b:s1+s3], $0x80, $0x38;
	[tilespmem:$0x2240] =	vst v63  }
0xb1: {  	s1 =	sand.u32 $0x1FFFFFF0, s4;
	s4 =	spop (v2sf);
	(v2sf) =	vpush v6, $0x9  }
0xb2: {  	s1 =	sadd.s32 s6, s1  }
0xb3: {  	[tilespmem:s15], [sflag:$0x1] =	stream.linear.gather [hbm4b:s1+s3], $0x80, $0x38;
	[tilespmem:$0x2240] =	vst v63  }
0xb4: {  	s1 =	sand.u32 $0x1FFFFFF0, s4;
	s4 =	spop (v2sf);
	(v2sf) =	vpush v6, $0xA  }
0xb5: {  	s1 =	sadd.s32 s6, s1  }
0xb6: {  	[tilespmem:s16], [sflag:$0x1] =	stream.linear.gather [hbm4b:s1+s3], $0x80, $0x38;
	[tilespmem:$0x2240] =	vst v63  }
0xb7: {  	s1 =	sand.u32 $0x1FFFFFF0, s4;
	s4 =	spop (v2sf);
	(v2sf) =	vpush v6, $0xB;
	_ =	sdelay $0x3  }
0xb8: {  	s1 =	sadd.s32 s6, s1  }
0xb9: {  	[tilespmem:s17], [sflag:$0x1] =	stream.linear.gather [hbm4b:s1+s3], $0x80, $0x38;
	[tilespmem:$0x2240] =	vst v63  }
0xba: {  	s1 =	sand.u32 $0x1FFFFFF0, s4  }
0xbb: {  	s1 =	sadd.s32 s6, s1;
	s4 =	spop (v2sf);
	(v2sf) =	vpush v6, $0xC  }
0xbc: {  	[tilespmem:s18], [sflag:$0x1] =	stream.linear.gather [hbm4b:s1+s3], $0x80, $0x38;
	[tilespmem:$0x2240] =	vst v63  }
0xbd: {  	s1 =	sand.u32 $0x1FFFFFF0, s4;
	s4 =	spop (v2sf);
	(v2sf) =	vpush v6, $0xD  }
0xbe: {  	s1 =	sadd.s32 s6, s1  }
0xbf: {  	[tilespmem:s19], [sflag:$0x1] =	stream.linear.gather [hbm4b:s1+s3], $0x80, $0x38;
	[tilespmem:$0x2240] =	vst v63  }
0xc0: {  	s1 =	sand.u32 $0x1FFFFFF0, s4;
	s4 =	spop (v2sf);
	(v2sf) =	vpush v6, $0xE  }
0xc1: {  	s1 =	sadd.s32 s6, s1  }
0xc2: {  	[tilespmem:s20], [sflag:$0x1] =	stream.linear.gather [hbm4b:s1+s3], $0x80, $0x38;
	[tilespmem:$0x2240] =	vst v63  }
0xc3: {  	s1 =	sand.u32 $0x1FFFFFF0, s4;
	s4 =	spop (v2sf);
	(v2sf) =	vpush v6, $0xF;
	_ =	sdelay $0x1  }
0xc4: {  	s1 =	sadd.s32 s6, s1  }
0xc5: {  	[tilespmem:s21], [sflag:$0x1] =	stream.linear.gather [hbm4b:s1+s3], $0x80, $0x38;
	[tilespmem:$0x2240] =	vst v63  }
0xc6: {  	s1 =	sand.u32 $0x1FFFFFF0, s4  }
0xc7: {  	s1 =	sadd.s32 s6, s1  }
0xc8: {  	[tilespmem:s22], [sflag:$0x1] =	stream.linear.gather [hbm4b:s1+s3], $0x80, $0x38;
	[tilespmem:$0x2240] =	vst v63  }
0xc9: {  	s4 =	spop (v2sf)  }
0xca: {  	s1 =	sand.u32 $0x1FFFFFF0, s4  }
0xcb: {  	s4 =	spop (v2sf);
	s1 =	sadd.s32 s6, s1  }
0xcc: {  	[tilespmem:s23], [sflag:$0x1] =	stream.linear.gather [hbm4b:s1+s3], $0x80, $0x38;
	[tilespmem:$0x2240] =	vst v63  }
0xcd: {  	s1 =	sand.u32 $0x1FFFFFF0, s4  }
0xce: {  	s4 =	spop (v2sf);
	s1 =	sadd.s32 s6, s1  }
0xcf: {  	[tilespmem:s24], [sflag:$0x1] =	stream.linear.gather [hbm4b:s1+s3], $0x80, $0x38;
	[tilespmem:$0x2240] =	vst v63  }
0xd0: {  	s1 =	sand.u32 $0x1FFFFFF0, s4  }
.Ltmp4:
0xd1: {  	s4 =	spop (v2sf);
	s1 =	sadd.s32 s6, s1;
	(pc) =	sbr.rel @p0 .LBB2_4-.Ltmp4, $4  }
0xd2: {  	[tilespmem:s25], [sflag:$0x1] =	stream.linear.gather [hbm4b:s1+s3], $0x80, $0x38;
	[tilespmem:$0x2240] =	vst v63  }
0xd3: {  	s1 =	sand.u32 $0x1FFFFFF0, s4  }
0xd4: {  	s1 =	sadd.s32 s6, s1  }
0xd5: {  	[tilespmem:s26], [sflag:$0x1] =	stream.linear.gather [hbm4b:s1+s3], $0x80, $0x38;
	[tilespmem:$0x2240] =	vst v63  }
0xd6: {  	s1 =	simm.s32 $0x880;
	s4 =	rddreg [dreg:$0x4]  }
0xd7: {  	[tilespmem:s1], [sflag:$0x3] =	stream.linear.gather [hbm4b:s4+s3], $0x80, $0x38;
	[tilespmem:$0x2240] =	vst v63  }
0xd8: {  	_ =	swait.ge [sflag:s10], $0x80  }
0xd9: {  	[sflag:s10] =	ssyncset.done $0x0  }
0xda: {  	[sflag:s10] =	ssyncadd.s32 $0xFFFFFF80  }
0xdb: {  	v6 =	vld [tilespmem:$0x880];
	_ =	sdelay $0x4  }
0xdc: {  	v6 =	vshll.u32 v6, $0x4  }
0xdd: {  	(v2sf) =	vpush v6, $0x0;
	_ =	sdelay $0x3  }
0xde: {  	(v2sf) =	vpush v6, $0x1;
	_ =	sdelay $0x3  }
0xdf: {  	(v2sf) =	vpush v6, $0x2;
	_ =	sdelay $0x3  }
0xe0: {  	(v2sf) =	vpush v6, $0x3;
	_ =	sdelay $0x2  }
0xe1: {  	s4 =	spop (v2sf)  }
0xe2: {  	(v2sf) =	vpush v6, $0x4;
	s1 =	sand.u32 $0x1FFFFFF0, s4  }
0xe3: {  	s4 =	smov.u32 s2;
	s2 =	simm.s32 $0x900;
	s1 =	sadd.s32 s5, s1  }
0xe4: {  	v7 =	vld [tilespmem:$0x890];
	[tilespmem:s2], [sflag:$0x2] =	stream.linear.gather [hbm4b:s1+s3], $0x80, $0x38  }
0xe5: {  	s2 =	smov.u32 s4;
	s4 =	spop (v2sf)  }
0xe6: {  	(v2sf) =	vpush v6, $0x5;
	s1 =	sand.u32 $0x1FFFFFF0, s4  }
0xe7: {  	s4 =	simm.s32 $0x980;
	s1 =	sadd.s32 s5, s1  }
0xe8: {  	[tilespmem:s4], [sflag:$0x2] =	stream.linear.gather [hbm4b:s1+s3], $0x80, $0x38;
	[tilespmem:$0x2240] =	vst v63  }
0xe9: {  	s4 =	spop (v2sf)  }
0xea: {  	(v2sf) =	vpush v6, $0x6;
	s1 =	sand.u32 $0x1FFFFFF0, s4  }
0xeb: {  	s4 =	simm.s32 $0xA00;
	s1 =	sadd.s32 s5, s1  }
0xec: {  	[tilespmem:s4], [sflag:$0x2] =	stream.linear.gather [hbm4b:s1+s3], $0x80, $0x38;
	[tilespmem:$0x2240] =	vst v63  }
0xed: {  	s4 =	spop (v2sf)  }
0xee: {  	(v2sf) =	vpush v6, $0x7;
	s1 =	sand.u32 $0x1FFFFFF0, s4  }
0xef: {  	s4 =	simm.s32 $0xA80;
	s1 =	sadd.s32 s5, s1  }
0xf0: {  	[tilespmem:s4], [sflag:$0x2] =	stream.linear.gather [hbm4b:s1+s3], $0x80, $0x38;
	[tilespmem:$0x2240] =	vst v63  }
0xf1: {  	s4 =	spop (v2sf)  }
0xf2: {  	(v2sf) =	vpush v6, $0x8;
	s1 =	sand.u32 $0x1FFFFFF0, s4  }
0xf3: {  	s4 =	simm.s32 $0xB00;
	s1 =	sadd.s32 s5, s1  }
0xf4: {  	[tilespmem:s4], [sflag:$0x2] =	stream.linear.gather [hbm4b:s1+s3], $0x80, $0x38;
	[tilespmem:$0x2240] =	vst v63  }
0xf5: {  	s4 =	spop (v2sf)  }
0xf6: {  	(v2sf) =	vpush v6, $0x9;
	s1 =	sand.u32 $0x1FFFFFF0, s4  }
0xf7: {  	s4 =	simm.s32 $0xB80;
	s1 =	sadd.s32 s5, s1  }
0xf8: {  	[tilespmem:s4], [sflag:$0x2] =	stream.linear.gather [hbm4b:s1+s3], $0x80, $0x38;
	[tilespmem:$0x2240] =	vst v63  }
0xf9: {  	s4 =	spop (v2sf)  }
0xfa: {  	(v2sf) =	vpush v6, $0xA;
	s1 =	sand.u32 $0x1FFFFFF0, s4  }
0xfb: {  	s4 =	simm.s32 $0xC00;
	s1 =	sadd.s32 s5, s1  }
0xfc: {  	[tilespmem:s4], [sflag:$0x2] =	stream.linear.gather [hbm4b:s1+s3], $0x80, $0x38;
	[tilespmem:$0x2240] =	vst v63  }
0xfd: {  	s4 =	spop (v2sf)  }
0xfe: {  	(v2sf) =	vpush v6, $0xB;
	s1 =	sand.u32 $0x1FFFFFF0, s4  }
0xff: {  	s4 =	simm.s32 $0xC80;
	s1 =	sadd.s32 s5, s1  }
0x100: {  	[tilespmem:s4], [sflag:$0x2] =	stream.linear.gather [hbm4b:s1+s3], $0x80, $0x38;
	[tilespmem:$0x2240] =	vst v63  }
0x101: {  	s4 =	spop (v2sf)  }
0x102: {  	(v2sf) =	vpush v6, $0xC;
	s1 =	sand.u32 $0x1FFFFFF0, s4  }
0x103: {  	s4 =	simm.s32 $0xD00;
	s1 =	sadd.s32 s5, s1  }
0x104: {  	[tilespmem:s4], [sflag:$0x2] =	stream.linear.gather [hbm4b:s1+s3], $0x80, $0x38;
	[tilespmem:$0x2240] =	vst v63  }
0x105: {  	s4 =	spop (v2sf)  }
0x106: {  	(v2sf) =	vpush v6, $0xD;
	s1 =	sand.u32 $0x1FFFFFF0, s4  }
0x107: {  	s4 =	simm.s32 $0xD80;
	s1 =	sadd.s32 s5, s1  }
0x108: {  	[tilespmem:s4], [sflag:$0x2] =	stream.linear.gather [hbm4b:s1+s3], $0x80, $0x38;
	[tilespmem:$0x2240] =	vst v63  }
0x109: {  	s4 =	spop (v2sf)  }
0x10a: {  	(v2sf) =	vpush v6, $0xE;
	s1 =	sand.u32 $0x1FFFFFF0, s4  }
0x10b: {  	s4 =	simm.s32 $0xE00;
	s1 =	sadd.s32 s5, s1  }
0x10c: {  	[tilespmem:s4], [sflag:$0x2] =	stream.linear.gather [hbm4b:s1+s3], $0x80, $0x38;
	[tilespmem:$0x2240] =	vst v63  }
0x10d: {  	s4 =	spop (v2sf)  }
0x10e: {  	(v2sf) =	vpush v6, $0xF;
	s1 =	sand.u32 $0x1FFFFFF0, s4  }
0x10f: {  	s4 =	simm.s32 $0xE80;
	s1 =	sadd.s32 s5, s1  }
0x110: {  	[tilespmem:s4], [sflag:$0x2] =	stream.linear.gather [hbm4b:s1+s3], $0x80, $0x38;
	[tilespmem:$0x2240] =	vst v63  }
0x111: {  	v6 =	vshll.u32 v7, $0x4;
	s4 =	spop (v2sf)  }
0x112: {  	(v2sf) =	vpush v6, $0x0;
	s1 =	sand.u32 $0x1FFFFFF0, s4  }
0x113: {  	s4 =	simm.s32 $0xF00;
	s1 =	sadd.s32 s5, s1  }
0x114: {  	[tilespmem:s4], [sflag:$0x2] =	stream.linear.gather [hbm4b:s1+s3], $0x80, $0x38;
	[tilespmem:$0x2240] =	vst v63  }
0x115: {  	s4 =	spop (v2sf)  }
0x116: {  	(v2sf) =	vpush v6, $0x1;
	s1 =	sand.u32 $0x1FFFFFF0, s4  }
0x117: {  	s4 =	simm.s32 $0xF80;
	s1 =	sadd.s32 s5, s1  }
0x118: {  	[tilespmem:s4], [sflag:$0x2] =	stream.linear.gather [hbm4b:s1+s3], $0x80, $0x38;
	[tilespmem:$0x2240] =	vst v63  }
0x119: {  	s4 =	spop (v2sf)  }
0x11a: {  	(v2sf) =	vpush v6, $0x2;
	s1 =	sand.u32 $0x1FFFFFF0, s4  }
0x11b: {  	s4 =	simm.s32 $0x1000;
	s1 =	sadd.s32 s5, s1  }
0x11c: {  	[tilespmem:s4], [sflag:$0x2] =	stream.linear.gather [hbm4b:s1+s3], $0x80, $0x38;
	[tilespmem:$0x2240] =	vst v63  }
0x11d: {  	s4 =	spop (v2sf)  }
0x11e: {  	(v2sf) =	vpush v6, $0x3;
	s1 =	sand.u32 $0x1FFFFFF0, s4  }
0x11f: {  	s4 =	simm.s32 $0x1080;
	s1 =	sadd.s32 s5, s1  }
0x120: {  	[tilespmem:s4], [sflag:$0x2] =	stream.linear.gather [hbm4b:s1+s3], $0x80, $0x38;
	[tilespmem:$0x2240] =	vst v63  }
0x121: {  	s4 =	spop (v2sf)  }
0x122: {  	(v2sf) =	vpush v6, $0x4;
	s1 =	sand.u32 $0x1FFFFFF0, s4  }
0x123: {  	s4 =	simm.s32 $0x1100;
	s1 =	sadd.s32 s5, s1  }
0x124: {  	[tilespmem:s4], [sflag:$0x2] =	stream.linear.gather [hbm4b:s1+s3], $0x80, $0x38;
	[tilespmem:$0x2240] =	vst v63  }
0x125: {  	s4 =	spop (v2sf)  }
0x126: {  	s1 =	sand.u32 $0x1FFFFFF0, s4  }
0x127: {  	s4 =	simm.s32 $0x1180;
	s1 =	sadd.s32 s5, s1  }
0x128: {  	[tilespmem:s4], [sflag:$0x2] =	stream.linear.gather [hbm4b:s1+s3], $0x80, $0x38;
	[tilespmem:$0x2240] =	vst v63  }
0x129: {  	s4 =	spop (v2sf)  }
0x12a: {  	s1 =	sand.u32 $0x1FFFFFF0, s4  }
0x12b: {  	s4 =	simm.s32 $0x1200;
	s1 =	sadd.s32 s5, s1  }
0x12c: {  	[tilespmem:s4], [sflag:$0x2] =	stream.linear.gather [hbm4b:s1+s3], $0x80, $0x38;
	[tilespmem:$0x2240] =	vst v63  }
0x12d: {  	s4 =	spop (v2sf)  }
0x12e: {  	s1 =	sand.u32 $0x1FFFFFF0, s4  }
0x12f: {  	s4 =	simm.s32 $0x1280;
	s1 =	sadd.s32 s5, s1  }
0x130: {  	[tilespmem:s4], [sflag:$0x2] =	stream.linear.gather [hbm4b:s1+s3], $0x80, $0x38;
	[tilespmem:$0x2240] =	vst v63  }
0x131: {  	s4 =	spop (v2sf)  }
0x132: {  	s1 =	sand.u32 $0x1FFFFFF0, s4  }
0x133: {  	s4 =	simm.s32 $0x1300;
	s1 =	sadd.s32 s5, s1  }
0x134: {  	[tilespmem:s4], [sflag:$0x2] =	stream.linear.gather [hbm4b:s1+s3], $0x80, $0x38;
	[tilespmem:$0x2240] =	vst v63  }
0x135: {  	_ =	swait.ge [sflag:s30], $0x80  }
0x136: {  	[sflag:s30] =	ssyncset.done $0x0  }
0x137: {  	[sflag:s30] =	ssyncadd.s32 $0xFFFFFF80  }
0x138: {  	_ =	swait.ge [sflag:s30], $0x80  }
0x139: {  	[sflag:s30] =	ssyncset.done $0x0  }
0x13a: {  	[sflag:s30] =	ssyncadd.s32 $0xFFFFFF80  }
0x13b: {  	_ =	swait.ge [sflag:s30], $0x80  }
0x13c: {  	[sflag:s30] =	ssyncset.done $0x0  }
0x13d: {  	[sflag:s30] =	ssyncadd.s32 $0xFFFFFF80  }
0x13e: {  	_ =	swait.ge [sflag:s30], $0x80  }
0x13f: {  	[sflag:s30] =	ssyncset.done $0x0  }
0x140: {  	[sflag:s30] =	ssyncadd.s32 $0xFFFFFF80  }
0x141: {  	_ =	swait.ge [sflag:s30], $0x80  }
0x142: {  	[sflag:s30] =	ssyncset.done $0x0  }
0x143: {  	[sflag:s30] =	ssyncadd.s32 $0xFFFFFF80  }
0x144: {  	_ =	swait.ge [sflag:s30], $0x80  }
0x145: {  	[sflag:s30] =	ssyncset.done $0x0  }
0x146: {  	[sflag:s30] =	ssyncadd.s32 $0xFFFFFF80  }
0x147: {  	_ =	swait.ge [sflag:s30], $0x80  }
0x148: {  	[sflag:s30] =	ssyncset.done $0x0  }
0x149: {  	[sflag:s30] =	ssyncadd.s32 $0xFFFFFF80  }
0x14a: {  	_ =	swait.ge [sflag:s30], $0x80  }
0x14b: {  	[sflag:s30] =	ssyncset.done $0x0  }
0x14c: {  	[sflag:s30] =	ssyncadd.s32 $0xFFFFFF80  }
0x14d: {  	_ =	swait.ge [sflag:s30], $0x80  }
0x14e: {  	[sflag:s30] =	ssyncset.done $0x0  }
0x14f: {  	[sflag:s30] =	ssyncadd.s32 $0xFFFFFF80  }
0x150: {  	_ =	swait.ge [sflag:s30], $0x80  }
0x151: {  	[sflag:s30] =	ssyncset.done $0x0  }
0x152: {  	[sflag:s30] =	ssyncadd.s32 $0xFFFFFF80  }
0x153: {  	_ =	swait.ge [sflag:s30], $0x80  }
0x154: {  	[sflag:s30] =	ssyncset.done $0x0  }
0x155: {  	[sflag:s30] =	ssyncadd.s32 $0xFFFFFF80  }
0x156: {  	_ =	swait.ge [sflag:s30], $0x80  }
0x157: {  	[sflag:s30] =	ssyncset.done $0x0  }
0x158: {  	[sflag:s30] =	ssyncadd.s32 $0xFFFFFF80  }
0x159: {  	_ =	swait.ge [sflag:s30], $0x80  }
0x15a: {  	[sflag:s30] =	ssyncset.done $0x0  }
0x15b: {  	[sflag:s30] =	ssyncadd.s32 $0xFFFFFF80  }
0x15c: {  	_ =	swait.ge [sflag:s30], $0x80  }
0x15d: {  	[sflag:s30] =	ssyncset.done $0x0  }
0x15e: {  	[sflag:s30] =	ssyncadd.s32 $0xFFFFFF80  }
0x15f: {  	_ =	swait.ge [sflag:s30], $0x80  }
0x160: {  	[sflag:s30] =	ssyncset.done $0x0  }
0x161: {  	[sflag:s30] =	ssyncadd.s32 $0xFFFFFF80  }
0x162: {  	_ =	swait.ge [sflag:s30], $0x80  }
0x163: {  	[sflag:s30] =	ssyncset.done $0x0  }
0x164: {  	[sflag:s30] =	ssyncadd.s32 $0xFFFFFF80  }
0x165: {  	_ =	swait.ge [sflag:s30], $0x80  }
0x166: {  	[sflag:s30] =	ssyncset.done $0x0  }
0x167: {  	[sflag:s30] =	ssyncadd.s32 $0xFFFFFF80  }
0x168: {  	_ =	swait.ge [sflag:s30], $0x80  }
0x169: {  	[sflag:s30] =	ssyncset.done $0x0  }
0x16a: {  	[sflag:s30] =	ssyncadd.s32 $0xFFFFFF80  }
0x16b: {  	_ =	swait.ge [sflag:s30], $0x80  }
0x16c: {  	[sflag:s30] =	ssyncset.done $0x0  }
0x16d: {  	[sflag:s30] =	ssyncadd.s32 $0xFFFFFF80  }
0x16e: {  	_ =	swait.ge [sflag:s30], $0x80  }
.Ltmp5:
0x16f: {  	[sflag:s30] =	ssyncset.done $0x0;
	(pc) =	sbr.rel .LBB2_4-.Ltmp5, $4  }
0x170: {  	[sflag:s30] =	ssyncadd.s32 $0xFFFFFF80  }
0x171: {  	_ =	swait.ge [sflag:s30], $0x80  }
0x172: {  	[sflag:s30] =	ssyncset.done $0x0  }
0x173: {  	[sflag:s30] =	ssyncadd.s32 $0xFFFFFF80  }
.LBB2_6:
0x174: {  	[tilespmem:s28], [sflag:$0x3] =	stream.linear.gather [spmem:s2], $0x800, $0x38;
	[tilespmem:$0x2240] =	vst v63  }
0x175: {  	_ =	swait.ge [sflag:s10], $0x800  }
0x176: {  	[sflag:s10] =	ssyncset.done $0x0  }
0x177: {  	[sflag:s10] =	ssyncadd.s32 $0xFFFFF800  }
0x178: {  	v6 =	vld [tilespmem:$0x1980]  }
0x179: {  	v7 =	vld [tilespmem:$0x1990]  }
0x17a: {  	v8 =	vld [tilespmem:$0x19A0]  }
0x17b: {  	v9 =	vld [tilespmem:$0x19B0]  }
0x17c: {  	v10 =	vld [tilespmem:$0x1A00]  }
0x17d: {  	v11 =	vld [tilespmem:$0x1A10]  }
0x17e: {  	v12 =	vld [tilespmem:$0x1A20]  }
0x17f: {  	v13 =	vld [tilespmem:$0x1A30]  }
0x180: {  	v14 =	vld [tilespmem:$0x1A80]  }
0x181: {  	v15 =	vld [tilespmem:$0x1A90]  }
0x182: {  	v16 =	vld [tilespmem:$0x1AA0]  }
0x183: {  	v17 =	vld [tilespmem:$0x1AB0]  }
0x184: {  	v18 =	vld [tilespmem:$0x1B00]  }
0x185: {  	v19 =	vld [tilespmem:$0x1B10]  }
0x186: {  	v20 =	vld [tilespmem:$0x1B20]  }
0x187: {  	v21 =	vld [tilespmem:$0x1B30]  }
0x188: {  	v22 =	vld [tilespmem:$0x1B80]  }
0x189: {  	v23 =	vld [tilespmem:$0x1B90]  }
0x18a: {  	v24 =	vld [tilespmem:$0x1BA0]  }
0x18b: {  	v25 =	vld [tilespmem:$0x1BB0]  }
0x18c: {  	v26 =	vld [tilespmem:$0x1C00]  }
0x18d: {  	v27 =	vld [tilespmem:$0x1C10]  }
0x18e: {  	v28 =	vld [tilespmem:$0x1C20]  }
0x18f: {  	v29 =	vld [tilespmem:$0x1C30]  }
0x190: {  	v30 =	vld [tilespmem:$0x1C80]  }
0x191: {  	v31 =	vld [tilespmem:$0x1C90]  }
0x192: {  	v32 =	vld [tilespmem:$0x1CA0]  }
0x193: {  	v33 =	vld [tilespmem:$0x1CB0]  }
0x194: {  	v34 =	vld [tilespmem:$0x1D00]  }
0x195: {  	v35 =	vld [tilespmem:$0x1D10]  }
0x196: {  	v36 =	vld [tilespmem:$0x1D20]  }
0x197: {  	v37 =	vld [tilespmem:$0x1D30]  }
0x198: {  	v38 =	vld [tilespmem:$0x1D80]  }
0x199: {  	v39 =	vld [tilespmem:$0x1D90]  }
0x19a: {  	v40 =	vld [tilespmem:$0x1DA0]  }
0x19b: {  	v41 =	vld [tilespmem:$0x1DB0]  }
0x19c: {  	v49 =	vld [tilespmem:$0x1E00]  }
0x19d: {  	v42 =	vld [tilespmem:$0x1E10]  }
0x19e: {  	v50 =	vld [tilespmem:$0x1E20]  }
0x19f: {  	v51 =	vld [tilespmem:$0x1E30]  }
0x1a0: {  	v52 =	vld [tilespmem:$0x1E80]  }
0x1a1: {  	v53 =	vld [tilespmem:$0x1E90]  }
0x1a2: {  	v54 =	vld [tilespmem:$0x1EA0]  }
0x1a3: {  	v55 =	vld [tilespmem:$0x1EB0]  }
0x1a4: {  	v56 =	vld [tilespmem:$0x1F00];
	v6 =	vadd.f32 $0.0e+00, v6;
	v7 =	vadd.f32 $0.0e+00, v7  }
0x1a5: {  	v57 =	vld [tilespmem:$0x1F10];
	v8 =	vadd.f32 $0.0e+00, v8;
	v9 =	vadd.f32 $0.0e+00, v9  }
0x1a6: {  	v58 =	vld [tilespmem:$0x1F20];
	v6 =	vadd.f32 v10, v6;
	v7 =	vadd.f32 v11, v7  }
0x1a7: {  	v59 =	vld [tilespmem:$0x1F30];
	v8 =	vadd.f32 v12, v8;
	v9 =	vadd.f32 v13, v9  }
0x1a8: {  	v60 =	vld [tilespmem:$0x1F80];
	v6 =	vadd.f32 v14, v6;
	v7 =	vadd.f32 v15, v7  }
0x1a9: {  	v61 =	vld [tilespmem:$0x1F90];
	v8 =	vadd.f32 v16, v8;
	v9 =	vadd.f32 v17, v9  }
0x1aa: {  	v62 =	vld [tilespmem:$0x1FA0];
	v6 =	vadd.f32 v18, v6;
	v7 =	vadd.f32 v19, v7  }
0x1ab: {  	v63 =	vld [tilespmem:$0x1FB0];
	v8 =	vadd.f32 v20, v8;
	v9 =	vadd.f32 v21, v9  }
0x1ac: {  	v45 =	vld [tilespmem:$0x930];
	v6 =	vadd.f32 v22, v6;
	v7 =	vadd.f32 v23, v7  }
0x1ad: {  	v46 =	vld [tilespmem:$0x980];
	v8 =	vadd.f32 v24, v8;
	v9 =	vadd.f32 v25, v9  }
0x1ae: {  	v25 =	vld [tilespmem:$0xB00];
	v6 =	vadd.f32 v26, v6;
	v7 =	vadd.f32 v27, v7  }
0x1af: {  	v8 =	vadd.f32 v28, v8;
	v9 =	vadd.f32 v29, v9;
	v28 =	vld [tilespmem:$0x2000]  }
0x1b0: {  	v29 =	vld [tilespmem:$0x2010];
	v6 =	vadd.f32 v30, v6;
	v7 =	vadd.f32 v31, v7  }
0x1b1: {  	v26 =	vld [tilespmem:$0xAB0];
	v8 =	vadd.f32 v32, v8  }
0x1b2: {  	v30 =	vld [tilespmem:$0x2020];
	v6 =	vadd.f32 v34, v6;
	v7 =	vadd.f32 v35, v7  }
0x1b3: {  	v31 =	vld [tilespmem:$0x2030];
	v8 =	vadd.f32 v36, v8  }
0x1b4: {  	v32 =	vld [tilespmem:$0x2080];
	v6 =	vadd.f32 v38, v6;
	v7 =	vadd.f32 v39, v7  }
0x1b5: {  	v9 =	vadd.f32 v33, v9;
	v33 =	vld [tilespmem:$0x2090];
	v8 =	vadd.f32 v40, v8  }
0x1b6: {  	v34 =	vld [tilespmem:$0x20A0];
	v6 =	vadd.f32 v49, v6;
	v7 =	vadd.f32 v42, v7  }
0x1b7: {  	v9 =	vadd.f32 v37, v9;
	v35 =	vld [tilespmem:$0x2100];
	v8 =	vadd.f32 v50, v8  }
0x1b8: {  	v36 =	vld [tilespmem:$0x20B0];
	v6 =	vadd.f32 v52, v6;
	v7 =	vadd.f32 v53, v7  }
0x1b9: {  	v37 =	vld [tilespmem:$0x2110];
	v9 =	vadd.f32 v41, v9;
	v8 =	vadd.f32 v54, v8  }
0x1ba: {  	v38 =	vld [tilespmem:$0x2120];
	v6 =	vadd.f32 v56, v6;
	v7 =	vadd.f32 v57, v7  }
0x1bb: {  	v39 =	vld [tilespmem:$0x900];
	v9 =	vadd.f32 v51, v9;
	v8 =	vadd.f32 v58, v8  }
0x1bc: {  	v40 =	vld [tilespmem:$0x2130];
	v6 =	vadd.f32 v60, v6;
	v7 =	vadd.f32 v61, v7  }
0x1bd: {  	v41 =	vld [tilespmem:$0x910];
	v9 =	vadd.f32 v55, v9;
	v8 =	vadd.f32 v62, v8  }
0x1be: {  	v42 =	vld [tilespmem:$0x920];
	v6 =	vadd.f32 v28, v6;
	v7 =	vadd.f32 v29, v7  }
0x1bf: {  	v49 =	vld [tilespmem:$0x990];
	v9 =	vadd.f32 v59, v9;
	v8 =	vadd.f32 v30, v8  }
0x1c0: {  	v50 =	vld [tilespmem:$0x9A0];
	v6 =	vadd.f32 v32, v6;
	v7 =	vadd.f32 v33, v7  }
0x1c1: {  	v52 =	vld [tilespmem:$0xA00];
	v9 =	vadd.f32 v63, v9;
	v8 =	vadd.f32 v34, v8  }
0x1c2: {  	v56 =	vld [tilespmem:$0xA10];
	v6 =	vadd.f32 v35, v6;
	v7 =	vadd.f32 v37, v7  }
0x1c3: {  	v57 =	vld [tilespmem:$0xA80];
	v43 =	vadd.f32 v38, v8  }
0x1c4: {  	v60 =	vld [tilespmem:$0xA20];
	v11 =	vadd.f32 v31, v9;
	v9 =	vmul.f32 $4.999999890e-03, v6;
	v8 =	vmul.f32 $4.999999890e-03, v7  }
0x1c5: {  	v61 =	vld [tilespmem:$0xA90];
	v7 =	vmul.f32 $4.999999890e-03, v43  }
0x1c6: {  	v63 =	vld [tilespmem:$0xAA0];
	v44 =	vmul.f32 v39, v9;
	v48 =	vmul.f32 v41, v8  }
0x1c7: {  	v29 =	vld [tilespmem:$0xB10];
	v10 =	vmul.f32 v42, v7;
	v12 =	vmul.f32 v46, v9  }
0x1c8: {  	v53 =	vld [tilespmem:$0x9B0];
	v55 =	vmul.f32 v49, v8;
	v59 =	vmul.f32 v50, v7  }
0x1c9: {  	v33 =	vld [tilespmem:$0xB20];
	v6 =	vadd.f32 v36, v11;
	v14 =	vmul.f32 v52, v9;
	v15 =	vmul.f32 v56, v8  }
0x1ca: {  	v62 =	vld [tilespmem:$0xA30];
	v17 =	vmul.f32 v57, v9;
	v13 =	vmul.f32 v60, v7  }
0x1cb: {  	v37 =	vld [tilespmem:$0xB30];
	v6 =	vadd.f32 v40, v6;
	v28 =	vmul.f32 v61, v8;
	v32 =	vmul.f32 v63, v7  }
0x1cc: {  	v34 =	vmul.f32 v25, v9;
	v39 =	vmul.f32 v29, v8;
	v40 =	vld [tilespmem:$0xB80];
	v47 =	vadd.f32 $0.0e+00, v44  }
0x1cd: {  	v50 =	vld [tilespmem:$0xBB0];
	v6 =	vmul.f32 $4.999999890e-03, v6;
	v54 =	vadd.f32 $0.0e+00, v12;
	v14 =	vadd.f32 $0.0e+00, v14  }
0x1ce: {  	v63 =	vld [tilespmem:$0xC80];
	v27 =	vadd.f32 $0.0e+00, v17;
	v38 =	vadd.f32 $0.0e+00, v34;
	v44 =	vmul.f32 v33, v7  }
0x1cf: {  	v57 =	vld [tilespmem:$0xC10];
	v11 =	vadd.f32 v48, v47;
	v51 =	vmul.f32 v45, v6;
	v16 =	vmul.f32 v53, v6  }
0x1d0: {  	v34 =	vld [tilespmem:$0xD00];
	v14 =	vadd.f32 v15, v14;
	v12 =	vmul.f32 v62, v6;
	v31 =	vadd.f32 v28, v27  }
0x1d1: {  	v15 =	vmul.f32 v26, v6;
	v43 =	vadd.f32 v39, v38;
	v45 =	vld [tilespmem:$0xB90];
	v10 =	vadd.f32 v10, v11  }
0x1d2: {  	v29 =	vld [tilespmem:$0xC30];
	v19 =	vmul.f32 v40, v9;
	v11 =	vadd.f32 v55, v54;
	v13 =	vadd.f32 v13, v14  }
0x1d3: {  	v48 =	vld [tilespmem:$0xBA0];
	v38 =	vmul.f32 v63, v9;
	v36 =	vadd.f32 v32, v31;
	v10 =	vadd.f32 v51, v10  }
0x1d4: {  	v26 =	vld [tilespmem:$0xE10];
	v14 =	vmul.f32 v37, v6;
	v11 =	vadd.f32 v59, v11;
	v12 =	vadd.f32 v12, v13  }
0x1d5: {  	v54 =	vld [tilespmem:$0xC00];
	v13 =	vadd.f32 v15, v36;
	v51 =	vadd.f32 $0.0e+00, v19;
	v19 =	vmul.f32 v57, v8  }
0x1d6: {  	v31 =	vld [tilespmem:$0xC90];
	v15 =	vadd.f32 v44, v43;
	v44 =	vmul.f32 v34, v9;
	v17 =	vmul.f32 v45, v8  }
0x1d7: {  	v36 =	vld [tilespmem:$0xCA0];
	v58 =	vperm.xlane v10, v2;
	v11 =	vadd.f32 v16, v11;
	v42 =	vperm.xlane v12, v2  }
0x1d8: {  	v43 =	vld [tilespmem:$0xD20];
	v47 =	vperm.xlane v13, v2;
	v14 =	vadd.f32 v14, v15;
	v16 =	vmul.f32 v48, v7  }
0x1d9: {  	v34 =	vld [tilespmem:$0xE30];
	v15 =	vmul.f32 v50, v6;
	v20 =	vadd.f32 $0.0e+00, v44;
	v17 =	vadd.f32 v17, v51  }
0x1da: {  	v62 =	vmul.f32 v54, v9;
	v10 =	vadd.f32 v10, v58;
	v30 =	vperm.xlane v11, v2  }
0x1db: {  	v39 =	vld [tilespmem:$0xD10];
	v12 =	vadd.f32 v12, v42;
	v53 =	vperm.xlane v14, v2;
	v42 =	vmul.f32 v31, v8  }
0x1dc: {  	v16 =	vadd.f32 v16, v17;
	v17 =	vmul.f32 v29, v6;
	v45 =	vmul.f32 v36, v7  }
0x1dd: {  	v13 =	vadd.f32 v13, v47;
	v51 =	vmul.f32 v43, v7;
	v36 =	vmul.f32 v26, v8  }
0x1de: {  	v44 =	vmul.f32 v34, v6;
	v24 =	vperm.xlane v10, v3;
	v11 =	vadd.f32 v11, v30  }
0x1df: {  	v21 =	vperm.xlane v12, v3;
	v52 =	vperm.xlane v13, v3;
	v14 =	vadd.f32 v14, v53  }
0x1e0: {  	v60 =	vld [tilespmem:$0xC20];
	v61 =	vadd.f32 v15, v16;
	v15 =	vadd.f32 $0.0e+00, v62;
	v16 =	vmul.f32 v39, v8  }
0x1e1: {  	v47 =	vld [tilespmem:$0xD80];
	v10 =	vadd.f32 v10, v24;
	v41 =	vperm.xlane v11, v3;
	v12 =	vadd.f32 v12, v21  }
0x1e2: {  	v62 =	vld [tilespmem:$0xE00];
	v13 =	vadd.f32 v13, v52;
	v59 =	vperm.xlane v14, v3;
	v30 =	vperm.xlane v61, v2  }
0x1e3: {  	v52 =	vld [tilespmem:$0xD90];
	v16 =	vadd.f32 v16, v20;
	v35 =	vperm.xlane v10, v4;
	v11 =	vadd.f32 v11, v41  }
0x1e4: {  	v56 =	vperm.xlane v12, v4;
	v58 =	vperm.xlane v13, v4;
	v14 =	vadd.f32 v14, v59  }
0x1e5: {  	v31 =	vld [tilespmem:$0xE20];
	v54 =	vadd.f32 v51, v16;
	v10 =	vadd.f32 v10, v35;
	v49 =	vperm.xlane v11, v4  }
0x1e6: {  	v41 =	vld [tilespmem:$0xCB0];
	v12 =	vadd.f32 v12, v56;
	v33 =	vperm.xlane v14, v4;
	v35 =	vmul.f32 v60, v7  }
0x1e7: {  	v13 =	vadd.f32 v13, v58;
	v58 =	vmul.f32 v47, v9;
	v16 =	vmul.f32 v62, v9  }
0x1e8: {  	v15 =	vadd.f32 v19, v15;
	v59 =	vld [tilespmem:$0xDB0];
	v24 =	vmul.f32 v52, v8;
	v46 =	vperm.xlane v10, v5  }
0x1e9: {  	v11 =	vadd.f32 v11, v49;
	v28 =	vperm.xlane v12, v5;
	v14 =	vadd.f32 v14, v33  }
0x1ea: {  	v32 =	vperm.xlane v13, v5;
	v15 =	vadd.f32 v35, v15;
	v63 =	vadd.f32 $0.0e+00, v58  }
0x1eb: {  	v56 =	vld [tilespmem:$0xDA0];
	v35 =	vadd.f32 $0.0e+00, v16;
	v50 =	vmul.f32 v41, v6;
	v41 =	vmul.f32 v31, v7  }
0x1ec: {  	v10 =	vadd.f32 v10, v46;
	v55 =	vperm.xlane v11, v5;
	v37 =	vadd.f32 v13, v32;
	v46 =	vld [tilespmem:$0xD30]  }
0x1ed: {  	v13 =	vadd.f32 $0.0e+00, v38;
	v15 =	vadd.f32 v17, v15;
	v32 =	vmul.f32 v59, v6;
	v59 =	vld [tilespmem:$0xF80]  }
0x1ee: {  	v23 =	vperm.xlane v14, v5;
	v27 =	vadd.f32 v24, v63;
	v63 =	vld [tilespmem:$0xF90];
	v11 =	vadd.f32 v11, v55  }
0x1ef: {  	v12 =	vadd.f32 v12, v28;
	v13 =	vadd.f32 v42, v13;
	v49 =	vperm.xlane v15, v2  }
0x1f0: {  	v14 =	vadd.f32 v14, v23;
	v42 =	vld [tilespmem:$0xE90];
	v10 =	vsel vm0, v10, v11;
	v11 =	vadd.f32 v61, v30  }
0x1f1: {  	v28 =	vmul.f32 v56, v7;
	v13 =	vadd.f32 v45, v13;
	v53 =	vadd.f32 v15, v49  }
0x1f2: {  	v45 =	vld [tilespmem:$0xEA0];
	v10 =	vsel vm1, v10, v12;
	v55 =	vmul.f32 v46, v6;
	v34 =	vmul.f32 v59, v9  }
0x1f3: {  	v56 =	vld [tilespmem:$0xF20];
	v19 =	vmul.f32 v63, v8;
	v40 =	vperm.xlane v11, v3;
	v10 =	vsel vm2, v10, v37  }
0x1f4: {  	v13 =	vadd.f32 v50, v13;
	v60 =	vperm.xlane v53, v3;
	v37 =	vld [tilespmem:$0xE80];
	v10 =	vsel vm3, v10, v14  }
0x1f5: {  	v50 =	vld [tilespmem:$0xF00];
	v15 =	vadd.f32 v55, v54;
	v14 =	vadd.f32 v36, v35;
	v52 =	vmul.f32 v42, v8  }
0x1f6: {  	v35 =	vld [tilespmem:$0x1000];
	v11 =	vadd.f32 v11, v40;
	v61 =	vperm.xlane v13, v2;
	v12 =	vadd.f32 v53, v60  }
0x1f7: {  	v25 =	vperm.xlane v15, v2;
	v14 =	vadd.f32 v41, v14;
	v58 =	vmul.f32 v45, v7  }
0x1f8: {  	v53 =	vld [tilespmem:$0xF10];
	v48 =	vperm.xlane v11, v4;
	v13 =	vadd.f32 v13, v61;
	v29 =	vperm.xlane v12, v4  }
0x1f9: {  	v15 =	vadd.f32 v15, v25;
	v47 =	vmul.f32 v37, v9;
	v14 =	vadd.f32 v44, v14  }
0x1fa: {  	v41 =	vld [tilespmem:$0x1090];
	v16 =	vmul.f32 v50, v9;
	v37 =	vmul.f32 v56, v7;
	v11 =	vadd.f32 v11, v48  }
0x1fb: {  	v61 =	vld [tilespmem:$0xF30];
	v30 =	vperm.xlane v13, v3;
	v12 =	vadd.f32 v12, v29;
	v17 =	vmul.f32 v35, v9  }
0x1fc: {  	v33 =	vperm.xlane v15, v3;
	v51 =	vadd.f32 $0.0e+00, v47;
	v55 =	vperm.xlane v14, v2  }
0x1fd: {  	v48 =	vld [tilespmem:$0xEB0];
	v31 =	vmul.f32 v53, v8;
	v57 =	vperm.xlane v11, v5;
	v13 =	vadd.f32 v13, v30  }
0x1fe: {  	v29 =	vld [tilespmem:$0xFA0];
	v38 =	vperm.xlane v12, v5;
	v30 =	vadd.f32 $0.0e+00, v16;
	v17 =	vadd.f32 $0.0e+00, v17  }
0x1ff: {  	v16 =	vmul.f32 v41, v8;
	v15 =	vadd.f32 v15, v33;
	v14 =	vadd.f32 v14, v55  }
0x200: {  	v47 =	vld [tilespmem:$0x10B0];
	v21 =	vmul.f32 v61, v6;
	v11 =	vadd.f32 v11, v57;
	v39 =	vperm.xlane v13, v4  }
0x201: {  	v12 =	vadd.f32 v12, v38;
	v57 =	vadd.f32 v52, v51;
	v43 =	vperm.xlane v15, v4  }
0x202: {  	v38 =	vld [tilespmem:$0x1080];
	v10 =	vsel vm4, v10, v11;
	v11 =	vadd.f32 v28, v27;
	v13 =	vadd.f32 v13, v39  }
0x203: {  	v62 =	vmul.f32 v48, v6;
	v18 =	vmul.f32 v29, v7;
	v39 =	vld [tilespmem:$0x1010];
	v15 =	vadd.f32 v15, v43  }
0x204: {  	v28 =	vperm.xlane v14, v3;
	v11 =	vadd.f32 v32, v11;
	v46 =	vperm.xlane v13, v5  }
0x205: {  	v52 =	vmul.f32 v47, v6;
	v10 =	vsel vm5, v10, v12;
	v54 =	vperm.xlane v15, v5  }
0x206: {  	v14 =	vadd.f32 v14, v28;
	v40 =	vperm.xlane v11, v2;
	v12 =	vadd.f32 v13, v46  }
0x207: {  	v32 =	vld [tilespmem:$0xFB0];
	v13 =	vadd.f32 v31, v30;
	v46 =	vmul.f32 v38, v9;
	v15 =	vadd.f32 v15, v54  }
0x208: {  	v42 =	vld [tilespmem:$0x1020];
	v22 =	vmul.f32 v39, v8;
	v11 =	vadd.f32 v11, v40;
	v10 =	vsel vm6, v10, v12  }
0x209: {  	v45 =	vld [tilespmem:$0x1030];
	v12 =	vadd.f32 v58, v57;
	v40 =	vperm.xlane v14, v4;
	v13 =	vadd.f32 v37, v13  }
0x20a: {  	v44 =	vld [tilespmem:$0x10A0];
	v10 =	vsel vm7, v10, v15;
	v15 =	vadd.f32 $0.0e+00, v34;
	v17 =	vadd.f32 v22, v17  }
0x20b: {  	v57 =	vld [tilespmem:$0x1100];
	v49 =	vperm.xlane v11, v3;
	v12 =	vadd.f32 v62, v12;
	v13 =	vadd.f32 v21, v13  }
0x20c: {  	v20 =	vmul.f32 v32, v6;
	v21 =	vadd.f32 $0.0e+00, v46;
	v14 =	vadd.f32 v14, v40  }
0x20d: {  	v35 =	vld [tilespmem:$0x1190];
	v15 =	vadd.f32 v19, v15;
	v19 =	vmul.f32 v42, v7;
	v11 =	vadd.f32 v11, v49  }
0x20e: {  	v30 =	vld [tilespmem:$0x1130];
	v36 =	vperm.xlane v12, v2;
	v48 =	vperm.xlane v13, v2;
	v16 =	vadd.f32 v16, v21  }
0x20f: {  	v49 =	vmul.f32 v44, v7;
	v58 =	vperm.xlane v14, v5;
	v15 =	vadd.f32 v18, v15  }
0x210: {  	v63 =	vld [tilespmem:$0x1120];
	v17 =	vadd.f32 v19, v17;
	v18 =	vmul.f32 v45, v6;
	v39 =	vmul.f32 v57, v9  }
0x211: {  	v37 =	vld [tilespmem:$0x11A0];
	v60 =	vperm.xlane v11, v4;
	v12 =	vadd.f32 v12, v36;
	v13 =	vadd.f32 v13, v48  }
0x212: {  	v19 =	vmul.f32 v35, v8;
	v48 =	vld [tilespmem:$0x1230];
	v15 =	vadd.f32 v20, v15;
	v17 =	vadd.f32 v18, v17  }
0x213: {  	v18 =	vmul.f32 v30, v6;
	v11 =	vadd.f32 v11, v60;
	v53 =	vperm.xlane v13, v3  }
0x214: {  	v51 =	vadd.f32 v49, v16;
	v50 =	vperm.xlane v15, v2;
	v56 =	vperm.xlane v17, v2  }
0x215: {  	v43 =	vperm.xlane v12, v3;
	v60 =	vld [tilespmem:$0x1110];
	v33 =	vperm.xlane v11, v5;
	v13 =	vadd.f32 v13, v53  }
0x216: {  	v40 =	vld [tilespmem:$0x11B0];
	v15 =	vadd.f32 v15, v50;
	v62 =	vadd.f32 v17, v56;
	v17 =	vmul.f32 v63, v7  }
0x217: {  	v53 =	vld [tilespmem:$0x1310];
	v56 =	vmul.f32 v37, v7;
	v30 =	vmul.f32 v48, v6;
	v11 =	vadd.f32 v11, v33  }
0x218: {  	v14 =	vadd.f32 v14, v58;
	v61 =	vperm.xlane v13, v4;
	v55 =	vperm.xlane v15, v3  }
0x219: {  	v32 =	vperm.xlane v62, v3;
	v10 =	vsel vm8, v10, v11;
	v11 =	vadd.f32 v12, v43  }
0x21a: {  	v33 =	vld [tilespmem:$0x1180];
	v22 =	vmul.f32 v60, v8;
	v12 =	vadd.f32 v52, v51;
	v13 =	vadd.f32 v13, v61  }
0x21b: {  	v42 =	vld [tilespmem:$0x1200];
	v15 =	vadd.f32 v15, v55;
	v10 =	vsel vm9, v10, v14;
	v14 =	vmul.f32 v40, v6  }
0x21c: {  	v44 =	vld [tilespmem:$0x1210];
	v16 =	vadd.f32 v62, v32;
	v27 =	vmul.f32 v53, v8;
	v54 =	vperm.xlane v11, v4  }
0x21d: {  	v59 =	vperm.xlane v12, v2;
	v36 =	vperm.xlane v13, v5  }
0x21e: {  	v31 =	vperm.xlane v15, v4;
	v23 =	vperm.xlane v16, v4;
	v11 =	vadd.f32 v11, v54  }
0x21f: {  	v47 =	vld [tilespmem:$0x1220];
	v49 =	vmul.f32 v33, v9;
	v12 =	vadd.f32 v12, v59;
	v13 =	vadd.f32 v13, v36  }
0x220: {  	v50 =	vld [tilespmem:$0x1300];
	v54 =	vmul.f32 v42, v9;
	v15 =	vadd.f32 v15, v31;
	v29 =	vperm.xlane v11, v5  }
0x221: {  	v52 =	vld [tilespmem:$0x1280];
	v59 =	vmul.f32 v44, v8;
	v46 =	vadd.f32 v16, v23;
	v34 =	vperm.xlane v12, v3  }
0x222: {  	v58 =	vadd.f32 $0.0e+00, v54;
	v41 =	vperm.xlane v15, v5;
	v11 =	vadd.f32 v11, v29  }
0x223: {  	v55 =	vld [tilespmem:$0x1290];
	v23 =	vperm.xlane v46, v5;
	v38 =	vadd.f32 v12, v34;
	v12 =	vadd.f32 $0.0e+00, v39  }
0x224: {  	v57 =	vld [tilespmem:$0x1320];
	v16 =	vmul.f32 v47, v7;
	v62 =	vadd.f32 v59, v58;
	v45 =	vadd.f32 v15, v41  }
0x225: {  	v61 =	vld [tilespmem:$0x1330];
	v15 =	vadd.f32 v46, v23;
	v10 =	vsel vm10, v10, v11;
	v43 =	vperm.xlane v38, v4  }
0x226: {  	v12 =	vadd.f32 v22, v12;
	v22 =	vmul.f32 v50, v9;
	v9 =	vmul.f32 v52, v9  }
0x227: {  	v60 =	vld [tilespmem:$0x12A0];
	v16 =	vadd.f32 v16, v62;
	v10 =	vsel vm11, v10, v13;
	v13 =	vadd.f32 $0.0e+00, v49  }
0x228: {  	v63 =	vld [tilespmem:$0x12B0];
	v8 =	vmul.f32 v55, v8;
	v11 =	vadd.f32 v38, v43;
	v12 =	vadd.f32 v17, v12  }
0x229: {  	v10 =	vsel vm12, v10, v45;
	v22 =	vadd.f32 $0.0e+00, v22;
	v9 =	vadd.f32 $0.0e+00, v9  }
0x22a: {  	v17 =	vmul.f32 v61, v6;
	v13 =	vadd.f32 v19, v13;
	v19 =	vmul.f32 v57, v7  }
0x22b: {  	v51 =	vperm.xlane v11, v5;
	v12 =	vadd.f32 v18, v12;
	v28 =	vadd.f32 v27, v22  }
0x22c: {  	v7 =	vmul.f32 v60, v7;
	v8 =	vadd.f32 v8, v9;
	v13 =	vadd.f32 v56, v13  }
0x22d: {  	v6 =	vmul.f32 v63, v6;
	v11 =	vadd.f32 v11, v51;
	v29 =	vadd.f32 v19, v28  }
0x22e: {  	v7 =	vadd.f32 v7, v8;
	v31 =	vperm.xlane v12, v2;
	v13 =	vadd.f32 v14, v13  }
0x22f: {  	v10 =	vsel vm13, v10, v15;
	v14 =	vadd.f32 v30, v16;
	v9 =	vadd.f32 v17, v29  }
0x230: {  	v8 =	vadd.f32 v12, v31;
	v6 =	vadd.f32 v6, v7;
	v32 =	vperm.xlane v13, v2  }
0x231: {  	v7 =	vsel vm14, v10, v11;
	v33 =	vperm.xlane v14, v2;
	v34 =	vperm.xlane v9, v2  }
0x232: {  	v37 =	vand.u32 $0x7FFFFFFF, v7;
	v36 =	vperm.xlane v6, v2;
	v12 =	vadd.f32 v13, v32  }
0x233: {  	v35 =	vperm.xlane v8, v3;
	v10 =	vadd.f32 v14, v33;
	v9 =	vadd.f32 v9, v34  }
0x234: {  	v11 =	vsub.f32 $0.0e+00, v37;
	v6 =	vadd.f32 v6, v36;
	v38 =	vperm.xlane v12, v3  }
0x235: {  	v8 =	vadd.f32 v8, v35;
	v39 =	vperm.xlane v10, v3;
	v40 =	vperm.xlane v9, v3  }
0x236: {  	v11 =	vmul.f32 $1.442695020e+00, v11;
	v41 =	vperm.xlane v6, v3;
	v12 =	vadd.f32 v12, v38  }
0x237: {  	v42 =	vperm.xlane v8, v4;
	v10 =	vadd.f32 v10, v39;
	v9 =	vadd.f32 v9, v40  }
0x238: {  	(erf) = vpow2.f32 v11;
	v6 =	vadd.f32 v6, v41;
	v43 =	vperm.xlane v12, v4  }
0x239: {  	v8 =	vadd.f32 v8, v42;
	v44 =	vperm.xlane v10, v4;
	v45 =	vperm.xlane v9, v4  }
0x23a: {  	v14 =	vperm.xlane v6, v4;
	v12 =	vadd.f32 v12, v43  }
0x23b: {  	v46 =	vperm.xlane v8, v5;
	v10 =	vadd.f32 v10, v44;
	v9 =	vadd.f32 v9, v45  }
0x23c: {  	v6 =	vadd.f32 v6, v14;
	v47 =	vperm.xlane v12, v5  }
0x23d: {  	v8 =	vadd.f32 v8, v46;
	v48 =	vperm.xlane v10, v5;
	v49 =	vperm.xlane v9, v5  }
0x23e: {  	vm15 =	vcmask $0x314;
	v50 =	vperm.xlane v6, v5;
	v11 =	vadd.f32 v12, v47  }
0x23f: {  	v8 =	vnsel vm0, $0x0, v8;
	v10 =	vadd.f32 v10, v48;
	v9 =	vadd.f32 v9, v49  }
0x240: {  	v6 =	vadd.f32 v6, v50;
	v8 =	vsel vm15, v8, v11;
	vm15 =	vcmask $0x714  }
0x241: {  	v51 =	vpop (erf);
	v8 =	vsel vm15, v8, v10;
	v9 =	vsub.f32 $0.0e+00, v9;
	vm15 =	vcmask $0xB14  }
0x242: {  	v52 =	vadd.f32 $1.000000000e+00, v51;
	v6 =	vsel vm15, v8, v6;
	vm15 =	vcmask $0xF14  }
0x243: {  	v6 =	vsel vm15, v6, v9  }
0x244: {  	v53 =	vand.u32 $0x7FFFFF, v52;
	v54 =	vand.u32 $0x7FFFFFFF, v6  }
0x245: {  	v9 =	vor.u32 $0x3F800000, v53;
	v10 =	vsub.f32 $0.0e+00, v54  }
0x246: {  	v55 =	vadd.f32 $1.000000000e+00, v9  }
0x247: {  	v10 =	vmul.f32 $1.442695020e+00, v10  }
0x248: {  	(erf) = vrcp.f32 v55  }
0x249: {  	(erf) = vpow2.f32 v10;
	_ =	sdelay $0x7  }
0x24a: {  	v56 =	vpop (erf)  }
0x24b: {  	v57 =	vpop (erf)  }
0x24c: {  	v11 =	vadd.f32 $1.000000000e+00, v57;
	_ =	sdelay $0x1  }
0x24d: {  	v58 =	vand.u32 $0x7FFFFF, v11  }
0x24e: {  	v12 =	vor.u32 $0x3F800000, v58  }
0x24f: {  	v59 =	vadd.f32 $1.000000000e+00, v12;
	_ =	sdelay $0x1  }
0x250: {  	(erf) = vrcp.f32 v59;
	_ =	sdelay $0x7  }
0x251: {  	v12 =	vadd.f32 $-1.000000000e+00, v12  }
0x252: {  	v9 =	vadd.f32 $-1.000000000e+00, v9;
	v13 =	vpop (erf)  }
0x253: {  	v12 =	vmul.f32 v13, v12  }
0x254: {  	v9 =	vmul.f32 v56, v9  }
0x255: {  	v60 =	vmul.f32 v12, v12  }
0x256: {  	v61 =	vmul.f32 v9, v9  }
0x257: {  	v62 =	vmul.f32 $1.111111120e-01, v60  }
0x258: {  	v63 =	vmul.f32 $1.111111120e-01, v61  }
0x259: {  	v14 =	vadd.f32 $1.428571490e-01, v62  }
0x25a: {  	v15 =	vadd.f32 $1.428571490e-01, v63  }
0x25b: {  	v14 =	vmul.f32 v14, v60  }
0x25c: {  	v15 =	vmul.f32 v15, v61  }
0x25d: {  	v14 =	vadd.f32 $2.000000030e-01, v14  }
0x25e: {  	v15 =	vadd.f32 $2.000000030e-01, v15  }
0x25f: {  	v14 =	vmul.f32 v14, v60  }
0x260: {  	v15 =	vmul.f32 v15, v61  }
0x261: {  	v14 =	vadd.f32 $3.333333430e-01, v14  }
0x262: {  	v8 =	vshrl.u32 v52, $0x17;
	v11 =	vshrl.u32 v11, $0x17;
	v15 =	vadd.f32 $3.333333430e-01, v15  }
0x263: {  	v8 =	vand.u32 $0xFF, v8;
	v11 =	vand.u32 $0xFF, v11;
	v10 =	vmul.f32 v14, v60  }
0x264: {  	v8 =	vadd.s32 $0xFFFFFF81, v8;
	v11 =	vadd.s32 $0xFFFFFF81, v11;
	v13 =	vmul.f32 v15, v61  }
0x265: {  	v11 =	vcvt.s32.f32 v11;
	v12 =	vadd.f32 v12, v12;
	v10 =	vadd.f32 $1.000000000e+00, v10  }
0x266: {  	v8 =	vcvt.s32.f32 v8;
	v9 =	vadd.f32 v9, v9;
	v13 =	vadd.f32 $1.000000000e+00, v13  }
0x267: {  	v11 =	vmul.f32 $6.931471820e-01, v11;
	v10 =	vmul.f32 v10, v12  }
0x268: {  	v8 =	vmul.f32 $6.931471820e-01, v8;
	v9 =	vmul.f32 v13, v9  }
0x269: {  	v10 =	vadd.f32 v10, v11  }
0x26a: {  	v6 =	vmax.f32 v6, $0.0e+00;
	v8 =	vadd.f32 v9, v8  }
0x26b: {  	v7 =	vmax.f32 v7, $0.0e+00;
	v6 =	vadd.f32 v10, v6  }
0x26c: {  	v7 =	vadd.f32 v8, v7  }
0x26d: {  	v6 =	vnsel vm4, $0x0, v6  }
0x26e: {  	v6 =	vadd.f32 v6, v7;
	_ =	sdelay $0x1  }
0x26f: {  	v7 =	vperm.xlane v6, v2;
	_ =	sdelay $0x1  }
0x270: {  	v6 =	vadd.f32 v6, v7;
	_ =	sdelay $0x1  }
0x271: {  	v7 =	vperm.xlane v6, v3;
	_ =	sdelay $0x1  }
0x272: {  	v6 =	vadd.f32 v6, v7;
	_ =	sdelay $0x1  }
0x273: {  	v7 =	vperm.xlane v6, v4;
	_ =	sdelay $0x1  }
0x274: {  	v6 =	vadd.f32 v6, v7;
	_ =	sdelay $0x1  }
0x275: {  	v7 =	vperm.xlane v6, v5;
	_ =	sdelay $0x1  }
0x276: {  	v6 =	vadd.f32 v6, v7;
	_ =	sdelay $0x1  }
.Ltmp6:
0x277: {  	s1 =	rddreg [dreg:$0x1];
	[tilespmem:$0x2180] =	vst v6;
	(pc) =	sbr.rel .LBB2_7-.Ltmp6, $4  }
0x278: {  	[hbm4b:s1+s3] =	stream.linear.scatter [tilespmem:s29], [sflag:$0x3], $0x80, $0x38;
	[tilespmem:$0x2240] =	vst v63  }
0x279: {  	_ =	swait.ge [sflag:s10], $0x80  }
0x27a: {  	[sflag:s10] =	ssyncset.done $0x0  }
0x27b: {  	[sflag:s10] =	ssyncadd.s32 $0xFFFFFF80  }
.LBB2_8:
0x27c: {  	_ =	sfence.sel $0x180000  }
0x27d: {  	[bflag:$0x0] =	sbarrier.arrive $0xFFFF  }
0x27e: {  	_ =	strace $0x90000047  }
0x27f: {  	[bflag:$0x2] =	sbarrier.arrive $0xFFFF  }
0x280: {  	s0 =	rddreg [dreg:$0x3]  }
0x281: {  	s0 =	sadd.s32 @!p0 $0x100000, s0  }
0x282: {  	[sflag:s0] =	ssyncadd.tile.s32 @!p0 $0x1;
	_ =	shalt  }
.Lfunc_end2:
_tile_overlayer_lowered:
.L_overlay_start_2:
0x283: {  	(tag) =	ssettag $0x2  }
0x284: {  	s0 =	rddreg [dreg:$0x0];
	s2 =	stileid.u32  }
0x285: {  	s1 =	rddreg [dreg:$0x1];
	p0 =	sne.s32 s2, $0x0  }
0x286: {  	s3 =	rddreg [dreg:$0x2];
	[bflag:$0x3] =	sbarrier.arrive $0xFFFF;
	s2 =	simm.s32 @!p0 $0x1C03  }
0x287: {  	[timem:s3], [sflag:s2] =	dma.local @!p0 [hbm:s0], s1  }
0x288: {  	s0 =	simm.s32 @!p0 $0x3  }
0x289: {  	_ =	swait.ge @!p0 [sflag:s0], s1  }
0x28a: {  	s1 =	ssub.s32 @!p0 $0x0, s1;
	[sflag:s0] =	ssyncset.done @!p0 $0x0  }
0x28b: {  	[sflag:s0] =	ssyncadd.s32 @!p0 s1  }
0x28c: {  	[bflag:$0x3] =	sbarrier.arrive $0xFFFF  }
0x28d: {  	_ =	shalt  }

</sc_bundles>
